<compile_context>
chip_gen: v7x
topology: tpu7x:2x2x1
jax: 0.10.2.dev20260603
libtpu: 0.0.44.dev20260713+nightly
codegen_flags: <defaults>
</compile_context>

<pallas_src>
import jax
import jax.numpy as jnp
from jax import lax
from jax.experimental import pallas as pl
from jax.experimental.pallas import tpu as pltpu
from jax.experimental.pallas import tpu_sc as plsc

NUM_EMB = 1000000
DIM = 64
BATCH = 16384

_NC = 2
_NS = 16
_NW = _NC * _NS
_B_PER_W = BATCH // _NW
_NPAIR = DIM // 2
_CH = 4
_NCHUNK = _B_PER_W // _CH


def _body(wt_hbm, idx_hbm, out_hbm, idx_v, b0, b1, b2, obuf, s0, s1, s2):
    wid = lax.axis_index("s") * _NC + lax.axis_index("c")
    base = wid * _B_PER_W

    pltpu.sync_copy(idx_hbm.at[pl.ds(base, _B_PER_W)],
                    idx_v.at[pl.ds(0, _B_PER_W)])

    iota = lax.iota(jnp.int32, 16)
    mask4 = iota < _CH
    lsel = lax.bitwise_and(iota, _CH - 1)

    def fire(c, buf, sem):
        v = idx_v[pl.ds(c * _CH, 16)]
        for k in range(_CH):
            col = lax.shift_right_logical(v[k], 7) * 128
            for r in range(0, DIM, 8):
                pltpu.async_copy(
                    wt_hbm.at[pl.ds(r, 8), pl.ds(col, 128)],
                    buf.at[k, pl.ds(r, 8)], sem)

    def drain(buf, sem):
        for k in range(_CH):
            pltpu.make_async_copy(
                wt_hbm.at[:, pl.ds(0, 128)], buf.at[k], sem).wait()

    def extract(c, buf):
        v = idx_v[pl.ds(c * _CH, 16)]
        lanevec = lax.bitwise_and(v, 127)

        def word_row(k2, _):
            ev = plsc.load_gather(
                buf, [lsel, jnp.full((16,), 2 * k2, jnp.int32), lanevec],
                mask=mask4)
            od = plsc.load_gather(
                buf, [lsel, jnp.full((16,), 2 * k2 + 1, jnp.int32), lanevec],
                mask=mask4)
            packed = plsc.pack(ev, od, format=plsc.PackFormat.INTERLEAVED)
            words = plsc.bitcast(packed, jnp.int32)
            plsc.store_scatter(
                obuf, [jnp.full((16,), k2, jnp.int32), c * _CH + iota],
                words, mask=mask4)
            return 0

        lax.fori_loop(0, _NPAIR, word_row, 0)

    fire(0, b0, s0)
    fire(1, b1, s1)
    fire(2, b2, s2)

    def step(i, _):
        for j, (b, s) in enumerate(((b0, s0), (b1, s1), (b2, s2))):
            c = 3 * i + j
            drain(b, s)
            extract(c, b)

            @pl.when(c + 3 < _NCHUNK)
            def _():
                fire(c + 3, b, s)

        return 0

    lax.fori_loop(0, _NCHUNK // 3, step, 0)
    drain(b0, s0)
    extract(_NCHUNK - 2, b0)
    drain(b1, s1)
    extract(_NCHUNK - 1, b1)

    pltpu.sync_copy(obuf, out_hbm.at[:, pl.ds(base, _B_PER_W)])


_sc_gather_cast = pl.kernel(
    _body,
    out_type=jax.ShapeDtypeStruct((_NPAIR, BATCH), jnp.int32),
    mesh=plsc.VectorSubcoreMesh(
        core_axis_name="c", subcore_axis_name="s",
        num_cores=_NC, num_subcores=_NS),
    compiler_params=pltpu.CompilerParams(
        needs_layout_passes=False, skip_device_barrier=True),
    scratch_types=[
        pltpu.VMEM((_B_PER_W + 16,), jnp.int32),
        pltpu.VMEM((_CH, DIM, 128), jnp.float32),
        pltpu.VMEM((_CH, DIM, 128), jnp.float32),
        pltpu.VMEM((_CH, DIM, 128), jnp.float32),
        pltpu.VMEM((_NPAIR, _B_PER_W), jnp.int32),
        pltpu.SemaphoreType.DMA,
        pltpu.SemaphoreType.DMA,
        pltpu.SemaphoreType.DMA,
    ],
)


def kernel(weights, inputs, train):
    del train
    wt = weights.T
    raw = _sc_gather_cast(wt, inputs)
    pairs = jax.lax.bitcast_convert_type(raw.T, jnp.bfloat16)
    return pairs.reshape(BATCH, DIM)

# --- scband reference (transcript-rebuilt; emitter-appended) ---
"""Pipeline reference for scband-casted-sparse-embedding-59828894433888 (READ-ONLY COPY).

The authoritative reference and input builder live on the scoring server;
editing this copy changes nothing except your own understanding.
"""

import jax, jax.numpy as jnp
import numpy as np

NUM_EMBEDDINGS = 1000000
EMBEDDING_DIM = 64
BATCH_SIZE = 16384
INIT_STD = 0.02
CAST_TO = jnp.bfloat16


def setup_inputs(seed: int = 0) -> dict:
    key = jax.random.key(seed)
    k_idx, k_w = jax.random.split(key)
    inputs = jax.random.randint(k_idx, (BATCH_SIZE,), 0, NUM_EMBEDDINGS, dtype=jnp.int32)
    # truncated-normal init with stddev=init_std, like nn.initializers.truncated_normal
    weights = jax.random.truncated_normal(k_w, -2.0, 2.0, (NUM_EMBEDDINGS, EMBEDDING_DIM), dtype=jnp.float32) * INIT_STD
    train = 0  # eval path; shape=[] int treated as Python int literal
    return {"weights": weights, "inputs": inputs, "train": train}


def reference(weights, inputs, train):
    # Faithful translation of CastedSparseEmbedding.__call__
    # train path: gather, stop-gradient the local copy, cast
    local_weights = jax.lax.stop_gradient(jnp.take(weights, inputs, axis=0))
    train_out = local_weights.astype(CAST_TO)
    # eval path: plain embedding gather + cast
    eval_out = jnp.take(weights, inputs, axis=0).astype(CAST_TO)
    return jnp.where(train != 0, train_out, eval_out)

if __name__ == "__main__":
    import jax
    _d = setup_inputs()
    print(jax.jit(kernel)(*tuple(_d.values())))

</pallas_src>

<mosaic_0001>
#map = affine_map<(d0, d1) -> (0, 0)>
#map1 = affine_map<(d0, d1) -> (0)>
module attributes {stable_mosaic.version = 14 : i64} {
  func.func @_body(%arg0: i32, %arg1: i32, %arg2: memref<64x1000000xf32, #tpu.memory_space<hbm>>, %arg3: memref<16384xi32, #tpu.memory_space<hbm>>, %arg4: memref<32x16384xi32, #tpu.memory_space<hbm>>, %arg5: memref<528xi32, #tpu.memory_space<vmem>>, %arg6: memref<4x64x128xf32, #tpu.memory_space<vmem>>, %arg7: memref<4x64x128xf32, #tpu.memory_space<vmem>>, %arg8: memref<4x64x128xf32, #tpu.memory_space<vmem>>, %arg9: memref<32x512xi32, #tpu.memory_space<vmem>>, %arg10: memref<!tpu.dma_semaphore, #tpu.memory_space<semaphore_mem>>, %arg11: memref<!tpu.dma_semaphore, #tpu.memory_space<semaphore_mem>>, %arg12: memref<!tpu.dma_semaphore, #tpu.memory_space<semaphore_mem>>) attributes {dimension_semantics = [#tpu.dimension_semantics<core_parallel>, #tpu.dimension_semantics<subcore_parallel>], iteration_bounds = array<i64: 2, 16>, scalar_prefetch = 0 : i64, scratch_operands = 8 : i64, tpu.core_type = #tpu.core_type<sc_vector_subcore>, window_params = [{transform_indices = #map}, {transform_indices = #map1}, {transform_indices = #map}]} {
    %mul3A = arith.constant 2 : i32
    %mul3A_0 = arith.muli %arg1, %mul3A : i32
    %add3A = arith.addi %mul3A_0, %arg0 : i32
    %mul3A_1 = arith.constant 512 : i32
    %mul3A_2 = arith.muli %add3A, %mul3A_1 : i32
    "tpu.region"() ({
      %run_scoped3A = tpu.sem_alloc : memref<!tpu.dma_semaphore, #tpu.memory_space<semaphore_mem>>
      %dma_start3A_1477 = arith.constant 0 : i32
      %dma_start3A_1478 = tpu.memref_slice %arg5[%dma_start3A_1477] : memref<528xi32, #tpu.memory_space<vmem>> -> memref<512xi32, #tpu.memory_space<vmem>>
      %dma_start3A_1479 = tpu.memref_slice %arg3[%mul3A_2] : memref<16384xi32, #tpu.memory_space<hbm>> -> memref<512xi32, #tpu.memory_space<hbm>>
      %dma_start3A_1480 = arith.constant 0 : i32
      %dma_start3A_1481 = tpu.memref_slice %arg5[%dma_start3A_1480] : memref<528xi32, #tpu.memory_space<vmem>> -> memref<512xi32, #tpu.memory_space<vmem>>
      %dma_start3A_1482 = tpu.memref_slice %arg3[%mul3A_2] : memref<16384xi32, #tpu.memory_space<hbm>> -> memref<512xi32, #tpu.memory_space<hbm>>
      tpu.enqueue_dma source(%dma_start3A_1482 : memref<512xi32, #tpu.memory_space<hbm>>) target(%dma_start3A_1481 : memref<512xi32, #tpu.memory_space<vmem>>) target_semaphore(%run_scoped3A : memref<!tpu.dma_semaphore, #tpu.memory_space<semaphore_mem>>)
      %dma_wait3A_1483 = arith.constant 0 : i32
      %dma_wait3A_1484 = tpu.memref_slice %arg5[%dma_wait3A_1483] : memref<528xi32, #tpu.memory_space<vmem>> -> memref<512xi32, #tpu.memory_space<vmem>>
      %dma_wait3A_1485 = tpu.memref_slice %arg3[%mul3A_2] : memref<16384xi32, #tpu.memory_space<hbm>> -> memref<512xi32, #tpu.memory_space<hbm>>
      %dma_wait3A_1486 = arith.constant 0 : i32
      %dma_wait3A_1487 = tpu.memref_slice %arg5[%dma_wait3A_1486] : memref<528xi32, #tpu.memory_space<vmem>> -> memref<512xi32, #tpu.memory_space<vmem>>
      %dma_wait3A_1488 = tpu.memref_slice %arg3[%mul3A_2] : memref<16384xi32, #tpu.memory_space<hbm>> -> memref<512xi32, #tpu.memory_space<hbm>>
      tpu.wait_dma2 semaphore(%run_scoped3A : memref<!tpu.dma_semaphore, #tpu.memory_space<semaphore_mem>>) src(%dma_wait3A_1488 : memref<512xi32, #tpu.memory_space<hbm>>) dst(%dma_wait3A_1487 : memref<512xi32, #tpu.memory_space<vmem>>)
      tpu.yield
    }) : () -> ()
    %iota3A = tpu.iota {dimensions = array<i32: 0>} : vector<16xi32>
    %lt3A = arith.constant 4 : i32
    %lt3A_3 = vector.broadcast %lt3A : i32 to vector<16xi32>
    %lt3A_4 = arith.cmpi slt, %iota3A, %lt3A_3 : vector<16xi32>
    %and3A = arith.constant 3 : i32
    %and3A_5 = vector.broadcast %and3A : i32 to vector<16xi32>
    %and3A_6 = arith.andi %iota3A, %and3A_5 : vector<16xi32>
    %get3A = arith.constant 0 : index
    %get3A_7 = tpu.vector_load %arg5[%get3A] {strides = array<i32>} : memref<528xi32, #tpu.memory_space<vmem>>, vector<16xi32>,
    %slice3A = vector.extract_strided_slice %get3A_7 {offsets = [0], sizes = [1], strides = [1]} : vector<16xi32> to vector<1xi32>
    %squeeze3A = vector.extract %slice3A[0] : i32 from vector<1xi32>
    %shift_right_logical3A = arith.constant 7 : i32
    %shift_right_logical3A_8 = arith.shrui %squeeze3A, %shift_right_logical3A : i32
    %mul3A_9 = arith.constant 128 : i32
    %mul3A_10 = arith.muli %shift_right_logical3A_8, %mul3A_9 : i32
    %dma_start3A = arith.constant 0 : i32
    %dma_start3A_11 = arith.constant 0 : i32
    %dma_start3A_12 = arith.constant 0 : i32
    %dma_start3A_13 = tpu.memref_slice %arg6[%dma_start3A, %dma_start3A_11, %dma_start3A_12] : memref<4x64x128xf32, #tpu.memory_space<vmem>> -> memref<1x8x128xf32, #tpu.memory_space<vmem>>
    %dma_start3A_14 = tpu.memref_squeeze %dma_start3A_13 : memref<1x8x128xf32, #tpu.memory_space<vmem>> -> memref<8x128xf32, #tpu.memory_space<vmem>>
    %dma_start3A_15 = arith.constant 0 : i32
    %dma_start3A_16 = tpu.memref_slice %arg2[%dma_start3A_15, %mul3A_10] : memref<64x1000000xf32, #tpu.memory_space<hbm>> -> memref<8x128xf32, #tpu.memory_space<hbm>>
    %dma_start3A_17 = arith.constant 0 : i32
    %dma_start3A_18 = arith.constant 0 : i32
    %dma_start3A_19 = tpu.memref_slice %arg6[%dma_start3A, %dma_start3A_17, %dma_start3A_18] : memref<4x64x128xf32, #tpu.memory_space<vmem>> -> memref<1x8x128xf32, #tpu.memory_space<vmem>>
    %dma_start3A_20 = tpu.memref_squeeze %dma_start3A_19 : memref<1x8x128xf32, #tpu.memory_space<vmem>> -> memref<8x128xf32, #tpu.memory_space<vmem>>
    %dma_start3A_21 = arith.constant 0 : i32
    %dma_start3A_22 = tpu.memref_slice %arg2[%dma_start3A_21, %mul3A_10] : memref<64x1000000xf32, #tpu.memory_space<hbm>> -> memref<8x128xf32, #tpu.memory_space<hbm>>
    tpu.enqueue_dma source(%dma_start3A_22 : memref<8x128xf32, #tpu.memory_space<hbm>>) target(%dma_start3A_20 : memref<8x128xf32, #tpu.memory_space<vmem>>) target_semaphore(%arg10 : memref<!tpu.dma_semaphore, #tpu.memory_space<semaphore_mem>>)
    %dma_start3A_23 = arith.constant 0 : i32
    %dma_start3A_24 = arith.constant 8 : i32
    %dma_start3A_25 = arith.constant 0 : i32
    %dma_start3A_26 = tpu.memref_slice %arg6[%dma_start3A_23, %dma_start3A_24, %dma_start3A_25] : memref<4x64x128xf32, #tpu.memory_space<vmem>> -> memref<1x8x128xf32, #tpu.memory_space<vmem>>
    %dma_start3A_27 = tpu.memref_squeeze %dma_start3A_26 : memref<1x8x128xf32, #tpu.memory_space<vmem>> -> memref<8x128xf32, #tpu.memory_space<vmem>>
    %dma_start3A_28 = arith.constant 8 : i32
    %dma_start3A_29 = tpu.memref_slice %arg2[%dma_start3A_28, %mul3A_10] : memref<64x1000000xf32, #tpu.memory_space<hbm>> -> memref<8x128xf32, #tpu.memory_space<hbm>>
    %dma_start3A_30 = arith.constant 8 : i32
    %dma_start3A_31 = arith.constant 0 : i32
    %dma_start3A_32 = tpu.memref_slice %arg6[%dma_start3A_23, %dma_start3A_30, %dma_start3A_31] : memref<4x64x128xf32, #tpu.memory_space<vmem>> -> memref<1x8x128xf32, #tpu.memory_space<vmem>>
    %dma_start3A_33 = tpu.memref_squeeze %dma_start3A_32 : memref<1x8x128xf32, #tpu.memory_space<vmem>> -> memref<8x128xf32, #tpu.memory_space<vmem>>
    %dma_start3A_34 = arith.constant 8 : i32
    %dma_start3A_35 = tpu.memref_slice %arg2[%dma_start3A_34, %mul3A_10] : memref<64x1000000xf32, #tpu.memory_space<hbm>> -> memref<8x128xf32, #tpu.memory_space<hbm>>
    tpu.enqueue_dma source(%dma_start3A_35 : memref<8x128xf32, #tpu.memory_space<hbm>>) target(%dma_start3A_33 : memref<8x128xf32, #tpu.memory_space<vmem>>) target_semaphore(%arg10 : memref<!tpu.dma_semaphore, #tpu.memory_space<semaphore_mem>>)
    %dma_start3A_36 = arith.constant 0 : i32
    %dma_start3A_37 = arith.constant 16 : i32
    %dma_start3A_38 = arith.constant 0 : i32
    %dma_start3A_39 = tpu.memref_slice %arg6[%dma_start3A_36, %dma_start3A_37, %dma_start3A_38] : memref<4x64x128xf32, #tpu.memory_space<vmem>> -> memref<1x8x128xf32, #tpu.memory_space<vmem>>
    %dma_start3A_40 = tpu.memref_squeeze %dma_start3A_39 : memref<1x8x128xf32, #tpu.memory_space<vmem>> -> memref<8x128xf32, #tpu.memory_space<vmem>>
    %dma_start3A_41 = arith.constant 16 : i32
    %dma_start3A_42 = tpu.memref_slice %arg2[%dma_start3A_41, %mul3A_10] : memref<64x1000000xf32, #tpu.memory_space<hbm>> -> memref<8x128xf32, #tpu.memory_space<hbm>>
    %dma_start3A_43 = arith.constant 16 : i32
    %dma_start3A_44 = arith.constant 0 : i32
    %dma_start3A_45 = tpu.memref_slice %arg6[%dma_start3A_36, %dma_start3A_43, %dma_start3A_44] : memref<4x64x128xf32, #tpu.memory_space<vmem>> -> memref<1x8x128xf32, #tpu.memory_space<vmem>>
    %dma_start3A_46 = tpu.memref_squeeze %dma_start3A_45 : memref<1x8x128xf32, #tpu.memory_space<vmem>> -> memref<8x128xf32, #tpu.memory_space<vmem>>
    %dma_start3A_47 = arith.constant 16 : i32
    %dma_start3A_48 = tpu.memref_slice %arg2[%dma_start3A_47, %mul3A_10] : memref<64x1000000xf32, #tpu.memory_space<hbm>> -> memref<8x128xf32, #tpu.memory_space<hbm>>
    tpu.enqueue_dma source(%dma_start3A_48 : memref<8x128xf32, #tpu.memory_space<hbm>>) target(%dma_start3A_46 : memref<8x128xf32, #tpu.memory_space<vmem>>) target_semaphore(%arg10 : memref<!tpu.dma_semaphore, #tpu.memory_space<semaphore_mem>>)
    %dma_start3A_49 = arith.constant 0 : i32
    %dma_start3A_50 = arith.constant 24 : i32
    %dma_start3A_51 = arith.constant 0 : i32
    %dma_start3A_52 = tpu.memref_slice %arg6[%dma_start3A_49, %dma_start3A_50, %dma_start3A_51] : memref<4x64x128xf32, #tpu.memory_space<vmem>> -> memref<1x8x128xf32, #tpu.memory_space<vmem>>
    %dma_start3A_53 = tpu.memref_squeeze %dma_start3A_52 : memref<1x8x128xf32, #tpu.memory_space<vmem>> -> memref<8x128xf32, #tpu.memory_space<vmem>>
    %dma_start3A_54 = arith.constant 24 : i32
    %dma_start3A_55 = tpu.memref_slice %arg2[%dma_start3A_54, %mul3A_10] : memref<64x1000000xf32, #tpu.memory_space<hbm>> -> memref<8x128xf32, #tpu.memory_space<hbm>>
    %dma_start3A_56 = arith.constant 24 : i32
    %dma_start3A_57 = arith.constant 0 : i32
    %dma_start3A_58 = tpu.memref_slice %arg6[%dma_start3A_49, %dma_start3A_56, %dma_start3A_57] : memref<4x64x128xf32, #tpu.memory_space<vmem>> -> memref<1x8x128xf32, #tpu.memory_space<vmem>>
    %dma_start3A_59 = tpu.memref_squeeze %dma_start3A_58 : memref<1x8x128xf32, #tpu.memory_space<vmem>> -> memref<8x128xf32, #tpu.memory_space<vmem>>
    %dma_start3A_60 = arith.constant 24 : i32
    %dma_start3A_61 = tpu.memref_slice %arg2[%dma_start3A_60, %mul3A_10] : memref<64x1000000xf32, #tpu.memory_space<hbm>> -> memref<8x128xf32, #tpu.memory_space<hbm>>
    tpu.enqueue_dma source(%dma_start3A_61 : memref<8x128xf32, #tpu.memory_space<hbm>>) target(%dma_start3A_59 : memref<8x128xf32, #tpu.memory_space<vmem>>) target_semaphore(%arg10 : memref<!tpu.dma_semaphore, #tpu.memory_space<semaphore_mem>>)
    %dma_start3A_62 = arith.constant 0 : i32
    %dma_start3A_63 = arith.constant 32 : i32
    %dma_start3A_64 = arith.constant 0 : i32
    %dma_start3A_65 = tpu.memref_slice %arg6[%dma_start3A_62, %dma_start3A_63, %dma_start3A_64] : memref<4x64x128xf32, #tpu.memory_space<vmem>> -> memref<1x8x128xf32, #tpu.memory_space<vmem>>
    %dma_start3A_66 = tpu.memref_squeeze %dma_start3A_65 : memref<1x8x128xf32, #tpu.memory_space<vmem>> -> memref<8x128xf32, #tpu.memory_space<vmem>>
    %dma_start3A_67 = arith.constant 32 : i32
    %dma_start3A_68 = tpu.memref_slice %arg2[%dma_start3A_67, %mul3A_10] : memref<64x1000000xf32, #tpu.memory_space<hbm>> -> memref<8x128xf32, #tpu.memory_space<hbm>>
    %dma_start3A_69 = arith.constant 32 : i32
    %dma_start3A_70 = arith.constant 0 : i32
    %dma_start3A_71 = tpu.memref_slice %arg6[%dma_start3A_62, %dma_start3A_69, %dma_start3A_70] : memref<4x64x128xf32, #tpu.memory_space<vmem>> -> memref<1x8x128xf32, #tpu.memory_space<vmem>>
    %dma_start3A_72 = tpu.memref_squeeze %dma_start3A_71 : memref<1x8x128xf32, #tpu.memory_space<vmem>> -> memref<8x128xf32, #tpu.memory_space<vmem>>
    %dma_start3A_73 = arith.constant 32 : i32
    %dma_start3A_74 = tpu.memref_slice %arg2[%dma_start3A_73, %mul3A_10] : memref<64x1000000xf32, #tpu.memory_space<hbm>> -> memref<8x128xf32, #tpu.memory_space<hbm>>
    tpu.enqueue_dma source(%dma_start3A_74 : memref<8x128xf32, #tpu.memory_space<hbm>>) target(%dma_start3A_72 : memref<8x128xf32, #tpu.memory_space<vmem>>) target_semaphore(%arg10 : memref<!tpu.dma_semaphore, #tpu.memory_space<semaphore_mem>>)
    %dma_start3A_75 = arith.constant 0 : i32
    %dma_start3A_76 = arith.constant 40 : i32
    %dma_start3A_77 = arith.constant 0 : i32
    %dma_start3A_78 = tpu.memref_slice %arg6[%dma_start3A_75, %dma_start3A_76, %dma_start3A_77] : memref<4x64x128xf32, #tpu.memory_space<vmem>> -> memref<1x8x128xf32, #tpu.memory_space<vmem>>
    %dma_start3A_79 = tpu.memref_squeeze %dma_start3A_78 : memref<1x8x128xf32, #tpu.memory_space<vmem>> -> memref<8x128xf32, #tpu.memory_space<vmem>>
    %dma_start3A_80 = arith.constant 40 : i32
    %dma_start3A_81 = tpu.memref_slice %arg2[%dma_start3A_80, %mul3A_10] : memref<64x1000000xf32, #tpu.memory_space<hbm>> -> memref<8x128xf32, #tpu.memory_space<hbm>>
    %dma_start3A_82 = arith.constant 40 : i32
    %dma_start3A_83 = arith.constant 0 : i32
    %dma_start3A_84 = tpu.memref_slice %arg6[%dma_start3A_75, %dma_start3A_82, %dma_start3A_83] : memref<4x64x128xf32, #tpu.memory_space<vmem>> -> memref<1x8x128xf32, #tpu.memory_space<vmem>>
    %dma_start3A_85 = tpu.memref_squeeze %dma_start3A_84 : memref<1x8x128xf32, #tpu.memory_space<vmem>> -> memref<8x128xf32, #tpu.memory_space<vmem>>
    %dma_start3A_86 = arith.constant 40 : i32
    %dma_start3A_87 = tpu.memref_slice %arg2[%dma_start3A_86, %mul3A_10] : memref<64x1000000xf32, #tpu.memory_space<hbm>> -> memref<8x128xf32, #tpu.memory_space<hbm>>
    tpu.enqueue_dma source(%dma_start3A_87 : memref<8x128xf32, #tpu.memory_space<hbm>>) target(%dma_start3A_85 : memref<8x128xf32, #tpu.memory_space<vmem>>) target_semaphore(%arg10 : memref<!tpu.dma_semaphore, #tpu.memory_space<semaphore_mem>>)
    %dma_start3A_88 = arith.constant 0 : i32
    %dma_start3A_89 = arith.constant 48 : i32
    %dma_start3A_90 = arith.constant 0 : i32
    %dma_start3A_91 = tpu.memref_slice %arg6[%dma_start3A_88, %dma_start3A_89, %dma_start3A_90] : memref<4x64x128xf32, #tpu.memory_space<vmem>> -> memref<1x8x128xf32, #tpu.memory_space<vmem>>
    %dma_start3A_92 = tpu.memref_squeeze %dma_start3A_91 : memref<1x8x128xf32, #tpu.memory_space<vmem>> -> memref<8x128xf32, #tpu.memory_space<vmem>>
    %dma_start3A_93 = arith.constant 48 : i32
    %dma_start3A_94 = tpu.memref_slice %arg2[%dma_start3A_93, %mul3A_10] : memref<64x1000000xf32, #tpu.memory_space<hbm>> -> memref<8x128xf32, #tpu.memory_space<hbm>>
    %dma_start3A_95 = arith.constant 48 : i32
    %dma_start3A_96 = arith.constant 0 : i32
    %dma_start3A_97 = tpu.memref_slice %arg6[%dma_start3A_88, %dma_start3A_95, %dma_start3A_96] : memref<4x64x128xf32, #tpu.memory_space<vmem>> -> memref<1x8x128xf32, #tpu.memory_space<vmem>>
    %dma_start3A_98 = tpu.memref_squeeze %dma_start3A_97 : memref<1x8x128xf32, #tpu.memory_space<vmem>> -> memref<8x128xf32, #tpu.memory_space<vmem>>
    %dma_start3A_99 = arith.constant 48 : i32
    %dma_start3A_100 = tpu.memref_slice %arg2[%dma_start3A_99, %mul3A_10] : memref<64x1000000xf32, #tpu.memory_space<hbm>> -> memref<8x128xf32, #tpu.memory_space<hbm>>
    tpu.enqueue_dma source(%dma_start3A_100 : memref<8x128xf32, #tpu.memory_space<hbm>>) target(%dma_start3A_98 : memref<8x128xf32, #tpu.memory_space<vmem>>) target_semaphore(%arg10 : memref<!tpu.dma_semaphore, #tpu.memory_space<semaphore_mem>>)
    %dma_start3A_101 = arith.constant 0 : i32
    %dma_start3A_102 = arith.constant 56 : i32
    %dma_start3A_103 = arith.constant 0 : i32
    %dma_start3A_104 = tpu.memref_slice %arg6[%dma_start3A_101, %dma_start3A_102, %dma_start3A_103] : memref<4x64x128xf32, #tpu.memory_space<vmem>> -> memref<1x8x128xf32, #tpu.memory_space<vmem>>
    %dma_start3A_105 = tpu.memref_squeeze %dma_start3A_104 : memref<1x8x128xf32, #tpu.memory_space<vmem>> -> memref<8x128xf32, #tpu.memory_space<vmem>>
    %dma_start3A_106 = arith.constant 56 : i32
    %dma_start3A_107 = tpu.memref_slice %arg2[%dma_start3A_106, %mul3A_10] : memref<64x1000000xf32, #tpu.memory_space<hbm>> -> memref<8x128xf32, #tpu.memory_space<hbm>>
    %dma_start3A_108 = arith.constant 56 : i32
    %dma_start3A_109 = arith.constant 0 : i32
    %dma_start3A_110 = tpu.memref_slice %arg6[%dma_start3A_101, %dma_start3A_108, %dma_start3A_109] : memref<4x64x128xf32, #tpu.memory_space<vmem>> -> memref<1x8x128xf32, #tpu.memory_space<vmem>>
    %dma_start3A_111 = tpu.memref_squeeze %dma_start3A_110 : memref<1x8x128xf32, #tpu.memory_space<vmem>> -> memref<8x128xf32, #tpu.memory_space<vmem>>
    %dma_start3A_112 = arith.constant 56 : i32
    %dma_start3A_113 = tpu.memref_slice %arg2[%dma_start3A_112, %mul3A_10] : memref<64x1000000xf32, #tpu.memory_space<hbm>> -> memref<8x128xf32, #tpu.memory_space<hbm>>
    tpu.enqueue_dma source(%dma_start3A_113 : memref<8x128xf32, #tpu.memory_space<hbm>>) target(%dma_start3A_111 : memref<8x128xf32, #tpu.memory_space<vmem>>) target_semaphore(%arg10 : memref<!tpu.dma_semaphore, #tpu.memory_space<semaphore_mem>>)
    %slice3A_114 = vector.extract_strided_slice %get3A_7 {offsets = [1], sizes = [1], strides = [1]} : vector<16xi32> to vector<1xi32>
    %squeeze3A_115 = vector.extract %slice3A_114[0] : i32 from vector<1xi32>
    %shift_right_logical3A_116 = arith.constant 7 : i32
    %shift_right_logical3A_117 = arith.shrui %squeeze3A_115, %shift_right_logical3A_116 : i32
    %mul3A_118 = arith.constant 128 : i32
    %mul3A_119 = arith.muli %shift_right_logical3A_117, %mul3A_118 : i32
    %dma_start3A_120 = arith.constant 1 : i32
    %dma_start3A_121 = arith.constant 0 : i32
    %dma_start3A_122 = arith.constant 0 : i32
    %dma_start3A_123 = tpu.memref_slice %arg6[%dma_start3A_120, %dma_start3A_121, %dma_start3A_122] : memref<4x64x128xf32, #tpu.memory_space<vmem>> -> memref<1x8x128xf32, #tpu.memory_space<vmem>>
    %dma_start3A_124 = tpu.memref_squeeze %dma_start3A_123 : memref<1x8x128xf32, #tpu.memory_space<vmem>> -> memref<8x128xf32, #tpu.memory_space<vmem>>
    %dma_start3A_125 = arith.constant 0 : i32
    %dma_start3A_126 = tpu.memref_slice %arg2[%dma_start3A_125, %mul3A_119] : memref<64x1000000xf32, #tpu.memory_space<hbm>> -> memref<8x128xf32, #tpu.memory_space<hbm>>
    %dma_start3A_127 = arith.constant 0 : i32
    %dma_start3A_128 = arith.constant 0 : i32
    %dma_start3A_129 = tpu.memref_slice %arg6[%dma_start3A_120, %dma_start3A_127, %dma_start3A_128] : memref<4x64x128xf32, #tpu.memory_space<vmem>> -> memref<1x8x128xf32, #tpu.memory_space<vmem>>
    %dma_start3A_130 = tpu.memref_squeeze %dma_start3A_129 : memref<1x8x128xf32, #tpu.memory_space<vmem>> -> memref<8x128xf32, #tpu.memory_space<vmem>>
    %dma_start3A_131 = arith.constant 0 : i32
    %dma_start3A_132 = tpu.memref_slice %arg2[%dma_start3A_131, %mul3A_119] : memref<64x1000000xf32, #tpu.memory_space<hbm>> -> memref<8x128xf32, #tpu.memory_space<hbm>>
    tpu.enqueue_dma source(%dma_start3A_132 : memref<8x128xf32, #tpu.memory_space<hbm>>) target(%dma_start3A_130 : memref<8x128xf32, #tpu.memory_space<vmem>>) target_semaphore(%arg10 : memref<!tpu.dma_semaphore, #tpu.memory_space<semaphore_mem>>)
    %dma_start3A_133 = arith.constant 1 : i32
    %dma_start3A_134 = arith.constant 8 : i32
    %dma_start3A_135 = arith.constant 0 : i32
    %dma_start3A_136 = tpu.memref_slice %arg6[%dma_start3A_133, %dma_start3A_134, %dma_start3A_135] : memref<4x64x128xf32, #tpu.memory_space<vmem>> -> memref<1x8x128xf32, #tpu.memory_space<vmem>>
    %dma_start3A_137 = tpu.memref_squeeze %dma_start3A_136 : memref<1x8x128xf32, #tpu.memory_space<vmem>> -> memref<8x128xf32, #tpu.memory_space<vmem>>
    %dma_start3A_138 = arith.constant 8 : i32
    %dma_start3A_139 = tpu.memref_slice %arg2[%dma_start3A_138, %mul3A_119] : memref<64x1000000xf32, #tpu.memory_space<hbm>> -> memref<8x128xf32, #tpu.memory_space<hbm>>
    %dma_start3A_140 = arith.constant 8 : i32
    %dma_start3A_141 = arith.constant 0 : i32
    %dma_start3A_142 = tpu.memref_slice %arg6[%dma_start3A_133, %dma_start3A_140, %dma_start3A_141] : memref<4x64x128xf32, #tpu.memory_space<vmem>> -> memref<1x8x128xf32, #tpu.memory_space<vmem>>
    %dma_start3A_143 = tpu.memref_squeeze %dma_start3A_142 : memref<1x8x128xf32, #tpu.memory_space<vmem>> -> memref<8x128xf32, #tpu.memory_space<vmem>>
    %dma_start3A_144 = arith.constant 8 : i32
    %dma_start3A_145 = tpu.memref_slice %arg2[%dma_start3A_144, %mul3A_119] : memref<64x1000000xf32, #tpu.memory_space<hbm>> -> memref<8x128xf32, #tpu.memory_space<hbm>>
    tpu.enqueue_dma source(%dma_start3A_145 : memref<8x128xf32, #tpu.memory_space<hbm>>) target(%dma_start3A_143 : memref<8x128xf32, #tpu.memory_space<vmem>>) target_semaphore(%arg10 : memref<!tpu.dma_semaphore, #tpu.memory_space<semaphore_mem>>)
    %dma_start3A_146 = arith.constant 1 : i32
    %dma_start3A_147 = arith.constant 16 : i32
    %dma_start3A_148 = arith.constant 0 : i32
    %dma_start3A_149 = tpu.memref_slice %arg6[%dma_start3A_146, %dma_start3A_147, %dma_start3A_148] : memref<4x64x128xf32, #tpu.memory_space<vmem>> -> memref<1x8x128xf32, #tpu.memory_space<vmem>>
    %dma_start3A_150 = tpu.memref_squeeze %dma_start3A_149 : memref<1x8x128xf32, #tpu.memory_space<vmem>> -> memref<8x128xf32, #tpu.memory_space<vmem>>
    %dma_start3A_151 = arith.constant 16 : i32
    %dma_start3A_152 = tpu.memref_slice %arg2[%dma_start3A_151, %mul3A_119] : memref<64x1000000xf32, #tpu.memory_space<hbm>> -> memref<8x128xf32, #tpu.memory_space<hbm>>
    %dma_start3A_153 = arith.constant 16 : i32
    %dma_start3A_154 = arith.constant 0 : i32
    %dma_start3A_155 = tpu.memref_slice %arg6[%dma_start3A_146, %dma_start3A_153, %dma_start3A_154] : memref<4x64x128xf32, #tpu.memory_space<vmem>> -> memref<1x8x128xf32, #tpu.memory_space<vmem>>
    %dma_start3A_156 = tpu.memref_squeeze %dma_start3A_155 : memref<1x8x128xf32, #tpu.memory_space<vmem>> -> memref<8x128xf32, #tpu.memory_space<vmem>>
    %dma_start3A_157 = arith.constant 16 : i32
    %dma_start3A_158 = tpu.memref_slice %arg2[%dma_start3A_157, %mul3A_119] : memref<64x1000000xf32, #tpu.memory_space<hbm>> -> memref<8x128xf32, #tpu.memory_space<hbm>>
    tpu.enqueue_dma source(%dma_start3A_158 : memref<8x128xf32, #tpu.memory_space<hbm>>) target(%dma_start3A_156 : memref<8x128xf32, #tpu.memory_space<vmem>>) target_semaphore(%arg10 : memref<!tpu.dma_semaphore, #tpu.memory_space<semaphore_mem>>)
    %dma_start3A_159 = arith.constant 1 : i32
    %dma_start3A_160 = arith.constant 24 : i32
    %dma_start3A_161 = arith.constant 0 : i32
    %dma_start3A_162 = tpu.memref_slice %arg6[%dma_start3A_159, %dma_start3A_160, %dma_start3A_161] : memref<4x64x128xf32, #tpu.memory_space<vmem>> -> memref<1x8x128xf32, #tpu.memory_space<vmem>>
    %dma_start3A_163 = tpu.memref_squeeze %dma_start3A_162 : memref<1x8x128xf32, #tpu.memory_space<vmem>> -> memref<8x128xf32, #tpu.memory_space<vmem>>
    %dma_start3A_164 = arith.constant 24 : i32
    %dma_start3A_165 = tpu.memref_slice %arg2[%dma_start3A_164, %mul3A_119] : memref<64x1000000xf32, #tpu.memory_space<hbm>> -> memref<8x128xf32, #tpu.memory_space<hbm>>
    %dma_start3A_166 = arith.constant 24 : i32
    %dma_start3A_167 = arith.constant 0 : i32
    %dma_start3A_168 = tpu.memref_slice %arg6[%dma_start3A_159, %dma_start3A_166, %dma_start3A_167] : memref<4x64x128xf32, #tpu.memory_space<vmem>> -> memref<1x8x128xf32, #tpu.memory_space<vmem>>
    %dma_start3A_169 = tpu.memref_squeeze %dma_start3A_168 : memref<1x8x128xf32, #tpu.memory_space<vmem>> -> memref<8x128xf32, #tpu.memory_space<vmem>>
    %dma_start3A_170 = arith.constant 24 : i32
    %dma_start3A_171 = tpu.memref_slice %arg2[%dma_start3A_170, %mul3A_119] : memref<64x1000000xf32, #tpu.memory_space<hbm>> -> memref<8x128xf32, #tpu.memory_space<hbm>>
    tpu.enqueue_dma source(%dma_start3A_171 : memref<8x128xf32, #tpu.memory_space<hbm>>) target(%dma_start3A_169 : memref<8x128xf32, #tpu.memory_space<vmem>>) target_semaphore(%arg10 : memref<!tpu.dma_semaphore, #tpu.memory_space<semaphore_mem>>)
    %dma_start3A_172 = arith.constant 1 : i32
    %dma_start3A_173 = arith.constant 32 : i32
    %dma_start3A_174 = arith.constant 0 : i32
    %dma_start3A_175 = tpu.memref_slice %arg6[%dma_start3A_172, %dma_start3A_173, %dma_start3A_174] : memref<4x64x128xf32, #tpu.memory_space<vmem>> -> memref<1x8x128xf32, #tpu.memory_space<vmem>>
    %dma_start3A_176 = tpu.memref_squeeze %dma_start3A_175 : memref<1x8x128xf32, #tpu.memory_space<vmem>> -> memref<8x128xf32, #tpu.memory_space<vmem>>
    %dma_start3A_177 = arith.constant 32 : i32
    %dma_start3A_178 = tpu.memref_slice %arg2[%dma_start3A_177, %mul3A_119] : memref<64x1000000xf32, #tpu.memory_space<hbm>> -> memref<8x128xf32, #tpu.memory_space<hbm>>
    %dma_start3A_179 = arith.constant 32 : i32
    %dma_start3A_180 = arith.constant 0 : i32
    %dma_start3A_181 = tpu.memref_slice %arg6[%dma_start3A_172, %dma_start3A_179, %dma_start3A_180] : memref<4x64x128xf32, #tpu.memory_space<vmem>> -> memref<1x8x128xf32, #tpu.memory_space<vmem>>
    %dma_start3A_182 = tpu.memref_squeeze %dma_start3A_181 : memref<1x8x128xf32, #tpu.memory_space<vmem>> -> memref<8x128xf32, #tpu.memory_space<vmem>>
    %dma_start3A_183 = arith.constant 32 : i32
    %dma_start3A_184 = tpu.memref_slice %arg2[%dma_start3A_183, %mul3A_119] : memref<64x1000000xf32, #tpu.memory_space<hbm>> -> memref<8x128xf32, #tpu.memory_space<hbm>>
    tpu.enqueue_dma source(%dma_start3A_184 : memref<8x128xf32, #tpu.memory_space<hbm>>) target(%dma_start3A_182 : memref<8x128xf32, #tpu.memory_space<vmem>>) target_semaphore(%arg10 : memref<!tpu.dma_semaphore, #tpu.memory_space<semaphore_mem>>)
    %dma_start3A_185 = arith.constant 1 : i32
    %dma_start3A_186 = arith.constant 40 : i32
    %dma_start3A_187 = arith.constant 0 : i32
    %dma_start3A_188 = tpu.memref_slice %arg6[%dma_start3A_185, %dma_start3A_186, %dma_start3A_187] : memref<4x64x128xf32, #tpu.memory_space<vmem>> -> memref<1x8x128xf32, #tpu.memory_space<vmem>>
    %dma_start3A_189 = tpu.memref_squeeze %dma_start3A_188 : memref<1x8x128xf32, #tpu.memory_space<vmem>> -> memref<8x128xf32, #tpu.memory_space<vmem>>
    %dma_start3A_190 = arith.constant 40 : i32
    %dma_start3A_191 = tpu.memref_slice %arg2[%dma_start3A_190, %mul3A_119] : memref<64x1000000xf32, #tpu.memory_space<hbm>> -> memref<8x128xf32, #tpu.memory_space<hbm>>
    %dma_start3A_192 = arith.constant 40 : i32
    %dma_start3A_193 = arith.constant 0 : i32
    %dma_start3A_194 = tpu.memref_slice %arg6[%dma_start3A_185, %dma_start3A_192, %dma_start3A_193] : memref<4x64x128xf32, #tpu.memory_space<vmem>> -> memref<1x8x128xf32, #tpu.memory_space<vmem>>
    %dma_start3A_195 = tpu.memref_squeeze %dma_start3A_194 : memref<1x8x128xf32, #tpu.memory_space<vmem>> -> memref<8x128xf32, #tpu.memory_space<vmem>>
    %dma_start3A_196 = arith.constant 40 : i32
    %dma_start3A_197 = tpu.memref_slice %arg2[%dma_start3A_196, %mul3A_119] : memref<64x1000000xf32, #tpu.memory_space<hbm>> -> memref<8x128xf32, #tpu.memory_space<hbm>>
    tpu.enqueue_dma source(%dma_start3A_197 : memref<8x128xf32, #tpu.memory_space<hbm>>) target(%dma_start3A_195 : memref<8x128xf32, #tpu.memory_space<vmem>>) target_semaphore(%arg10 : memref<!tpu.dma_semaphore, #tpu.memory_space<semaphore_mem>>)
    %dma_start3A_198 = arith.constant 1 : i32
    %dma_start3A_199 = arith.constant 48 : i32
    %dma_start3A_200 = arith.constant 0 : i32
    %dma_start3A_201 = tpu.memref_slice %arg6[%dma_start3A_198, %dma_start3A_199, %dma_start3A_200] : memref<4x64x128xf32, #tpu.memory_space<vmem>> -> memref<1x8x128xf32, #tpu.memory_space<vmem>>
    %dma_start3A_202 = tpu.memref_squeeze %dma_start3A_201 : memref<1x8x128xf32, #tpu.memory_space<vmem>> -> memref<8x128xf32, #tpu.memory_space<vmem>>
    %dma_start3A_203 = arith.constant 48 : i32
    %dma_start3A_204 = tpu.memref_slice %arg2[%dma_start3A_203, %mul3A_119] : memref<64x1000000xf32, #tpu.memory_space<hbm>> -> memref<8x128xf32, #tpu.memory_space<hbm>>
    %dma_start3A_205 = arith.constant 48 : i32
    %dma_start3A_206 = arith.constant 0 : i32
    %dma_start3A_207 = tpu.memref_slice %arg6[%dma_start3A_198, %dma_start3A_205, %dma_start3A_206] : memref<4x64x128xf32, #tpu.memory_space<vmem>> -> memref<1x8x128xf32, #tpu.memory_space<vmem>>
    %dma_start3A_208 = tpu.memref_squeeze %dma_start3A_207 : memref<1x8x128xf32, #tpu.memory_space<vmem>> -> memref<8x128xf32, #tpu.memory_space<vmem>>
    %dma_start3A_209 = arith.constant 48 : i32
    %dma_start3A_210 = tpu.memref_slice %arg2[%dma_start3A_209, %mul3A_119] : memref<64x1000000xf32, #tpu.memory_space<hbm>> -> memref<8x128xf32, #tpu.memory_space<hbm>>
    tpu.enqueue_dma source(%dma_start3A_210 : memref<8x128xf32, #tpu.memory_space<hbm>>) target(%dma_start3A_208 : memref<8x128xf32, #tpu.memory_space<vmem>>) target_semaphore(%arg10 : memref<!tpu.dma_semaphore, #tpu.memory_space<semaphore_mem>>)
    %dma_start3A_211 = arith.constant 1 : i32
    %dma_start3A_212 = arith.constant 56 : i32
    %dma_start3A_213 = arith.constant 0 : i32
    %dma_start3A_214 = tpu.memref_slice %arg6[%dma_start3A_211, %dma_start3A_212, %dma_start3A_213] : memref<4x64x128xf32, #tpu.memory_space<vmem>> -> memref<1x8x128xf32, #tpu.memory_space<vmem>>
    %dma_start3A_215 = tpu.memref_squeeze %dma_start3A_214 : memref<1x8x128xf32, #tpu.memory_space<vmem>> -> memref<8x128xf32, #tpu.memory_space<vmem>>
    %dma_start3A_216 = arith.constant 56 : i32
    %dma_start3A_217 = tpu.memref_slice %arg2[%dma_start3A_216, %mul3A_119] : memref<64x1000000xf32, #tpu.memory_space<hbm>> -> memref<8x128xf32, #tpu.memory_space<hbm>>
    %dma_start3A_218 = arith.constant 56 : i32
    %dma_start3A_219 = arith.constant 0 : i32
    %dma_start3A_220 = tpu.memref_slice %arg6[%dma_start3A_211, %dma_start3A_218, %dma_start3A_219] : memref<4x64x128xf32, #tpu.memory_space<vmem>> -> memref<1x8x128xf32, #tpu.memory_space<vmem>>
    %dma_start3A_221 = tpu.memref_squeeze %dma_start3A_220 : memref<1x8x128xf32, #tpu.memory_space<vmem>> -> memref<8x128xf32, #tpu.memory_space<vmem>>
    %dma_start3A_222 = arith.constant 56 : i32
    %dma_start3A_223 = tpu.memref_slice %arg2[%dma_start3A_222, %mul3A_119] : memref<64x1000000xf32, #tpu.memory_space<hbm>> -> memref<8x128xf32, #tpu.memory_space<hbm>>
    tpu.enqueue_dma source(%dma_start3A_223 : memref<8x128xf32, #tpu.memory_space<hbm>>) target(%dma_start3A_221 : memref<8x128xf32, #tpu.memory_space<vmem>>) target_semaphore(%arg10 : memref<!tpu.dma_semaphore, #tpu.memory_space<semaphore_mem>>)
    %slice3A_224 = vector.extract_strided_slice %get3A_7 {offsets = [2], sizes = [1], strides = [1]} : vector<16xi32> to vector<1xi32>
    %squeeze3A_225 = vector.extract %slice3A_224[0] : i32 from vector<1xi32>
    %shift_right_logical3A_226 = arith.constant 7 : i32
    %shift_right_logical3A_227 = arith.shrui %squeeze3A_225, %shift_right_logical3A_226 : i32
    %mul3A_228 = arith.constant 128 : i32
    %mul3A_229 = arith.muli %shift_right_logical3A_227, %mul3A_228 : i32
    %dma_start3A_230 = arith.constant 2 : i32
    %dma_start3A_231 = arith.constant 0 : i32
    %dma_start3A_232 = arith.constant 0 : i32
    %dma_start3A_233 = tpu.memref_slice %arg6[%dma_start3A_230, %dma_start3A_231, %dma_start3A_232] : memref<4x64x128xf32, #tpu.memory_space<vmem>> -> memref<1x8x128xf32, #tpu.memory_space<vmem>>
    %dma_start3A_234 = tpu.memref_squeeze %dma_start3A_233 : memref<1x8x128xf32, #tpu.memory_space<vmem>> -> memref<8x128xf32, #tpu.memory_space<vmem>>
    %dma_start3A_235 = arith.constant 0 : i32
    %dma_start3A_236 = tpu.memref_slice %arg2[%dma_start3A_235, %mul3A_229] : memref<64x1000000xf32, #tpu.memory_space<hbm>> -> memref<8x128xf32, #tpu.memory_space<hbm>>
    %dma_start3A_237 = arith.constant 0 : i32
    %dma_start3A_238 = arith.constant 0 : i32
    %dma_start3A_239 = tpu.memref_slice %arg6[%dma_start3A_230, %dma_start3A_237, %dma_start3A_238] : memref<4x64x128xf32, #tpu.memory_space<vmem>> -> memref<1x8x128xf32, #tpu.memory_space<vmem>>
    %dma_start3A_240 = tpu.memref_squeeze %dma_start3A_239 : memref<1x8x128xf32, #tpu.memory_space<vmem>> -> memref<8x128xf32, #tpu.memory_space<vmem>>
    %dma_start3A_241 = arith.constant 0 : i32
    %dma_start3A_242 = tpu.memref_slice %arg2[%dma_start3A_241, %mul3A_229] : memref<64x1000000xf32, #tpu.memory_space<hbm>> -> memref<8x128xf32, #tpu.memory_space<hbm>>
    tpu.enqueue_dma source(%dma_start3A_242 : memref<8x128xf32, #tpu.memory_space<hbm>>) target(%dma_start3A_240 : memref<8x128xf32, #tpu.memory_space<vmem>>) target_semaphore(%arg10 : memref<!tpu.dma_semaphore, #tpu.memory_space<semaphore_mem>>)
    %dma_start3A_243 = arith.constant 2 : i32
    %dma_start3A_244 = arith.constant 8 : i32
    %dma_start3A_245 = arith.constant 0 : i32
    %dma_start3A_246 = tpu.memref_slice %arg6[%dma_start3A_243, %dma_start3A_244, %dma_start3A_245] : memref<4x64x128xf32, #tpu.memory_space<vmem>> -> memref<1x8x128xf32, #tpu.memory_space<vmem>>
    %dma_start3A_247 = tpu.memref_squeeze %dma_start3A_246 : memref<1x8x128xf32, #tpu.memory_space<vmem>> -> memref<8x128xf32, #tpu.memory_space<vmem>>
    %dma_start3A_248 = arith.constant 8 : i32
    %dma_start3A_249 = tpu.memref_slice %arg2[%dma_start3A_248, %mul3A_229] : memref<64x1000000xf32, #tpu.memory_space<hbm>> -> memref<8x128xf32, #tpu.memory_space<hbm>>
    %dma_start3A_250 = arith.constant 8 : i32
    %dma_start3A_251 = arith.constant 0 : i32
    %dma_start3A_252 = tpu.memref_slice %arg6[%dma_start3A_243, %dma_start3A_250, %dma_start3A_251] : memref<4x64x128xf32, #tpu.memory_space<vmem>> -> memref<1x8x128xf32, #tpu.memory_space<vmem>>
    %dma_start3A_253 = tpu.memref_squeeze %dma_start3A_252 : memref<1x8x128xf32, #tpu.memory_space<vmem>> -> memref<8x128xf32, #tpu.memory_space<vmem>>
    %dma_start3A_254 = arith.constant 8 : i32
    %dma_start3A_255 = tpu.memref_slice %arg2[%dma_start3A_254, %mul3A_229] : memref<64x1000000xf32, #tpu.memory_space<hbm>> -> memref<8x128xf32, #tpu.memory_space<hbm>>
    tpu.enqueue_dma source(%dma_start3A_255 : memref<8x128xf32, #tpu.memory_space<hbm>>) target(%dma_start3A_253 : memref<8x128xf32, #tpu.memory_space<vmem>>) target_semaphore(%arg10 : memref<!tpu.dma_semaphore, #tpu.memory_space<semaphore_mem>>)
    %dma_start3A_256 = arith.constant 2 : i32
    %dma_start3A_257 = arith.constant 16 : i32
    %dma_start3A_258 = arith.constant 0 : i32
    %dma_start3A_259 = tpu.memref_slice %arg6[%dma_start3A_256, %dma_start3A_257, %dma_start3A_258] : memref<4x64x128xf32, #tpu.memory_space<vmem>> -> memref<1x8x128xf32, #tpu.memory_space<vmem>>
    %dma_start3A_260 = tpu.memref_squeeze %dma_start3A_259 : memref<1x8x128xf32, #tpu.memory_space<vmem>> -> memref<8x128xf32, #tpu.memory_space<vmem>>
    %dma_start3A_261 = arith.constant 16 : i32
    %dma_start3A_262 = tpu.memref_slice %arg2[%dma_start3A_261, %mul3A_229] : memref<64x1000000xf32, #tpu.memory_space<hbm>> -> memref<8x128xf32, #tpu.memory_space<hbm>>
    %dma_start3A_263 = arith.constant 16 : i32
    %dma_start3A_264 = arith.constant 0 : i32
    %dma_start3A_265 = tpu.memref_slice %arg6[%dma_start3A_256, %dma_start3A_263, %dma_start3A_264] : memref<4x64x128xf32, #tpu.memory_space<vmem>> -> memref<1x8x128xf32, #tpu.memory_space<vmem>>
    %dma_start3A_266 = tpu.memref_squeeze %dma_start3A_265 : memref<1x8x128xf32, #tpu.memory_space<vmem>> -> memref<8x128xf32, #tpu.memory_space<vmem>>
    %dma_start3A_267 = arith.constant 16 : i32
    %dma_start3A_268 = tpu.memref_slice %arg2[%dma_start3A_267, %mul3A_229] : memref<64x1000000xf32, #tpu.memory_space<hbm>> -> memref<8x128xf32, #tpu.memory_space<hbm>>
    tpu.enqueue_dma source(%dma_start3A_268 : memref<8x128xf32, #tpu.memory_space<hbm>>) target(%dma_start3A_266 : memref<8x128xf32, #tpu.memory_space<vmem>>) target_semaphore(%arg10 : memref<!tpu.dma_semaphore, #tpu.memory_space<semaphore_mem>>)
    %dma_start3A_269 = arith.constant 2 : i32
    %dma_start3A_270 = arith.constant 24 : i32
    %dma_start3A_271 = arith.constant 0 : i32
    %dma_start3A_272 = tpu.memref_slice %arg6[%dma_start3A_269, %dma_start3A_270, %dma_start3A_271] : memref<4x64x128xf32, #tpu.memory_space<vmem>> -> memref<1x8x128xf32, #tpu.memory_space<vmem>>
    %dma_start3A_273 = tpu.memref_squeeze %dma_start3A_272 : memref<1x8x128xf32, #tpu.memory_space<vmem>> -> memref<8x128xf32, #tpu.memory_space<vmem>>
    %dma_start3A_274 = arith.constant 24 : i32
    %dma_start3A_275 = tpu.memref_slice %arg2[%dma_start3A_274, %mul3A_229] : memref<64x1000000xf32, #tpu.memory_space<hbm>> -> memref<8x128xf32, #tpu.memory_space<hbm>>
    %dma_start3A_276 = arith.constant 24 : i32
    %dma_start3A_277 = arith.constant 0 : i32
    %dma_start3A_278 = tpu.memref_slice %arg6[%dma_start3A_269, %dma_start3A_276, %dma_start3A_277] : memref<4x64x128xf32, #tpu.memory_space<vmem>> -> memref<1x8x128xf32, #tpu.memory_space<vmem>>
    %dma_start3A_279 = tpu.memref_squeeze %dma_start3A_278 : memref<1x8x128xf32, #tpu.memory_space<vmem>> -> memref<8x128xf32, #tpu.memory_space<vmem>>
    %dma_start3A_280 = arith.constant 24 : i32
    %dma_start3A_281 = tpu.memref_slice %arg2[%dma_start3A_280, %mul3A_229] : memref<64x1000000xf32, #tpu.memory_space<hbm>> -> memref<8x128xf32, #tpu.memory_space<hbm>>
    tpu.enqueue_dma source(%dma_start3A_281 : memref<8x128xf32, #tpu.memory_space<hbm>>) target(%dma_start3A_279 : memref<8x128xf32, #tpu.memory_space<vmem>>) target_semaphore(%arg10 : memref<!tpu.dma_semaphore, #tpu.memory_space<semaphore_mem>>)
    %dma_start3A_282 = arith.constant 2 : i32
    %dma_start3A_283 = arith.constant 32 : i32
    %dma_start3A_284 = arith.constant 0 : i32
    %dma_start3A_285 = tpu.memref_slice %arg6[%dma_start3A_282, %dma_start3A_283, %dma_start3A_284] : memref<4x64x128xf32, #tpu.memory_space<vmem>> -> memref<1x8x128xf32, #tpu.memory_space<vmem>>
    %dma_start3A_286 = tpu.memref_squeeze %dma_start3A_285 : memref<1x8x128xf32, #tpu.memory_space<vmem>> -> memref<8x128xf32, #tpu.memory_space<vmem>>
    %dma_start3A_287 = arith.constant 32 : i32
    %dma_start3A_288 = tpu.memref_slice %arg2[%dma_start3A_287, %mul3A_229] : memref<64x1000000xf32, #tpu.memory_space<hbm>> -> memref<8x128xf32, #tpu.memory_space<hbm>>
    %dma_start3A_289 = arith.constant 32 : i32
    %dma_start3A_290 = arith.constant 0 : i32
    %dma_start3A_291 = tpu.memref_slice %arg6[%dma_start3A_282, %dma_start3A_289, %dma_start3A_290] : memref<4x64x128xf32, #tpu.memory_space<vmem>> -> memref<1x8x128xf32, #tpu.memory_space<vmem>>
    %dma_start3A_292 = tpu.memref_squeeze %dma_start3A_291 : memref<1x8x128xf32, #tpu.memory_space<vmem>> -> memref<8x128xf32, #tpu.memory_space<vmem>>
    %dma_start3A_293 = arith.constant 32 : i32
    %dma_start3A_294 = tpu.memref_slice %arg2[%dma_start3A_293, %mul3A_229] : memref<64x1000000xf32, #tpu.memory_space<hbm>> -> memref<8x128xf32, #tpu.memory_space<hbm>>
    tpu.enqueue_dma source(%dma_start3A_294 : memref<8x128xf32, #tpu.memory_space<hbm>>) target(%dma_start3A_292 : memref<8x128xf32, #tpu.memory_space<vmem>>) target_semaphore(%arg10 : memref<!tpu.dma_semaphore, #tpu.memory_space<semaphore_mem>>)
    %dma_start3A_295 = arith.constant 2 : i32
    %dma_start3A_296 = arith.constant 40 : i32
    %dma_start3A_297 = arith.constant 0 : i32
    %dma_start3A_298 = tpu.memref_slice %arg6[%dma_start3A_295, %dma_start3A_296, %dma_start3A_297] : memref<4x64x128xf32, #tpu.memory_space<vmem>> -> memref<1x8x128xf32, #tpu.memory_space<vmem>>
    %dma_start3A_299 = tpu.memref_squeeze %dma_start3A_298 : memref<1x8x128xf32, #tpu.memory_space<vmem>> -> memref<8x128xf32, #tpu.memory_space<vmem>>
    %dma_start3A_300 = arith.constant 40 : i32
    %dma_start3A_301 = tpu.memref_slice %arg2[%dma_start3A_300, %mul3A_229] : memref<64x1000000xf32, #tpu.memory_space<hbm>> -> memref<8x128xf32, #tpu.memory_space<hbm>>
    %dma_start3A_302 = arith.constant 40 : i32
    %dma_start3A_303 = arith.constant 0 : i32
    %dma_start3A_304 = tpu.memref_slice %arg6[%dma_start3A_295, %dma_start3A_302, %dma_start3A_303] : memref<4x64x128xf32, #tpu.memory_space<vmem>> -> memref<1x8x128xf32, #tpu.memory_space<vmem>>
    %dma_start3A_305 = tpu.memref_squeeze %dma_start3A_304 : memref<1x8x128xf32, #tpu.memory_space<vmem>> -> memref<8x128xf32, #tpu.memory_space<vmem>>
    %dma_start3A_306 = arith.constant 40 : i32
    %dma_start3A_307 = tpu.memref_slice %arg2[%dma_start3A_306, %mul3A_229] : memref<64x1000000xf32, #tpu.memory_space<hbm>> -> memref<8x128xf32, #tpu.memory_space<hbm>>
    tpu.enqueue_dma source(%dma_start3A_307 : memref<8x128xf32, #tpu.memory_space<hbm>>) target(%dma_start3A_305 : memref<8x128xf32, #tpu.memory_space<vmem>>) target_semaphore(%arg10 : memref<!tpu.dma_semaphore, #tpu.memory_space<semaphore_mem>>)
    %dma_start3A_308 = arith.constant 2 : i32
    %dma_start3A_309 = arith.constant 48 : i32
    %dma_start3A_310 = arith.constant 0 : i32
    %dma_start3A_311 = tpu.memref_slice %arg6[%dma_start3A_308, %dma_start3A_309, %dma_start3A_310] : memref<4x64x128xf32, #tpu.memory_space<vmem>> -> memref<1x8x128xf32, #tpu.memory_space<vmem>>
    %dma_start3A_312 = tpu.memref_squeeze %dma_start3A_311 : memref<1x8x128xf32, #tpu.memory_space<vmem>> -> memref<8x128xf32, #tpu.memory_space<vmem>>
    %dma_start3A_313 = arith.constant 48 : i32
    %dma_start3A_314 = tpu.memref_slice %arg2[%dma_start3A_313, %mul3A_229] : memref<64x1000000xf32, #tpu.memory_space<hbm>> -> memref<8x128xf32, #tpu.memory_space<hbm>>
    %dma_start3A_315 = arith.constant 48 : i32
    %dma_start3A_316 = arith.constant 0 : i32
    %dma_start3A_317 = tpu.memref_slice %arg6[%dma_start3A_308, %dma_start3A_315, %dma_start3A_316] : memref<4x64x128xf32, #tpu.memory_space<vmem>> -> memref<1x8x128xf32, #tpu.memory_space<vmem>>
    %dma_start3A_318 = tpu.memref_squeeze %dma_start3A_317 : memref<1x8x128xf32, #tpu.memory_space<vmem>> -> memref<8x128xf32, #tpu.memory_space<vmem>>
    %dma_start3A_319 = arith.constant 48 : i32
    %dma_start3A_320 = tpu.memref_slice %arg2[%dma_start3A_319, %mul3A_229] : memref<64x1000000xf32, #tpu.memory_space<hbm>> -> memref<8x128xf32, #tpu.memory_space<hbm>>
    tpu.enqueue_dma source(%dma_start3A_320 : memref<8x128xf32, #tpu.memory_space<hbm>>) target(%dma_start3A_318 : memref<8x128xf32, #tpu.memory_space<vmem>>) target_semaphore(%arg10 : memref<!tpu.dma_semaphore, #tpu.memory_space<semaphore_mem>>)
    %dma_start3A_321 = arith.constant 2 : i32
    %dma_start3A_322 = arith.constant 56 : i32
    %dma_start3A_323 = arith.constant 0 : i32
    %dma_start3A_324 = tpu.memref_slice %arg6[%dma_start3A_321, %dma_start3A_322, %dma_start3A_323] : memref<4x64x128xf32, #tpu.memory_space<vmem>> -> memref<1x8x128xf32, #tpu.memory_space<vmem>>
    %dma_start3A_325 = tpu.memref_squeeze %dma_start3A_324 : memref<1x8x128xf32, #tpu.memory_space<vmem>> -> memref<8x128xf32, #tpu.memory_space<vmem>>
    %dma_start3A_326 = arith.constant 56 : i32
    %dma_start3A_327 = tpu.memref_slice %arg2[%dma_start3A_326, %mul3A_229] : memref<64x1000000xf32, #tpu.memory_space<hbm>> -> memref<8x128xf32, #tpu.memory_space<hbm>>
    %dma_start3A_328 = arith.constant 56 : i32
    %dma_start3A_329 = arith.constant 0 : i32
    %dma_start3A_330 = tpu.memref_slice %arg6[%dma_start3A_321, %dma_start3A_328, %dma_start3A_329] : memref<4x64x128xf32, #tpu.memory_space<vmem>> -> memref<1x8x128xf32, #tpu.memory_space<vmem>>
    %dma_start3A_331 = tpu.memref_squeeze %dma_start3A_330 : memref<1x8x128xf32, #tpu.memory_space<vmem>> -> memref<8x128xf32, #tpu.memory_space<vmem>>
    %dma_start3A_332 = arith.constant 56 : i32
    %dma_start3A_333 = tpu.memref_slice %arg2[%dma_start3A_332, %mul3A_229] : memref<64x1000000xf32, #tpu.memory_space<hbm>> -> memref<8x128xf32, #tpu.memory_space<hbm>>
    tpu.enqueue_dma source(%dma_start3A_333 : memref<8x128xf32, #tpu.memory_space<hbm>>) target(%dma_start3A_331 : memref<8x128xf32, #tpu.memory_space<vmem>>) target_semaphore(%arg10 : memref<!tpu.dma_semaphore, #tpu.memory_space<semaphore_mem>>)
    %slice3A_334 = vector.extract_strided_slice %get3A_7 {offsets = [3], sizes = [1], strides = [1]} : vector<16xi32> to vector<1xi32>
    %squeeze3A_335 = vector.extract %slice3A_334[0] : i32 from vector<1xi32>
    %shift_right_logical3A_336 = arith.constant 7 : i32
    %shift_right_logical3A_337 = arith.shrui %squeeze3A_335, %shift_right_logical3A_336 : i32
    %mul3A_338 = arith.constant 128 : i32
    %mul3A_339 = arith.muli %shift_right_logical3A_337, %mul3A_338 : i32
    %dma_start3A_340 = arith.constant 3 : i32
    %dma_start3A_341 = arith.constant 0 : i32
    %dma_start3A_342 = arith.constant 0 : i32
    %dma_start3A_343 = tpu.memref_slice %arg6[%dma_start3A_340, %dma_start3A_341, %dma_start3A_342] : memref<4x64x128xf32, #tpu.memory_space<vmem>> -> memref<1x8x128xf32, #tpu.memory_space<vmem>>
    %dma_start3A_344 = tpu.memref_squeeze %dma_start3A_343 : memref<1x8x128xf32, #tpu.memory_space<vmem>> -> memref<8x128xf32, #tpu.memory_space<vmem>>
    %dma_start3A_345 = arith.constant 0 : i32
    %dma_start3A_346 = tpu.memref_slice %arg2[%dma_start3A_345, %mul3A_339] : memref<64x1000000xf32, #tpu.memory_space<hbm>> -> memref<8x128xf32, #tpu.memory_space<hbm>>
    %dma_start3A_347 = arith.constant 0 : i32
    %dma_start3A_348 = arith.constant 0 : i32
    %dma_start3A_349 = tpu.memref_slice %arg6[%dma_start3A_340, %dma_start3A_347, %dma_start3A_348] : memref<4x64x128xf32, #tpu.memory_space<vmem>> -> memref<1x8x128xf32, #tpu.memory_space<vmem>>
    %dma_start3A_350 = tpu.memref_squeeze %dma_start3A_349 : memref<1x8x128xf32, #tpu.memory_space<vmem>> -> memref<8x128xf32, #tpu.memory_space<vmem>>
    %dma_start3A_351 = arith.constant 0 : i32
    %dma_start3A_352 = tpu.memref_slice %arg2[%dma_start3A_351, %mul3A_339] : memref<64x1000000xf32, #tpu.memory_space<hbm>> -> memref<8x128xf32, #tpu.memory_space<hbm>>
    tpu.enqueue_dma source(%dma_start3A_352 : memref<8x128xf32, #tpu.memory_space<hbm>>) target(%dma_start3A_350 : memref<8x128xf32, #tpu.memory_space<vmem>>) target_semaphore(%arg10 : memref<!tpu.dma_semaphore, #tpu.memory_space<semaphore_mem>>)
    %dma_start3A_353 = arith.constant 3 : i32
    %dma_start3A_354 = arith.constant 8 : i32
    %dma_start3A_355 = arith.constant 0 : i32
    %dma_start3A_356 = tpu.memref_slice %arg6[%dma_start3A_353, %dma_start3A_354, %dma_start3A_355] : memref<4x64x128xf32, #tpu.memory_space<vmem>> -> memref<1x8x128xf32, #tpu.memory_space<vmem>>
    %dma_start3A_357 = tpu.memref_squeeze %dma_start3A_356 : memref<1x8x128xf32, #tpu.memory_space<vmem>> -> memref<8x128xf32, #tpu.memory_space<vmem>>
    %dma_start3A_358 = arith.constant 8 : i32
    %dma_start3A_359 = tpu.memref_slice %arg2[%dma_start3A_358, %mul3A_339] : memref<64x1000000xf32, #tpu.memory_space<hbm>> -> memref<8x128xf32, #tpu.memory_space<hbm>>
    %dma_start3A_360 = arith.constant 8 : i32
    %dma_start3A_361 = arith.constant 0 : i32
    %dma_start3A_362 = tpu.memref_slice %arg6[%dma_start3A_353, %dma_start3A_360, %dma_start3A_361] : memref<4x64x128xf32, #tpu.memory_space<vmem>> -> memref<1x8x128xf32, #tpu.memory_space<vmem>>
    %dma_start3A_363 = tpu.memref_squeeze %dma_start3A_362 : memref<1x8x128xf32, #tpu.memory_space<vmem>> -> memref<8x128xf32, #tpu.memory_space<vmem>>
    %dma_start3A_364 = arith.constant 8 : i32
    %dma_start3A_365 = tpu.memref_slice %arg2[%dma_start3A_364, %mul3A_339] : memref<64x1000000xf32, #tpu.memory_space<hbm>> -> memref<8x128xf32, #tpu.memory_space<hbm>>
    tpu.enqueue_dma source(%dma_start3A_365 : memref<8x128xf32, #tpu.memory_space<hbm>>) target(%dma_start3A_363 : memref<8x128xf32, #tpu.memory_space<vmem>>) target_semaphore(%arg10 : memref<!tpu.dma_semaphore, #tpu.memory_space<semaphore_mem>>)
    %dma_start3A_366 = arith.constant 3 : i32
    %dma_start3A_367 = arith.constant 16 : i32
    %dma_start3A_368 = arith.constant 0 : i32
    %dma_start3A_369 = tpu.memref_slice %arg6[%dma_start3A_366, %dma_start3A_367, %dma_start3A_368] : memref<4x64x128xf32, #tpu.memory_space<vmem>> -> memref<1x8x128xf32, #tpu.memory_space<vmem>>
    %dma_start3A_370 = tpu.memref_squeeze %dma_start3A_369 : memref<1x8x128xf32, #tpu.memory_space<vmem>> -> memref<8x128xf32, #tpu.memory_space<vmem>>
    %dma_start3A_371 = arith.constant 16 : i32
    %dma_start3A_372 = tpu.memref_slice %arg2[%dma_start3A_371, %mul3A_339] : memref<64x1000000xf32, #tpu.memory_space<hbm>> -> memref<8x128xf32, #tpu.memory_space<hbm>>
    %dma_start3A_373 = arith.constant 16 : i32
    %dma_start3A_374 = arith.constant 0 : i32
    %dma_start3A_375 = tpu.memref_slice %arg6[%dma_start3A_366, %dma_start3A_373, %dma_start3A_374] : memref<4x64x128xf32, #tpu.memory_space<vmem>> -> memref<1x8x128xf32, #tpu.memory_space<vmem>>
    %dma_start3A_376 = tpu.memref_squeeze %dma_start3A_375 : memref<1x8x128xf32, #tpu.memory_space<vmem>> -> memref<8x128xf32, #tpu.memory_space<vmem>>
    %dma_start3A_377 = arith.constant 16 : i32
    %dma_start3A_378 = tpu.memref_slice %arg2[%dma_start3A_377, %mul3A_339] : memref<64x1000000xf32, #tpu.memory_space<hbm>> -> memref<8x128xf32, #tpu.memory_space<hbm>>
    tpu.enqueue_dma source(%dma_start3A_378 : memref<8x128xf32, #tpu.memory_space<hbm>>) target(%dma_start3A_376 : memref<8x128xf32, #tpu.memory_space<vmem>>) target_semaphore(%arg10 : memref<!tpu.dma_semaphore, #tpu.memory_space<semaphore_mem>>)
    %dma_start3A_379 = arith.constant 3 : i32
    %dma_start3A_380 = arith.constant 24 : i32
    %dma_start3A_381 = arith.constant 0 : i32
    %dma_start3A_382 = tpu.memref_slice %arg6[%dma_start3A_379, %dma_start3A_380, %dma_start3A_381] : memref<4x64x128xf32, #tpu.memory_space<vmem>> -> memref<1x8x128xf32, #tpu.memory_space<vmem>>
    %dma_start3A_383 = tpu.memref_squeeze %dma_start3A_382 : memref<1x8x128xf32, #tpu.memory_space<vmem>> -> memref<8x128xf32, #tpu.memory_space<vmem>>
    %dma_start3A_384 = arith.constant 24 : i32
    %dma_start3A_385 = tpu.memref_slice %arg2[%dma_start3A_384, %mul3A_339] : memref<64x1000000xf32, #tpu.memory_space<hbm>> -> memref<8x128xf32, #tpu.memory_space<hbm>>
    %dma_start3A_386 = arith.constant 24 : i32
    %dma_start3A_387 = arith.constant 0 : i32
    %dma_start3A_388 = tpu.memref_slice %arg6[%dma_start3A_379, %dma_start3A_386, %dma_start3A_387] : memref<4x64x128xf32, #tpu.memory_space<vmem>> -> memref<1x8x128xf32, #tpu.memory_space<vmem>>
    %dma_start3A_389 = tpu.memref_squeeze %dma_start3A_388 : memref<1x8x128xf32, #tpu.memory_space<vmem>> -> memref<8x128xf32, #tpu.memory_space<vmem>>
    %dma_start3A_390 = arith.constant 24 : i32
    %dma_start3A_391 = tpu.memref_slice %arg2[%dma_start3A_390, %mul3A_339] : memref<64x1000000xf32, #tpu.memory_space<hbm>> -> memref<8x128xf32, #tpu.memory_space<hbm>>
    tpu.enqueue_dma source(%dma_start3A_391 : memref<8x128xf32, #tpu.memory_space<hbm>>) target(%dma_start3A_389 : memref<8x128xf32, #tpu.memory_space<vmem>>) target_semaphore(%arg10 : memref<!tpu.dma_semaphore, #tpu.memory_space<semaphore_mem>>)
    %dma_start3A_392 = arith.constant 3 : i32
    %dma_start3A_393 = arith.constant 32 : i32
    %dma_start3A_394 = arith.constant 0 : i32
    %dma_start3A_395 = tpu.memref_slice %arg6[%dma_start3A_392, %dma_start3A_393, %dma_start3A_394] : memref<4x64x128xf32, #tpu.memory_space<vmem>> -> memref<1x8x128xf32, #tpu.memory_space<vmem>>
    %dma_start3A_396 = tpu.memref_squeeze %dma_start3A_395 : memref<1x8x128xf32, #tpu.memory_space<vmem>> -> memref<8x128xf32, #tpu.memory_space<vmem>>
    %dma_start3A_397 = arith.constant 32 : i32
    %dma_start3A_398 = tpu.memref_slice %arg2[%dma_start3A_397, %mul3A_339] : memref<64x1000000xf32, #tpu.memory_space<hbm>> -> memref<8x128xf32, #tpu.memory_space<hbm>>
    %dma_start3A_399 = arith.constant 32 : i32
    %dma_start3A_400 = arith.constant 0 : i32
    %dma_start3A_401 = tpu.memref_slice %arg6[%dma_start3A_392, %dma_start3A_399, %dma_start3A_400] : memref<4x64x128xf32, #tpu.memory_space<vmem>> -> memref<1x8x128xf32, #tpu.memory_space<vmem>>
    %dma_start3A_402 = tpu.memref_squeeze %dma_start3A_401 : memref<1x8x128xf32, #tpu.memory_space<vmem>> -> memref<8x128xf32, #tpu.memory_space<vmem>>
    %dma_start3A_403 = arith.constant 32 : i32
    %dma_start3A_404 = tpu.memref_slice %arg2[%dma_start3A_403, %mul3A_339] : memref<64x1000000xf32, #tpu.memory_space<hbm>> -> memref<8x128xf32, #tpu.memory_space<hbm>>
    tpu.enqueue_dma source(%dma_start3A_404 : memref<8x128xf32, #tpu.memory_space<hbm>>) target(%dma_start3A_402 : memref<8x128xf32, #tpu.memory_space<vmem>>) target_semaphore(%arg10 : memref<!tpu.dma_semaphore, #tpu.memory_space<semaphore_mem>>)
    %dma_start3A_405 = arith.constant 3 : i32
    %dma_start3A_406 = arith.constant 40 : i32
    %dma_start3A_407 = arith.constant 0 : i32
    %dma_start3A_408 = tpu.memref_slice %arg6[%dma_start3A_405, %dma_start3A_406, %dma_start3A_407] : memref<4x64x128xf32, #tpu.memory_space<vmem>> -> memref<1x8x128xf32, #tpu.memory_space<vmem>>
    %dma_start3A_409 = tpu.memref_squeeze %dma_start3A_408 : memref<1x8x128xf32, #tpu.memory_space<vmem>> -> memref<8x128xf32, #tpu.memory_space<vmem>>
    %dma_start3A_410 = arith.constant 40 : i32
    %dma_start3A_411 = tpu.memref_slice %arg2[%dma_start3A_410, %mul3A_339] : memref<64x1000000xf32, #tpu.memory_space<hbm>> -> memref<8x128xf32, #tpu.memory_space<hbm>>
    %dma_start3A_412 = arith.constant 40 : i32
    %dma_start3A_413 = arith.constant 0 : i32
    %dma_start3A_414 = tpu.memref_slice %arg6[%dma_start3A_405, %dma_start3A_412, %dma_start3A_413] : memref<4x64x128xf32, #tpu.memory_space<vmem>> -> memref<1x8x128xf32, #tpu.memory_space<vmem>>
    %dma_start3A_415 = tpu.memref_squeeze %dma_start3A_414 : memref<1x8x128xf32, #tpu.memory_space<vmem>> -> memref<8x128xf32, #tpu.memory_space<vmem>>
    %dma_start3A_416 = arith.constant 40 : i32
    %dma_start3A_417 = tpu.memref_slice %arg2[%dma_start3A_416, %mul3A_339] : memref<64x1000000xf32, #tpu.memory_space<hbm>> -> memref<8x128xf32, #tpu.memory_space<hbm>>
    tpu.enqueue_dma source(%dma_start3A_417 : memref<8x128xf32, #tpu.memory_space<hbm>>) target(%dma_start3A_415 : memref<8x128xf32, #tpu.memory_space<vmem>>) target_semaphore(%arg10 : memref<!tpu.dma_semaphore, #tpu.memory_space<semaphore_mem>>)
    %dma_start3A_418 = arith.constant 3 : i32
    %dma_start3A_419 = arith.constant 48 : i32
    %dma_start3A_420 = arith.constant 0 : i32
    %dma_start3A_421 = tpu.memref_slice %arg6[%dma_start3A_418, %dma_start3A_419, %dma_start3A_420] : memref<4x64x128xf32, #tpu.memory_space<vmem>> -> memref<1x8x128xf32, #tpu.memory_space<vmem>>
    %dma_start3A_422 = tpu.memref_squeeze %dma_start3A_421 : memref<1x8x128xf32, #tpu.memory_space<vmem>> -> memref<8x128xf32, #tpu.memory_space<vmem>>
    %dma_start3A_423 = arith.constant 48 : i32
    %dma_start3A_424 = tpu.memref_slice %arg2[%dma_start3A_423, %mul3A_339] : memref<64x1000000xf32, #tpu.memory_space<hbm>> -> memref<8x128xf32, #tpu.memory_space<hbm>>
    %dma_start3A_425 = arith.constant 48 : i32
    %dma_start3A_426 = arith.constant 0 : i32
    %dma_start3A_427 = tpu.memref_slice %arg6[%dma_start3A_418, %dma_start3A_425, %dma_start3A_426] : memref<4x64x128xf32, #tpu.memory_space<vmem>> -> memref<1x8x128xf32, #tpu.memory_space<vmem>>
    %dma_start3A_428 = tpu.memref_squeeze %dma_start3A_427 : memref<1x8x128xf32, #tpu.memory_space<vmem>> -> memref<8x128xf32, #tpu.memory_space<vmem>>
    %dma_start3A_429 = arith.constant 48 : i32
    %dma_start3A_430 = tpu.memref_slice %arg2[%dma_start3A_429, %mul3A_339] : memref<64x1000000xf32, #tpu.memory_space<hbm>> -> memref<8x128xf32, #tpu.memory_space<hbm>>
    tpu.enqueue_dma source(%dma_start3A_430 : memref<8x128xf32, #tpu.memory_space<hbm>>) target(%dma_start3A_428 : memref<8x128xf32, #tpu.memory_space<vmem>>) target_semaphore(%arg10 : memref<!tpu.dma_semaphore, #tpu.memory_space<semaphore_mem>>)
    %dma_start3A_431 = arith.constant 3 : i32
    %dma_start3A_432 = arith.constant 56 : i32
    %dma_start3A_433 = arith.constant 0 : i32
    %dma_start3A_434 = tpu.memref_slice %arg6[%dma_start3A_431, %dma_start3A_432, %dma_start3A_433] : memref<4x64x128xf32, #tpu.memory_space<vmem>> -> memref<1x8x128xf32, #tpu.memory_space<vmem>>
    %dma_start3A_435 = tpu.memref_squeeze %dma_start3A_434 : memref<1x8x128xf32, #tpu.memory_space<vmem>> -> memref<8x128xf32, #tpu.memory_space<vmem>>
    %dma_start3A_436 = arith.constant 56 : i32
    %dma_start3A_437 = tpu.memref_slice %arg2[%dma_start3A_436, %mul3A_339] : memref<64x1000000xf32, #tpu.memory_space<hbm>> -> memref<8x128xf32, #tpu.memory_space<hbm>>
    %dma_start3A_438 = arith.constant 56 : i32
    %dma_start3A_439 = arith.constant 0 : i32
    %dma_start3A_440 = tpu.memref_slice %arg6[%dma_start3A_431, %dma_start3A_438, %dma_start3A_439] : memref<4x64x128xf32, #tpu.memory_space<vmem>> -> memref<1x8x128xf32, #tpu.memory_space<vmem>>
    %dma_start3A_441 = tpu.memref_squeeze %dma_start3A_440 : memref<1x8x128xf32, #tpu.memory_space<vmem>> -> memref<8x128xf32, #tpu.memory_space<vmem>>
    %dma_start3A_442 = arith.constant 56 : i32
    %dma_start3A_443 = tpu.memref_slice %arg2[%dma_start3A_442, %mul3A_339] : memref<64x1000000xf32, #tpu.memory_space<hbm>> -> memref<8x128xf32, #tpu.memory_space<hbm>>
    tpu.enqueue_dma source(%dma_start3A_443 : memref<8x128xf32, #tpu.memory_space<hbm>>) target(%dma_start3A_441 : memref<8x128xf32, #tpu.memory_space<vmem>>) target_semaphore(%arg10 : memref<!tpu.dma_semaphore, #tpu.memory_space<semaphore_mem>>)
    %get3A_444 = arith.constant 4 : index
    %get3A_445 = tpu.vector_load %arg5[%get3A_444] {strides = array<i32>} : memref<528xi32, #tpu.memory_space<vmem>>, vector<16xi32>,
    %slice3A_446 = vector.extract_strided_slice %get3A_445 {offsets = [0], sizes = [1], strides = [1]} : vector<16xi32> to vector<1xi32>
    %squeeze3A_447 = vector.extract %slice3A_446[0] : i32 from vector<1xi32>
    %shift_right_logical3A_448 = arith.constant 7 : i32
    %shift_right_logical3A_449 = arith.shrui %squeeze3A_447, %shift_right_logical3A_448 : i32
    %mul3A_450 = arith.constant 128 : i32
    %mul3A_451 = arith.muli %shift_right_logical3A_449, %mul3A_450 : i32
    %dma_start3A_452 = arith.constant 0 : i32
    %dma_start3A_453 = arith.constant 0 : i32
    %dma_start3A_454 = arith.constant 0 : i32
    %dma_start3A_455 = tpu.memref_slice %arg7[%dma_start3A_452, %dma_start3A_453, %dma_start3A_454] : memref<4x64x128xf32, #tpu.memory_space<vmem>> -> memref<1x8x128xf32, #tpu.memory_space<vmem>>
    %dma_start3A_456 = tpu.memref_squeeze %dma_start3A_455 : memref<1x8x128xf32, #tpu.memory_space<vmem>> -> memref<8x128xf32, #tpu.memory_space<vmem>>
    %dma_start3A_457 = arith.constant 0 : i32
    %dma_start3A_458 = tpu.memref_slice %arg2[%dma_start3A_457, %mul3A_451] : memref<64x1000000xf32, #tpu.memory_space<hbm>> -> memref<8x128xf32, #tpu.memory_space<hbm>>
    %dma_start3A_459 = arith.constant 0 : i32
    %dma_start3A_460 = arith.constant 0 : i32
    %dma_start3A_461 = tpu.memref_slice %arg7[%dma_start3A_452, %dma_start3A_459, %dma_start3A_460] : memref<4x64x128xf32, #tpu.memory_space<vmem>> -> memref<1x8x128xf32, #tpu.memory_space<vmem>>
    %dma_start3A_462 = tpu.memref_squeeze %dma_start3A_461 : memref<1x8x128xf32, #tpu.memory_space<vmem>> -> memref<8x128xf32, #tpu.memory_space<vmem>>
    %dma_start3A_463 = arith.constant 0 : i32
    %dma_start3A_464 = tpu.memref_slice %arg2[%dma_start3A_463, %mul3A_451] : memref<64x1000000xf32, #tpu.memory_space<hbm>> -> memref<8x128xf32, #tpu.memory_space<hbm>>
    tpu.enqueue_dma source(%dma_start3A_464 : memref<8x128xf32, #tpu.memory_space<hbm>>) target(%dma_start3A_462 : memref<8x128xf32, #tpu.memory_space<vmem>>) target_semaphore(%arg11 : memref<!tpu.dma_semaphore, #tpu.memory_space<semaphore_mem>>)
    %dma_start3A_465 = arith.constant 0 : i32
    %dma_start3A_466 = arith.constant 8 : i32
    %dma_start3A_467 = arith.constant 0 : i32
    %dma_start3A_468 = tpu.memref_slice %arg7[%dma_start3A_465, %dma_start3A_466, %dma_start3A_467] : memref<4x64x128xf32, #tpu.memory_space<vmem>> -> memref<1x8x128xf32, #tpu.memory_space<vmem>>
    %dma_start3A_469 = tpu.memref_squeeze %dma_start3A_468 : memref<1x8x128xf32, #tpu.memory_space<vmem>> -> memref<8x128xf32, #tpu.memory_space<vmem>>
    %dma_start3A_470 = arith.constant 8 : i32
    %dma_start3A_471 = tpu.memref_slice %arg2[%dma_start3A_470, %mul3A_451] : memref<64x1000000xf32, #tpu.memory_space<hbm>> -> memref<8x128xf32, #tpu.memory_space<hbm>>
    %dma_start3A_472 = arith.constant 8 : i32
    %dma_start3A_473 = arith.constant 0 : i32
    %dma_start3A_474 = tpu.memref_slice %arg7[%dma_start3A_465, %dma_start3A_472, %dma_start3A_473] : memref<4x64x128xf32, #tpu.memory_space<vmem>> -> memref<1x8x128xf32, #tpu.memory_space<vmem>>
    %dma_start3A_475 = tpu.memref_squeeze %dma_start3A_474 : memref<1x8x128xf32, #tpu.memory_space<vmem>> -> memref<8x128xf32, #tpu.memory_space<vmem>>
    %dma_start3A_476 = arith.constant 8 : i32
    %dma_start3A_477 = tpu.memref_slice %arg2[%dma_start3A_476, %mul3A_451] : memref<64x1000000xf32, #tpu.memory_space<hbm>> -> memref<8x128xf32, #tpu.memory_space<hbm>>
    tpu.enqueue_dma source(%dma_start3A_477 : memref<8x128xf32, #tpu.memory_space<hbm>>) target(%dma_start3A_475 : memref<8x128xf32, #tpu.memory_space<vmem>>) target_semaphore(%arg11 : memref<!tpu.dma_semaphore, #tpu.memory_space<semaphore_mem>>)
    %dma_start3A_478 = arith.constant 0 : i32
    %dma_start3A_479 = arith.constant 16 : i32
    %dma_start3A_480 = arith.constant 0 : i32
    %dma_start3A_481 = tpu.memref_slice %arg7[%dma_start3A_478, %dma_start3A_479, %dma_start3A_480] : memref<4x64x128xf32, #tpu.memory_space<vmem>> -> memref<1x8x128xf32, #tpu.memory_space<vmem>>
    %dma_start3A_482 = tpu.memref_squeeze %dma_start3A_481 : memref<1x8x128xf32, #tpu.memory_space<vmem>> -> memref<8x128xf32, #tpu.memory_space<vmem>>
    %dma_start3A_483 = arith.constant 16 : i32
    %dma_start3A_484 = tpu.memref_slice %arg2[%dma_start3A_483, %mul3A_451] : memref<64x1000000xf32, #tpu.memory_space<hbm>> -> memref<8x128xf32, #tpu.memory_space<hbm>>
    %dma_start3A_485 = arith.constant 16 : i32
    %dma_start3A_486 = arith.constant 0 : i32
    %dma_start3A_487 = tpu.memref_slice %arg7[%dma_start3A_478, %dma_start3A_485, %dma_start3A_486] : memref<4x64x128xf32, #tpu.memory_space<vmem>> -> memref<1x8x128xf32, #tpu.memory_space<vmem>>
    %dma_start3A_488 = tpu.memref_squeeze %dma_start3A_487 : memref<1x8x128xf32, #tpu.memory_space<vmem>> -> memref<8x128xf32, #tpu.memory_space<vmem>>
    %dma_start3A_489 = arith.constant 16 : i32
    %dma_start3A_490 = tpu.memref_slice %arg2[%dma_start3A_489, %mul3A_451] : memref<64x1000000xf32, #tpu.memory_space<hbm>> -> memref<8x128xf32, #tpu.memory_space<hbm>>
    tpu.enqueue_dma source(%dma_start3A_490 : memref<8x128xf32, #tpu.memory_space<hbm>>) target(%dma_start3A_488 : memref<8x128xf32, #tpu.memory_space<vmem>>) target_semaphore(%arg11 : memref<!tpu.dma_semaphore, #tpu.memory_space<semaphore_mem>>)
    %dma_start3A_491 = arith.constant 0 : i32
    %dma_start3A_492 = arith.constant 24 : i32
    %dma_start3A_493 = arith.constant 0 : i32
    %dma_start3A_494 = tpu.memref_slice %arg7[%dma_start3A_491, %dma_start3A_492, %dma_start3A_493] : memref<4x64x128xf32, #tpu.memory_space<vmem>> -> memref<1x8x128xf32, #tpu.memory_space<vmem>>
    %dma_start3A_495 = tpu.memref_squeeze %dma_start3A_494 : memref<1x8x128xf32, #tpu.memory_space<vmem>> -> memref<8x128xf32, #tpu.memory_space<vmem>>
    %dma_start3A_496 = arith.constant 24 : i32
    %dma_start3A_497 = tpu.memref_slice %arg2[%dma_start3A_496, %mul3A_451] : memref<64x1000000xf32, #tpu.memory_space<hbm>> -> memref<8x128xf32, #tpu.memory_space<hbm>>
    %dma_start3A_498 = arith.constant 24 : i32
    %dma_start3A_499 = arith.constant 0 : i32
    %dma_start3A_500 = tpu.memref_slice %arg7[%dma_start3A_491, %dma_start3A_498, %dma_start3A_499] : memref<4x64x128xf32, #tpu.memory_space<vmem>> -> memref<1x8x128xf32, #tpu.memory_space<vmem>>
    %dma_start3A_501 = tpu.memref_squeeze %dma_start3A_500 : memref<1x8x128xf32, #tpu.memory_space<vmem>> -> memref<8x128xf32, #tpu.memory_space<vmem>>
    %dma_start3A_502 = arith.constant 24 : i32
    %dma_start3A_503 = tpu.memref_slice %arg2[%dma_start3A_502, %mul3A_451] : memref<64x1000000xf32, #tpu.memory_space<hbm>> -> memref<8x128xf32, #tpu.memory_space<hbm>>
    tpu.enqueue_dma source(%dma_start3A_503 : memref<8x128xf32, #tpu.memory_space<hbm>>) target(%dma_start3A_501 : memref<8x128xf32, #tpu.memory_space<vmem>>) target_semaphore(%arg11 : memref<!tpu.dma_semaphore, #tpu.memory_space<semaphore_mem>>)
    %dma_start3A_504 = arith.constant 0 : i32
    %dma_start3A_505 = arith.constant 32 : i32
    %dma_start3A_506 = arith.constant 0 : i32
    %dma_start3A_507 = tpu.memref_slice %arg7[%dma_start3A_504, %dma_start3A_505, %dma_start3A_506] : memref<4x64x128xf32, #tpu.memory_space<vmem>> -> memref<1x8x128xf32, #tpu.memory_space<vmem>>
    %dma_start3A_508 = tpu.memref_squeeze %dma_start3A_507 : memref<1x8x128xf32, #tpu.memory_space<vmem>> -> memref<8x128xf32, #tpu.memory_space<vmem>>
    %dma_start3A_509 = arith.constant 32 : i32
    %dma_start3A_510 = tpu.memref_slice %arg2[%dma_start3A_509, %mul3A_451] : memref<64x1000000xf32, #tpu.memory_space<hbm>> -> memref<8x128xf32, #tpu.memory_space<hbm>>
    %dma_start3A_511 = arith.constant 32 : i32
    %dma_start3A_512 = arith.constant 0 : i32
    %dma_start3A_513 = tpu.memref_slice %arg7[%dma_start3A_504, %dma_start3A_511, %dma_start3A_512] : memref<4x64x128xf32, #tpu.memory_space<vmem>> -> memref<1x8x128xf32, #tpu.memory_space<vmem>>
    %dma_start3A_514 = tpu.memref_squeeze %dma_start3A_513 : memref<1x8x128xf32, #tpu.memory_space<vmem>> -> memref<8x128xf32, #tpu.memory_space<vmem>>
    %dma_start3A_515 = arith.constant 32 : i32
    %dma_start3A_516 = tpu.memref_slice %arg2[%dma_start3A_515, %mul3A_451] : memref<64x1000000xf32, #tpu.memory_space<hbm>> -> memref<8x128xf32, #tpu.memory_space<hbm>>
    tpu.enqueue_dma source(%dma_start3A_516 : memref<8x128xf32, #tpu.memory_space<hbm>>) target(%dma_start3A_514 : memref<8x128xf32, #tpu.memory_space<vmem>>) target_semaphore(%arg11 : memref<!tpu.dma_semaphore, #tpu.memory_space<semaphore_mem>>)
    %dma_start3A_517 = arith.constant 0 : i32
    %dma_start3A_518 = arith.constant 40 : i32
    %dma_start3A_519 = arith.constant 0 : i32
    %dma_start3A_520 = tpu.memref_slice %arg7[%dma_start3A_517, %dma_start3A_518, %dma_start3A_519] : memref<4x64x128xf32, #tpu.memory_space<vmem>> -> memref<1x8x128xf32, #tpu.memory_space<vmem>>
    %dma_start3A_521 = tpu.memref_squeeze %dma_start3A_520 : memref<1x8x128xf32, #tpu.memory_space<vmem>> -> memref<8x128xf32, #tpu.memory_space<vmem>>
    %dma_start3A_522 = arith.constant 40 : i32
    %dma_start3A_523 = tpu.memref_slice %arg2[%dma_start3A_522, %mul3A_451] : memref<64x1000000xf32, #tpu.memory_space<hbm>> -> memref<8x128xf32, #tpu.memory_space<hbm>>
    %dma_start3A_524 = arith.constant 40 : i32
    %dma_start3A_525 = arith.constant 0 : i32
    %dma_start3A_526 = tpu.memref_slice %arg7[%dma_start3A_517, %dma_start3A_524, %dma_start3A_525] : memref<4x64x128xf32, #tpu.memory_space<vmem>> -> memref<1x8x128xf32, #tpu.memory_space<vmem>>
    %dma_start3A_527 = tpu.memref_squeeze %dma_start3A_526 : memref<1x8x128xf32, #tpu.memory_space<vmem>> -> memref<8x128xf32, #tpu.memory_space<vmem>>
    %dma_start3A_528 = arith.constant 40 : i32
    %dma_start3A_529 = tpu.memref_slice %arg2[%dma_start3A_528, %mul3A_451] : memref<64x1000000xf32, #tpu.memory_space<hbm>> -> memref<8x128xf32, #tpu.memory_space<hbm>>
    tpu.enqueue_dma source(%dma_start3A_529 : memref<8x128xf32, #tpu.memory_space<hbm>>) target(%dma_start3A_527 : memref<8x128xf32, #tpu.memory_space<vmem>>) target_semaphore(%arg11 : memref<!tpu.dma_semaphore, #tpu.memory_space<semaphore_mem>>)
    %dma_start3A_530 = arith.constant 0 : i32
    %dma_start3A_531 = arith.constant 48 : i32
    %dma_start3A_532 = arith.constant 0 : i32
    %dma_start3A_533 = tpu.memref_slice %arg7[%dma_start3A_530, %dma_start3A_531, %dma_start3A_532] : memref<4x64x128xf32, #tpu.memory_space<vmem>> -> memref<1x8x128xf32, #tpu.memory_space<vmem>>
    %dma_start3A_534 = tpu.memref_squeeze %dma_start3A_533 : memref<1x8x128xf32, #tpu.memory_space<vmem>> -> memref<8x128xf32, #tpu.memory_space<vmem>>
    %dma_start3A_535 = arith.constant 48 : i32
    %dma_start3A_536 = tpu.memref_slice %arg2[%dma_start3A_535, %mul3A_451] : memref<64x1000000xf32, #tpu.memory_space<hbm>> -> memref<8x128xf32, #tpu.memory_space<hbm>>
    %dma_start3A_537 = arith.constant 48 : i32
    %dma_start3A_538 = arith.constant 0 : i32
    %dma_start3A_539 = tpu.memref_slice %arg7[%dma_start3A_530, %dma_start3A_537, %dma_start3A_538] : memref<4x64x128xf32, #tpu.memory_space<vmem>> -> memref<1x8x128xf32, #tpu.memory_space<vmem>>
    %dma_start3A_540 = tpu.memref_squeeze %dma_start3A_539 : memref<1x8x128xf32, #tpu.memory_space<vmem>> -> memref<8x128xf32, #tpu.memory_space<vmem>>
    %dma_start3A_541 = arith.constant 48 : i32
    %dma_start3A_542 = tpu.memref_slice %arg2[%dma_start3A_541, %mul3A_451] : memref<64x1000000xf32, #tpu.memory_space<hbm>> -> memref<8x128xf32, #tpu.memory_space<hbm>>
    tpu.enqueue_dma source(%dma_start3A_542 : memref<8x128xf32, #tpu.memory_space<hbm>>) target(%dma_start3A_540 : memref<8x128xf32, #tpu.memory_space<vmem>>) target_semaphore(%arg11 : memref<!tpu.dma_semaphore, #tpu.memory_space<semaphore_mem>>)
    %dma_start3A_543 = arith.constant 0 : i32
    %dma_start3A_544 = arith.constant 56 : i32
    %dma_start3A_545 = arith.constant 0 : i32
    %dma_start3A_546 = tpu.memref_slice %arg7[%dma_start3A_543, %dma_start3A_544, %dma_start3A_545] : memref<4x64x128xf32, #tpu.memory_space<vmem>> -> memref<1x8x128xf32, #tpu.memory_space<vmem>>
    %dma_start3A_547 = tpu.memref_squeeze %dma_start3A_546 : memref<1x8x128xf32, #tpu.memory_space<vmem>> -> memref<8x128xf32, #tpu.memory_space<vmem>>
    %dma_start3A_548 = arith.constant 56 : i32
    %dma_start3A_549 = tpu.memref_slice %arg2[%dma_start3A_548, %mul3A_451] : memref<64x1000000xf32, #tpu.memory_space<hbm>> -> memref<8x128xf32, #tpu.memory_space<hbm>>
    %dma_start3A_550 = arith.constant 56 : i32
    %dma_start3A_551 = arith.constant 0 : i32
    %dma_start3A_552 = tpu.memref_slice %arg7[%dma_start3A_543, %dma_start3A_550, %dma_start3A_551] : memref<4x64x128xf32, #tpu.memory_space<vmem>> -> memref<1x8x128xf32, #tpu.memory_space<vmem>>
    %dma_start3A_553 = tpu.memref_squeeze %dma_start3A_552 : memref<1x8x128xf32, #tpu.memory_space<vmem>> -> memref<8x128xf32, #tpu.memory_space<vmem>>
    %dma_start3A_554 = arith.constant 56 : i32
    %dma_start3A_555 = tpu.memref_slice %arg2[%dma_start3A_554, %mul3A_451] : memref<64x1000000xf32, #tpu.memory_space<hbm>> -> memref<8x128xf32, #tpu.memory_space<hbm>>
    tpu.enqueue_dma source(%dma_start3A_555 : memref<8x128xf32, #tpu.memory_space<hbm>>) target(%dma_start3A_553 : memref<8x128xf32, #tpu.memory_space<vmem>>) target_semaphore(%arg11 : memref<!tpu.dma_semaphore, #tpu.memory_space<semaphore_mem>>)
    %slice3A_556 = vector.extract_strided_slice %get3A_445 {offsets = [1], sizes = [1], strides = [1]} : vector<16xi32> to vector<1xi32>
    %squeeze3A_557 = vector.extract %slice3A_556[0] : i32 from vector<1xi32>
    %shift_right_logical3A_558 = arith.constant 7 : i32
    %shift_right_logical3A_559 = arith.shrui %squeeze3A_557, %shift_right_logical3A_558 : i32
    %mul3A_560 = arith.constant 128 : i32
    %mul3A_561 = arith.muli %shift_right_logical3A_559, %mul3A_560 : i32
    %dma_start3A_562 = arith.constant 1 : i32
    %dma_start3A_563 = arith.constant 0 : i32
    %dma_start3A_564 = arith.constant 0 : i32
    %dma_start3A_565 = tpu.memref_slice %arg7[%dma_start3A_562, %dma_start3A_563, %dma_start3A_564] : memref<4x64x128xf32, #tpu.memory_space<vmem>> -> memref<1x8x128xf32, #tpu.memory_space<vmem>>
    %dma_start3A_566 = tpu.memref_squeeze %dma_start3A_565 : memref<1x8x128xf32, #tpu.memory_space<vmem>> -> memref<8x128xf32, #tpu.memory_space<vmem>>
    %dma_start3A_567 = arith.constant 0 : i32
    %dma_start3A_568 = tpu.memref_slice %arg2[%dma_start3A_567, %mul3A_561] : memref<64x1000000xf32, #tpu.memory_space<hbm>> -> memref<8x128xf32, #tpu.memory_space<hbm>>
    %dma_start3A_569 = arith.constant 0 : i32
    %dma_start3A_570 = arith.constant 0 : i32
    %dma_start3A_571 = tpu.memref_slice %arg7[%dma_start3A_562, %dma_start3A_569, %dma_start3A_570] : memref<4x64x128xf32, #tpu.memory_space<vmem>> -> memref<1x8x128xf32, #tpu.memory_space<vmem>>
    %dma_start3A_572 = tpu.memref_squeeze %dma_start3A_571 : memref<1x8x128xf32, #tpu.memory_space<vmem>> -> memref<8x128xf32, #tpu.memory_space<vmem>>
    %dma_start3A_573 = arith.constant 0 : i32
    %dma_start3A_574 = tpu.memref_slice %arg2[%dma_start3A_573, %mul3A_561] : memref<64x1000000xf32, #tpu.memory_space<hbm>> -> memref<8x128xf32, #tpu.memory_space<hbm>>
    tpu.enqueue_dma source(%dma_start3A_574 : memref<8x128xf32, #tpu.memory_space<hbm>>) target(%dma_start3A_572 : memref<8x128xf32, #tpu.memory_space<vmem>>) target_semaphore(%arg11 : memref<!tpu.dma_semaphore, #tpu.memory_space<semaphore_mem>>)
    %dma_start3A_575 = arith.constant 1 : i32
    %dma_start3A_576 = arith.constant 8 : i32
    %dma_start3A_577 = arith.constant 0 : i32
    %dma_start3A_578 = tpu.memref_slice %arg7[%dma_start3A_575, %dma_start3A_576, %dma_start3A_577] : memref<4x64x128xf32, #tpu.memory_space<vmem>> -> memref<1x8x128xf32, #tpu.memory_space<vmem>>
    %dma_start3A_579 = tpu.memref_squeeze %dma_start3A_578 : memref<1x8x128xf32, #tpu.memory_space<vmem>> -> memref<8x128xf32, #tpu.memory_space<vmem>>
    %dma_start3A_580 = arith.constant 8 : i32
    %dma_start3A_581 = tpu.memref_slice %arg2[%dma_start3A_580, %mul3A_561] : memref<64x1000000xf32, #tpu.memory_space<hbm>> -> memref<8x128xf32, #tpu.memory_space<hbm>>
    %dma_start3A_582 = arith.constant 8 : i32
    %dma_start3A_583 = arith.constant 0 : i32
    %dma_start3A_584 = tpu.memref_slice %arg7[%dma_start3A_575, %dma_start3A_582, %dma_start3A_583] : memref<4x64x128xf32, #tpu.memory_space<vmem>> -> memref<1x8x128xf32, #tpu.memory_space<vmem>>
    %dma_start3A_585 = tpu.memref_squeeze %dma_start3A_584 : memref<1x8x128xf32, #tpu.memory_space<vmem>> -> memref<8x128xf32, #tpu.memory_space<vmem>>
    %dma_start3A_586 = arith.constant 8 : i32
    %dma_start3A_587 = tpu.memref_slice %arg2[%dma_start3A_586, %mul3A_561] : memref<64x1000000xf32, #tpu.memory_space<hbm>> -> memref<8x128xf32, #tpu.memory_space<hbm>>
    tpu.enqueue_dma source(%dma_start3A_587 : memref<8x128xf32, #tpu.memory_space<hbm>>) target(%dma_start3A_585 : memref<8x128xf32, #tpu.memory_space<vmem>>) target_semaphore(%arg11 : memref<!tpu.dma_semaphore, #tpu.memory_space<semaphore_mem>>)
    %dma_start3A_588 = arith.constant 1 : i32
    %dma_start3A_589 = arith.constant 16 : i32
    %dma_start3A_590 = arith.constant 0 : i32
    %dma_start3A_591 = tpu.memref_slice %arg7[%dma_start3A_588, %dma_start3A_589, %dma_start3A_590] : memref<4x64x128xf32, #tpu.memory_space<vmem>> -> memref<1x8x128xf32, #tpu.memory_space<vmem>>
    %dma_start3A_592 = tpu.memref_squeeze %dma_start3A_591 : memref<1x8x128xf32, #tpu.memory_space<vmem>> -> memref<8x128xf32, #tpu.memory_space<vmem>>
    %dma_start3A_593 = arith.constant 16 : i32
    %dma_start3A_594 = tpu.memref_slice %arg2[%dma_start3A_593, %mul3A_561] : memref<64x1000000xf32, #tpu.memory_space<hbm>> -> memref<8x128xf32, #tpu.memory_space<hbm>>
    %dma_start3A_595 = arith.constant 16 : i32
    %dma_start3A_596 = arith.constant 0 : i32
    %dma_start3A_597 = tpu.memref_slice %arg7[%dma_start3A_588, %dma_start3A_595, %dma_start3A_596] : memref<4x64x128xf32, #tpu.memory_space<vmem>> -> memref<1x8x128xf32, #tpu.memory_space<vmem>>
    %dma_start3A_598 = tpu.memref_squeeze %dma_start3A_597 : memref<1x8x128xf32, #tpu.memory_space<vmem>> -> memref<8x128xf32, #tpu.memory_space<vmem>>
    %dma_start3A_599 = arith.constant 16 : i32
    %dma_start3A_600 = tpu.memref_slice %arg2[%dma_start3A_599, %mul3A_561] : memref<64x1000000xf32, #tpu.memory_space<hbm>> -> memref<8x128xf32, #tpu.memory_space<hbm>>
    tpu.enqueue_dma source(%dma_start3A_600 : memref<8x128xf32, #tpu.memory_space<hbm>>) target(%dma_start3A_598 : memref<8x128xf32, #tpu.memory_space<vmem>>) target_semaphore(%arg11 : memref<!tpu.dma_semaphore, #tpu.memory_space<semaphore_mem>>)
    %dma_start3A_601 = arith.constant 1 : i32
    %dma_start3A_602 = arith.constant 24 : i32
    %dma_start3A_603 = arith.constant 0 : i32
    %dma_start3A_604 = tpu.memref_slice %arg7[%dma_start3A_601, %dma_start3A_602, %dma_start3A_603] : memref<4x64x128xf32, #tpu.memory_space<vmem>> -> memref<1x8x128xf32, #tpu.memory_space<vmem>>
    %dma_start3A_605 = tpu.memref_squeeze %dma_start3A_604 : memref<1x8x128xf32, #tpu.memory_space<vmem>> -> memref<8x128xf32, #tpu.memory_space<vmem>>
    %dma_start3A_606 = arith.constant 24 : i32
    %dma_start3A_607 = tpu.memref_slice %arg2[%dma_start3A_606, %mul3A_561] : memref<64x1000000xf32, #tpu.memory_space<hbm>> -> memref<8x128xf32, #tpu.memory_space<hbm>>
    %dma_start3A_608 = arith.constant 24 : i32
    %dma_start3A_609 = arith.constant 0 : i32
    %dma_start3A_610 = tpu.memref_slice %arg7[%dma_start3A_601, %dma_start3A_608, %dma_start3A_609] : memref<4x64x128xf32, #tpu.memory_space<vmem>> -> memref<1x8x128xf32, #tpu.memory_space<vmem>>
    %dma_start3A_611 = tpu.memref_squeeze %dma_start3A_610 : memref<1x8x128xf32, #tpu.memory_space<vmem>> -> memref<8x128xf32, #tpu.memory_space<vmem>>
    %dma_start3A_612 = arith.constant 24 : i32
    %dma_start3A_613 = tpu.memref_slice %arg2[%dma_start3A_612, %mul3A_561] : memref<64x1000000xf32, #tpu.memory_space<hbm>> -> memref<8x128xf32, #tpu.memory_space<hbm>>
    tpu.enqueue_dma source(%dma_start3A_613 : memref<8x128xf32, #tpu.memory_space<hbm>>) target(%dma_start3A_611 : memref<8x128xf32, #tpu.memory_space<vmem>>) target_semaphore(%arg11 : memref<!tpu.dma_semaphore, #tpu.memory_space<semaphore_mem>>)
    %dma_start3A_614 = arith.constant 1 : i32
    %dma_start3A_615 = arith.constant 32 : i32
    %dma_start3A_616 = arith.constant 0 : i32
    %dma_start3A_617 = tpu.memref_slice %arg7[%dma_start3A_614, %dma_start3A_615, %dma_start3A_616] : memref<4x64x128xf32, #tpu.memory_space<vmem>> -> memref<1x8x128xf32, #tpu.memory_space<vmem>>
    %dma_start3A_618 = tpu.memref_squeeze %dma_start3A_617 : memref<1x8x128xf32, #tpu.memory_space<vmem>> -> memref<8x128xf32, #tpu.memory_space<vmem>>
    %dma_start3A_619 = arith.constant 32 : i32
    %dma_start3A_620 = tpu.memref_slice %arg2[%dma_start3A_619, %mul3A_561] : memref<64x1000000xf32, #tpu.memory_space<hbm>> -> memref<8x128xf32, #tpu.memory_space<hbm>>
    %dma_start3A_621 = arith.constant 32 : i32
    %dma_start3A_622 = arith.constant 0 : i32
    %dma_start3A_623 = tpu.memref_slice %arg7[%dma_start3A_614, %dma_start3A_621, %dma_start3A_622] : memref<4x64x128xf32, #tpu.memory_space<vmem>> -> memref<1x8x128xf32, #tpu.memory_space<vmem>>
    %dma_start3A_624 = tpu.memref_squeeze %dma_start3A_623 : memref<1x8x128xf32, #tpu.memory_space<vmem>> -> memref<8x128xf32, #tpu.memory_space<vmem>>
    %dma_start3A_625 = arith.constant 32 : i32
    %dma_start3A_626 = tpu.memref_slice %arg2[%dma_start3A_625, %mul3A_561] : memref<64x1000000xf32, #tpu.memory_space<hbm>> -> memref<8x128xf32, #tpu.memory_space<hbm>>
    tpu.enqueue_dma source(%dma_start3A_626 : memref<8x128xf32, #tpu.memory_space<hbm>>) target(%dma_start3A_624 : memref<8x128xf32, #tpu.memory_space<vmem>>) target_semaphore(%arg11 : memref<!tpu.dma_semaphore, #tpu.memory_space<semaphore_mem>>)
    %dma_start3A_627 = arith.constant 1 : i32
    %dma_start3A_628 = arith.constant 40 : i32
    %dma_start3A_629 = arith.constant 0 : i32
    %dma_start3A_630 = tpu.memref_slice %arg7[%dma_start3A_627, %dma_start3A_628, %dma_start3A_629] : memref<4x64x128xf32, #tpu.memory_space<vmem>> -> memref<1x8x128xf32, #tpu.memory_space<vmem>>
    %dma_start3A_631 = tpu.memref_squeeze %dma_start3A_630 : memref<1x8x128xf32, #tpu.memory_space<vmem>> -> memref<8x128xf32, #tpu.memory_space<vmem>>
    %dma_start3A_632 = arith.constant 40 : i32
    %dma_start3A_633 = tpu.memref_slice %arg2[%dma_start3A_632, %mul3A_561] : memref<64x1000000xf32, #tpu.memory_space<hbm>> -> memref<8x128xf32, #tpu.memory_space<hbm>>
    %dma_start3A_634 = arith.constant 40 : i32
    %dma_start3A_635 = arith.constant 0 : i32
    %dma_start3A_636 = tpu.memref_slice %arg7[%dma_start3A_627, %dma_start3A_634, %dma_start3A_635] : memref<4x64x128xf32, #tpu.memory_space<vmem>> -> memref<1x8x128xf32, #tpu.memory_space<vmem>>
    %dma_start3A_637 = tpu.memref_squeeze %dma_start3A_636 : memref<1x8x128xf32, #tpu.memory_space<vmem>> -> memref<8x128xf32, #tpu.memory_space<vmem>>
    %dma_start3A_638 = arith.constant 40 : i32
    %dma_start3A_639 = tpu.memref_slice %arg2[%dma_start3A_638, %mul3A_561] : memref<64x1000000xf32, #tpu.memory_space<hbm>> -> memref<8x128xf32, #tpu.memory_space<hbm>>
    tpu.enqueue_dma source(%dma_start3A_639 : memref<8x128xf32, #tpu.memory_space<hbm>>) target(%dma_start3A_637 : memref<8x128xf32, #tpu.memory_space<vmem>>) target_semaphore(%arg11 : memref<!tpu.dma_semaphore, #tpu.memory_space<semaphore_mem>>)
    %dma_start3A_640 = arith.constant 1 : i32
    %dma_start3A_641 = arith.constant 48 : i32
    %dma_start3A_642 = arith.constant 0 : i32
    %dma_start3A_643 = tpu.memref_slice %arg7[%dma_start3A_640, %dma_start3A_641, %dma_start3A_642] : memref<4x64x128xf32, #tpu.memory_space<vmem>> -> memref<1x8x128xf32, #tpu.memory_space<vmem>>
    %dma_start3A_644 = tpu.memref_squeeze %dma_start3A_643 : memref<1x8x128xf32, #tpu.memory_space<vmem>> -> memref<8x128xf32, #tpu.memory_space<vmem>>
    %dma_start3A_645 = arith.constant 48 : i32
    %dma_start3A_646 = tpu.memref_slice %arg2[%dma_start3A_645, %mul3A_561] : memref<64x1000000xf32, #tpu.memory_space<hbm>> -> memref<8x128xf32, #tpu.memory_space<hbm>>
    %dma_start3A_647 = arith.constant 48 : i32
    %dma_start3A_648 = arith.constant 0 : i32
    %dma_start3A_649 = tpu.memref_slice %arg7[%dma_start3A_640, %dma_start3A_647, %dma_start3A_648] : memref<4x64x128xf32, #tpu.memory_space<vmem>> -> memref<1x8x128xf32, #tpu.memory_space<vmem>>
    %dma_start3A_650 = tpu.memref_squeeze %dma_start3A_649 : memref<1x8x128xf32, #tpu.memory_space<vmem>> -> memref<8x128xf32, #tpu.memory_space<vmem>>
    %dma_start3A_651 = arith.constant 48 : i32
    %dma_start3A_652 = tpu.memref_slice %arg2[%dma_start3A_651, %mul3A_561] : memref<64x1000000xf32, #tpu.memory_space<hbm>> -> memref<8x128xf32, #tpu.memory_space<hbm>>
    tpu.enqueue_dma source(%dma_start3A_652 : memref<8x128xf32, #tpu.memory_space<hbm>>) target(%dma_start3A_650 : memref<8x128xf32, #tpu.memory_space<vmem>>) target_semaphore(%arg11 : memref<!tpu.dma_semaphore, #tpu.memory_space<semaphore_mem>>)
    %dma_start3A_653 = arith.constant 1 : i32
    %dma_start3A_654 = arith.constant 56 : i32
    %dma_start3A_655 = arith.constant 0 : i32
    %dma_start3A_656 = tpu.memref_slice %arg7[%dma_start3A_653, %dma_start3A_654, %dma_start3A_655] : memref<4x64x128xf32, #tpu.memory_space<vmem>> -> memref<1x8x128xf32, #tpu.memory_space<vmem>>
    %dma_start3A_657 = tpu.memref_squeeze %dma_start3A_656 : memref<1x8x128xf32, #tpu.memory_space<vmem>> -> memref<8x128xf32, #tpu.memory_space<vmem>>
    %dma_start3A_658 = arith.constant 56 : i32
    %dma_start3A_659 = tpu.memref_slice %arg2[%dma_start3A_658, %mul3A_561] : memref<64x1000000xf32, #tpu.memory_space<hbm>> -> memref<8x128xf32, #tpu.memory_space<hbm>>
    %dma_start3A_660 = arith.constant 56 : i32
    %dma_start3A_661 = arith.constant 0 : i32
    %dma_start3A_662 = tpu.memref_slice %arg7[%dma_start3A_653, %dma_start3A_660, %dma_start3A_661] : memref<4x64x128xf32, #tpu.memory_space<vmem>> -> memref<1x8x128xf32, #tpu.memory_space<vmem>>
    %dma_start3A_663 = tpu.memref_squeeze %dma_start3A_662 : memref<1x8x128xf32, #tpu.memory_space<vmem>> -> memref<8x128xf32, #tpu.memory_space<vmem>>
    %dma_start3A_664 = arith.constant 56 : i32
    %dma_start3A_665 = tpu.memref_slice %arg2[%dma_start3A_664, %mul3A_561] : memref<64x1000000xf32, #tpu.memory_space<hbm>> -> memref<8x128xf32, #tpu.memory_space<hbm>>
    tpu.enqueue_dma source(%dma_start3A_665 : memref<8x128xf32, #tpu.memory_space<hbm>>) target(%dma_start3A_663 : memref<8x128xf32, #tpu.memory_space<vmem>>) target_semaphore(%arg11 : memref<!tpu.dma_semaphore, #tpu.memory_space<semaphore_mem>>)
    %slice3A_666 = vector.extract_strided_slice %get3A_445 {offsets = [2], sizes = [1], strides = [1]} : vector<16xi32> to vector<1xi32>
    %squeeze3A_667 = vector.extract %slice3A_666[0] : i32 from vector<1xi32>
    %shift_right_logical3A_668 = arith.constant 7 : i32
    %shift_right_logical3A_669 = arith.shrui %squeeze3A_667, %shift_right_logical3A_668 : i32
    %mul3A_670 = arith.constant 128 : i32
    %mul3A_671 = arith.muli %shift_right_logical3A_669, %mul3A_670 : i32
    %dma_start3A_672 = arith.constant 2 : i32
    %dma_start3A_673 = arith.constant 0 : i32
    %dma_start3A_674 = arith.constant 0 : i32
    %dma_start3A_675 = tpu.memref_slice %arg7[%dma_start3A_672, %dma_start3A_673, %dma_start3A_674] : memref<4x64x128xf32, #tpu.memory_space<vmem>> -> memref<1x8x128xf32, #tpu.memory_space<vmem>>
    %dma_start3A_676 = tpu.memref_squeeze %dma_start3A_675 : memref<1x8x128xf32, #tpu.memory_space<vmem>> -> memref<8x128xf32, #tpu.memory_space<vmem>>
    %dma_start3A_677 = arith.constant 0 : i32
    %dma_start3A_678 = tpu.memref_slice %arg2[%dma_start3A_677, %mul3A_671] : memref<64x1000000xf32, #tpu.memory_space<hbm>> -> memref<8x128xf32, #tpu.memory_space<hbm>>
    %dma_start3A_679 = arith.constant 0 : i32
    %dma_start3A_680 = arith.constant 0 : i32
    %dma_start3A_681 = tpu.memref_slice %arg7[%dma_start3A_672, %dma_start3A_679, %dma_start3A_680] : memref<4x64x128xf32, #tpu.memory_space<vmem>> -> memref<1x8x128xf32, #tpu.memory_space<vmem>>
    %dma_start3A_682 = tpu.memref_squeeze %dma_start3A_681 : memref<1x8x128xf32, #tpu.memory_space<vmem>> -> memref<8x128xf32, #tpu.memory_space<vmem>>
    %dma_start3A_683 = arith.constant 0 : i32
    %dma_start3A_684 = tpu.memref_slice %arg2[%dma_start3A_683, %mul3A_671] : memref<64x1000000xf32, #tpu.memory_space<hbm>> -> memref<8x128xf32, #tpu.memory_space<hbm>>
    tpu.enqueue_dma source(%dma_start3A_684 : memref<8x128xf32, #tpu.memory_space<hbm>>) target(%dma_start3A_682 : memref<8x128xf32, #tpu.memory_space<vmem>>) target_semaphore(%arg11 : memref<!tpu.dma_semaphore, #tpu.memory_space<semaphore_mem>>)
    %dma_start3A_685 = arith.constant 2 : i32
    %dma_start3A_686 = arith.constant 8 : i32
    %dma_start3A_687 = arith.constant 0 : i32
    %dma_start3A_688 = tpu.memref_slice %arg7[%dma_start3A_685, %dma_start3A_686, %dma_start3A_687] : memref<4x64x128xf32, #tpu.memory_space<vmem>> -> memref<1x8x128xf32, #tpu.memory_space<vmem>>
    %dma_start3A_689 = tpu.memref_squeeze %dma_start3A_688 : memref<1x8x128xf32, #tpu.memory_space<vmem>> -> memref<8x128xf32, #tpu.memory_space<vmem>>
    %dma_start3A_690 = arith.constant 8 : i32
    %dma_start3A_691 = tpu.memref_slice %arg2[%dma_start3A_690, %mul3A_671] : memref<64x1000000xf32, #tpu.memory_space<hbm>> -> memref<8x128xf32, #tpu.memory_space<hbm>>
    %dma_start3A_692 = arith.constant 8 : i32
    %dma_start3A_693 = arith.constant 0 : i32
    %dma_start3A_694 = tpu.memref_slice %arg7[%dma_start3A_685, %dma_start3A_692, %dma_start3A_693] : memref<4x64x128xf32, #tpu.memory_space<vmem>> -> memref<1x8x128xf32, #tpu.memory_space<vmem>>
    %dma_start3A_695 = tpu.memref_squeeze %dma_start3A_694 : memref<1x8x128xf32, #tpu.memory_space<vmem>> -> memref<8x128xf32, #tpu.memory_space<vmem>>
    %dma_start3A_696 = arith.constant 8 : i32
    %dma_start3A_697 = tpu.memref_slice %arg2[%dma_start3A_696, %mul3A_671] : memref<64x1000000xf32, #tpu.memory_space<hbm>> -> memref<8x128xf32, #tpu.memory_space<hbm>>
    tpu.enqueue_dma source(%dma_start3A_697 : memref<8x128xf32, #tpu.memory_space<hbm>>) target(%dma_start3A_695 : memref<8x128xf32, #tpu.memory_space<vmem>>) target_semaphore(%arg11 : memref<!tpu.dma_semaphore, #tpu.memory_space<semaphore_mem>>)
    %dma_start3A_698 = arith.constant 2 : i32
    %dma_start3A_699 = arith.constant 16 : i32
    %dma_start3A_700 = arith.constant 0 : i32
    %dma_start3A_701 = tpu.memref_slice %arg7[%dma_start3A_698, %dma_start3A_699, %dma_start3A_700] : memref<4x64x128xf32, #tpu.memory_space<vmem>> -> memref<1x8x128xf32, #tpu.memory_space<vmem>>
    %dma_start3A_702 = tpu.memref_squeeze %dma_start3A_701 : memref<1x8x128xf32, #tpu.memory_space<vmem>> -> memref<8x128xf32, #tpu.memory_space<vmem>>
    %dma_start3A_703 = arith.constant 16 : i32
    %dma_start3A_704 = tpu.memref_slice %arg2[%dma_start3A_703, %mul3A_671] : memref<64x1000000xf32, #tpu.memory_space<hbm>> -> memref<8x128xf32, #tpu.memory_space<hbm>>
    %dma_start3A_705 = arith.constant 16 : i32
    %dma_start3A_706 = arith.constant 0 : i32
    %dma_start3A_707 = tpu.memref_slice %arg7[%dma_start3A_698, %dma_start3A_705, %dma_start3A_706] : memref<4x64x128xf32, #tpu.memory_space<vmem>> -> memref<1x8x128xf32, #tpu.memory_space<vmem>>
    %dma_start3A_708 = tpu.memref_squeeze %dma_start3A_707 : memref<1x8x128xf32, #tpu.memory_space<vmem>> -> memref<8x128xf32, #tpu.memory_space<vmem>>
    %dma_start3A_709 = arith.constant 16 : i32
    %dma_start3A_710 = tpu.memref_slice %arg2[%dma_start3A_709, %mul3A_671] : memref<64x1000000xf32, #tpu.memory_space<hbm>> -> memref<8x128xf32, #tpu.memory_space<hbm>>
    tpu.enqueue_dma source(%dma_start3A_710 : memref<8x128xf32, #tpu.memory_space<hbm>>) target(%dma_start3A_708 : memref<8x128xf32, #tpu.memory_space<vmem>>) target_semaphore(%arg11 : memref<!tpu.dma_semaphore, #tpu.memory_space<semaphore_mem>>)
    %dma_start3A_711 = arith.constant 2 : i32
    %dma_start3A_712 = arith.constant 24 : i32
    %dma_start3A_713 = arith.constant 0 : i32
    %dma_start3A_714 = tpu.memref_slice %arg7[%dma_start3A_711, %dma_start3A_712, %dma_start3A_713] : memref<4x64x128xf32, #tpu.memory_space<vmem>> -> memref<1x8x128xf32, #tpu.memory_space<vmem>>
    %dma_start3A_715 = tpu.memref_squeeze %dma_start3A_714 : memref<1x8x128xf32, #tpu.memory_space<vmem>> -> memref<8x128xf32, #tpu.memory_space<vmem>>
    %dma_start3A_716 = arith.constant 24 : i32
    %dma_start3A_717 = tpu.memref_slice %arg2[%dma_start3A_716, %mul3A_671] : memref<64x1000000xf32, #tpu.memory_space<hbm>> -> memref<8x128xf32, #tpu.memory_space<hbm>>
    %dma_start3A_718 = arith.constant 24 : i32
    %dma_start3A_719 = arith.constant 0 : i32
    %dma_start3A_720 = tpu.memref_slice %arg7[%dma_start3A_711, %dma_start3A_718, %dma_start3A_719] : memref<4x64x128xf32, #tpu.memory_space<vmem>> -> memref<1x8x128xf32, #tpu.memory_space<vmem>>
    %dma_start3A_721 = tpu.memref_squeeze %dma_start3A_720 : memref<1x8x128xf32, #tpu.memory_space<vmem>> -> memref<8x128xf32, #tpu.memory_space<vmem>>
    %dma_start3A_722 = arith.constant 24 : i32
    %dma_start3A_723 = tpu.memref_slice %arg2[%dma_start3A_722, %mul3A_671] : memref<64x1000000xf32, #tpu.memory_space<hbm>> -> memref<8x128xf32, #tpu.memory_space<hbm>>
    tpu.enqueue_dma source(%dma_start3A_723 : memref<8x128xf32, #tpu.memory_space<hbm>>) target(%dma_start3A_721 : memref<8x128xf32, #tpu.memory_space<vmem>>) target_semaphore(%arg11 : memref<!tpu.dma_semaphore, #tpu.memory_space<semaphore_mem>>)
    %dma_start3A_724 = arith.constant 2 : i32
    %dma_start3A_725 = arith.constant 32 : i32
    %dma_start3A_726 = arith.constant 0 : i32
    %dma_start3A_727 = tpu.memref_slice %arg7[%dma_start3A_724, %dma_start3A_725, %dma_start3A_726] : memref<4x64x128xf32, #tpu.memory_space<vmem>> -> memref<1x8x128xf32, #tpu.memory_space<vmem>>
    %dma_start3A_728 = tpu.memref_squeeze %dma_start3A_727 : memref<1x8x128xf32, #tpu.memory_space<vmem>> -> memref<8x128xf32, #tpu.memory_space<vmem>>
    %dma_start3A_729 = arith.constant 32 : i32
    %dma_start3A_730 = tpu.memref_slice %arg2[%dma_start3A_729, %mul3A_671] : memref<64x1000000xf32, #tpu.memory_space<hbm>> -> memref<8x128xf32, #tpu.memory_space<hbm>>
    %dma_start3A_731 = arith.constant 32 : i32
    %dma_start3A_732 = arith.constant 0 : i32
    %dma_start3A_733 = tpu.memref_slice %arg7[%dma_start3A_724, %dma_start3A_731, %dma_start3A_732] : memref<4x64x128xf32, #tpu.memory_space<vmem>> -> memref<1x8x128xf32, #tpu.memory_space<vmem>>
    %dma_start3A_734 = tpu.memref_squeeze %dma_start3A_733 : memref<1x8x128xf32, #tpu.memory_space<vmem>> -> memref<8x128xf32, #tpu.memory_space<vmem>>
    %dma_start3A_735 = arith.constant 32 : i32
    %dma_start3A_736 = tpu.memref_slice %arg2[%dma_start3A_735, %mul3A_671] : memref<64x1000000xf32, #tpu.memory_space<hbm>> -> memref<8x128xf32, #tpu.memory_space<hbm>>
    tpu.enqueue_dma source(%dma_start3A_736 : memref<8x128xf32, #tpu.memory_space<hbm>>) target(%dma_start3A_734 : memref<8x128xf32, #tpu.memory_space<vmem>>) target_semaphore(%arg11 : memref<!tpu.dma_semaphore, #tpu.memory_space<semaphore_mem>>)
    %dma_start3A_737 = arith.constant 2 : i32
    %dma_start3A_738 = arith.constant 40 : i32
    %dma_start3A_739 = arith.constant 0 : i32
    %dma_start3A_740 = tpu.memref_slice %arg7[%dma_start3A_737, %dma_start3A_738, %dma_start3A_739] : memref<4x64x128xf32, #tpu.memory_space<vmem>> -> memref<1x8x128xf32, #tpu.memory_space<vmem>>
    %dma_start3A_741 = tpu.memref_squeeze %dma_start3A_740 : memref<1x8x128xf32, #tpu.memory_space<vmem>> -> memref<8x128xf32, #tpu.memory_space<vmem>>
    %dma_start3A_742 = arith.constant 40 : i32
    %dma_start3A_743 = tpu.memref_slice %arg2[%dma_start3A_742, %mul3A_671] : memref<64x1000000xf32, #tpu.memory_space<hbm>> -> memref<8x128xf32, #tpu.memory_space<hbm>>
    %dma_start3A_744 = arith.constant 40 : i32
    %dma_start3A_745 = arith.constant 0 : i32
    %dma_start3A_746 = tpu.memref_slice %arg7[%dma_start3A_737, %dma_start3A_744, %dma_start3A_745] : memref<4x64x128xf32, #tpu.memory_space<vmem>> -> memref<1x8x128xf32, #tpu.memory_space<vmem>>
    %dma_start3A_747 = tpu.memref_squeeze %dma_start3A_746 : memref<1x8x128xf32, #tpu.memory_space<vmem>> -> memref<8x128xf32, #tpu.memory_space<vmem>>
    %dma_start3A_748 = arith.constant 40 : i32
    %dma_start3A_749 = tpu.memref_slice %arg2[%dma_start3A_748, %mul3A_671] : memref<64x1000000xf32, #tpu.memory_space<hbm>> -> memref<8x128xf32, #tpu.memory_space<hbm>>
    tpu.enqueue_dma source(%dma_start3A_749 : memref<8x128xf32, #tpu.memory_space<hbm>>) target(%dma_start3A_747 : memref<8x128xf32, #tpu.memory_space<vmem>>) target_semaphore(%arg11 : memref<!tpu.dma_semaphore, #tpu.memory_space<semaphore_mem>>)
    %dma_start3A_750 = arith.constant 2 : i32
    %dma_start3A_751 = arith.constant 48 : i32
    %dma_start3A_752 = arith.constant 0 : i32
    %dma_start3A_753 = tpu.memref_slice %arg7[%dma_start3A_750, %dma_start3A_751, %dma_start3A_752] : memref<4x64x128xf32, #tpu.memory_space<vmem>> -> memref<1x8x128xf32, #tpu.memory_space<vmem>>
    %dma_start3A_754 = tpu.memref_squeeze %dma_start3A_753 : memref<1x8x128xf32, #tpu.memory_space<vmem>> -> memref<8x128xf32, #tpu.memory_space<vmem>>
    %dma_start3A_755 = arith.constant 48 : i32
    %dma_start3A_756 = tpu.memref_slice %arg2[%dma_start3A_755, %mul3A_671] : memref<64x1000000xf32, #tpu.memory_space<hbm>> -> memref<8x128xf32, #tpu.memory_space<hbm>>
    %dma_start3A_757 = arith.constant 48 : i32
    %dma_start3A_758 = arith.constant 0 : i32
    %dma_start3A_759 = tpu.memref_slice %arg7[%dma_start3A_750, %dma_start3A_757, %dma_start3A_758] : memref<4x64x128xf32, #tpu.memory_space<vmem>> -> memref<1x8x128xf32, #tpu.memory_space<vmem>>
    %dma_start3A_760 = tpu.memref_squeeze %dma_start3A_759 : memref<1x8x128xf32, #tpu.memory_space<vmem>> -> memref<8x128xf32, #tpu.memory_space<vmem>>
    %dma_start3A_761 = arith.constant 48 : i32
    %dma_start3A_762 = tpu.memref_slice %arg2[%dma_start3A_761, %mul3A_671] : memref<64x1000000xf32, #tpu.memory_space<hbm>> -> memref<8x128xf32, #tpu.memory_space<hbm>>
    tpu.enqueue_dma source(%dma_start3A_762 : memref<8x128xf32, #tpu.memory_space<hbm>>) target(%dma_start3A_760 : memref<8x128xf32, #tpu.memory_space<vmem>>) target_semaphore(%arg11 : memref<!tpu.dma_semaphore, #tpu.memory_space<semaphore_mem>>)
    %dma_start3A_763 = arith.constant 2 : i32
    %dma_start3A_764 = arith.constant 56 : i32
    %dma_start3A_765 = arith.constant 0 : i32
    %dma_start3A_766 = tpu.memref_slice %arg7[%dma_start3A_763, %dma_start3A_764, %dma_start3A_765] : memref<4x64x128xf32, #tpu.memory_space<vmem>> -> memref<1x8x128xf32, #tpu.memory_space<vmem>>
    %dma_start3A_767 = tpu.memref_squeeze %dma_start3A_766 : memref<1x8x128xf32, #tpu.memory_space<vmem>> -> memref<8x128xf32, #tpu.memory_space<vmem>>
    %dma_start3A_768 = arith.constant 56 : i32
    %dma_start3A_769 = tpu.memref_slice %arg2[%dma_start3A_768, %mul3A_671] : memref<64x1000000xf32, #tpu.memory_space<hbm>> -> memref<8x128xf32, #tpu.memory_space<hbm>>
    %dma_start3A_770 = arith.constant 56 : i32
    %dma_start3A_771 = arith.constant 0 : i32
    %dma_start3A_772 = tpu.memref_slice %arg7[%dma_start3A_763, %dma_start3A_770, %dma_start3A_771] : memref<4x64x128xf32, #tpu.memory_space<vmem>> -> memref<1x8x128xf32, #tpu.memory_space<vmem>>
    %dma_start3A_773 = tpu.memref_squeeze %dma_start3A_772 : memref<1x8x128xf32, #tpu.memory_space<vmem>> -> memref<8x128xf32, #tpu.memory_space<vmem>>
    %dma_start3A_774 = arith.constant 56 : i32
    %dma_start3A_775 = tpu.memref_slice %arg2[%dma_start3A_774, %mul3A_671] : memref<64x1000000xf32, #tpu.memory_space<hbm>> -> memref<8x128xf32, #tpu.memory_space<hbm>>
    tpu.enqueue_dma source(%dma_start3A_775 : memref<8x128xf32, #tpu.memory_space<hbm>>) target(%dma_start3A_773 : memref<8x128xf32, #tpu.memory_space<vmem>>) target_semaphore(%arg11 : memref<!tpu.dma_semaphore, #tpu.memory_space<semaphore_mem>>)
    %slice3A_776 = vector.extract_strided_slice %get3A_445 {offsets = [3], sizes = [1], strides = [1]} : vector<16xi32> to vector<1xi32>
    %squeeze3A_777 = vector.extract %slice3A_776[0] : i32 from vector<1xi32>
    %shift_right_logical3A_778 = arith.constant 7 : i32
    %shift_right_logical3A_779 = arith.shrui %squeeze3A_777, %shift_right_logical3A_778 : i32
    %mul3A_780 = arith.constant 128 : i32
    %mul3A_781 = arith.muli %shift_right_logical3A_779, %mul3A_780 : i32
    %dma_start3A_782 = arith.constant 3 : i32
    %dma_start3A_783 = arith.constant 0 : i32
    %dma_start3A_784 = arith.constant 0 : i32
    %dma_start3A_785 = tpu.memref_slice %arg7[%dma_start3A_782, %dma_start3A_783, %dma_start3A_784] : memref<4x64x128xf32, #tpu.memory_space<vmem>> -> memref<1x8x128xf32, #tpu.memory_space<vmem>>
    %dma_start3A_786 = tpu.memref_squeeze %dma_start3A_785 : memref<1x8x128xf32, #tpu.memory_space<vmem>> -> memref<8x128xf32, #tpu.memory_space<vmem>>
    %dma_start3A_787 = arith.constant 0 : i32
    %dma_start3A_788 = tpu.memref_slice %arg2[%dma_start3A_787, %mul3A_781] : memref<64x1000000xf32, #tpu.memory_space<hbm>> -> memref<8x128xf32, #tpu.memory_space<hbm>>
    %dma_start3A_789 = arith.constant 0 : i32
    %dma_start3A_790 = arith.constant 0 : i32
    %dma_start3A_791 = tpu.memref_slice %arg7[%dma_start3A_782, %dma_start3A_789, %dma_start3A_790] : memref<4x64x128xf32, #tpu.memory_space<vmem>> -> memref<1x8x128xf32, #tpu.memory_space<vmem>>
    %dma_start3A_792 = tpu.memref_squeeze %dma_start3A_791 : memref<1x8x128xf32, #tpu.memory_space<vmem>> -> memref<8x128xf32, #tpu.memory_space<vmem>>
    %dma_start3A_793 = arith.constant 0 : i32
    %dma_start3A_794 = tpu.memref_slice %arg2[%dma_start3A_793, %mul3A_781] : memref<64x1000000xf32, #tpu.memory_space<hbm>> -> memref<8x128xf32, #tpu.memory_space<hbm>>
    tpu.enqueue_dma source(%dma_start3A_794 : memref<8x128xf32, #tpu.memory_space<hbm>>) target(%dma_start3A_792 : memref<8x128xf32, #tpu.memory_space<vmem>>) target_semaphore(%arg11 : memref<!tpu.dma_semaphore, #tpu.memory_space<semaphore_mem>>)
    %dma_start3A_795 = arith.constant 3 : i32
    %dma_start3A_796 = arith.constant 8 : i32
    %dma_start3A_797 = arith.constant 0 : i32
    %dma_start3A_798 = tpu.memref_slice %arg7[%dma_start3A_795, %dma_start3A_796, %dma_start3A_797] : memref<4x64x128xf32, #tpu.memory_space<vmem>> -> memref<1x8x128xf32, #tpu.memory_space<vmem>>
    %dma_start3A_799 = tpu.memref_squeeze %dma_start3A_798 : memref<1x8x128xf32, #tpu.memory_space<vmem>> -> memref<8x128xf32, #tpu.memory_space<vmem>>
    %dma_start3A_800 = arith.constant 8 : i32
    %dma_start3A_801 = tpu.memref_slice %arg2[%dma_start3A_800, %mul3A_781] : memref<64x1000000xf32, #tpu.memory_space<hbm>> -> memref<8x128xf32, #tpu.memory_space<hbm>>
    %dma_start3A_802 = arith.constant 8 : i32
    %dma_start3A_803 = arith.constant 0 : i32
    %dma_start3A_804 = tpu.memref_slice %arg7[%dma_start3A_795, %dma_start3A_802, %dma_start3A_803] : memref<4x64x128xf32, #tpu.memory_space<vmem>> -> memref<1x8x128xf32, #tpu.memory_space<vmem>>
    %dma_start3A_805 = tpu.memref_squeeze %dma_start3A_804 : memref<1x8x128xf32, #tpu.memory_space<vmem>> -> memref<8x128xf32, #tpu.memory_space<vmem>>
    %dma_start3A_806 = arith.constant 8 : i32
    %dma_start3A_807 = tpu.memref_slice %arg2[%dma_start3A_806, %mul3A_781] : memref<64x1000000xf32, #tpu.memory_space<hbm>> -> memref<8x128xf32, #tpu.memory_space<hbm>>
    tpu.enqueue_dma source(%dma_start3A_807 : memref<8x128xf32, #tpu.memory_space<hbm>>) target(%dma_start3A_805 : memref<8x128xf32, #tpu.memory_space<vmem>>) target_semaphore(%arg11 : memref<!tpu.dma_semaphore, #tpu.memory_space<semaphore_mem>>)
    %dma_start3A_808 = arith.constant 3 : i32
    %dma_start3A_809 = arith.constant 16 : i32
    %dma_start3A_810 = arith.constant 0 : i32
    %dma_start3A_811 = tpu.memref_slice %arg7[%dma_start3A_808, %dma_start3A_809, %dma_start3A_810] : memref<4x64x128xf32, #tpu.memory_space<vmem>> -> memref<1x8x128xf32, #tpu.memory_space<vmem>>
    %dma_start3A_812 = tpu.memref_squeeze %dma_start3A_811 : memref<1x8x128xf32, #tpu.memory_space<vmem>> -> memref<8x128xf32, #tpu.memory_space<vmem>>
    %dma_start3A_813 = arith.constant 16 : i32
    %dma_start3A_814 = tpu.memref_slice %arg2[%dma_start3A_813, %mul3A_781] : memref<64x1000000xf32, #tpu.memory_space<hbm>> -> memref<8x128xf32, #tpu.memory_space<hbm>>
    %dma_start3A_815 = arith.constant 16 : i32
    %dma_start3A_816 = arith.constant 0 : i32
    %dma_start3A_817 = tpu.memref_slice %arg7[%dma_start3A_808, %dma_start3A_815, %dma_start3A_816] : memref<4x64x128xf32, #tpu.memory_space<vmem>> -> memref<1x8x128xf32, #tpu.memory_space<vmem>>
    %dma_start3A_818 = tpu.memref_squeeze %dma_start3A_817 : memref<1x8x128xf32, #tpu.memory_space<vmem>> -> memref<8x128xf32, #tpu.memory_space<vmem>>
    %dma_start3A_819 = arith.constant 16 : i32
    %dma_start3A_820 = tpu.memref_slice %arg2[%dma_start3A_819, %mul3A_781] : memref<64x1000000xf32, #tpu.memory_space<hbm>> -> memref<8x128xf32, #tpu.memory_space<hbm>>
    tpu.enqueue_dma source(%dma_start3A_820 : memref<8x128xf32, #tpu.memory_space<hbm>>) target(%dma_start3A_818 : memref<8x128xf32, #tpu.memory_space<vmem>>) target_semaphore(%arg11 : memref<!tpu.dma_semaphore, #tpu.memory_space<semaphore_mem>>)
    %dma_start3A_821 = arith.constant 3 : i32
    %dma_start3A_822 = arith.constant 24 : i32
    %dma_start3A_823 = arith.constant 0 : i32
    %dma_start3A_824 = tpu.memref_slice %arg7[%dma_start3A_821, %dma_start3A_822, %dma_start3A_823] : memref<4x64x128xf32, #tpu.memory_space<vmem>> -> memref<1x8x128xf32, #tpu.memory_space<vmem>>
    %dma_start3A_825 = tpu.memref_squeeze %dma_start3A_824 : memref<1x8x128xf32, #tpu.memory_space<vmem>> -> memref<8x128xf32, #tpu.memory_space<vmem>>
    %dma_start3A_826 = arith.constant 24 : i32
    %dma_start3A_827 = tpu.memref_slice %arg2[%dma_start3A_826, %mul3A_781] : memref<64x1000000xf32, #tpu.memory_space<hbm>> -> memref<8x128xf32, #tpu.memory_space<hbm>>
    %dma_start3A_828 = arith.constant 24 : i32
    %dma_start3A_829 = arith.constant 0 : i32
    %dma_start3A_830 = tpu.memref_slice %arg7[%dma_start3A_821, %dma_start3A_828, %dma_start3A_829] : memref<4x64x128xf32, #tpu.memory_space<vmem>> -> memref<1x8x128xf32, #tpu.memory_space<vmem>>
    %dma_start3A_831 = tpu.memref_squeeze %dma_start3A_830 : memref<1x8x128xf32, #tpu.memory_space<vmem>> -> memref<8x128xf32, #tpu.memory_space<vmem>>
    %dma_start3A_832 = arith.constant 24 : i32
    %dma_start3A_833 = tpu.memref_slice %arg2[%dma_start3A_832, %mul3A_781] : memref<64x1000000xf32, #tpu.memory_space<hbm>> -> memref<8x128xf32, #tpu.memory_space<hbm>>
    tpu.enqueue_dma source(%dma_start3A_833 : memref<8x128xf32, #tpu.memory_space<hbm>>) target(%dma_start3A_831 : memref<8x128xf32, #tpu.memory_space<vmem>>) target_semaphore(%arg11 : memref<!tpu.dma_semaphore, #tpu.memory_space<semaphore_mem>>)
    %dma_start3A_834 = arith.constant 3 : i32
    %dma_start3A_835 = arith.constant 32 : i32
    %dma_start3A_836 = arith.constant 0 : i32
    %dma_start3A_837 = tpu.memref_slice %arg7[%dma_start3A_834, %dma_start3A_835, %dma_start3A_836] : memref<4x64x128xf32, #tpu.memory_space<vmem>> -> memref<1x8x128xf32, #tpu.memory_space<vmem>>
    %dma_start3A_838 = tpu.memref_squeeze %dma_start3A_837 : memref<1x8x128xf32, #tpu.memory_space<vmem>> -> memref<8x128xf32, #tpu.memory_space<vmem>>
    %dma_start3A_839 = arith.constant 32 : i32
    %dma_start3A_840 = tpu.memref_slice %arg2[%dma_start3A_839, %mul3A_781] : memref<64x1000000xf32, #tpu.memory_space<hbm>> -> memref<8x128xf32, #tpu.memory_space<hbm>>
    %dma_start3A_841 = arith.constant 32 : i32
    %dma_start3A_842 = arith.constant 0 : i32
    %dma_start3A_843 = tpu.memref_slice %arg7[%dma_start3A_834, %dma_start3A_841, %dma_start3A_842] : memref<4x64x128xf32, #tpu.memory_space<vmem>> -> memref<1x8x128xf32, #tpu.memory_space<vmem>>
    %dma_start3A_844 = tpu.memref_squeeze %dma_start3A_843 : memref<1x8x128xf32, #tpu.memory_space<vmem>> -> memref<8x128xf32, #tpu.memory_space<vmem>>
    %dma_start3A_845 = arith.constant 32 : i32
    %dma_start3A_846 = tpu.memref_slice %arg2[%dma_start3A_845, %mul3A_781] : memref<64x1000000xf32, #tpu.memory_space<hbm>> -> memref<8x128xf32, #tpu.memory_space<hbm>>
    tpu.enqueue_dma source(%dma_start3A_846 : memref<8x128xf32, #tpu.memory_space<hbm>>) target(%dma_start3A_844 : memref<8x128xf32, #tpu.memory_space<vmem>>) target_semaphore(%arg11 : memref<!tpu.dma_semaphore, #tpu.memory_space<semaphore_mem>>)
    %dma_start3A_847 = arith.constant 3 : i32
    %dma_start3A_848 = arith.constant 40 : i32
    %dma_start3A_849 = arith.constant 0 : i32
    %dma_start3A_850 = tpu.memref_slice %arg7[%dma_start3A_847, %dma_start3A_848, %dma_start3A_849] : memref<4x64x128xf32, #tpu.memory_space<vmem>> -> memref<1x8x128xf32, #tpu.memory_space<vmem>>
    %dma_start3A_851 = tpu.memref_squeeze %dma_start3A_850 : memref<1x8x128xf32, #tpu.memory_space<vmem>> -> memref<8x128xf32, #tpu.memory_space<vmem>>
    %dma_start3A_852 = arith.constant 40 : i32
    %dma_start3A_853 = tpu.memref_slice %arg2[%dma_start3A_852, %mul3A_781] : memref<64x1000000xf32, #tpu.memory_space<hbm>> -> memref<8x128xf32, #tpu.memory_space<hbm>>
    %dma_start3A_854 = arith.constant 40 : i32
    %dma_start3A_855 = arith.constant 0 : i32
    %dma_start3A_856 = tpu.memref_slice %arg7[%dma_start3A_847, %dma_start3A_854, %dma_start3A_855] : memref<4x64x128xf32, #tpu.memory_space<vmem>> -> memref<1x8x128xf32, #tpu.memory_space<vmem>>
    %dma_start3A_857 = tpu.memref_squeeze %dma_start3A_856 : memref<1x8x128xf32, #tpu.memory_space<vmem>> -> memref<8x128xf32, #tpu.memory_space<vmem>>
    %dma_start3A_858 = arith.constant 40 : i32
    %dma_start3A_859 = tpu.memref_slice %arg2[%dma_start3A_858, %mul3A_781] : memref<64x1000000xf32, #tpu.memory_space<hbm>> -> memref<8x128xf32, #tpu.memory_space<hbm>>
    tpu.enqueue_dma source(%dma_start3A_859 : memref<8x128xf32, #tpu.memory_space<hbm>>) target(%dma_start3A_857 : memref<8x128xf32, #tpu.memory_space<vmem>>) target_semaphore(%arg11 : memref<!tpu.dma_semaphore, #tpu.memory_space<semaphore_mem>>)
    %dma_start3A_860 = arith.constant 3 : i32
    %dma_start3A_861 = arith.constant 48 : i32
    %dma_start3A_862 = arith.constant 0 : i32
    %dma_start3A_863 = tpu.memref_slice %arg7[%dma_start3A_860, %dma_start3A_861, %dma_start3A_862] : memref<4x64x128xf32, #tpu.memory_space<vmem>> -> memref<1x8x128xf32, #tpu.memory_space<vmem>>
    %dma_start3A_864 = tpu.memref_squeeze %dma_start3A_863 : memref<1x8x128xf32, #tpu.memory_space<vmem>> -> memref<8x128xf32, #tpu.memory_space<vmem>>
    %dma_start3A_865 = arith.constant 48 : i32
    %dma_start3A_866 = tpu.memref_slice %arg2[%dma_start3A_865, %mul3A_781] : memref<64x1000000xf32, #tpu.memory_space<hbm>> -> memref<8x128xf32, #tpu.memory_space<hbm>>
    %dma_start3A_867 = arith.constant 48 : i32
    %dma_start3A_868 = arith.constant 0 : i32
    %dma_start3A_869 = tpu.memref_slice %arg7[%dma_start3A_860, %dma_start3A_867, %dma_start3A_868] : memref<4x64x128xf32, #tpu.memory_space<vmem>> -> memref<1x8x128xf32, #tpu.memory_space<vmem>>
    %dma_start3A_870 = tpu.memref_squeeze %dma_start3A_869 : memref<1x8x128xf32, #tpu.memory_space<vmem>> -> memref<8x128xf32, #tpu.memory_space<vmem>>
    %dma_start3A_871 = arith.constant 48 : i32
    %dma_start3A_872 = tpu.memref_slice %arg2[%dma_start3A_871, %mul3A_781] : memref<64x1000000xf32, #tpu.memory_space<hbm>> -> memref<8x128xf32, #tpu.memory_space<hbm>>
    tpu.enqueue_dma source(%dma_start3A_872 : memref<8x128xf32, #tpu.memory_space<hbm>>) target(%dma_start3A_870 : memref<8x128xf32, #tpu.memory_space<vmem>>) target_semaphore(%arg11 : memref<!tpu.dma_semaphore, #tpu.memory_space<semaphore_mem>>)
    %dma_start3A_873 = arith.constant 3 : i32
    %dma_start3A_874 = arith.constant 56 : i32
    %dma_start3A_875 = arith.constant 0 : i32
    %dma_start3A_876 = tpu.memref_slice %arg7[%dma_start3A_873, %dma_start3A_874, %dma_start3A_875] : memref<4x64x128xf32, #tpu.memory_space<vmem>> -> memref<1x8x128xf32, #tpu.memory_space<vmem>>
    %dma_start3A_877 = tpu.memref_squeeze %dma_start3A_876 : memref<1x8x128xf32, #tpu.memory_space<vmem>> -> memref<8x128xf32, #tpu.memory_space<vmem>>
    %dma_start3A_878 = arith.constant 56 : i32
    %dma_start3A_879 = tpu.memref_slice %arg2[%dma_start3A_878, %mul3A_781] : memref<64x1000000xf32, #tpu.memory_space<hbm>> -> memref<8x128xf32, #tpu.memory_space<hbm>>
    %dma_start3A_880 = arith.constant 56 : i32
    %dma_start3A_881 = arith.constant 0 : i32
    %dma_start3A_882 = tpu.memref_slice %arg7[%dma_start3A_873, %dma_start3A_880, %dma_start3A_881] : memref<4x64x128xf32, #tpu.memory_space<vmem>> -> memref<1x8x128xf32, #tpu.memory_space<vmem>>
    %dma_start3A_883 = tpu.memref_squeeze %dma_start3A_882 : memref<1x8x128xf32, #tpu.memory_space<vmem>> -> memref<8x128xf32, #tpu.memory_space<vmem>>
    %dma_start3A_884 = arith.constant 56 : i32
    %dma_start3A_885 = tpu.memref_slice %arg2[%dma_start3A_884, %mul3A_781] : memref<64x1000000xf32, #tpu.memory_space<hbm>> -> memref<8x128xf32, #tpu.memory_space<hbm>>
    tpu.enqueue_dma source(%dma_start3A_885 : memref<8x128xf32, #tpu.memory_space<hbm>>) target(%dma_start3A_883 : memref<8x128xf32, #tpu.memory_space<vmem>>) target_semaphore(%arg11 : memref<!tpu.dma_semaphore, #tpu.memory_space<semaphore_mem>>)
    %get3A_886 = arith.constant 8 : index
    %get3A_887 = tpu.vector_load %arg5[%get3A_886] {strides = array<i32>} : memref<528xi32, #tpu.memory_space<vmem>>, vector<16xi32>,
    %slice3A_888 = vector.extract_strided_slice %get3A_887 {offsets = [0], sizes = [1], strides = [1]} : vector<16xi32> to vector<1xi32>
    %squeeze3A_889 = vector.extract %slice3A_888[0] : i32 from vector<1xi32>
    %shift_right_logical3A_890 = arith.constant 7 : i32
    %shift_right_logical3A_891 = arith.shrui %squeeze3A_889, %shift_right_logical3A_890 : i32
    %mul3A_892 = arith.constant 128 : i32
    %mul3A_893 = arith.muli %shift_right_logical3A_891, %mul3A_892 : i32
    %dma_start3A_894 = arith.constant 0 : i32
    %dma_start3A_895 = arith.constant 0 : i32
    %dma_start3A_896 = arith.constant 0 : i32
    %dma_start3A_897 = tpu.memref_slice %arg8[%dma_start3A_894, %dma_start3A_895, %dma_start3A_896] : memref<4x64x128xf32, #tpu.memory_space<vmem>> -> memref<1x8x128xf32, #tpu.memory_space<vmem>>
    %dma_start3A_898 = tpu.memref_squeeze %dma_start3A_897 : memref<1x8x128xf32, #tpu.memory_space<vmem>> -> memref<8x128xf32, #tpu.memory_space<vmem>>
    %dma_start3A_899 = arith.constant 0 : i32
    %dma_start3A_900 = tpu.memref_slice %arg2[%dma_start3A_899, %mul3A_893] : memref<64x1000000xf32, #tpu.memory_space<hbm>> -> memref<8x128xf32, #tpu.memory_space<hbm>>
    %dma_start3A_901 = arith.constant 0 : i32
    %dma_start3A_902 = arith.constant 0 : i32
    %dma_start3A_903 = tpu.memref_slice %arg8[%dma_start3A_894, %dma_start3A_901, %dma_start3A_902] : memref<4x64x128xf32, #tpu.memory_space<vmem>> -> memref<1x8x128xf32, #tpu.memory_space<vmem>>
    %dma_start3A_904 = tpu.memref_squeeze %dma_start3A_903 : memref<1x8x128xf32, #tpu.memory_space<vmem>> -> memref<8x128xf32, #tpu.memory_space<vmem>>
    %dma_start3A_905 = arith.constant 0 : i32
    %dma_start3A_906 = tpu.memref_slice %arg2[%dma_start3A_905, %mul3A_893] : memref<64x1000000xf32, #tpu.memory_space<hbm>> -> memref<8x128xf32, #tpu.memory_space<hbm>>
    tpu.enqueue_dma source(%dma_start3A_906 : memref<8x128xf32, #tpu.memory_space<hbm>>) target(%dma_start3A_904 : memref<8x128xf32, #tpu.memory_space<vmem>>) target_semaphore(%arg12 : memref<!tpu.dma_semaphore, #tpu.memory_space<semaphore_mem>>)
    %dma_start3A_907 = arith.constant 0 : i32
    %dma_start3A_908 = arith.constant 8 : i32
    %dma_start3A_909 = arith.constant 0 : i32
    %dma_start3A_910 = tpu.memref_slice %arg8[%dma_start3A_907, %dma_start3A_908, %dma_start3A_909] : memref<4x64x128xf32, #tpu.memory_space<vmem>> -> memref<1x8x128xf32, #tpu.memory_space<vmem>>
    %dma_start3A_911 = tpu.memref_squeeze %dma_start3A_910 : memref<1x8x128xf32, #tpu.memory_space<vmem>> -> memref<8x128xf32, #tpu.memory_space<vmem>>
    %dma_start3A_912 = arith.constant 8 : i32
    %dma_start3A_913 = tpu.memref_slice %arg2[%dma_start3A_912, %mul3A_893] : memref<64x1000000xf32, #tpu.memory_space<hbm>> -> memref<8x128xf32, #tpu.memory_space<hbm>>
    %dma_start3A_914 = arith.constant 8 : i32
    %dma_start3A_915 = arith.constant 0 : i32
    %dma_start3A_916 = tpu.memref_slice %arg8[%dma_start3A_907, %dma_start3A_914, %dma_start3A_915] : memref<4x64x128xf32, #tpu.memory_space<vmem>> -> memref<1x8x128xf32, #tpu.memory_space<vmem>>
    %dma_start3A_917 = tpu.memref_squeeze %dma_start3A_916 : memref<1x8x128xf32, #tpu.memory_space<vmem>> -> memref<8x128xf32, #tpu.memory_space<vmem>>
    %dma_start3A_918 = arith.constant 8 : i32
    %dma_start3A_919 = tpu.memref_slice %arg2[%dma_start3A_918, %mul3A_893] : memref<64x1000000xf32, #tpu.memory_space<hbm>> -> memref<8x128xf32, #tpu.memory_space<hbm>>
    tpu.enqueue_dma source(%dma_start3A_919 : memref<8x128xf32, #tpu.memory_space<hbm>>) target(%dma_start3A_917 : memref<8x128xf32, #tpu.memory_space<vmem>>) target_semaphore(%arg12 : memref<!tpu.dma_semaphore, #tpu.memory_space<semaphore_mem>>)
    %dma_start3A_920 = arith.constant 0 : i32
    %dma_start3A_921 = arith.constant 16 : i32
    %dma_start3A_922 = arith.constant 0 : i32
    %dma_start3A_923 = tpu.memref_slice %arg8[%dma_start3A_920, %dma_start3A_921, %dma_start3A_922] : memref<4x64x128xf32, #tpu.memory_space<vmem>> -> memref<1x8x128xf32, #tpu.memory_space<vmem>>
    %dma_start3A_924 = tpu.memref_squeeze %dma_start3A_923 : memref<1x8x128xf32, #tpu.memory_space<vmem>> -> memref<8x128xf32, #tpu.memory_space<vmem>>
    %dma_start3A_925 = arith.constant 16 : i32
    %dma_start3A_926 = tpu.memref_slice %arg2[%dma_start3A_925, %mul3A_893] : memref<64x1000000xf32, #tpu.memory_space<hbm>> -> memref<8x128xf32, #tpu.memory_space<hbm>>
    %dma_start3A_927 = arith.constant 16 : i32
    %dma_start3A_928 = arith.constant 0 : i32
    %dma_start3A_929 = tpu.memref_slice %arg8[%dma_start3A_920, %dma_start3A_927, %dma_start3A_928] : memref<4x64x128xf32, #tpu.memory_space<vmem>> -> memref<1x8x128xf32, #tpu.memory_space<vmem>>
    %dma_start3A_930 = tpu.memref_squeeze %dma_start3A_929 : memref<1x8x128xf32, #tpu.memory_space<vmem>> -> memref<8x128xf32, #tpu.memory_space<vmem>>
    %dma_start3A_931 = arith.constant 16 : i32
    %dma_start3A_932 = tpu.memref_slice %arg2[%dma_start3A_931, %mul3A_893] : memref<64x1000000xf32, #tpu.memory_space<hbm>> -> memref<8x128xf32, #tpu.memory_space<hbm>>
    tpu.enqueue_dma source(%dma_start3A_932 : memref<8x128xf32, #tpu.memory_space<hbm>>) target(%dma_start3A_930 : memref<8x128xf32, #tpu.memory_space<vmem>>) target_semaphore(%arg12 : memref<!tpu.dma_semaphore, #tpu.memory_space<semaphore_mem>>)
    %dma_start3A_933 = arith.constant 0 : i32
    %dma_start3A_934 = arith.constant 24 : i32
    %dma_start3A_935 = arith.constant 0 : i32
    %dma_start3A_936 = tpu.memref_slice %arg8[%dma_start3A_933, %dma_start3A_934, %dma_start3A_935] : memref<4x64x128xf32, #tpu.memory_space<vmem>> -> memref<1x8x128xf32, #tpu.memory_space<vmem>>
    %dma_start3A_937 = tpu.memref_squeeze %dma_start3A_936 : memref<1x8x128xf32, #tpu.memory_space<vmem>> -> memref<8x128xf32, #tpu.memory_space<vmem>>
    %dma_start3A_938 = arith.constant 24 : i32
    %dma_start3A_939 = tpu.memref_slice %arg2[%dma_start3A_938, %mul3A_893] : memref<64x1000000xf32, #tpu.memory_space<hbm>> -> memref<8x128xf32, #tpu.memory_space<hbm>>
    %dma_start3A_940 = arith.constant 24 : i32
    %dma_start3A_941 = arith.constant 0 : i32
    %dma_start3A_942 = tpu.memref_slice %arg8[%dma_start3A_933, %dma_start3A_940, %dma_start3A_941] : memref<4x64x128xf32, #tpu.memory_space<vmem>> -> memref<1x8x128xf32, #tpu.memory_space<vmem>>
    %dma_start3A_943 = tpu.memref_squeeze %dma_start3A_942 : memref<1x8x128xf32, #tpu.memory_space<vmem>> -> memref<8x128xf32, #tpu.memory_space<vmem>>
    %dma_start3A_944 = arith.constant 24 : i32
    %dma_start3A_945 = tpu.memref_slice %arg2[%dma_start3A_944, %mul3A_893] : memref<64x1000000xf32, #tpu.memory_space<hbm>> -> memref<8x128xf32, #tpu.memory_space<hbm>>
    tpu.enqueue_dma source(%dma_start3A_945 : memref<8x128xf32, #tpu.memory_space<hbm>>) target(%dma_start3A_943 : memref<8x128xf32, #tpu.memory_space<vmem>>) target_semaphore(%arg12 : memref<!tpu.dma_semaphore, #tpu.memory_space<semaphore_mem>>)
    %dma_start3A_946 = arith.constant 0 : i32
    %dma_start3A_947 = arith.constant 32 : i32
    %dma_start3A_948 = arith.constant 0 : i32
    %dma_start3A_949 = tpu.memref_slice %arg8[%dma_start3A_946, %dma_start3A_947, %dma_start3A_948] : memref<4x64x128xf32, #tpu.memory_space<vmem>> -> memref<1x8x128xf32, #tpu.memory_space<vmem>>
    %dma_start3A_950 = tpu.memref_squeeze %dma_start3A_949 : memref<1x8x128xf32, #tpu.memory_space<vmem>> -> memref<8x128xf32, #tpu.memory_space<vmem>>
    %dma_start3A_951 = arith.constant 32 : i32
    %dma_start3A_952 = tpu.memref_slice %arg2[%dma_start3A_951, %mul3A_893] : memref<64x1000000xf32, #tpu.memory_space<hbm>> -> memref<8x128xf32, #tpu.memory_space<hbm>>
    %dma_start3A_953 = arith.constant 32 : i32
    %dma_start3A_954 = arith.constant 0 : i32
    %dma_start3A_955 = tpu.memref_slice %arg8[%dma_start3A_946, %dma_start3A_953, %dma_start3A_954] : memref<4x64x128xf32, #tpu.memory_space<vmem>> -> memref<1x8x128xf32, #tpu.memory_space<vmem>>
    %dma_start3A_956 = tpu.memref_squeeze %dma_start3A_955 : memref<1x8x128xf32, #tpu.memory_space<vmem>> -> memref<8x128xf32, #tpu.memory_space<vmem>>
    %dma_start3A_957 = arith.constant 32 : i32
    %dma_start3A_958 = tpu.memref_slice %arg2[%dma_start3A_957, %mul3A_893] : memref<64x1000000xf32, #tpu.memory_space<hbm>> -> memref<8x128xf32, #tpu.memory_space<hbm>>
    tpu.enqueue_dma source(%dma_start3A_958 : memref<8x128xf32, #tpu.memory_space<hbm>>) target(%dma_start3A_956 : memref<8x128xf32, #tpu.memory_space<vmem>>) target_semaphore(%arg12 : memref<!tpu.dma_semaphore, #tpu.memory_space<semaphore_mem>>)
    %dma_start3A_959 = arith.constant 0 : i32
    %dma_start3A_960 = arith.constant 40 : i32
    %dma_start3A_961 = arith.constant 0 : i32
    %dma_start3A_962 = tpu.memref_slice %arg8[%dma_start3A_959, %dma_start3A_960, %dma_start3A_961] : memref<4x64x128xf32, #tpu.memory_space<vmem>> -> memref<1x8x128xf32, #tpu.memory_space<vmem>>
    %dma_start3A_963 = tpu.memref_squeeze %dma_start3A_962 : memref<1x8x128xf32, #tpu.memory_space<vmem>> -> memref<8x128xf32, #tpu.memory_space<vmem>>
    %dma_start3A_964 = arith.constant 40 : i32
    %dma_start3A_965 = tpu.memref_slice %arg2[%dma_start3A_964, %mul3A_893] : memref<64x1000000xf32, #tpu.memory_space<hbm>> -> memref<8x128xf32, #tpu.memory_space<hbm>>
    %dma_start3A_966 = arith.constant 40 : i32
    %dma_start3A_967 = arith.constant 0 : i32
    %dma_start3A_968 = tpu.memref_slice %arg8[%dma_start3A_959, %dma_start3A_966, %dma_start3A_967] : memref<4x64x128xf32, #tpu.memory_space<vmem>> -> memref<1x8x128xf32, #tpu.memory_space<vmem>>
    %dma_start3A_969 = tpu.memref_squeeze %dma_start3A_968 : memref<1x8x128xf32, #tpu.memory_space<vmem>> -> memref<8x128xf32, #tpu.memory_space<vmem>>
    %dma_start3A_970 = arith.constant 40 : i32
    %dma_start3A_971 = tpu.memref_slice %arg2[%dma_start3A_970, %mul3A_893] : memref<64x1000000xf32, #tpu.memory_space<hbm>> -> memref<8x128xf32, #tpu.memory_space<hbm>>
    tpu.enqueue_dma source(%dma_start3A_971 : memref<8x128xf32, #tpu.memory_space<hbm>>) target(%dma_start3A_969 : memref<8x128xf32, #tpu.memory_space<vmem>>) target_semaphore(%arg12 : memref<!tpu.dma_semaphore, #tpu.memory_space<semaphore_mem>>)
    %dma_start3A_972 = arith.constant 0 : i32
    %dma_start3A_973 = arith.constant 48 : i32
    %dma_start3A_974 = arith.constant 0 : i32
    %dma_start3A_975 = tpu.memref_slice %arg8[%dma_start3A_972, %dma_start3A_973, %dma_start3A_974] : memref<4x64x128xf32, #tpu.memory_space<vmem>> -> memref<1x8x128xf32, #tpu.memory_space<vmem>>
    %dma_start3A_976 = tpu.memref_squeeze %dma_start3A_975 : memref<1x8x128xf32, #tpu.memory_space<vmem>> -> memref<8x128xf32, #tpu.memory_space<vmem>>
    %dma_start3A_977 = arith.constant 48 : i32
    %dma_start3A_978 = tpu.memref_slice %arg2[%dma_start3A_977, %mul3A_893] : memref<64x1000000xf32, #tpu.memory_space<hbm>> -> memref<8x128xf32, #tpu.memory_space<hbm>>
    %dma_start3A_979 = arith.constant 48 : i32
    %dma_start3A_980 = arith.constant 0 : i32
    %dma_start3A_981 = tpu.memref_slice %arg8[%dma_start3A_972, %dma_start3A_979, %dma_start3A_980] : memref<4x64x128xf32, #tpu.memory_space<vmem>> -> memref<1x8x128xf32, #tpu.memory_space<vmem>>
    %dma_start3A_982 = tpu.memref_squeeze %dma_start3A_981 : memref<1x8x128xf32, #tpu.memory_space<vmem>> -> memref<8x128xf32, #tpu.memory_space<vmem>>
    %dma_start3A_983 = arith.constant 48 : i32
    %dma_start3A_984 = tpu.memref_slice %arg2[%dma_start3A_983, %mul3A_893] : memref<64x1000000xf32, #tpu.memory_space<hbm>> -> memref<8x128xf32, #tpu.memory_space<hbm>>
    tpu.enqueue_dma source(%dma_start3A_984 : memref<8x128xf32, #tpu.memory_space<hbm>>) target(%dma_start3A_982 : memref<8x128xf32, #tpu.memory_space<vmem>>) target_semaphore(%arg12 : memref<!tpu.dma_semaphore, #tpu.memory_space<semaphore_mem>>)
    %dma_start3A_985 = arith.constant 0 : i32
    %dma_start3A_986 = arith.constant 56 : i32
    %dma_start3A_987 = arith.constant 0 : i32
    %dma_start3A_988 = tpu.memref_slice %arg8[%dma_start3A_985, %dma_start3A_986, %dma_start3A_987] : memref<4x64x128xf32, #tpu.memory_space<vmem>> -> memref<1x8x128xf32, #tpu.memory_space<vmem>>
    %dma_start3A_989 = tpu.memref_squeeze %dma_start3A_988 : memref<1x8x128xf32, #tpu.memory_space<vmem>> -> memref<8x128xf32, #tpu.memory_space<vmem>>
    %dma_start3A_990 = arith.constant 56 : i32
    %dma_start3A_991 = tpu.memref_slice %arg2[%dma_start3A_990, %mul3A_893] : memref<64x1000000xf32, #tpu.memory_space<hbm>> -> memref<8x128xf32, #tpu.memory_space<hbm>>
    %dma_start3A_992 = arith.constant 56 : i32
    %dma_start3A_993 = arith.constant 0 : i32
    %dma_start3A_994 = tpu.memref_slice %arg8[%dma_start3A_985, %dma_start3A_992, %dma_start3A_993] : memref<4x64x128xf32, #tpu.memory_space<vmem>> -> memref<1x8x128xf32, #tpu.memory_space<vmem>>
    %dma_start3A_995 = tpu.memref_squeeze %dma_start3A_994 : memref<1x8x128xf32, #tpu.memory_space<vmem>> -> memref<8x128xf32, #tpu.memory_space<vmem>>
    %dma_start3A_996 = arith.constant 56 : i32
    %dma_start3A_997 = tpu.memref_slice %arg2[%dma_start3A_996, %mul3A_893] : memref<64x1000000xf32, #tpu.memory_space<hbm>> -> memref<8x128xf32, #tpu.memory_space<hbm>>
    tpu.enqueue_dma source(%dma_start3A_997 : memref<8x128xf32, #tpu.memory_space<hbm>>) target(%dma_start3A_995 : memref<8x128xf32, #tpu.memory_space<vmem>>) target_semaphore(%arg12 : memref<!tpu.dma_semaphore, #tpu.memory_space<semaphore_mem>>)
    %slice3A_998 = vector.extract_strided_slice %get3A_887 {offsets = [1], sizes = [1], strides = [1]} : vector<16xi32> to vector<1xi32>
    %squeeze3A_999 = vector.extract %slice3A_998[0] : i32 from vector<1xi32>
    %shift_right_logical3A_1000 = arith.constant 7 : i32
    %shift_right_logical3A_1001 = arith.shrui %squeeze3A_999, %shift_right_logical3A_1000 : i32
    %mul3A_1002 = arith.constant 128 : i32
    %mul3A_1003 = arith.muli %shift_right_logical3A_1001, %mul3A_1002 : i32
    %dma_start3A_1004 = arith.constant 1 : i32
    %dma_start3A_1005 = arith.constant 0 : i32
    %dma_start3A_1006 = arith.constant 0 : i32
    %dma_start3A_1007 = tpu.memref_slice %arg8[%dma_start3A_1004, %dma_start3A_1005, %dma_start3A_1006] : memref<4x64x128xf32, #tpu.memory_space<vmem>> -> memref<1x8x128xf32, #tpu.memory_space<vmem>>
    %dma_start3A_1008 = tpu.memref_squeeze %dma_start3A_1007 : memref<1x8x128xf32, #tpu.memory_space<vmem>> -> memref<8x128xf32, #tpu.memory_space<vmem>>
    %dma_start3A_1009 = arith.constant 0 : i32
    %dma_start3A_1010 = tpu.memref_slice %arg2[%dma_start3A_1009, %mul3A_1003] : memref<64x1000000xf32, #tpu.memory_space<hbm>> -> memref<8x128xf32, #tpu.memory_space<hbm>>
    %dma_start3A_1011 = arith.constant 0 : i32
    %dma_start3A_1012 = arith.constant 0 : i32
    %dma_start3A_1013 = tpu.memref_slice %arg8[%dma_start3A_1004, %dma_start3A_1011, %dma_start3A_1012] : memref<4x64x128xf32, #tpu.memory_space<vmem>> -> memref<1x8x128xf32, #tpu.memory_space<vmem>>
    %dma_start3A_1014 = tpu.memref_squeeze %dma_start3A_1013 : memref<1x8x128xf32, #tpu.memory_space<vmem>> -> memref<8x128xf32, #tpu.memory_space<vmem>>
    %dma_start3A_1015 = arith.constant 0 : i32
    %dma_start3A_1016 = tpu.memref_slice %arg2[%dma_start3A_1015, %mul3A_1003] : memref<64x1000000xf32, #tpu.memory_space<hbm>> -> memref<8x128xf32, #tpu.memory_space<hbm>>
    tpu.enqueue_dma source(%dma_start3A_1016 : memref<8x128xf32, #tpu.memory_space<hbm>>) target(%dma_start3A_1014 : memref<8x128xf32, #tpu.memory_space<vmem>>) target_semaphore(%arg12 : memref<!tpu.dma_semaphore, #tpu.memory_space<semaphore_mem>>)
    %dma_start3A_1017 = arith.constant 1 : i32
    %dma_start3A_1018 = arith.constant 8 : i32
    %dma_start3A_1019 = arith.constant 0 : i32
    %dma_start3A_1020 = tpu.memref_slice %arg8[%dma_start3A_1017, %dma_start3A_1018, %dma_start3A_1019] : memref<4x64x128xf32, #tpu.memory_space<vmem>> -> memref<1x8x128xf32, #tpu.memory_space<vmem>>
    %dma_start3A_1021 = tpu.memref_squeeze %dma_start3A_1020 : memref<1x8x128xf32, #tpu.memory_space<vmem>> -> memref<8x128xf32, #tpu.memory_space<vmem>>
    %dma_start3A_1022 = arith.constant 8 : i32
    %dma_start3A_1023 = tpu.memref_slice %arg2[%dma_start3A_1022, %mul3A_1003] : memref<64x1000000xf32, #tpu.memory_space<hbm>> -> memref<8x128xf32, #tpu.memory_space<hbm>>
    %dma_start3A_1024 = arith.constant 8 : i32
    %dma_start3A_1025 = arith.constant 0 : i32
    %dma_start3A_1026 = tpu.memref_slice %arg8[%dma_start3A_1017, %dma_start3A_1024, %dma_start3A_1025] : memref<4x64x128xf32, #tpu.memory_space<vmem>> -> memref<1x8x128xf32, #tpu.memory_space<vmem>>
    %dma_start3A_1027 = tpu.memref_squeeze %dma_start3A_1026 : memref<1x8x128xf32, #tpu.memory_space<vmem>> -> memref<8x128xf32, #tpu.memory_space<vmem>>
    %dma_start3A_1028 = arith.constant 8 : i32
    %dma_start3A_1029 = tpu.memref_slice %arg2[%dma_start3A_1028, %mul3A_1003] : memref<64x1000000xf32, #tpu.memory_space<hbm>> -> memref<8x128xf32, #tpu.memory_space<hbm>>
    tpu.enqueue_dma source(%dma_start3A_1029 : memref<8x128xf32, #tpu.memory_space<hbm>>) target(%dma_start3A_1027 : memref<8x128xf32, #tpu.memory_space<vmem>>) target_semaphore(%arg12 : memref<!tpu.dma_semaphore, #tpu.memory_space<semaphore_mem>>)
    %dma_start3A_1030 = arith.constant 1 : i32
    %dma_start3A_1031 = arith.constant 16 : i32
    %dma_start3A_1032 = arith.constant 0 : i32
    %dma_start3A_1033 = tpu.memref_slice %arg8[%dma_start3A_1030, %dma_start3A_1031, %dma_start3A_1032] : memref<4x64x128xf32, #tpu.memory_space<vmem>> -> memref<1x8x128xf32, #tpu.memory_space<vmem>>
    %dma_start3A_1034 = tpu.memref_squeeze %dma_start3A_1033 : memref<1x8x128xf32, #tpu.memory_space<vmem>> -> memref<8x128xf32, #tpu.memory_space<vmem>>
    %dma_start3A_1035 = arith.constant 16 : i32
    %dma_start3A_1036 = tpu.memref_slice %arg2[%dma_start3A_1035, %mul3A_1003] : memref<64x1000000xf32, #tpu.memory_space<hbm>> -> memref<8x128xf32, #tpu.memory_space<hbm>>
    %dma_start3A_1037 = arith.constant 16 : i32
    %dma_start3A_1038 = arith.constant 0 : i32
    %dma_start3A_1039 = tpu.memref_slice %arg8[%dma_start3A_1030, %dma_start3A_1037, %dma_start3A_1038] : memref<4x64x128xf32, #tpu.memory_space<vmem>> -> memref<1x8x128xf32, #tpu.memory_space<vmem>>
    %dma_start3A_1040 = tpu.memref_squeeze %dma_start3A_1039 : memref<1x8x128xf32, #tpu.memory_space<vmem>> -> memref<8x128xf32, #tpu.memory_space<vmem>>
    %dma_start3A_1041 = arith.constant 16 : i32
    %dma_start3A_1042 = tpu.memref_slice %arg2[%dma_start3A_1041, %mul3A_1003] : memref<64x1000000xf32, #tpu.memory_space<hbm>> -> memref<8x128xf32, #tpu.memory_space<hbm>>
    tpu.enqueue_dma source(%dma_start3A_1042 : memref<8x128xf32, #tpu.memory_space<hbm>>) target(%dma_start3A_1040 : memref<8x128xf32, #tpu.memory_space<vmem>>) target_semaphore(%arg12 : memref<!tpu.dma_semaphore, #tpu.memory_space<semaphore_mem>>)
    %dma_start3A_1043 = arith.constant 1 : i32
    %dma_start3A_1044 = arith.constant 24 : i32
    %dma_start3A_1045 = arith.constant 0 : i32
    %dma_start3A_1046 = tpu.memref_slice %arg8[%dma_start3A_1043, %dma_start3A_1044, %dma_start3A_1045] : memref<4x64x128xf32, #tpu.memory_space<vmem>> -> memref<1x8x128xf32, #tpu.memory_space<vmem>>
    %dma_start3A_1047 = tpu.memref_squeeze %dma_start3A_1046 : memref<1x8x128xf32, #tpu.memory_space<vmem>> -> memref<8x128xf32, #tpu.memory_space<vmem>>
    %dma_start3A_1048 = arith.constant 24 : i32
    %dma_start3A_1049 = tpu.memref_slice %arg2[%dma_start3A_1048, %mul3A_1003] : memref<64x1000000xf32, #tpu.memory_space<hbm>> -> memref<8x128xf32, #tpu.memory_space<hbm>>
    %dma_start3A_1050 = arith.constant 24 : i32
    %dma_start3A_1051 = arith.constant 0 : i32
    %dma_start3A_1052 = tpu.memref_slice %arg8[%dma_start3A_1043, %dma_start3A_1050, %dma_start3A_1051] : memref<4x64x128xf32, #tpu.memory_space<vmem>> -> memref<1x8x128xf32, #tpu.memory_space<vmem>>
    %dma_start3A_1053 = tpu.memref_squeeze %dma_start3A_1052 : memref<1x8x128xf32, #tpu.memory_space<vmem>> -> memref<8x128xf32, #tpu.memory_space<vmem>>
    %dma_start3A_1054 = arith.constant 24 : i32
    %dma_start3A_1055 = tpu.memref_slice %arg2[%dma_start3A_1054, %mul3A_1003] : memref<64x1000000xf32, #tpu.memory_space<hbm>> -> memref<8x128xf32, #tpu.memory_space<hbm>>
    tpu.enqueue_dma source(%dma_start3A_1055 : memref<8x128xf32, #tpu.memory_space<hbm>>) target(%dma_start3A_1053 : memref<8x128xf32, #tpu.memory_space<vmem>>) target_semaphore(%arg12 : memref<!tpu.dma_semaphore, #tpu.memory_space<semaphore_mem>>)
    %dma_start3A_1056 = arith.constant 1 : i32
    %dma_start3A_1057 = arith.constant 32 : i32
    %dma_start3A_1058 = arith.constant 0 : i32
    %dma_start3A_1059 = tpu.memref_slice %arg8[%dma_start3A_1056, %dma_start3A_1057, %dma_start3A_1058] : memref<4x64x128xf32, #tpu.memory_space<vmem>> -> memref<1x8x128xf32, #tpu.memory_space<vmem>>
    %dma_start3A_1060 = tpu.memref_squeeze %dma_start3A_1059 : memref<1x8x128xf32, #tpu.memory_space<vmem>> -> memref<8x128xf32, #tpu.memory_space<vmem>>
    %dma_start3A_1061 = arith.constant 32 : i32
    %dma_start3A_1062 = tpu.memref_slice %arg2[%dma_start3A_1061, %mul3A_1003] : memref<64x1000000xf32, #tpu.memory_space<hbm>> -> memref<8x128xf32, #tpu.memory_space<hbm>>
    %dma_start3A_1063 = arith.constant 32 : i32
    %dma_start3A_1064 = arith.constant 0 : i32
    %dma_start3A_1065 = tpu.memref_slice %arg8[%dma_start3A_1056, %dma_start3A_1063, %dma_start3A_1064] : memref<4x64x128xf32, #tpu.memory_space<vmem>> -> memref<1x8x128xf32, #tpu.memory_space<vmem>>
    %dma_start3A_1066 = tpu.memref_squeeze %dma_start3A_1065 : memref<1x8x128xf32, #tpu.memory_space<vmem>> -> memref<8x128xf32, #tpu.memory_space<vmem>>
    %dma_start3A_1067 = arith.constant 32 : i32
    %dma_start3A_1068 = tpu.memref_slice %arg2[%dma_start3A_1067, %mul3A_1003] : memref<64x1000000xf32, #tpu.memory_space<hbm>> -> memref<8x128xf32, #tpu.memory_space<hbm>>
    tpu.enqueue_dma source(%dma_start3A_1068 : memref<8x128xf32, #tpu.memory_space<hbm>>) target(%dma_start3A_1066 : memref<8x128xf32, #tpu.memory_space<vmem>>) target_semaphore(%arg12 : memref<!tpu.dma_semaphore, #tpu.memory_space<semaphore_mem>>)
    %dma_start3A_1069 = arith.constant 1 : i32
    %dma_start3A_1070 = arith.constant 40 : i32
    %dma_start3A_1071 = arith.constant 0 : i32
    %dma_start3A_1072 = tpu.memref_slice %arg8[%dma_start3A_1069, %dma_start3A_1070, %dma_start3A_1071] : memref<4x64x128xf32, #tpu.memory_space<vmem>> -> memref<1x8x128xf32, #tpu.memory_space<vmem>>
    %dma_start3A_1073 = tpu.memref_squeeze %dma_start3A_1072 : memref<1x8x128xf32, #tpu.memory_space<vmem>> -> memref<8x128xf32, #tpu.memory_space<vmem>>
    %dma_start3A_1074 = arith.constant 40 : i32
    %dma_start3A_1075 = tpu.memref_slice %arg2[%dma_start3A_1074, %mul3A_1003] : memref<64x1000000xf32, #tpu.memory_space<hbm>> -> memref<8x128xf32, #tpu.memory_space<hbm>>
    %dma_start3A_1076 = arith.constant 40 : i32
    %dma_start3A_1077 = arith.constant 0 : i32
    %dma_start3A_1078 = tpu.memref_slice %arg8[%dma_start3A_1069, %dma_start3A_1076, %dma_start3A_1077] : memref<4x64x128xf32, #tpu.memory_space<vmem>> -> memref<1x8x128xf32, #tpu.memory_space<vmem>>
    %dma_start3A_1079 = tpu.memref_squeeze %dma_start3A_1078 : memref<1x8x128xf32, #tpu.memory_space<vmem>> -> memref<8x128xf32, #tpu.memory_space<vmem>>
    %dma_start3A_1080 = arith.constant 40 : i32
    %dma_start3A_1081 = tpu.memref_slice %arg2[%dma_start3A_1080, %mul3A_1003] : memref<64x1000000xf32, #tpu.memory_space<hbm>> -> memref<8x128xf32, #tpu.memory_space<hbm>>
    tpu.enqueue_dma source(%dma_start3A_1081 : memref<8x128xf32, #tpu.memory_space<hbm>>) target(%dma_start3A_1079 : memref<8x128xf32, #tpu.memory_space<vmem>>) target_semaphore(%arg12 : memref<!tpu.dma_semaphore, #tpu.memory_space<semaphore_mem>>)
    %dma_start3A_1082 = arith.constant 1 : i32
    %dma_start3A_1083 = arith.constant 48 : i32
    %dma_start3A_1084 = arith.constant 0 : i32
    %dma_start3A_1085 = tpu.memref_slice %arg8[%dma_start3A_1082, %dma_start3A_1083, %dma_start3A_1084] : memref<4x64x128xf32, #tpu.memory_space<vmem>> -> memref<1x8x128xf32, #tpu.memory_space<vmem>>
    %dma_start3A_1086 = tpu.memref_squeeze %dma_start3A_1085 : memref<1x8x128xf32, #tpu.memory_space<vmem>> -> memref<8x128xf32, #tpu.memory_space<vmem>>
    %dma_start3A_1087 = arith.constant 48 : i32
    %dma_start3A_1088 = tpu.memref_slice %arg2[%dma_start3A_1087, %mul3A_1003] : memref<64x1000000xf32, #tpu.memory_space<hbm>> -> memref<8x128xf32, #tpu.memory_space<hbm>>
    %dma_start3A_1089 = arith.constant 48 : i32
    %dma_start3A_1090 = arith.constant 0 : i32
    %dma_start3A_1091 = tpu.memref_slice %arg8[%dma_start3A_1082, %dma_start3A_1089, %dma_start3A_1090] : memref<4x64x128xf32, #tpu.memory_space<vmem>> -> memref<1x8x128xf32, #tpu.memory_space<vmem>>
    %dma_start3A_1092 = tpu.memref_squeeze %dma_start3A_1091 : memref<1x8x128xf32, #tpu.memory_space<vmem>> -> memref<8x128xf32, #tpu.memory_space<vmem>>
    %dma_start3A_1093 = arith.constant 48 : i32
    %dma_start3A_1094 = tpu.memref_slice %arg2[%dma_start3A_1093, %mul3A_1003] : memref<64x1000000xf32, #tpu.memory_space<hbm>> -> memref<8x128xf32, #tpu.memory_space<hbm>>
    tpu.enqueue_dma source(%dma_start3A_1094 : memref<8x128xf32, #tpu.memory_space<hbm>>) target(%dma_start3A_1092 : memref<8x128xf32, #tpu.memory_space<vmem>>) target_semaphore(%arg12 : memref<!tpu.dma_semaphore, #tpu.memory_space<semaphore_mem>>)
    %dma_start3A_1095 = arith.constant 1 : i32
    %dma_start3A_1096 = arith.constant 56 : i32
    %dma_start3A_1097 = arith.constant 0 : i32
    %dma_start3A_1098 = tpu.memref_slice %arg8[%dma_start3A_1095, %dma_start3A_1096, %dma_start3A_1097] : memref<4x64x128xf32, #tpu.memory_space<vmem>> -> memref<1x8x128xf32, #tpu.memory_space<vmem>>
    %dma_start3A_1099 = tpu.memref_squeeze %dma_start3A_1098 : memref<1x8x128xf32, #tpu.memory_space<vmem>> -> memref<8x128xf32, #tpu.memory_space<vmem>>
    %dma_start3A_1100 = arith.constant 56 : i32
    %dma_start3A_1101 = tpu.memref_slice %arg2[%dma_start3A_1100, %mul3A_1003] : memref<64x1000000xf32, #tpu.memory_space<hbm>> -> memref<8x128xf32, #tpu.memory_space<hbm>>
    %dma_start3A_1102 = arith.constant 56 : i32
    %dma_start3A_1103 = arith.constant 0 : i32
    %dma_start3A_1104 = tpu.memref_slice %arg8[%dma_start3A_1095, %dma_start3A_1102, %dma_start3A_1103] : memref<4x64x128xf32, #tpu.memory_space<vmem>> -> memref<1x8x128xf32, #tpu.memory_space<vmem>>
    %dma_start3A_1105 = tpu.memref_squeeze %dma_start3A_1104 : memref<1x8x128xf32, #tpu.memory_space<vmem>> -> memref<8x128xf32, #tpu.memory_space<vmem>>
    %dma_start3A_1106 = arith.constant 56 : i32
    %dma_start3A_1107 = tpu.memref_slice %arg2[%dma_start3A_1106, %mul3A_1003] : memref<64x1000000xf32, #tpu.memory_space<hbm>> -> memref<8x128xf32, #tpu.memory_space<hbm>>
    tpu.enqueue_dma source(%dma_start3A_1107 : memref<8x128xf32, #tpu.memory_space<hbm>>) target(%dma_start3A_1105 : memref<8x128xf32, #tpu.memory_space<vmem>>) target_semaphore(%arg12 : memref<!tpu.dma_semaphore, #tpu.memory_space<semaphore_mem>>)
    %slice3A_1108 = vector.extract_strided_slice %get3A_887 {offsets = [2], sizes = [1], strides = [1]} : vector<16xi32> to vector<1xi32>
    %squeeze3A_1109 = vector.extract %slice3A_1108[0] : i32 from vector<1xi32>
    %shift_right_logical3A_1110 = arith.constant 7 : i32
    %shift_right_logical3A_1111 = arith.shrui %squeeze3A_1109, %shift_right_logical3A_1110 : i32
    %mul3A_1112 = arith.constant 128 : i32
    %mul3A_1113 = arith.muli %shift_right_logical3A_1111, %mul3A_1112 : i32
    %dma_start3A_1114 = arith.constant 2 : i32
    %dma_start3A_1115 = arith.constant 0 : i32
    %dma_start3A_1116 = arith.constant 0 : i32
    %dma_start3A_1117 = tpu.memref_slice %arg8[%dma_start3A_1114, %dma_start3A_1115, %dma_start3A_1116] : memref<4x64x128xf32, #tpu.memory_space<vmem>> -> memref<1x8x128xf32, #tpu.memory_space<vmem>>
    %dma_start3A_1118 = tpu.memref_squeeze %dma_start3A_1117 : memref<1x8x128xf32, #tpu.memory_space<vmem>> -> memref<8x128xf32, #tpu.memory_space<vmem>>
    %dma_start3A_1119 = arith.constant 0 : i32
    %dma_start3A_1120 = tpu.memref_slice %arg2[%dma_start3A_1119, %mul3A_1113] : memref<64x1000000xf32, #tpu.memory_space<hbm>> -> memref<8x128xf32, #tpu.memory_space<hbm>>
    %dma_start3A_1121 = arith.constant 0 : i32
    %dma_start3A_1122 = arith.constant 0 : i32
    %dma_start3A_1123 = tpu.memref_slice %arg8[%dma_start3A_1114, %dma_start3A_1121, %dma_start3A_1122] : memref<4x64x128xf32, #tpu.memory_space<vmem>> -> memref<1x8x128xf32, #tpu.memory_space<vmem>>
    %dma_start3A_1124 = tpu.memref_squeeze %dma_start3A_1123 : memref<1x8x128xf32, #tpu.memory_space<vmem>> -> memref<8x128xf32, #tpu.memory_space<vmem>>
    %dma_start3A_1125 = arith.constant 0 : i32
    %dma_start3A_1126 = tpu.memref_slice %arg2[%dma_start3A_1125, %mul3A_1113] : memref<64x1000000xf32, #tpu.memory_space<hbm>> -> memref<8x128xf32, #tpu.memory_space<hbm>>
    tpu.enqueue_dma source(%dma_start3A_1126 : memref<8x128xf32, #tpu.memory_space<hbm>>) target(%dma_start3A_1124 : memref<8x128xf32, #tpu.memory_space<vmem>>) target_semaphore(%arg12 : memref<!tpu.dma_semaphore, #tpu.memory_space<semaphore_mem>>)
    %dma_start3A_1127 = arith.constant 2 : i32
    %dma_start3A_1128 = arith.constant 8 : i32
    %dma_start3A_1129 = arith.constant 0 : i32
    %dma_start3A_1130 = tpu.memref_slice %arg8[%dma_start3A_1127, %dma_start3A_1128, %dma_start3A_1129] : memref<4x64x128xf32, #tpu.memory_space<vmem>> -> memref<1x8x128xf32, #tpu.memory_space<vmem>>
    %dma_start3A_1131 = tpu.memref_squeeze %dma_start3A_1130 : memref<1x8x128xf32, #tpu.memory_space<vmem>> -> memref<8x128xf32, #tpu.memory_space<vmem>>
    %dma_start3A_1132 = arith.constant 8 : i32
    %dma_start3A_1133 = tpu.memref_slice %arg2[%dma_start3A_1132, %mul3A_1113] : memref<64x1000000xf32, #tpu.memory_space<hbm>> -> memref<8x128xf32, #tpu.memory_space<hbm>>
    %dma_start3A_1134 = arith.constant 8 : i32
    %dma_start3A_1135 = arith.constant 0 : i32
    %dma_start3A_1136 = tpu.memref_slice %arg8[%dma_start3A_1127, %dma_start3A_1134, %dma_start3A_1135] : memref<4x64x128xf32, #tpu.memory_space<vmem>> -> memref<1x8x128xf32, #tpu.memory_space<vmem>>
    %dma_start3A_1137 = tpu.memref_squeeze %dma_start3A_1136 : memref<1x8x128xf32, #tpu.memory_space<vmem>> -> memref<8x128xf32, #tpu.memory_space<vmem>>
    %dma_start3A_1138 = arith.constant 8 : i32
    %dma_start3A_1139 = tpu.memref_slice %arg2[%dma_start3A_1138, %mul3A_1113] : memref<64x1000000xf32, #tpu.memory_space<hbm>> -> memref<8x128xf32, #tpu.memory_space<hbm>>
    tpu.enqueue_dma source(%dma_start3A_1139 : memref<8x128xf32, #tpu.memory_space<hbm>>) target(%dma_start3A_1137 : memref<8x128xf32, #tpu.memory_space<vmem>>) target_semaphore(%arg12 : memref<!tpu.dma_semaphore, #tpu.memory_space<semaphore_mem>>)
    %dma_start3A_1140 = arith.constant 2 : i32
    %dma_start3A_1141 = arith.constant 16 : i32
    %dma_start3A_1142 = arith.constant 0 : i32
    %dma_start3A_1143 = tpu.memref_slice %arg8[%dma_start3A_1140, %dma_start3A_1141, %dma_start3A_1142] : memref<4x64x128xf32, #tpu.memory_space<vmem>> -> memref<1x8x128xf32, #tpu.memory_space<vmem>>
    %dma_start3A_1144 = tpu.memref_squeeze %dma_start3A_1143 : memref<1x8x128xf32, #tpu.memory_space<vmem>> -> memref<8x128xf32, #tpu.memory_space<vmem>>
    %dma_start3A_1145 = arith.constant 16 : i32
    %dma_start3A_1146 = tpu.memref_slice %arg2[%dma_start3A_1145, %mul3A_1113] : memref<64x1000000xf32, #tpu.memory_space<hbm>> -> memref<8x128xf32, #tpu.memory_space<hbm>>
    %dma_start3A_1147 = arith.constant 16 : i32
    %dma_start3A_1148 = arith.constant 0 : i32
    %dma_start3A_1149 = tpu.memref_slice %arg8[%dma_start3A_1140, %dma_start3A_1147, %dma_start3A_1148] : memref<4x64x128xf32, #tpu.memory_space<vmem>> -> memref<1x8x128xf32, #tpu.memory_space<vmem>>
    %dma_start3A_1150 = tpu.memref_squeeze %dma_start3A_1149 : memref<1x8x128xf32, #tpu.memory_space<vmem>> -> memref<8x128xf32, #tpu.memory_space<vmem>>
    %dma_start3A_1151 = arith.constant 16 : i32
    %dma_start3A_1152 = tpu.memref_slice %arg2[%dma_start3A_1151, %mul3A_1113] : memref<64x1000000xf32, #tpu.memory_space<hbm>> -> memref<8x128xf32, #tpu.memory_space<hbm>>
    tpu.enqueue_dma source(%dma_start3A_1152 : memref<8x128xf32, #tpu.memory_space<hbm>>) target(%dma_start3A_1150 : memref<8x128xf32, #tpu.memory_space<vmem>>) target_semaphore(%arg12 : memref<!tpu.dma_semaphore, #tpu.memory_space<semaphore_mem>>)
    %dma_start3A_1153 = arith.constant 2 : i32
    %dma_start3A_1154 = arith.constant 24 : i32
    %dma_start3A_1155 = arith.constant 0 : i32
    %dma_start3A_1156 = tpu.memref_slice %arg8[%dma_start3A_1153, %dma_start3A_1154, %dma_start3A_1155] : memref<4x64x128xf32, #tpu.memory_space<vmem>> -> memref<1x8x128xf32, #tpu.memory_space<vmem>>
    %dma_start3A_1157 = tpu.memref_squeeze %dma_start3A_1156 : memref<1x8x128xf32, #tpu.memory_space<vmem>> -> memref<8x128xf32, #tpu.memory_space<vmem>>
    %dma_start3A_1158 = arith.constant 24 : i32
    %dma_start3A_1159 = tpu.memref_slice %arg2[%dma_start3A_1158, %mul3A_1113] : memref<64x1000000xf32, #tpu.memory_space<hbm>> -> memref<8x128xf32, #tpu.memory_space<hbm>>
    %dma_start3A_1160 = arith.constant 24 : i32
    %dma_start3A_1161 = arith.constant 0 : i32
    %dma_start3A_1162 = tpu.memref_slice %arg8[%dma_start3A_1153, %dma_start3A_1160, %dma_start3A_1161] : memref<4x64x128xf32, #tpu.memory_space<vmem>> -> memref<1x8x128xf32, #tpu.memory_space<vmem>>
    %dma_start3A_1163 = tpu.memref_squeeze %dma_start3A_1162 : memref<1x8x128xf32, #tpu.memory_space<vmem>> -> memref<8x128xf32, #tpu.memory_space<vmem>>
    %dma_start3A_1164 = arith.constant 24 : i32
    %dma_start3A_1165 = tpu.memref_slice %arg2[%dma_start3A_1164, %mul3A_1113] : memref<64x1000000xf32, #tpu.memory_space<hbm>> -> memref<8x128xf32, #tpu.memory_space<hbm>>
    tpu.enqueue_dma source(%dma_start3A_1165 : memref<8x128xf32, #tpu.memory_space<hbm>>) target(%dma_start3A_1163 : memref<8x128xf32, #tpu.memory_space<vmem>>) target_semaphore(%arg12 : memref<!tpu.dma_semaphore, #tpu.memory_space<semaphore_mem>>)
    %dma_start3A_1166 = arith.constant 2 : i32
    %dma_start3A_1167 = arith.constant 32 : i32
    %dma_start3A_1168 = arith.constant 0 : i32
    %dma_start3A_1169 = tpu.memref_slice %arg8[%dma_start3A_1166, %dma_start3A_1167, %dma_start3A_1168] : memref<4x64x128xf32, #tpu.memory_space<vmem>> -> memref<1x8x128xf32, #tpu.memory_space<vmem>>
    %dma_start3A_1170 = tpu.memref_squeeze %dma_start3A_1169 : memref<1x8x128xf32, #tpu.memory_space<vmem>> -> memref<8x128xf32, #tpu.memory_space<vmem>>
    %dma_start3A_1171 = arith.constant 32 : i32
    %dma_start3A_1172 = tpu.memref_slice %arg2[%dma_start3A_1171, %mul3A_1113] : memref<64x1000000xf32, #tpu.memory_space<hbm>> -> memref<8x128xf32, #tpu.memory_space<hbm>>
    %dma_start3A_1173 = arith.constant 32 : i32
    %dma_start3A_1174 = arith.constant 0 : i32
    %dma_start3A_1175 = tpu.memref_slice %arg8[%dma_start3A_1166, %dma_start3A_1173, %dma_start3A_1174] : memref<4x64x128xf32, #tpu.memory_space<vmem>> -> memref<1x8x128xf32, #tpu.memory_space<vmem>>
    %dma_start3A_1176 = tpu.memref_squeeze %dma_start3A_1175 : memref<1x8x128xf32, #tpu.memory_space<vmem>> -> memref<8x128xf32, #tpu.memory_space<vmem>>
    %dma_start3A_1177 = arith.constant 32 : i32
    %dma_start3A_1178 = tpu.memref_slice %arg2[%dma_start3A_1177, %mul3A_1113] : memref<64x1000000xf32, #tpu.memory_space<hbm>> -> memref<8x128xf32, #tpu.memory_space<hbm>>
    tpu.enqueue_dma source(%dma_start3A_1178 : memref<8x128xf32, #tpu.memory_space<hbm>>) target(%dma_start3A_1176 : memref<8x128xf32, #tpu.memory_space<vmem>>) target_semaphore(%arg12 : memref<!tpu.dma_semaphore, #tpu.memory_space<semaphore_mem>>)
    %dma_start3A_1179 = arith.constant 2 : i32
    %dma_start3A_1180 = arith.constant 40 : i32
    %dma_start3A_1181 = arith.constant 0 : i32
    %dma_start3A_1182 = tpu.memref_slice %arg8[%dma_start3A_1179, %dma_start3A_1180, %dma_start3A_1181] : memref<4x64x128xf32, #tpu.memory_space<vmem>> -> memref<1x8x128xf32, #tpu.memory_space<vmem>>
    %dma_start3A_1183 = tpu.memref_squeeze %dma_start3A_1182 : memref<1x8x128xf32, #tpu.memory_space<vmem>> -> memref<8x128xf32, #tpu.memory_space<vmem>>
    %dma_start3A_1184 = arith.constant 40 : i32
    %dma_start3A_1185 = tpu.memref_slice %arg2[%dma_start3A_1184, %mul3A_1113] : memref<64x1000000xf32, #tpu.memory_space<hbm>> -> memref<8x128xf32, #tpu.memory_space<hbm>>
    %dma_start3A_1186 = arith.constant 40 : i32
    %dma_start3A_1187 = arith.constant 0 : i32
    %dma_start3A_1188 = tpu.memref_slice %arg8[%dma_start3A_1179, %dma_start3A_1186, %dma_start3A_1187] : memref<4x64x128xf32, #tpu.memory_space<vmem>> -> memref<1x8x128xf32, #tpu.memory_space<vmem>>
    %dma_start3A_1189 = tpu.memref_squeeze %dma_start3A_1188 : memref<1x8x128xf32, #tpu.memory_space<vmem>> -> memref<8x128xf32, #tpu.memory_space<vmem>>
    %dma_start3A_1190 = arith.constant 40 : i32
    %dma_start3A_1191 = tpu.memref_slice %arg2[%dma_start3A_1190, %mul3A_1113] : memref<64x1000000xf32, #tpu.memory_space<hbm>> -> memref<8x128xf32, #tpu.memory_space<hbm>>
    tpu.enqueue_dma source(%dma_start3A_1191 : memref<8x128xf32, #tpu.memory_space<hbm>>) target(%dma_start3A_1189 : memref<8x128xf32, #tpu.memory_space<vmem>>) target_semaphore(%arg12 : memref<!tpu.dma_semaphore, #tpu.memory_space<semaphore_mem>>)
    %dma_start3A_1192 = arith.constant 2 : i32
    %dma_start3A_1193 = arith.constant 48 : i32
    %dma_start3A_1194 = arith.constant 0 : i32
    %dma_start3A_1195 = tpu.memref_slice %arg8[%dma_start3A_1192, %dma_start3A_1193, %dma_start3A_1194] : memref<4x64x128xf32, #tpu.memory_space<vmem>> -> memref<1x8x128xf32, #tpu.memory_space<vmem>>
    %dma_start3A_1196 = tpu.memref_squeeze %dma_start3A_1195 : memref<1x8x128xf32, #tpu.memory_space<vmem>> -> memref<8x128xf32, #tpu.memory_space<vmem>>
    %dma_start3A_1197 = arith.constant 48 : i32
    %dma_start3A_1198 = tpu.memref_slice %arg2[%dma_start3A_1197, %mul3A_1113] : memref<64x1000000xf32, #tpu.memory_space<hbm>> -> memref<8x128xf32, #tpu.memory_space<hbm>>
    %dma_start3A_1199 = arith.constant 48 : i32
    %dma_start3A_1200 = arith.constant 0 : i32
    %dma_start3A_1201 = tpu.memref_slice %arg8[%dma_start3A_1192, %dma_start3A_1199, %dma_start3A_1200] : memref<4x64x128xf32, #tpu.memory_space<vmem>> -> memref<1x8x128xf32, #tpu.memory_space<vmem>>
    %dma_start3A_1202 = tpu.memref_squeeze %dma_start3A_1201 : memref<1x8x128xf32, #tpu.memory_space<vmem>> -> memref<8x128xf32, #tpu.memory_space<vmem>>
    %dma_start3A_1203 = arith.constant 48 : i32
    %dma_start3A_1204 = tpu.memref_slice %arg2[%dma_start3A_1203, %mul3A_1113] : memref<64x1000000xf32, #tpu.memory_space<hbm>> -> memref<8x128xf32, #tpu.memory_space<hbm>>
    tpu.enqueue_dma source(%dma_start3A_1204 : memref<8x128xf32, #tpu.memory_space<hbm>>) target(%dma_start3A_1202 : memref<8x128xf32, #tpu.memory_space<vmem>>) target_semaphore(%arg12 : memref<!tpu.dma_semaphore, #tpu.memory_space<semaphore_mem>>)
    %dma_start3A_1205 = arith.constant 2 : i32
    %dma_start3A_1206 = arith.constant 56 : i32
    %dma_start3A_1207 = arith.constant 0 : i32
    %dma_start3A_1208 = tpu.memref_slice %arg8[%dma_start3A_1205, %dma_start3A_1206, %dma_start3A_1207] : memref<4x64x128xf32, #tpu.memory_space<vmem>> -> memref<1x8x128xf32, #tpu.memory_space<vmem>>
    %dma_start3A_1209 = tpu.memref_squeeze %dma_start3A_1208 : memref<1x8x128xf32, #tpu.memory_space<vmem>> -> memref<8x128xf32, #tpu.memory_space<vmem>>
    %dma_start3A_1210 = arith.constant 56 : i32
    %dma_start3A_1211 = tpu.memref_slice %arg2[%dma_start3A_1210, %mul3A_1113] : memref<64x1000000xf32, #tpu.memory_space<hbm>> -> memref<8x128xf32, #tpu.memory_space<hbm>>
    %dma_start3A_1212 = arith.constant 56 : i32
    %dma_start3A_1213 = arith.constant 0 : i32
    %dma_start3A_1214 = tpu.memref_slice %arg8[%dma_start3A_1205, %dma_start3A_1212, %dma_start3A_1213] : memref<4x64x128xf32, #tpu.memory_space<vmem>> -> memref<1x8x128xf32, #tpu.memory_space<vmem>>
    %dma_start3A_1215 = tpu.memref_squeeze %dma_start3A_1214 : memref<1x8x128xf32, #tpu.memory_space<vmem>> -> memref<8x128xf32, #tpu.memory_space<vmem>>
    %dma_start3A_1216 = arith.constant 56 : i32
    %dma_start3A_1217 = tpu.memref_slice %arg2[%dma_start3A_1216, %mul3A_1113] : memref<64x1000000xf32, #tpu.memory_space<hbm>> -> memref<8x128xf32, #tpu.memory_space<hbm>>
    tpu.enqueue_dma source(%dma_start3A_1217 : memref<8x128xf32, #tpu.memory_space<hbm>>) target(%dma_start3A_1215 : memref<8x128xf32, #tpu.memory_space<vmem>>) target_semaphore(%arg12 : memref<!tpu.dma_semaphore, #tpu.memory_space<semaphore_mem>>)
    %slice3A_1218 = vector.extract_strided_slice %get3A_887 {offsets = [3], sizes = [1], strides = [1]} : vector<16xi32> to vector<1xi32>
    %squeeze3A_1219 = vector.extract %slice3A_1218[0] : i32 from vector<1xi32>
    %shift_right_logical3A_1220 = arith.constant 7 : i32
    %shift_right_logical3A_1221 = arith.shrui %squeeze3A_1219, %shift_right_logical3A_1220 : i32
    %mul3A_1222 = arith.constant 128 : i32
    %mul3A_1223 = arith.muli %shift_right_logical3A_1221, %mul3A_1222 : i32
    %dma_start3A_1224 = arith.constant 3 : i32
    %dma_start3A_1225 = arith.constant 0 : i32
    %dma_start3A_1226 = arith.constant 0 : i32
    %dma_start3A_1227 = tpu.memref_slice %arg8[%dma_start3A_1224, %dma_start3A_1225, %dma_start3A_1226] : memref<4x64x128xf32, #tpu.memory_space<vmem>> -> memref<1x8x128xf32, #tpu.memory_space<vmem>>
    %dma_start3A_1228 = tpu.memref_squeeze %dma_start3A_1227 : memref<1x8x128xf32, #tpu.memory_space<vmem>> -> memref<8x128xf32, #tpu.memory_space<vmem>>
    %dma_start3A_1229 = arith.constant 0 : i32
    %dma_start3A_1230 = tpu.memref_slice %arg2[%dma_start3A_1229, %mul3A_1223] : memref<64x1000000xf32, #tpu.memory_space<hbm>> -> memref<8x128xf32, #tpu.memory_space<hbm>>
    %dma_start3A_1231 = arith.constant 0 : i32
    %dma_start3A_1232 = arith.constant 0 : i32
    %dma_start3A_1233 = tpu.memref_slice %arg8[%dma_start3A_1224, %dma_start3A_1231, %dma_start3A_1232] : memref<4x64x128xf32, #tpu.memory_space<vmem>> -> memref<1x8x128xf32, #tpu.memory_space<vmem>>
    %dma_start3A_1234 = tpu.memref_squeeze %dma_start3A_1233 : memref<1x8x128xf32, #tpu.memory_space<vmem>> -> memref<8x128xf32, #tpu.memory_space<vmem>>
    %dma_start3A_1235 = arith.constant 0 : i32
    %dma_start3A_1236 = tpu.memref_slice %arg2[%dma_start3A_1235, %mul3A_1223] : memref<64x1000000xf32, #tpu.memory_space<hbm>> -> memref<8x128xf32, #tpu.memory_space<hbm>>
    tpu.enqueue_dma source(%dma_start3A_1236 : memref<8x128xf32, #tpu.memory_space<hbm>>) target(%dma_start3A_1234 : memref<8x128xf32, #tpu.memory_space<vmem>>) target_semaphore(%arg12 : memref<!tpu.dma_semaphore, #tpu.memory_space<semaphore_mem>>)
    %dma_start3A_1237 = arith.constant 3 : i32
    %dma_start3A_1238 = arith.constant 8 : i32
    %dma_start3A_1239 = arith.constant 0 : i32
    %dma_start3A_1240 = tpu.memref_slice %arg8[%dma_start3A_1237, %dma_start3A_1238, %dma_start3A_1239] : memref<4x64x128xf32, #tpu.memory_space<vmem>> -> memref<1x8x128xf32, #tpu.memory_space<vmem>>
    %dma_start3A_1241 = tpu.memref_squeeze %dma_start3A_1240 : memref<1x8x128xf32, #tpu.memory_space<vmem>> -> memref<8x128xf32, #tpu.memory_space<vmem>>
    %dma_start3A_1242 = arith.constant 8 : i32
    %dma_start3A_1243 = tpu.memref_slice %arg2[%dma_start3A_1242, %mul3A_1223] : memref<64x1000000xf32, #tpu.memory_space<hbm>> -> memref<8x128xf32, #tpu.memory_space<hbm>>
    %dma_start3A_1244 = arith.constant 8 : i32
    %dma_start3A_1245 = arith.constant 0 : i32
    %dma_start3A_1246 = tpu.memref_slice %arg8[%dma_start3A_1237, %dma_start3A_1244, %dma_start3A_1245] : memref<4x64x128xf32, #tpu.memory_space<vmem>> -> memref<1x8x128xf32, #tpu.memory_space<vmem>>
    %dma_start3A_1247 = tpu.memref_squeeze %dma_start3A_1246 : memref<1x8x128xf32, #tpu.memory_space<vmem>> -> memref<8x128xf32, #tpu.memory_space<vmem>>
    %dma_start3A_1248 = arith.constant 8 : i32
    %dma_start3A_1249 = tpu.memref_slice %arg2[%dma_start3A_1248, %mul3A_1223] : memref<64x1000000xf32, #tpu.memory_space<hbm>> -> memref<8x128xf32, #tpu.memory_space<hbm>>
    tpu.enqueue_dma source(%dma_start3A_1249 : memref<8x128xf32, #tpu.memory_space<hbm>>) target(%dma_start3A_1247 : memref<8x128xf32, #tpu.memory_space<vmem>>) target_semaphore(%arg12 : memref<!tpu.dma_semaphore, #tpu.memory_space<semaphore_mem>>)
    %dma_start3A_1250 = arith.constant 3 : i32
    %dma_start3A_1251 = arith.constant 16 : i32
    %dma_start3A_1252 = arith.constant 0 : i32
    %dma_start3A_1253 = tpu.memref_slice %arg8[%dma_start3A_1250, %dma_start3A_1251, %dma_start3A_1252] : memref<4x64x128xf32, #tpu.memory_space<vmem>> -> memref<1x8x128xf32, #tpu.memory_space<vmem>>
    %dma_start3A_1254 = tpu.memref_squeeze %dma_start3A_1253 : memref<1x8x128xf32, #tpu.memory_space<vmem>> -> memref<8x128xf32, #tpu.memory_space<vmem>>
    %dma_start3A_1255 = arith.constant 16 : i32
    %dma_start3A_1256 = tpu.memref_slice %arg2[%dma_start3A_1255, %mul3A_1223] : memref<64x1000000xf32, #tpu.memory_space<hbm>> -> memref<8x128xf32, #tpu.memory_space<hbm>>
    %dma_start3A_1257 = arith.constant 16 : i32
    %dma_start3A_1258 = arith.constant 0 : i32
    %dma_start3A_1259 = tpu.memref_slice %arg8[%dma_start3A_1250, %dma_start3A_1257, %dma_start3A_1258] : memref<4x64x128xf32, #tpu.memory_space<vmem>> -> memref<1x8x128xf32, #tpu.memory_space<vmem>>
    %dma_start3A_1260 = tpu.memref_squeeze %dma_start3A_1259 : memref<1x8x128xf32, #tpu.memory_space<vmem>> -> memref<8x128xf32, #tpu.memory_space<vmem>>
    %dma_start3A_1261 = arith.constant 16 : i32
    %dma_start3A_1262 = tpu.memref_slice %arg2[%dma_start3A_1261, %mul3A_1223] : memref<64x1000000xf32, #tpu.memory_space<hbm>> -> memref<8x128xf32, #tpu.memory_space<hbm>>
    tpu.enqueue_dma source(%dma_start3A_1262 : memref<8x128xf32, #tpu.memory_space<hbm>>) target(%dma_start3A_1260 : memref<8x128xf32, #tpu.memory_space<vmem>>) target_semaphore(%arg12 : memref<!tpu.dma_semaphore, #tpu.memory_space<semaphore_mem>>)
    %dma_start3A_1263 = arith.constant 3 : i32
    %dma_start3A_1264 = arith.constant 24 : i32
    %dma_start3A_1265 = arith.constant 0 : i32
    %dma_start3A_1266 = tpu.memref_slice %arg8[%dma_start3A_1263, %dma_start3A_1264, %dma_start3A_1265] : memref<4x64x128xf32, #tpu.memory_space<vmem>> -> memref<1x8x128xf32, #tpu.memory_space<vmem>>
    %dma_start3A_1267 = tpu.memref_squeeze %dma_start3A_1266 : memref<1x8x128xf32, #tpu.memory_space<vmem>> -> memref<8x128xf32, #tpu.memory_space<vmem>>
    %dma_start3A_1268 = arith.constant 24 : i32
    %dma_start3A_1269 = tpu.memref_slice %arg2[%dma_start3A_1268, %mul3A_1223] : memref<64x1000000xf32, #tpu.memory_space<hbm>> -> memref<8x128xf32, #tpu.memory_space<hbm>>
    %dma_start3A_1270 = arith.constant 24 : i32
    %dma_start3A_1271 = arith.constant 0 : i32
    %dma_start3A_1272 = tpu.memref_slice %arg8[%dma_start3A_1263, %dma_start3A_1270, %dma_start3A_1271] : memref<4x64x128xf32, #tpu.memory_space<vmem>> -> memref<1x8x128xf32, #tpu.memory_space<vmem>>
    %dma_start3A_1273 = tpu.memref_squeeze %dma_start3A_1272 : memref<1x8x128xf32, #tpu.memory_space<vmem>> -> memref<8x128xf32, #tpu.memory_space<vmem>>
    %dma_start3A_1274 = arith.constant 24 : i32
    %dma_start3A_1275 = tpu.memref_slice %arg2[%dma_start3A_1274, %mul3A_1223] : memref<64x1000000xf32, #tpu.memory_space<hbm>> -> memref<8x128xf32, #tpu.memory_space<hbm>>
    tpu.enqueue_dma source(%dma_start3A_1275 : memref<8x128xf32, #tpu.memory_space<hbm>>) target(%dma_start3A_1273 : memref<8x128xf32, #tpu.memory_space<vmem>>) target_semaphore(%arg12 : memref<!tpu.dma_semaphore, #tpu.memory_space<semaphore_mem>>)
    %dma_start3A_1276 = arith.constant 3 : i32
    %dma_start3A_1277 = arith.constant 32 : i32
    %dma_start3A_1278 = arith.constant 0 : i32
    %dma_start3A_1279 = tpu.memref_slice %arg8[%dma_start3A_1276, %dma_start3A_1277, %dma_start3A_1278] : memref<4x64x128xf32, #tpu.memory_space<vmem>> -> memref<1x8x128xf32, #tpu.memory_space<vmem>>
    %dma_start3A_1280 = tpu.memref_squeeze %dma_start3A_1279 : memref<1x8x128xf32, #tpu.memory_space<vmem>> -> memref<8x128xf32, #tpu.memory_space<vmem>>
    %dma_start3A_1281 = arith.constant 32 : i32
    %dma_start3A_1282 = tpu.memref_slice %arg2[%dma_start3A_1281, %mul3A_1223] : memref<64x1000000xf32, #tpu.memory_space<hbm>> -> memref<8x128xf32, #tpu.memory_space<hbm>>
    %dma_start3A_1283 = arith.constant 32 : i32
    %dma_start3A_1284 = arith.constant 0 : i32
    %dma_start3A_1285 = tpu.memref_slice %arg8[%dma_start3A_1276, %dma_start3A_1283, %dma_start3A_1284] : memref<4x64x128xf32, #tpu.memory_space<vmem>> -> memref<1x8x128xf32, #tpu.memory_space<vmem>>
    %dma_start3A_1286 = tpu.memref_squeeze %dma_start3A_1285 : memref<1x8x128xf32, #tpu.memory_space<vmem>> -> memref<8x128xf32, #tpu.memory_space<vmem>>
    %dma_start3A_1287 = arith.constant 32 : i32
    %dma_start3A_1288 = tpu.memref_slice %arg2[%dma_start3A_1287, %mul3A_1223] : memref<64x1000000xf32, #tpu.memory_space<hbm>> -> memref<8x128xf32, #tpu.memory_space<hbm>>
    tpu.enqueue_dma source(%dma_start3A_1288 : memref<8x128xf32, #tpu.memory_space<hbm>>) target(%dma_start3A_1286 : memref<8x128xf32, #tpu.memory_space<vmem>>) target_semaphore(%arg12 : memref<!tpu.dma_semaphore, #tpu.memory_space<semaphore_mem>>)
    %dma_start3A_1289 = arith.constant 3 : i32
    %dma_start3A_1290 = arith.constant 40 : i32
    %dma_start3A_1291 = arith.constant 0 : i32
    %dma_start3A_1292 = tpu.memref_slice %arg8[%dma_start3A_1289, %dma_start3A_1290, %dma_start3A_1291] : memref<4x64x128xf32, #tpu.memory_space<vmem>> -> memref<1x8x128xf32, #tpu.memory_space<vmem>>
    %dma_start3A_1293 = tpu.memref_squeeze %dma_start3A_1292 : memref<1x8x128xf32, #tpu.memory_space<vmem>> -> memref<8x128xf32, #tpu.memory_space<vmem>>
    %dma_start3A_1294 = arith.constant 40 : i32
    %dma_start3A_1295 = tpu.memref_slice %arg2[%dma_start3A_1294, %mul3A_1223] : memref<64x1000000xf32, #tpu.memory_space<hbm>> -> memref<8x128xf32, #tpu.memory_space<hbm>>
    %dma_start3A_1296 = arith.constant 40 : i32
    %dma_start3A_1297 = arith.constant 0 : i32
    %dma_start3A_1298 = tpu.memref_slice %arg8[%dma_start3A_1289, %dma_start3A_1296, %dma_start3A_1297] : memref<4x64x128xf32, #tpu.memory_space<vmem>> -> memref<1x8x128xf32, #tpu.memory_space<vmem>>
    %dma_start3A_1299 = tpu.memref_squeeze %dma_start3A_1298 : memref<1x8x128xf32, #tpu.memory_space<vmem>> -> memref<8x128xf32, #tpu.memory_space<vmem>>
    %dma_start3A_1300 = arith.constant 40 : i32
    %dma_start3A_1301 = tpu.memref_slice %arg2[%dma_start3A_1300, %mul3A_1223] : memref<64x1000000xf32, #tpu.memory_space<hbm>> -> memref<8x128xf32, #tpu.memory_space<hbm>>
    tpu.enqueue_dma source(%dma_start3A_1301 : memref<8x128xf32, #tpu.memory_space<hbm>>) target(%dma_start3A_1299 : memref<8x128xf32, #tpu.memory_space<vmem>>) target_semaphore(%arg12 : memref<!tpu.dma_semaphore, #tpu.memory_space<semaphore_mem>>)
    %dma_start3A_1302 = arith.constant 3 : i32
    %dma_start3A_1303 = arith.constant 48 : i32
    %dma_start3A_1304 = arith.constant 0 : i32
    %dma_start3A_1305 = tpu.memref_slice %arg8[%dma_start3A_1302, %dma_start3A_1303, %dma_start3A_1304] : memref<4x64x128xf32, #tpu.memory_space<vmem>> -> memref<1x8x128xf32, #tpu.memory_space<vmem>>
    %dma_start3A_1306 = tpu.memref_squeeze %dma_start3A_1305 : memref<1x8x128xf32, #tpu.memory_space<vmem>> -> memref<8x128xf32, #tpu.memory_space<vmem>>
    %dma_start3A_1307 = arith.constant 48 : i32
    %dma_start3A_1308 = tpu.memref_slice %arg2[%dma_start3A_1307, %mul3A_1223] : memref<64x1000000xf32, #tpu.memory_space<hbm>> -> memref<8x128xf32, #tpu.memory_space<hbm>>
    %dma_start3A_1309 = arith.constant 48 : i32
    %dma_start3A_1310 = arith.constant 0 : i32
    %dma_start3A_1311 = tpu.memref_slice %arg8[%dma_start3A_1302, %dma_start3A_1309, %dma_start3A_1310] : memref<4x64x128xf32, #tpu.memory_space<vmem>> -> memref<1x8x128xf32, #tpu.memory_space<vmem>>
    %dma_start3A_1312 = tpu.memref_squeeze %dma_start3A_1311 : memref<1x8x128xf32, #tpu.memory_space<vmem>> -> memref<8x128xf32, #tpu.memory_space<vmem>>
    %dma_start3A_1313 = arith.constant 48 : i32
    %dma_start3A_1314 = tpu.memref_slice %arg2[%dma_start3A_1313, %mul3A_1223] : memref<64x1000000xf32, #tpu.memory_space<hbm>> -> memref<8x128xf32, #tpu.memory_space<hbm>>
    tpu.enqueue_dma source(%dma_start3A_1314 : memref<8x128xf32, #tpu.memory_space<hbm>>) target(%dma_start3A_1312 : memref<8x128xf32, #tpu.memory_space<vmem>>) target_semaphore(%arg12 : memref<!tpu.dma_semaphore, #tpu.memory_space<semaphore_mem>>)
    %dma_start3A_1315 = arith.constant 3 : i32
    %dma_start3A_1316 = arith.constant 56 : i32
    %dma_start3A_1317 = arith.constant 0 : i32
    %dma_start3A_1318 = tpu.memref_slice %arg8[%dma_start3A_1315, %dma_start3A_1316, %dma_start3A_1317] : memref<4x64x128xf32, #tpu.memory_space<vmem>> -> memref<1x8x128xf32, #tpu.memory_space<vmem>>
    %dma_start3A_1319 = tpu.memref_squeeze %dma_start3A_1318 : memref<1x8x128xf32, #tpu.memory_space<vmem>> -> memref<8x128xf32, #tpu.memory_space<vmem>>
    %dma_start3A_1320 = arith.constant 56 : i32
    %dma_start3A_1321 = tpu.memref_slice %arg2[%dma_start3A_1320, %mul3A_1223] : memref<64x1000000xf32, #tpu.memory_space<hbm>> -> memref<8x128xf32, #tpu.memory_space<hbm>>
    %dma_start3A_1322 = arith.constant 56 : i32
    %dma_start3A_1323 = arith.constant 0 : i32
    %dma_start3A_1324 = tpu.memref_slice %arg8[%dma_start3A_1315, %dma_start3A_1322, %dma_start3A_1323] : memref<4x64x128xf32, #tpu.memory_space<vmem>> -> memref<1x8x128xf32, #tpu.memory_space<vmem>>
    %dma_start3A_1325 = tpu.memref_squeeze %dma_start3A_1324 : memref<1x8x128xf32, #tpu.memory_space<vmem>> -> memref<8x128xf32, #tpu.memory_space<vmem>>
    %dma_start3A_1326 = arith.constant 56 : i32
    %dma_start3A_1327 = tpu.memref_slice %arg2[%dma_start3A_1326, %mul3A_1223] : memref<64x1000000xf32, #tpu.memory_space<hbm>> -> memref<8x128xf32, #tpu.memory_space<hbm>>
    tpu.enqueue_dma source(%dma_start3A_1327 : memref<8x128xf32, #tpu.memory_space<hbm>>) target(%dma_start3A_1325 : memref<8x128xf32, #tpu.memory_space<vmem>>) target_semaphore(%arg12 : memref<!tpu.dma_semaphore, #tpu.memory_space<semaphore_mem>>)
    %scan3A = arith.constant 0 : i32
    %scan3A_1328 = arith.constant 0 : i32
    %scan3A_1329 = arith.constant 42 : i32
    %scan3A_1330 = arith.addi %scan3A_1328, %scan3A_1329 : i32
    %scan3A_1331 = arith.constant 1 : i32
    %scan3A_1332 = scf.for %scan3A_1477 = %scan3A_1328 to %scan3A_1330 step %scan3A_1331 iter_args(%scan3A_1478 = %scan3A) -> (i32)  : i32 {
      %mul3A_1479 = arith.constant 3 : i32
      %mul3A_1480 = arith.muli %mul3A_1479, %scan3A_1477 : i32
      %add3A_1481 = arith.constant 0 : i32
      %add3A_1482 = arith.addi %mul3A_1480, %add3A_1481 : i32
      %dma_wait3A_1483 = arith.constant 0 : i32
      %dma_wait3A_1484 = arith.constant 0 : i32
      %dma_wait3A_1485 = arith.constant 0 : i32
      %dma_wait3A_1486 = tpu.memref_slice %arg6[%dma_wait3A_1483, %dma_wait3A_1484, %dma_wait3A_1485] : memref<4x64x128xf32, #tpu.memory_space<vmem>> -> memref<1x64x128xf32, #tpu.memory_space<vmem>>
      %dma_wait3A_1487 = tpu.memref_squeeze %dma_wait3A_1486 : memref<1x64x128xf32, #tpu.memory_space<vmem>> -> memref<64x128xf32, #tpu.memory_space<vmem>>
      %dma_wait3A_1488 = arith.constant 0 : i32
      %dma_wait3A_1489 = arith.constant 0 : i32
      %dma_wait3A_1490 = tpu.memref_slice %arg2[%dma_wait3A_1488, %dma_wait3A_1489] : memref<64x1000000xf32, #tpu.memory_space<hbm>> -> memref<64x128xf32, #tpu.memory_space<hbm>>
      %dma_wait3A_1491 = arith.constant 0 : i32
      %dma_wait3A_1492 = arith.constant 0 : i32
      %dma_wait3A_1493 = tpu.memref_slice %arg6[%dma_wait3A_1483, %dma_wait3A_1491, %dma_wait3A_1492] : memref<4x64x128xf32, #tpu.memory_space<vmem>> -> memref<1x64x128xf32, #tpu.memory_space<vmem>>
      %dma_wait3A_1494 = tpu.memref_squeeze %dma_wait3A_1493 : memref<1x64x128xf32, #tpu.memory_space<vmem>> -> memref<64x128xf32, #tpu.memory_space<vmem>>
      %dma_wait3A_1495 = arith.constant 0 : i32
      %dma_wait3A_1496 = arith.constant 0 : i32
      %dma_wait3A_1497 = tpu.memref_slice %arg2[%dma_wait3A_1495, %dma_wait3A_1496] : memref<64x1000000xf32, #tpu.memory_space<hbm>> -> memref<64x128xf32, #tpu.memory_space<hbm>>
      tpu.wait_dma2 semaphore(%arg10 : memref<!tpu.dma_semaphore, #tpu.memory_space<semaphore_mem>>) src(%dma_wait3A_1497 : memref<64x128xf32, #tpu.memory_space<hbm>>) dst(%dma_wait3A_1494 : memref<64x128xf32, #tpu.memory_space<vmem>>)
      %dma_wait3A_1498 = arith.constant 1 : i32
      %dma_wait3A_1499 = arith.constant 0 : i32
      %dma_wait3A_1500 = arith.constant 0 : i32
      %dma_wait3A_1501 = tpu.memref_slice %arg6[%dma_wait3A_1498, %dma_wait3A_1499, %dma_wait3A_1500] : memref<4x64x128xf32, #tpu.memory_space<vmem>> -> memref<1x64x128xf32, #tpu.memory_space<vmem>>
      %dma_wait3A_1502 = tpu.memref_squeeze %dma_wait3A_1501 : memref<1x64x128xf32, #tpu.memory_space<vmem>> -> memref<64x128xf32, #tpu.memory_space<vmem>>
      %dma_wait3A_1503 = arith.constant 0 : i32
      %dma_wait3A_1504 = arith.constant 0 : i32
      %dma_wait3A_1505 = tpu.memref_slice %arg2[%dma_wait3A_1503, %dma_wait3A_1504] : memref<64x1000000xf32, #tpu.memory_space<hbm>> -> memref<64x128xf32, #tpu.memory_space<hbm>>
      %dma_wait3A_1506 = arith.constant 0 : i32
      %dma_wait3A_1507 = arith.constant 0 : i32
      %dma_wait3A_1508 = tpu.memref_slice %arg6[%dma_wait3A_1498, %dma_wait3A_1506, %dma_wait3A_1507] : memref<4x64x128xf32, #tpu.memory_space<vmem>> -> memref<1x64x128xf32, #tpu.memory_space<vmem>>
      %dma_wait3A_1509 = tpu.memref_squeeze %dma_wait3A_1508 : memref<1x64x128xf32, #tpu.memory_space<vmem>> -> memref<64x128xf32, #tpu.memory_space<vmem>>
      %dma_wait3A_1510 = arith.constant 0 : i32
      %dma_wait3A_1511 = arith.constant 0 : i32
      %dma_wait3A_1512 = tpu.memref_slice %arg2[%dma_wait3A_1510, %dma_wait3A_1511] : memref<64x1000000xf32, #tpu.memory_space<hbm>> -> memref<64x128xf32, #tpu.memory_space<hbm>>
      tpu.wait_dma2 semaphore(%arg10 : memref<!tpu.dma_semaphore, #tpu.memory_space<semaphore_mem>>) src(%dma_wait3A_1512 : memref<64x128xf32, #tpu.memory_space<hbm>>) dst(%dma_wait3A_1509 : memref<64x128xf32, #tpu.memory_space<vmem>>)
      %dma_wait3A_1513 = arith.constant 2 : i32
      %dma_wait3A_1514 = arith.constant 0 : i32
      %dma_wait3A_1515 = arith.constant 0 : i32
      %dma_wait3A_1516 = tpu.memref_slice %arg6[%dma_wait3A_1513, %dma_wait3A_1514, %dma_wait3A_1515] : memref<4x64x128xf32, #tpu.memory_space<vmem>> -> memref<1x64x128xf32, #tpu.memory_space<vmem>>
      %dma_wait3A_1517 = tpu.memref_squeeze %dma_wait3A_1516 : memref<1x64x128xf32, #tpu.memory_space<vmem>> -> memref<64x128xf32, #tpu.memory_space<vmem>>
      %dma_wait3A_1518 = arith.constant 0 : i32
      %dma_wait3A_1519 = arith.constant 0 : i32
      %dma_wait3A_1520 = tpu.memref_slice %arg2[%dma_wait3A_1518, %dma_wait3A_1519] : memref<64x1000000xf32, #tpu.memory_space<hbm>> -> memref<64x128xf32, #tpu.memory_space<hbm>>
      %dma_wait3A_1521 = arith.constant 0 : i32
      %dma_wait3A_1522 = arith.constant 0 : i32
      %dma_wait3A_1523 = tpu.memref_slice %arg6[%dma_wait3A_1513, %dma_wait3A_1521, %dma_wait3A_1522] : memref<4x64x128xf32, #tpu.memory_space<vmem>> -> memref<1x64x128xf32, #tpu.memory_space<vmem>>
      %dma_wait3A_1524 = tpu.memref_squeeze %dma_wait3A_1523 : memref<1x64x128xf32, #tpu.memory_space<vmem>> -> memref<64x128xf32, #tpu.memory_space<vmem>>
      %dma_wait3A_1525 = arith.constant 0 : i32
      %dma_wait3A_1526 = arith.constant 0 : i32
      %dma_wait3A_1527 = tpu.memref_slice %arg2[%dma_wait3A_1525, %dma_wait3A_1526] : memref<64x1000000xf32, #tpu.memory_space<hbm>> -> memref<64x128xf32, #tpu.memory_space<hbm>>
      tpu.wait_dma2 semaphore(%arg10 : memref<!tpu.dma_semaphore, #tpu.memory_space<semaphore_mem>>) src(%dma_wait3A_1527 : memref<64x128xf32, #tpu.memory_space<hbm>>) dst(%dma_wait3A_1524 : memref<64x128xf32, #tpu.memory_space<vmem>>)
      %dma_wait3A_1528 = arith.constant 3 : i32
      %dma_wait3A_1529 = arith.constant 0 : i32
      %dma_wait3A_1530 = arith.constant 0 : i32
      %dma_wait3A_1531 = tpu.memref_slice %arg6[%dma_wait3A_1528, %dma_wait3A_1529, %dma_wait3A_1530] : memref<4x64x128xf32, #tpu.memory_space<vmem>> -> memref<1x64x128xf32, #tpu.memory_space<vmem>>
      %dma_wait3A_1532 = tpu.memref_squeeze %dma_wait3A_1531 : memref<1x64x128xf32, #tpu.memory_space<vmem>> -> memref<64x128xf32, #tpu.memory_space<vmem>>
      %dma_wait3A_1533 = arith.constant 0 : i32
      %dma_wait3A_1534 = arith.constant 0 : i32
      %dma_wait3A_1535 = tpu.memref_slice %arg2[%dma_wait3A_1533, %dma_wait3A_1534] : memref<64x1000000xf32, #tpu.memory_space<hbm>> -> memref<64x128xf32, #tpu.memory_space<hbm>>
      %dma_wait3A_1536 = arith.constant 0 : i32
      %dma_wait3A_1537 = arith.constant 0 : i32
      %dma_wait3A_1538 = tpu.memref_slice %arg6[%dma_wait3A_1528, %dma_wait3A_1536, %dma_wait3A_1537] : memref<4x64x128xf32, #tpu.memory_space<vmem>> -> memref<1x64x128xf32, #tpu.memory_space<vmem>>
      %dma_wait3A_1539 = tpu.memref_squeeze %dma_wait3A_1538 : memref<1x64x128xf32, #tpu.memory_space<vmem>> -> memref<64x128xf32, #tpu.memory_space<vmem>>
      %dma_wait3A_1540 = arith.constant 0 : i32
      %dma_wait3A_1541 = arith.constant 0 : i32
      %dma_wait3A_1542 = tpu.memref_slice %arg2[%dma_wait3A_1540, %dma_wait3A_1541] : memref<64x1000000xf32, #tpu.memory_space<hbm>> -> memref<64x128xf32, #tpu.memory_space<hbm>>
      tpu.wait_dma2 semaphore(%arg10 : memref<!tpu.dma_semaphore, #tpu.memory_space<semaphore_mem>>) src(%dma_wait3A_1542 : memref<64x128xf32, #tpu.memory_space<hbm>>) dst(%dma_wait3A_1539 : memref<64x128xf32, #tpu.memory_space<vmem>>)
      %mul3A_1543 = arith.constant 4 : i32
      %mul3A_1544 = arith.muli %add3A_1482, %mul3A_1543 : i32
      %get3A_1545 = arith.index_cast %mul3A_1544 : i32 to index
      %get3A_1546 = tpu.vector_load %arg5[%get3A_1545] {strides = array<i32>} : memref<528xi32, #tpu.memory_space<vmem>>, vector<16xi32>,
      %and3A_1547 = arith.constant 127 : i32
      %and3A_1548 = vector.broadcast %and3A_1547 : i32 to vector<16xi32>
      %and3A_1549 = arith.andi %get3A_1546, %and3A_1548 : vector<16xi32>
      %scan3A_1550 = arith.constant 0 : i32
      %scan3A_1551 = arith.constant 0 : i32
      %scan3A_1552 = arith.constant 32 : i32
      %scan3A_1553 = arith.addi %scan3A_1551, %scan3A_1552 : i32
      %scan3A_1554 = arith.constant 1 : i32
      %scan3A_1555 = scf.for %scan3A_1733 = %scan3A_1551 to %scan3A_1553 step %scan3A_1554 iter_args(%scan3A_1734 = %scan3A_1550) -> (i32)  : i32 {
        %mul3A_1735 = arith.constant 2 : i32
        %mul3A_1736 = arith.muli %mul3A_1735, %scan3A_1733 : i32
        %broadcast_in_dim3A = vector.broadcast %mul3A_1736 : i32 to vector<16xi32>
        %gather3A = tpu.vector_load_idx %arg6[%and3A_6, %broadcast_in_dim3A, %and3A_1549] masked %lt3A_4 : memref<4x64x128xf32, #tpu.memory_space<vmem>>[vector<16xi32>, vector<16xi32>, vector<16xi32>], vector<16xf32>, vector<16xi1>
        %mul3A_1737 = arith.constant 2 : i32
        %mul3A_1738 = arith.muli %mul3A_1737, %scan3A_1733 : i32
        %add3A_1739 = arith.constant 1 : i32
        %add3A_1740 = arith.addi %mul3A_1738, %add3A_1739 : i32
        %broadcast_in_dim3A_1741 = vector.broadcast %add3A_1740 : i32 to vector<16xi32>
        %gather3A_1742 = tpu.vector_load_idx %arg6[%and3A_6, %broadcast_in_dim3A_1741, %and3A_1549] masked %lt3A_4 : memref<4x64x128xf32, #tpu.memory_space<vmem>>[vector<16xi32>, vector<16xi32>, vector<16xi32>], vector<16xf32>, vector<16xi1>
        %pack3A = tpu.pack_subelements %gather3A, %gather3A_1742 {pack_format = #tpu.pack_format<interleaved>, positions = array<i32: 0, 1>} : vector<16xf32>, vector<16xf32> -> vector<32xbf16>
        %bitcast3A = vector.bitcast %pack3A : vector<32xbf16> to vector<16xi32>
        %broadcast_in_dim3A_1743 = vector.broadcast %scan3A_1733 : i32 to vector<16xi32>
        %mul3A_1744 = arith.constant 4 : i32
        %mul3A_1745 = arith.muli %add3A_1482, %mul3A_1744 : i32
        %add3A_1746 = vector.broadcast %mul3A_1745 : i32 to vector<16xi32>
        %add3A_1747 = arith.addi %add3A_1746, %iota3A : vector<16xi32>
        tpu.vector_store_idx %arg9[%broadcast_in_dim3A_1743, %add3A_1747], %bitcast3A masked %lt3A_4 : memref<32x512xi32, #tpu.memory_space<vmem>>[vector<16xi32>, vector<16xi32>], vector<16xi32>, vector<16xi1>
        %scan3A_1748 = arith.constant 0 : i32
        scf.yield %scan3A_1748 : i32
      }
      %scan3A_1556 = arith.constant 32 : i32
      %add3A_1557 = arith.constant 3 : i32
      %add3A_1558 = arith.addi %add3A_1482, %add3A_1557 : i32
      %lt3A_1559 = arith.constant 128 : i32
      %lt3A_1560 = arith.cmpi slt, %add3A_1558, %lt3A_1559 : i32
      %convert_element_type3A = arith.extui %lt3A_1560 : i1 to i32
      %cond3A = arith.constant 0 : i32
      %cond3A_1561 = arith.cmpi ne, %convert_element_type3A, %cond3A : i32
      scf.if %cond3A_1561 {
        %add3A_1733 = arith.constant 3 : i32
        %add3A_1734 = arith.addi %add3A_1482, %add3A_1733 : i32
        %mul3A_1735 = arith.constant 4 : i32
        %mul3A_1736 = arith.muli %add3A_1734, %mul3A_1735 : i32
        %get3A_1737 = arith.index_cast %mul3A_1736 : i32 to index
        %get3A_1738 = tpu.vector_load %arg5[%get3A_1737] {strides = array<i32>} : memref<528xi32, #tpu.memory_space<vmem>>, vector<16xi32>,
        %slice3A_1739 = vector.extract_strided_slice %get3A_1738 {offsets = [0], sizes = [1], strides = [1]} : vector<16xi32> to vector<1xi32>
        %squeeze3A_1740 = vector.extract %slice3A_1739[0] : i32 from vector<1xi32>
        %shift_right_logical3A_1741 = arith.constant 7 : i32
        %shift_right_logical3A_1742 = arith.shrui %squeeze3A_1740, %shift_right_logical3A_1741 : i32
        %mul3A_1743 = arith.constant 128 : i32
        %mul3A_1744 = arith.muli %shift_right_logical3A_1742, %mul3A_1743 : i32
        %dma_start3A_1745 = arith.constant 0 : i32
        %dma_start3A_1746 = arith.constant 0 : i32
        %dma_start3A_1747 = arith.constant 0 : i32
        %dma_start3A_1748 = tpu.memref_slice %arg6[%dma_start3A_1745, %dma_start3A_1746, %dma_start3A_1747] : memref<4x64x128xf32, #tpu.memory_space<vmem>> -> memref<1x8x128xf32, #tpu.memory_space<vmem>>
        %dma_start3A_1749 = tpu.memref_squeeze %dma_start3A_1748 : memref<1x8x128xf32, #tpu.memory_space<vmem>> -> memref<8x128xf32, #tpu.memory_space<vmem>>
        %dma_start3A_1750 = arith.constant 0 : i32
        %dma_start3A_1751 = tpu.memref_slice %arg2[%dma_start3A_1750, %mul3A_1744] : memref<64x1000000xf32, #tpu.memory_space<hbm>> -> memref<8x128xf32, #tpu.memory_space<hbm>>
        %dma_start3A_1752 = arith.constant 0 : i32
        %dma_start3A_1753 = arith.constant 0 : i32
        %dma_start3A_1754 = tpu.memref_slice %arg6[%dma_start3A_1745, %dma_start3A_1752, %dma_start3A_1753] : memref<4x64x128xf32, #tpu.memory_space<vmem>> -> memref<1x8x128xf32, #tpu.memory_space<vmem>>
        %dma_start3A_1755 = tpu.memref_squeeze %dma_start3A_1754 : memref<1x8x128xf32, #tpu.memory_space<vmem>> -> memref<8x128xf32, #tpu.memory_space<vmem>>
        %dma_start3A_1756 = arith.constant 0 : i32
        %dma_start3A_1757 = tpu.memref_slice %arg2[%dma_start3A_1756, %mul3A_1744] : memref<64x1000000xf32, #tpu.memory_space<hbm>> -> memref<8x128xf32, #tpu.memory_space<hbm>>
        tpu.enqueue_dma source(%dma_start3A_1757 : memref<8x128xf32, #tpu.memory_space<hbm>>) target(%dma_start3A_1755 : memref<8x128xf32, #tpu.memory_space<vmem>>) target_semaphore(%arg10 : memref<!tpu.dma_semaphore, #tpu.memory_space<semaphore_mem>>)
        %dma_start3A_1758 = arith.constant 0 : i32
        %dma_start3A_1759 = arith.constant 8 : i32
        %dma_start3A_1760 = arith.constant 0 : i32
        %dma_start3A_1761 = tpu.memref_slice %arg6[%dma_start3A_1758, %dma_start3A_1759, %dma_start3A_1760] : memref<4x64x128xf32, #tpu.memory_space<vmem>> -> memref<1x8x128xf32, #tpu.memory_space<vmem>>
        %dma_start3A_1762 = tpu.memref_squeeze %dma_start3A_1761 : memref<1x8x128xf32, #tpu.memory_space<vmem>> -> memref<8x128xf32, #tpu.memory_space<vmem>>
        %dma_start3A_1763 = arith.constant 8 : i32
        %dma_start3A_1764 = tpu.memref_slice %arg2[%dma_start3A_1763, %mul3A_1744] : memref<64x1000000xf32, #tpu.memory_space<hbm>> -> memref<8x128xf32, #tpu.memory_space<hbm>>
        %dma_start3A_1765 = arith.constant 8 : i32
        %dma_start3A_1766 = arith.constant 0 : i32
        %dma_start3A_1767 = tpu.memref_slice %arg6[%dma_start3A_1758, %dma_start3A_1765, %dma_start3A_1766] : memref<4x64x128xf32, #tpu.memory_space<vmem>> -> memref<1x8x128xf32, #tpu.memory_space<vmem>>
        %dma_start3A_1768 = tpu.memref_squeeze %dma_start3A_1767 : memref<1x8x128xf32, #tpu.memory_space<vmem>> -> memref<8x128xf32, #tpu.memory_space<vmem>>
        %dma_start3A_1769 = arith.constant 8 : i32
        %dma_start3A_1770 = tpu.memref_slice %arg2[%dma_start3A_1769, %mul3A_1744] : memref<64x1000000xf32, #tpu.memory_space<hbm>> -> memref<8x128xf32, #tpu.memory_space<hbm>>
        tpu.enqueue_dma source(%dma_start3A_1770 : memref<8x128xf32, #tpu.memory_space<hbm>>) target(%dma_start3A_1768 : memref<8x128xf32, #tpu.memory_space<vmem>>) target_semaphore(%arg10 : memref<!tpu.dma_semaphore, #tpu.memory_space<semaphore_mem>>)
        %dma_start3A_1771 = arith.constant 0 : i32
        %dma_start3A_1772 = arith.constant 16 : i32
        %dma_start3A_1773 = arith.constant 0 : i32
        %dma_start3A_1774 = tpu.memref_slice %arg6[%dma_start3A_1771, %dma_start3A_1772, %dma_start3A_1773] : memref<4x64x128xf32, #tpu.memory_space<vmem>> -> memref<1x8x128xf32, #tpu.memory_space<vmem>>
        %dma_start3A_1775 = tpu.memref_squeeze %dma_start3A_1774 : memref<1x8x128xf32, #tpu.memory_space<vmem>> -> memref<8x128xf32, #tpu.memory_space<vmem>>
        %dma_start3A_1776 = arith.constant 16 : i32
        %dma_start3A_1777 = tpu.memref_slice %arg2[%dma_start3A_1776, %mul3A_1744] : memref<64x1000000xf32, #tpu.memory_space<hbm>> -> memref<8x128xf32, #tpu.memory_space<hbm>>
        %dma_start3A_1778 = arith.constant 16 : i32
        %dma_start3A_1779 = arith.constant 0 : i32
        %dma_start3A_1780 = tpu.memref_slice %arg6[%dma_start3A_1771, %dma_start3A_1778, %dma_start3A_1779] : memref<4x64x128xf32, #tpu.memory_space<vmem>> -> memref<1x8x128xf32, #tpu.memory_space<vmem>>
        %dma_start3A_1781 = tpu.memref_squeeze %dma_start3A_1780 : memref<1x8x128xf32, #tpu.memory_space<vmem>> -> memref<8x128xf32, #tpu.memory_space<vmem>>
        %dma_start3A_1782 = arith.constant 16 : i32
        %dma_start3A_1783 = tpu.memref_slice %arg2[%dma_start3A_1782, %mul3A_1744] : memref<64x1000000xf32, #tpu.memory_space<hbm>> -> memref<8x128xf32, #tpu.memory_space<hbm>>
        tpu.enqueue_dma source(%dma_start3A_1783 : memref<8x128xf32, #tpu.memory_space<hbm>>) target(%dma_start3A_1781 : memref<8x128xf32, #tpu.memory_space<vmem>>) target_semaphore(%arg10 : memref<!tpu.dma_semaphore, #tpu.memory_space<semaphore_mem>>)
        %dma_start3A_1784 = arith.constant 0 : i32
        %dma_start3A_1785 = arith.constant 24 : i32
        %dma_start3A_1786 = arith.constant 0 : i32
        %dma_start3A_1787 = tpu.memref_slice %arg6[%dma_start3A_1784, %dma_start3A_1785, %dma_start3A_1786] : memref<4x64x128xf32, #tpu.memory_space<vmem>> -> memref<1x8x128xf32, #tpu.memory_space<vmem>>
        %dma_start3A_1788 = tpu.memref_squeeze %dma_start3A_1787 : memref<1x8x128xf32, #tpu.memory_space<vmem>> -> memref<8x128xf32, #tpu.memory_space<vmem>>
        %dma_start3A_1789 = arith.constant 24 : i32
        %dma_start3A_1790 = tpu.memref_slice %arg2[%dma_start3A_1789, %mul3A_1744] : memref<64x1000000xf32, #tpu.memory_space<hbm>> -> memref<8x128xf32, #tpu.memory_space<hbm>>
        %dma_start3A_1791 = arith.constant 24 : i32
        %dma_start3A_1792 = arith.constant 0 : i32
        %dma_start3A_1793 = tpu.memref_slice %arg6[%dma_start3A_1784, %dma_start3A_1791, %dma_start3A_1792] : memref<4x64x128xf32, #tpu.memory_space<vmem>> -> memref<1x8x128xf32, #tpu.memory_space<vmem>>
        %dma_start3A_1794 = tpu.memref_squeeze %dma_start3A_1793 : memref<1x8x128xf32, #tpu.memory_space<vmem>> -> memref<8x128xf32, #tpu.memory_space<vmem>>
        %dma_start3A_1795 = arith.constant 24 : i32
        %dma_start3A_1796 = tpu.memref_slice %arg2[%dma_start3A_1795, %mul3A_1744] : memref<64x1000000xf32, #tpu.memory_space<hbm>> -> memref<8x128xf32, #tpu.memory_space<hbm>>
        tpu.enqueue_dma source(%dma_start3A_1796 : memref<8x128xf32, #tpu.memory_space<hbm>>) target(%dma_start3A_1794 : memref<8x128xf32, #tpu.memory_space<vmem>>) target_semaphore(%arg10 : memref<!tpu.dma_semaphore, #tpu.memory_space<semaphore_mem>>)
        %dma_start3A_1797 = arith.constant 0 : i32
        %dma_start3A_1798 = arith.constant 32 : i32
        %dma_start3A_1799 = arith.constant 0 : i32
        %dma_start3A_1800 = tpu.memref_slice %arg6[%dma_start3A_1797, %dma_start3A_1798, %dma_start3A_1799] : memref<4x64x128xf32, #tpu.memory_space<vmem>> -> memref<1x8x128xf32, #tpu.memory_space<vmem>>
        %dma_start3A_1801 = tpu.memref_squeeze %dma_start3A_1800 : memref<1x8x128xf32, #tpu.memory_space<vmem>> -> memref<8x128xf32, #tpu.memory_space<vmem>>
        %dma_start3A_1802 = arith.constant 32 : i32
        %dma_start3A_1803 = tpu.memref_slice %arg2[%dma_start3A_1802, %mul3A_1744] : memref<64x1000000xf32, #tpu.memory_space<hbm>> -> memref<8x128xf32, #tpu.memory_space<hbm>>
        %dma_start3A_1804 = arith.constant 32 : i32
        %dma_start3A_1805 = arith.constant 0 : i32
        %dma_start3A_1806 = tpu.memref_slice %arg6[%dma_start3A_1797, %dma_start3A_1804, %dma_start3A_1805] : memref<4x64x128xf32, #tpu.memory_space<vmem>> -> memref<1x8x128xf32, #tpu.memory_space<vmem>>
        %dma_start3A_1807 = tpu.memref_squeeze %dma_start3A_1806 : memref<1x8x128xf32, #tpu.memory_space<vmem>> -> memref<8x128xf32, #tpu.memory_space<vmem>>
        %dma_start3A_1808 = arith.constant 32 : i32
        %dma_start3A_1809 = tpu.memref_slice %arg2[%dma_start3A_1808, %mul3A_1744] : memref<64x1000000xf32, #tpu.memory_space<hbm>> -> memref<8x128xf32, #tpu.memory_space<hbm>>
        tpu.enqueue_dma source(%dma_start3A_1809 : memref<8x128xf32, #tpu.memory_space<hbm>>) target(%dma_start3A_1807 : memref<8x128xf32, #tpu.memory_space<vmem>>) target_semaphore(%arg10 : memref<!tpu.dma_semaphore, #tpu.memory_space<semaphore_mem>>)
        %dma_start3A_1810 = arith.constant 0 : i32
        %dma_start3A_1811 = arith.constant 40 : i32
        %dma_start3A_1812 = arith.constant 0 : i32
        %dma_start3A_1813 = tpu.memref_slice %arg6[%dma_start3A_1810, %dma_start3A_1811, %dma_start3A_1812] : memref<4x64x128xf32, #tpu.memory_space<vmem>> -> memref<1x8x128xf32, #tpu.memory_space<vmem>>
        %dma_start3A_1814 = tpu.memref_squeeze %dma_start3A_1813 : memref<1x8x128xf32, #tpu.memory_space<vmem>> -> memref<8x128xf32, #tpu.memory_space<vmem>>
        %dma_start3A_1815 = arith.constant 40 : i32
        %dma_start3A_1816 = tpu.memref_slice %arg2[%dma_start3A_1815, %mul3A_1744] : memref<64x1000000xf32, #tpu.memory_space<hbm>> -> memref<8x128xf32, #tpu.memory_space<hbm>>
        %dma_start3A_1817 = arith.constant 40 : i32
        %dma_start3A_1818 = arith.constant 0 : i32
        %dma_start3A_1819 = tpu.memref_slice %arg6[%dma_start3A_1810, %dma_start3A_1817, %dma_start3A_1818] : memref<4x64x128xf32, #tpu.memory_space<vmem>> -> memref<1x8x128xf32, #tpu.memory_space<vmem>>
        %dma_start3A_1820 = tpu.memref_squeeze %dma_start3A_1819 : memref<1x8x128xf32, #tpu.memory_space<vmem>> -> memref<8x128xf32, #tpu.memory_space<vmem>>
        %dma_start3A_1821 = arith.constant 40 : i32
        %dma_start3A_1822 = tpu.memref_slice %arg2[%dma_start3A_1821, %mul3A_1744] : memref<64x1000000xf32, #tpu.memory_space<hbm>> -> memref<8x128xf32, #tpu.memory_space<hbm>>
        tpu.enqueue_dma source(%dma_start3A_1822 : memref<8x128xf32, #tpu.memory_space<hbm>>) target(%dma_start3A_1820 : memref<8x128xf32, #tpu.memory_space<vmem>>) target_semaphore(%arg10 : memref<!tpu.dma_semaphore, #tpu.memory_space<semaphore_mem>>)
        %dma_start3A_1823 = arith.constant 0 : i32
        %dma_start3A_1824 = arith.constant 48 : i32
        %dma_start3A_1825 = arith.constant 0 : i32
        %dma_start3A_1826 = tpu.memref_slice %arg6[%dma_start3A_1823, %dma_start3A_1824, %dma_start3A_1825] : memref<4x64x128xf32, #tpu.memory_space<vmem>> -> memref<1x8x128xf32, #tpu.memory_space<vmem>>
        %dma_start3A_1827 = tpu.memref_squeeze %dma_start3A_1826 : memref<1x8x128xf32, #tpu.memory_space<vmem>> -> memref<8x128xf32, #tpu.memory_space<vmem>>
        %dma_start3A_1828 = arith.constant 48 : i32
        %dma_start3A_1829 = tpu.memref_slice %arg2[%dma_start3A_1828, %mul3A_1744] : memref<64x1000000xf32, #tpu.memory_space<hbm>> -> memref<8x128xf32, #tpu.memory_space<hbm>>
        %dma_start3A_1830 = arith.constant 48 : i32
        %dma_start3A_1831 = arith.constant 0 : i32
        %dma_start3A_1832 = tpu.memref_slice %arg6[%dma_start3A_1823, %dma_start3A_1830, %dma_start3A_1831] : memref<4x64x128xf32, #tpu.memory_space<vmem>> -> memref<1x8x128xf32, #tpu.memory_space<vmem>>
        %dma_start3A_1833 = tpu.memref_squeeze %dma_start3A_1832 : memref<1x8x128xf32, #tpu.memory_space<vmem>> -> memref<8x128xf32, #tpu.memory_space<vmem>>
        %dma_start3A_1834 = arith.constant 48 : i32
        %dma_start3A_1835 = tpu.memref_slice %arg2[%dma_start3A_1834, %mul3A_1744] : memref<64x1000000xf32, #tpu.memory_space<hbm>> -> memref<8x128xf32, #tpu.memory_space<hbm>>
        tpu.enqueue_dma source(%dma_start3A_1835 : memref<8x128xf32, #tpu.memory_space<hbm>>) target(%dma_start3A_1833 : memref<8x128xf32, #tpu.memory_space<vmem>>) target_semaphore(%arg10 : memref<!tpu.dma_semaphore, #tpu.memory_space<semaphore_mem>>)
        %dma_start3A_1836 = arith.constant 0 : i32
        %dma_start3A_1837 = arith.constant 56 : i32
        %dma_start3A_1838 = arith.constant 0 : i32
        %dma_start3A_1839 = tpu.memref_slice %arg6[%dma_start3A_1836, %dma_start3A_1837, %dma_start3A_1838] : memref<4x64x128xf32, #tpu.memory_space<vmem>> -> memref<1x8x128xf32, #tpu.memory_space<vmem>>
        %dma_start3A_1840 = tpu.memref_squeeze %dma_start3A_1839 : memref<1x8x128xf32, #tpu.memory_space<vmem>> -> memref<8x128xf32, #tpu.memory_space<vmem>>
        %dma_start3A_1841 = arith.constant 56 : i32
        %dma_start3A_1842 = tpu.memref_slice %arg2[%dma_start3A_1841, %mul3A_1744] : memref<64x1000000xf32, #tpu.memory_space<hbm>> -> memref<8x128xf32, #tpu.memory_space<hbm>>
        %dma_start3A_1843 = arith.constant 56 : i32
        %dma_start3A_1844 = arith.constant 0 : i32
        %dma_start3A_1845 = tpu.memref_slice %arg6[%dma_start3A_1836, %dma_start3A_1843, %dma_start3A_1844] : memref<4x64x128xf32, #tpu.memory_space<vmem>> -> memref<1x8x128xf32, #tpu.memory_space<vmem>>
        %dma_start3A_1846 = tpu.memref_squeeze %dma_start3A_1845 : memref<1x8x128xf32, #tpu.memory_space<vmem>> -> memref<8x128xf32, #tpu.memory_space<vmem>>
        %dma_start3A_1847 = arith.constant 56 : i32
        %dma_start3A_1848 = tpu.memref_slice %arg2[%dma_start3A_1847, %mul3A_1744] : memref<64x1000000xf32, #tpu.memory_space<hbm>> -> memref<8x128xf32, #tpu.memory_space<hbm>>
        tpu.enqueue_dma source(%dma_start3A_1848 : memref<8x128xf32, #tpu.memory_space<hbm>>) target(%dma_start3A_1846 : memref<8x128xf32, #tpu.memory_space<vmem>>) target_semaphore(%arg10 : memref<!tpu.dma_semaphore, #tpu.memory_space<semaphore_mem>>)
        %slice3A_1849 = vector.extract_strided_slice %get3A_1738 {offsets = [1], sizes = [1], strides = [1]} : vector<16xi32> to vector<1xi32>
        %squeeze3A_1850 = vector.extract %slice3A_1849[0] : i32 from vector<1xi32>
        %shift_right_logical3A_1851 = arith.constant 7 : i32
        %shift_right_logical3A_1852 = arith.shrui %squeeze3A_1850, %shift_right_logical3A_1851 : i32
        %mul3A_1853 = arith.constant 128 : i32
        %mul3A_1854 = arith.muli %shift_right_logical3A_1852, %mul3A_1853 : i32
        %dma_start3A_1855 = arith.constant 1 : i32
        %dma_start3A_1856 = arith.constant 0 : i32
        %dma_start3A_1857 = arith.constant 0 : i32
        %dma_start3A_1858 = tpu.memref_slice %arg6[%dma_start3A_1855, %dma_start3A_1856, %dma_start3A_1857] : memref<4x64x128xf32, #tpu.memory_space<vmem>> -> memref<1x8x128xf32, #tpu.memory_space<vmem>>
        %dma_start3A_1859 = tpu.memref_squeeze %dma_start3A_1858 : memref<1x8x128xf32, #tpu.memory_space<vmem>> -> memref<8x128xf32, #tpu.memory_space<vmem>>
        %dma_start3A_1860 = arith.constant 0 : i32
        %dma_start3A_1861 = tpu.memref_slice %arg2[%dma_start3A_1860, %mul3A_1854] : memref<64x1000000xf32, #tpu.memory_space<hbm>> -> memref<8x128xf32, #tpu.memory_space<hbm>>
        %dma_start3A_1862 = arith.constant 0 : i32
        %dma_start3A_1863 = arith.constant 0 : i32
        %dma_start3A_1864 = tpu.memref_slice %arg6[%dma_start3A_1855, %dma_start3A_1862, %dma_start3A_1863] : memref<4x64x128xf32, #tpu.memory_space<vmem>> -> memref<1x8x128xf32, #tpu.memory_space<vmem>>
        %dma_start3A_1865 = tpu.memref_squeeze %dma_start3A_1864 : memref<1x8x128xf32, #tpu.memory_space<vmem>> -> memref<8x128xf32, #tpu.memory_space<vmem>>
        %dma_start3A_1866 = arith.constant 0 : i32
        %dma_start3A_1867 = tpu.memref_slice %arg2[%dma_start3A_1866, %mul3A_1854] : memref<64x1000000xf32, #tpu.memory_space<hbm>> -> memref<8x128xf32, #tpu.memory_space<hbm>>
        tpu.enqueue_dma source(%dma_start3A_1867 : memref<8x128xf32, #tpu.memory_space<hbm>>) target(%dma_start3A_1865 : memref<8x128xf32, #tpu.memory_space<vmem>>) target_semaphore(%arg10 : memref<!tpu.dma_semaphore, #tpu.memory_space<semaphore_mem>>)
        %dma_start3A_1868 = arith.constant 1 : i32
        %dma_start3A_1869 = arith.constant 8 : i32
        %dma_start3A_1870 = arith.constant 0 : i32
        %dma_start3A_1871 = tpu.memref_slice %arg6[%dma_start3A_1868, %dma_start3A_1869, %dma_start3A_1870] : memref<4x64x128xf32, #tpu.memory_space<vmem>> -> memref<1x8x128xf32, #tpu.memory_space<vmem>>
        %dma_start3A_1872 = tpu.memref_squeeze %dma_start3A_1871 : memref<1x8x128xf32, #tpu.memory_space<vmem>> -> memref<8x128xf32, #tpu.memory_space<vmem>>
        %dma_start3A_1873 = arith.constant 8 : i32
        %dma_start3A_1874 = tpu.memref_slice %arg2[%dma_start3A_1873, %mul3A_1854] : memref<64x1000000xf32, #tpu.memory_space<hbm>> -> memref<8x128xf32, #tpu.memory_space<hbm>>
        %dma_start3A_1875 = arith.constant 8 : i32
        %dma_start3A_1876 = arith.constant 0 : i32
        %dma_start3A_1877 = tpu.memref_slice %arg6[%dma_start3A_1868, %dma_start3A_1875, %dma_start3A_1876] : memref<4x64x128xf32, #tpu.memory_space<vmem>> -> memref<1x8x128xf32, #tpu.memory_space<vmem>>
        %dma_start3A_1878 = tpu.memref_squeeze %dma_start3A_1877 : memref<1x8x128xf32, #tpu.memory_space<vmem>> -> memref<8x128xf32, #tpu.memory_space<vmem>>
        %dma_start3A_1879 = arith.constant 8 : i32
        %dma_start3A_1880 = tpu.memref_slice %arg2[%dma_start3A_1879, %mul3A_1854] : memref<64x1000000xf32, #tpu.memory_space<hbm>> -> memref<8x128xf32, #tpu.memory_space<hbm>>
        tpu.enqueue_dma source(%dma_start3A_1880 : memref<8x128xf32, #tpu.memory_space<hbm>>) target(%dma_start3A_1878 : memref<8x128xf32, #tpu.memory_space<vmem>>) target_semaphore(%arg10 : memref<!tpu.dma_semaphore, #tpu.memory_space<semaphore_mem>>)
        %dma_start3A_1881 = arith.constant 1 : i32
        %dma_start3A_1882 = arith.constant 16 : i32
        %dma_start3A_1883 = arith.constant 0 : i32
        %dma_start3A_1884 = tpu.memref_slice %arg6[%dma_start3A_1881, %dma_start3A_1882, %dma_start3A_1883] : memref<4x64x128xf32, #tpu.memory_space<vmem>> -> memref<1x8x128xf32, #tpu.memory_space<vmem>>
        %dma_start3A_1885 = tpu.memref_squeeze %dma_start3A_1884 : memref<1x8x128xf32, #tpu.memory_space<vmem>> -> memref<8x128xf32, #tpu.memory_space<vmem>>
        %dma_start3A_1886 = arith.constant 16 : i32
        %dma_start3A_1887 = tpu.memref_slice %arg2[%dma_start3A_1886, %mul3A_1854] : memref<64x1000000xf32, #tpu.memory_space<hbm>> -> memref<8x128xf32, #tpu.memory_space<hbm>>
        %dma_start3A_1888 = arith.constant 16 : i32
        %dma_start3A_1889 = arith.constant 0 : i32
        %dma_start3A_1890 = tpu.memref_slice %arg6[%dma_start3A_1881, %dma_start3A_1888, %dma_start3A_1889] : memref<4x64x128xf32, #tpu.memory_space<vmem>> -> memref<1x8x128xf32, #tpu.memory_space<vmem>>
        %dma_start3A_1891 = tpu.memref_squeeze %dma_start3A_1890 : memref<1x8x128xf32, #tpu.memory_space<vmem>> -> memref<8x128xf32, #tpu.memory_space<vmem>>
        %dma_start3A_1892 = arith.constant 16 : i32
        %dma_start3A_1893 = tpu.memref_slice %arg2[%dma_start3A_1892, %mul3A_1854] : memref<64x1000000xf32, #tpu.memory_space<hbm>> -> memref<8x128xf32, #tpu.memory_space<hbm>>
        tpu.enqueue_dma source(%dma_start3A_1893 : memref<8x128xf32, #tpu.memory_space<hbm>>) target(%dma_start3A_1891 : memref<8x128xf32, #tpu.memory_space<vmem>>) target_semaphore(%arg10 : memref<!tpu.dma_semaphore, #tpu.memory_space<semaphore_mem>>)
        %dma_start3A_1894 = arith.constant 1 : i32
        %dma_start3A_1895 = arith.constant 24 : i32
        %dma_start3A_1896 = arith.constant 0 : i32
        %dma_start3A_1897 = tpu.memref_slice %arg6[%dma_start3A_1894, %dma_start3A_1895, %dma_start3A_1896] : memref<4x64x128xf32, #tpu.memory_space<vmem>> -> memref<1x8x128xf32, #tpu.memory_space<vmem>>
        %dma_start3A_1898 = tpu.memref_squeeze %dma_start3A_1897 : memref<1x8x128xf32, #tpu.memory_space<vmem>> -> memref<8x128xf32, #tpu.memory_space<vmem>>
        %dma_start3A_1899 = arith.constant 24 : i32
        %dma_start3A_1900 = tpu.memref_slice %arg2[%dma_start3A_1899, %mul3A_1854] : memref<64x1000000xf32, #tpu.memory_space<hbm>> -> memref<8x128xf32, #tpu.memory_space<hbm>>
        %dma_start3A_1901 = arith.constant 24 : i32
        %dma_start3A_1902 = arith.constant 0 : i32
        %dma_start3A_1903 = tpu.memref_slice %arg6[%dma_start3A_1894, %dma_start3A_1901, %dma_start3A_1902] : memref<4x64x128xf32, #tpu.memory_space<vmem>> -> memref<1x8x128xf32, #tpu.memory_space<vmem>>
        %dma_start3A_1904 = tpu.memref_squeeze %dma_start3A_1903 : memref<1x8x128xf32, #tpu.memory_space<vmem>> -> memref<8x128xf32, #tpu.memory_space<vmem>>
        %dma_start3A_1905 = arith.constant 24 : i32
        %dma_start3A_1906 = tpu.memref_slice %arg2[%dma_start3A_1905, %mul3A_1854] : memref<64x1000000xf32, #tpu.memory_space<hbm>> -> memref<8x128xf32, #tpu.memory_space<hbm>>
        tpu.enqueue_dma source(%dma_start3A_1906 : memref<8x128xf32, #tpu.memory_space<hbm>>) target(%dma_start3A_1904 : memref<8x128xf32, #tpu.memory_space<vmem>>) target_semaphore(%arg10 : memref<!tpu.dma_semaphore, #tpu.memory_space<semaphore_mem>>)
        %dma_start3A_1907 = arith.constant 1 : i32
        %dma_start3A_1908 = arith.constant 32 : i32
        %dma_start3A_1909 = arith.constant 0 : i32
        %dma_start3A_1910 = tpu.memref_slice %arg6[%dma_start3A_1907, %dma_start3A_1908, %dma_start3A_1909] : memref<4x64x128xf32, #tpu.memory_space<vmem>> -> memref<1x8x128xf32, #tpu.memory_space<vmem>>
        %dma_start3A_1911 = tpu.memref_squeeze %dma_start3A_1910 : memref<1x8x128xf32, #tpu.memory_space<vmem>> -> memref<8x128xf32, #tpu.memory_space<vmem>>
        %dma_start3A_1912 = arith.constant 32 : i32
        %dma_start3A_1913 = tpu.memref_slice %arg2[%dma_start3A_1912, %mul3A_1854] : memref<64x1000000xf32, #tpu.memory_space<hbm>> -> memref<8x128xf32, #tpu.memory_space<hbm>>
        %dma_start3A_1914 = arith.constant 32 : i32
        %dma_start3A_1915 = arith.constant 0 : i32
        %dma_start3A_1916 = tpu.memref_slice %arg6[%dma_start3A_1907, %dma_start3A_1914, %dma_start3A_1915] : memref<4x64x128xf32, #tpu.memory_space<vmem>> -> memref<1x8x128xf32, #tpu.memory_space<vmem>>
        %dma_start3A_1917 = tpu.memref_squeeze %dma_start3A_1916 : memref<1x8x128xf32, #tpu.memory_space<vmem>> -> memref<8x128xf32, #tpu.memory_space<vmem>>
        %dma_start3A_1918 = arith.constant 32 : i32
        %dma_start3A_1919 = tpu.memref_slice %arg2[%dma_start3A_1918, %mul3A_1854] : memref<64x1000000xf32, #tpu.memory_space<hbm>> -> memref<8x128xf32, #tpu.memory_space<hbm>>
        tpu.enqueue_dma source(%dma_start3A_1919 : memref<8x128xf32, #tpu.memory_space<hbm>>) target(%dma_start3A_1917 : memref<8x128xf32, #tpu.memory_space<vmem>>) target_semaphore(%arg10 : memref<!tpu.dma_semaphore, #tpu.memory_space<semaphore_mem>>)
        %dma_start3A_1920 = arith.constant 1 : i32
        %dma_start3A_1921 = arith.constant 40 : i32
        %dma_start3A_1922 = arith.constant 0 : i32
        %dma_start3A_1923 = tpu.memref_slice %arg6[%dma_start3A_1920, %dma_start3A_1921, %dma_start3A_1922] : memref<4x64x128xf32, #tpu.memory_space<vmem>> -> memref<1x8x128xf32, #tpu.memory_space<vmem>>
        %dma_start3A_1924 = tpu.memref_squeeze %dma_start3A_1923 : memref<1x8x128xf32, #tpu.memory_space<vmem>> -> memref<8x128xf32, #tpu.memory_space<vmem>>
        %dma_start3A_1925 = arith.constant 40 : i32
        %dma_start3A_1926 = tpu.memref_slice %arg2[%dma_start3A_1925, %mul3A_1854] : memref<64x1000000xf32, #tpu.memory_space<hbm>> -> memref<8x128xf32, #tpu.memory_space<hbm>>
        %dma_start3A_1927 = arith.constant 40 : i32
        %dma_start3A_1928 = arith.constant 0 : i32
        %dma_start3A_1929 = tpu.memref_slice %arg6[%dma_start3A_1920, %dma_start3A_1927, %dma_start3A_1928] : memref<4x64x128xf32, #tpu.memory_space<vmem>> -> memref<1x8x128xf32, #tpu.memory_space<vmem>>
        %dma_start3A_1930 = tpu.memref_squeeze %dma_start3A_1929 : memref<1x8x128xf32, #tpu.memory_space<vmem>> -> memref<8x128xf32, #tpu.memory_space<vmem>>
        %dma_start3A_1931 = arith.constant 40 : i32
        %dma_start3A_1932 = tpu.memref_slice %arg2[%dma_start3A_1931, %mul3A_1854] : memref<64x1000000xf32, #tpu.memory_space<hbm>> -> memref<8x128xf32, #tpu.memory_space<hbm>>
        tpu.enqueue_dma source(%dma_start3A_1932 : memref<8x128xf32, #tpu.memory_space<hbm>>) target(%dma_start3A_1930 : memref<8x128xf32, #tpu.memory_space<vmem>>) target_semaphore(%arg10 : memref<!tpu.dma_semaphore, #tpu.memory_space<semaphore_mem>>)
        %dma_start3A_1933 = arith.constant 1 : i32
        %dma_start3A_1934 = arith.constant 48 : i32
        %dma_start3A_1935 = arith.constant 0 : i32
        %dma_start3A_1936 = tpu.memref_slice %arg6[%dma_start3A_1933, %dma_start3A_1934, %dma_start3A_1935] : memref<4x64x128xf32, #tpu.memory_space<vmem>> -> memref<1x8x128xf32, #tpu.memory_space<vmem>>
        %dma_start3A_1937 = tpu.memref_squeeze %dma_start3A_1936 : memref<1x8x128xf32, #tpu.memory_space<vmem>> -> memref<8x128xf32, #tpu.memory_space<vmem>>
        %dma_start3A_1938 = arith.constant 48 : i32
        %dma_start3A_1939 = tpu.memref_slice %arg2[%dma_start3A_1938, %mul3A_1854] : memref<64x1000000xf32, #tpu.memory_space<hbm>> -> memref<8x128xf32, #tpu.memory_space<hbm>>
        %dma_start3A_1940 = arith.constant 48 : i32
        %dma_start3A_1941 = arith.constant 0 : i32
        %dma_start3A_1942 = tpu.memref_slice %arg6[%dma_start3A_1933, %dma_start3A_1940, %dma_start3A_1941] : memref<4x64x128xf32, #tpu.memory_space<vmem>> -> memref<1x8x128xf32, #tpu.memory_space<vmem>>
        %dma_start3A_1943 = tpu.memref_squeeze %dma_start3A_1942 : memref<1x8x128xf32, #tpu.memory_space<vmem>> -> memref<8x128xf32, #tpu.memory_space<vmem>>
        %dma_start3A_1944 = arith.constant 48 : i32
        %dma_start3A_1945 = tpu.memref_slice %arg2[%dma_start3A_1944, %mul3A_1854] : memref<64x1000000xf32, #tpu.memory_space<hbm>> -> memref<8x128xf32, #tpu.memory_space<hbm>>
        tpu.enqueue_dma source(%dma_start3A_1945 : memref<8x128xf32, #tpu.memory_space<hbm>>) target(%dma_start3A_1943 : memref<8x128xf32, #tpu.memory_space<vmem>>) target_semaphore(%arg10 : memref<!tpu.dma_semaphore, #tpu.memory_space<semaphore_mem>>)
        %dma_start3A_1946 = arith.constant 1 : i32
        %dma_start3A_1947 = arith.constant 56 : i32
        %dma_start3A_1948 = arith.constant 0 : i32
        %dma_start3A_1949 = tpu.memref_slice %arg6[%dma_start3A_1946, %dma_start3A_1947, %dma_start3A_1948] : memref<4x64x128xf32, #tpu.memory_space<vmem>> -> memref<1x8x128xf32, #tpu.memory_space<vmem>>
        %dma_start3A_1950 = tpu.memref_squeeze %dma_start3A_1949 : memref<1x8x128xf32, #tpu.memory_space<vmem>> -> memref<8x128xf32, #tpu.memory_space<vmem>>
        %dma_start3A_1951 = arith.constant 56 : i32
        %dma_start3A_1952 = tpu.memref_slice %arg2[%dma_start3A_1951, %mul3A_1854] : memref<64x1000000xf32, #tpu.memory_space<hbm>> -> memref<8x128xf32, #tpu.memory_space<hbm>>
        %dma_start3A_1953 = arith.constant 56 : i32
        %dma_start3A_1954 = arith.constant 0 : i32
        %dma_start3A_1955 = tpu.memref_slice %arg6[%dma_start3A_1946, %dma_start3A_1953, %dma_start3A_1954] : memref<4x64x128xf32, #tpu.memory_space<vmem>> -> memref<1x8x128xf32, #tpu.memory_space<vmem>>
        %dma_start3A_1956 = tpu.memref_squeeze %dma_start3A_1955 : memref<1x8x128xf32, #tpu.memory_space<vmem>> -> memref<8x128xf32, #tpu.memory_space<vmem>>
        %dma_start3A_1957 = arith.constant 56 : i32
        %dma_start3A_1958 = tpu.memref_slice %arg2[%dma_start3A_1957, %mul3A_1854] : memref<64x1000000xf32, #tpu.memory_space<hbm>> -> memref<8x128xf32, #tpu.memory_space<hbm>>
        tpu.enqueue_dma source(%dma_start3A_1958 : memref<8x128xf32, #tpu.memory_space<hbm>>) target(%dma_start3A_1956 : memref<8x128xf32, #tpu.memory_space<vmem>>) target_semaphore(%arg10 : memref<!tpu.dma_semaphore, #tpu.memory_space<semaphore_mem>>)
        %slice3A_1959 = vector.extract_strided_slice %get3A_1738 {offsets = [2], sizes = [1], strides = [1]} : vector<16xi32> to vector<1xi32>
        %squeeze3A_1960 = vector.extract %slice3A_1959[0] : i32 from vector<1xi32>
        %shift_right_logical3A_1961 = arith.constant 7 : i32
        %shift_right_logical3A_1962 = arith.shrui %squeeze3A_1960, %shift_right_logical3A_1961 : i32
        %mul3A_1963 = arith.constant 128 : i32
        %mul3A_1964 = arith.muli %shift_right_logical3A_1962, %mul3A_1963 : i32
        %dma_start3A_1965 = arith.constant 2 : i32
        %dma_start3A_1966 = arith.constant 0 : i32
        %dma_start3A_1967 = arith.constant 0 : i32
        %dma_start3A_1968 = tpu.memref_slice %arg6[%dma_start3A_1965, %dma_start3A_1966, %dma_start3A_1967] : memref<4x64x128xf32, #tpu.memory_space<vmem>> -> memref<1x8x128xf32, #tpu.memory_space<vmem>>
        %dma_start3A_1969 = tpu.memref_squeeze %dma_start3A_1968 : memref<1x8x128xf32, #tpu.memory_space<vmem>> -> memref<8x128xf32, #tpu.memory_space<vmem>>
        %dma_start3A_1970 = arith.constant 0 : i32
        %dma_start3A_1971 = tpu.memref_slice %arg2[%dma_start3A_1970, %mul3A_1964] : memref<64x1000000xf32, #tpu.memory_space<hbm>> -> memref<8x128xf32, #tpu.memory_space<hbm>>
        %dma_start3A_1972 = arith.constant 0 : i32
        %dma_start3A_1973 = arith.constant 0 : i32
        %dma_start3A_1974 = tpu.memref_slice %arg6[%dma_start3A_1965, %dma_start3A_1972, %dma_start3A_1973] : memref<4x64x128xf32, #tpu.memory_space<vmem>> -> memref<1x8x128xf32, #tpu.memory_space<vmem>>
        %dma_start3A_1975 = tpu.memref_squeeze %dma_start3A_1974 : memref<1x8x128xf32, #tpu.memory_space<vmem>> -> memref<8x128xf32, #tpu.memory_space<vmem>>
        %dma_start3A_1976 = arith.constant 0 : i32
        %dma_start3A_1977 = tpu.memref_slice %arg2[%dma_start3A_1976, %mul3A_1964] : memref<64x1000000xf32, #tpu.memory_space<hbm>> -> memref<8x128xf32, #tpu.memory_space<hbm>>
        tpu.enqueue_dma source(%dma_start3A_1977 : memref<8x128xf32, #tpu.memory_space<hbm>>) target(%dma_start3A_1975 : memref<8x128xf32, #tpu.memory_space<vmem>>) target_semaphore(%arg10 : memref<!tpu.dma_semaphore, #tpu.memory_space<semaphore_mem>>)
        %dma_start3A_1978 = arith.constant 2 : i32
        %dma_start3A_1979 = arith.constant 8 : i32
        %dma_start3A_1980 = arith.constant 0 : i32
        %dma_start3A_1981 = tpu.memref_slice %arg6[%dma_start3A_1978, %dma_start3A_1979, %dma_start3A_1980] : memref<4x64x128xf32, #tpu.memory_space<vmem>> -> memref<1x8x128xf32, #tpu.memory_space<vmem>>
        %dma_start3A_1982 = tpu.memref_squeeze %dma_start3A_1981 : memref<1x8x128xf32, #tpu.memory_space<vmem>> -> memref<8x128xf32, #tpu.memory_space<vmem>>
        %dma_start3A_1983 = arith.constant 8 : i32
        %dma_start3A_1984 = tpu.memref_slice %arg2[%dma_start3A_1983, %mul3A_1964] : memref<64x1000000xf32, #tpu.memory_space<hbm>> -> memref<8x128xf32, #tpu.memory_space<hbm>>
        %dma_start3A_1985 = arith.constant 8 : i32
        %dma_start3A_1986 = arith.constant 0 : i32
        %dma_start3A_1987 = tpu.memref_slice %arg6[%dma_start3A_1978, %dma_start3A_1985, %dma_start3A_1986] : memref<4x64x128xf32, #tpu.memory_space<vmem>> -> memref<1x8x128xf32, #tpu.memory_space<vmem>>
        %dma_start3A_1988 = tpu.memref_squeeze %dma_start3A_1987 : memref<1x8x128xf32, #tpu.memory_space<vmem>> -> memref<8x128xf32, #tpu.memory_space<vmem>>
        %dma_start3A_1989 = arith.constant 8 : i32
        %dma_start3A_1990 = tpu.memref_slice %arg2[%dma_start3A_1989, %mul3A_1964] : memref<64x1000000xf32, #tpu.memory_space<hbm>> -> memref<8x128xf32, #tpu.memory_space<hbm>>
        tpu.enqueue_dma source(%dma_start3A_1990 : memref<8x128xf32, #tpu.memory_space<hbm>>) target(%dma_start3A_1988 : memref<8x128xf32, #tpu.memory_space<vmem>>) target_semaphore(%arg10 : memref<!tpu.dma_semaphore, #tpu.memory_space<semaphore_mem>>)
        %dma_start3A_1991 = arith.constant 2 : i32
        %dma_start3A_1992 = arith.constant 16 : i32
        %dma_start3A_1993 = arith.constant 0 : i32
        %dma_start3A_1994 = tpu.memref_slice %arg6[%dma_start3A_1991, %dma_start3A_1992, %dma_start3A_1993] : memref<4x64x128xf32, #tpu.memory_space<vmem>> -> memref<1x8x128xf32, #tpu.memory_space<vmem>>
        %dma_start3A_1995 = tpu.memref_squeeze %dma_start3A_1994 : memref<1x8x128xf32, #tpu.memory_space<vmem>> -> memref<8x128xf32, #tpu.memory_space<vmem>>
        %dma_start3A_1996 = arith.constant 16 : i32
        %dma_start3A_1997 = tpu.memref_slice %arg2[%dma_start3A_1996, %mul3A_1964] : memref<64x1000000xf32, #tpu.memory_space<hbm>> -> memref<8x128xf32, #tpu.memory_space<hbm>>
        %dma_start3A_1998 = arith.constant 16 : i32
        %dma_start3A_1999 = arith.constant 0 : i32
        %dma_start3A_2000 = tpu.memref_slice %arg6[%dma_start3A_1991, %dma_start3A_1998, %dma_start3A_1999] : memref<4x64x128xf32, #tpu.memory_space<vmem>> -> memref<1x8x128xf32, #tpu.memory_space<vmem>>
        %dma_start3A_2001 = tpu.memref_squeeze %dma_start3A_2000 : memref<1x8x128xf32, #tpu.memory_space<vmem>> -> memref<8x128xf32, #tpu.memory_space<vmem>>
        %dma_start3A_2002 = arith.constant 16 : i32
        %dma_start3A_2003 = tpu.memref_slice %arg2[%dma_start3A_2002, %mul3A_1964] : memref<64x1000000xf32, #tpu.memory_space<hbm>> -> memref<8x128xf32, #tpu.memory_space<hbm>>
        tpu.enqueue_dma source(%dma_start3A_2003 : memref<8x128xf32, #tpu.memory_space<hbm>>) target(%dma_start3A_2001 : memref<8x128xf32, #tpu.memory_space<vmem>>) target_semaphore(%arg10 : memref<!tpu.dma_semaphore, #tpu.memory_space<semaphore_mem>>)
        %dma_start3A_2004 = arith.constant 2 : i32
        %dma_start3A_2005 = arith.constant 24 : i32
        %dma_start3A_2006 = arith.constant 0 : i32
        %dma_start3A_2007 = tpu.memref_slice %arg6[%dma_start3A_2004, %dma_start3A_2005, %dma_start3A_2006] : memref<4x64x128xf32, #tpu.memory_space<vmem>> -> memref<1x8x128xf32, #tpu.memory_space<vmem>>
        %dma_start3A_2008 = tpu.memref_squeeze %dma_start3A_2007 : memref<1x8x128xf32, #tpu.memory_space<vmem>> -> memref<8x128xf32, #tpu.memory_space<vmem>>
        %dma_start3A_2009 = arith.constant 24 : i32
        %dma_start3A_2010 = tpu.memref_slice %arg2[%dma_start3A_2009, %mul3A_1964] : memref<64x1000000xf32, #tpu.memory_space<hbm>> -> memref<8x128xf32, #tpu.memory_space<hbm>>
        %dma_start3A_2011 = arith.constant 24 : i32
        %dma_start3A_2012 = arith.constant 0 : i32
        %dma_start3A_2013 = tpu.memref_slice %arg6[%dma_start3A_2004, %dma_start3A_2011, %dma_start3A_2012] : memref<4x64x128xf32, #tpu.memory_space<vmem>> -> memref<1x8x128xf32, #tpu.memory_space<vmem>>
        %dma_start3A_2014 = tpu.memref_squeeze %dma_start3A_2013 : memref<1x8x128xf32, #tpu.memory_space<vmem>> -> memref<8x128xf32, #tpu.memory_space<vmem>>
        %dma_start3A_2015 = arith.constant 24 : i32
        %dma_start3A_2016 = tpu.memref_slice %arg2[%dma_start3A_2015, %mul3A_1964] : memref<64x1000000xf32, #tpu.memory_space<hbm>> -> memref<8x128xf32, #tpu.memory_space<hbm>>
        tpu.enqueue_dma source(%dma_start3A_2016 : memref<8x128xf32, #tpu.memory_space<hbm>>) target(%dma_start3A_2014 : memref<8x128xf32, #tpu.memory_space<vmem>>) target_semaphore(%arg10 : memref<!tpu.dma_semaphore, #tpu.memory_space<semaphore_mem>>)
        %dma_start3A_2017 = arith.constant 2 : i32
        %dma_start3A_2018 = arith.constant 32 : i32
        %dma_start3A_2019 = arith.constant 0 : i32
        %dma_start3A_2020 = tpu.memref_slice %arg6[%dma_start3A_2017, %dma_start3A_2018, %dma_start3A_2019] : memref<4x64x128xf32, #tpu.memory_space<vmem>> -> memref<1x8x128xf32, #tpu.memory_space<vmem>>
        %dma_start3A_2021 = tpu.memref_squeeze %dma_start3A_2020 : memref<1x8x128xf32, #tpu.memory_space<vmem>> -> memref<8x128xf32, #tpu.memory_space<vmem>>
        %dma_start3A_2022 = arith.constant 32 : i32
        %dma_start3A_2023 = tpu.memref_slice %arg2[%dma_start3A_2022, %mul3A_1964] : memref<64x1000000xf32, #tpu.memory_space<hbm>> -> memref<8x128xf32, #tpu.memory_space<hbm>>
        %dma_start3A_2024 = arith.constant 32 : i32
        %dma_start3A_2025 = arith.constant 0 : i32
        %dma_start3A_2026 = tpu.memref_slice %arg6[%dma_start3A_2017, %dma_start3A_2024, %dma_start3A_2025] : memref<4x64x128xf32, #tpu.memory_space<vmem>> -> memref<1x8x128xf32, #tpu.memory_space<vmem>>
        %dma_start3A_2027 = tpu.memref_squeeze %dma_start3A_2026 : memref<1x8x128xf32, #tpu.memory_space<vmem>> -> memref<8x128xf32, #tpu.memory_space<vmem>>
        %dma_start3A_2028 = arith.constant 32 : i32
        %dma_start3A_2029 = tpu.memref_slice %arg2[%dma_start3A_2028, %mul3A_1964] : memref<64x1000000xf32, #tpu.memory_space<hbm>> -> memref<8x128xf32, #tpu.memory_space<hbm>>
        tpu.enqueue_dma source(%dma_start3A_2029 : memref<8x128xf32, #tpu.memory_space<hbm>>) target(%dma_start3A_2027 : memref<8x128xf32, #tpu.memory_space<vmem>>) target_semaphore(%arg10 : memref<!tpu.dma_semaphore, #tpu.memory_space<semaphore_mem>>)
        %dma_start3A_2030 = arith.constant 2 : i32
        %dma_start3A_2031 = arith.constant 40 : i32
        %dma_start3A_2032 = arith.constant 0 : i32
        %dma_start3A_2033 = tpu.memref_slice %arg6[%dma_start3A_2030, %dma_start3A_2031, %dma_start3A_2032] : memref<4x64x128xf32, #tpu.memory_space<vmem>> -> memref<1x8x128xf32, #tpu.memory_space<vmem>>
        %dma_start3A_2034 = tpu.memref_squeeze %dma_start3A_2033 : memref<1x8x128xf32, #tpu.memory_space<vmem>> -> memref<8x128xf32, #tpu.memory_space<vmem>>
        %dma_start3A_2035 = arith.constant 40 : i32
        %dma_start3A_2036 = tpu.memref_slice %arg2[%dma_start3A_2035, %mul3A_1964] : memref<64x1000000xf32, #tpu.memory_space<hbm>> -> memref<8x128xf32, #tpu.memory_space<hbm>>
        %dma_start3A_2037 = arith.constant 40 : i32
        %dma_start3A_2038 = arith.constant 0 : i32
        %dma_start3A_2039 = tpu.memref_slice %arg6[%dma_start3A_2030, %dma_start3A_2037, %dma_start3A_2038] : memref<4x64x128xf32, #tpu.memory_space<vmem>> -> memref<1x8x128xf32, #tpu.memory_space<vmem>>
        %dma_start3A_2040 = tpu.memref_squeeze %dma_start3A_2039 : memref<1x8x128xf32, #tpu.memory_space<vmem>> -> memref<8x128xf32, #tpu.memory_space<vmem>>
        %dma_start3A_2041 = arith.constant 40 : i32
        %dma_start3A_2042 = tpu.memref_slice %arg2[%dma_start3A_2041, %mul3A_1964] : memref<64x1000000xf32, #tpu.memory_space<hbm>> -> memref<8x128xf32, #tpu.memory_space<hbm>>
        tpu.enqueue_dma source(%dma_start3A_2042 : memref<8x128xf32, #tpu.memory_space<hbm>>) target(%dma_start3A_2040 : memref<8x128xf32, #tpu.memory_space<vmem>>) target_semaphore(%arg10 : memref<!tpu.dma_semaphore, #tpu.memory_space<semaphore_mem>>)
        %dma_start3A_2043 = arith.constant 2 : i32
        %dma_start3A_2044 = arith.constant 48 : i32
        %dma_start3A_2045 = arith.constant 0 : i32
        %dma_start3A_2046 = tpu.memref_slice %arg6[%dma_start3A_2043, %dma_start3A_2044, %dma_start3A_2045] : memref<4x64x128xf32, #tpu.memory_space<vmem>> -> memref<1x8x128xf32, #tpu.memory_space<vmem>>
        %dma_start3A_2047 = tpu.memref_squeeze %dma_start3A_2046 : memref<1x8x128xf32, #tpu.memory_space<vmem>> -> memref<8x128xf32, #tpu.memory_space<vmem>>
        %dma_start3A_2048 = arith.constant 48 : i32
        %dma_start3A_2049 = tpu.memref_slice %arg2[%dma_start3A_2048, %mul3A_1964] : memref<64x1000000xf32, #tpu.memory_space<hbm>> -> memref<8x128xf32, #tpu.memory_space<hbm>>
        %dma_start3A_2050 = arith.constant 48 : i32
        %dma_start3A_2051 = arith.constant 0 : i32
        %dma_start3A_2052 = tpu.memref_slice %arg6[%dma_start3A_2043, %dma_start3A_2050, %dma_start3A_2051] : memref<4x64x128xf32, #tpu.memory_space<vmem>> -> memref<1x8x128xf32, #tpu.memory_space<vmem>>
        %dma_start3A_2053 = tpu.memref_squeeze %dma_start3A_2052 : memref<1x8x128xf32, #tpu.memory_space<vmem>> -> memref<8x128xf32, #tpu.memory_space<vmem>>
        %dma_start3A_2054 = arith.constant 48 : i32
        %dma_start3A_2055 = tpu.memref_slice %arg2[%dma_start3A_2054, %mul3A_1964] : memref<64x1000000xf32, #tpu.memory_space<hbm>> -> memref<8x128xf32, #tpu.memory_space<hbm>>
        tpu.enqueue_dma source(%dma_start3A_2055 : memref<8x128xf32, #tpu.memory_space<hbm>>) target(%dma_start3A_2053 : memref<8x128xf32, #tpu.memory_space<vmem>>) target_semaphore(%arg10 : memref<!tpu.dma_semaphore, #tpu.memory_space<semaphore_mem>>)
        %dma_start3A_2056 = arith.constant 2 : i32
        %dma_start3A_2057 = arith.constant 56 : i32
        %dma_start3A_2058 = arith.constant 0 : i32
        %dma_start3A_2059 = tpu.memref_slice %arg6[%dma_start3A_2056, %dma_start3A_2057, %dma_start3A_2058] : memref<4x64x128xf32, #tpu.memory_space<vmem>> -> memref<1x8x128xf32, #tpu.memory_space<vmem>>
        %dma_start3A_2060 = tpu.memref_squeeze %dma_start3A_2059 : memref<1x8x128xf32, #tpu.memory_space<vmem>> -> memref<8x128xf32, #tpu.memory_space<vmem>>
        %dma_start3A_2061 = arith.constant 56 : i32
        %dma_start3A_2062 = tpu.memref_slice %arg2[%dma_start3A_2061, %mul3A_1964] : memref<64x1000000xf32, #tpu.memory_space<hbm>> -> memref<8x128xf32, #tpu.memory_space<hbm>>
        %dma_start3A_2063 = arith.constant 56 : i32
        %dma_start3A_2064 = arith.constant 0 : i32
        %dma_start3A_2065 = tpu.memref_slice %arg6[%dma_start3A_2056, %dma_start3A_2063, %dma_start3A_2064] : memref<4x64x128xf32, #tpu.memory_space<vmem>> -> memref<1x8x128xf32, #tpu.memory_space<vmem>>
        %dma_start3A_2066 = tpu.memref_squeeze %dma_start3A_2065 : memref<1x8x128xf32, #tpu.memory_space<vmem>> -> memref<8x128xf32, #tpu.memory_space<vmem>>
        %dma_start3A_2067 = arith.constant 56 : i32
        %dma_start3A_2068 = tpu.memref_slice %arg2[%dma_start3A_2067, %mul3A_1964] : memref<64x1000000xf32, #tpu.memory_space<hbm>> -> memref<8x128xf32, #tpu.memory_space<hbm>>
        tpu.enqueue_dma source(%dma_start3A_2068 : memref<8x128xf32, #tpu.memory_space<hbm>>) target(%dma_start3A_2066 : memref<8x128xf32, #tpu.memory_space<vmem>>) target_semaphore(%arg10 : memref<!tpu.dma_semaphore, #tpu.memory_space<semaphore_mem>>)
        %slice3A_2069 = vector.extract_strided_slice %get3A_1738 {offsets = [3], sizes = [1], strides = [1]} : vector<16xi32> to vector<1xi32>
        %squeeze3A_2070 = vector.extract %slice3A_2069[0] : i32 from vector<1xi32>
        %shift_right_logical3A_2071 = arith.constant 7 : i32
        %shift_right_logical3A_2072 = arith.shrui %squeeze3A_2070, %shift_right_logical3A_2071 : i32
        %mul3A_2073 = arith.constant 128 : i32
        %mul3A_2074 = arith.muli %shift_right_logical3A_2072, %mul3A_2073 : i32
        %dma_start3A_2075 = arith.constant 3 : i32
        %dma_start3A_2076 = arith.constant 0 : i32
        %dma_start3A_2077 = arith.constant 0 : i32
        %dma_start3A_2078 = tpu.memref_slice %arg6[%dma_start3A_2075, %dma_start3A_2076, %dma_start3A_2077] : memref<4x64x128xf32, #tpu.memory_space<vmem>> -> memref<1x8x128xf32, #tpu.memory_space<vmem>>
        %dma_start3A_2079 = tpu.memref_squeeze %dma_start3A_2078 : memref<1x8x128xf32, #tpu.memory_space<vmem>> -> memref<8x128xf32, #tpu.memory_space<vmem>>
        %dma_start3A_2080 = arith.constant 0 : i32
        %dma_start3A_2081 = tpu.memref_slice %arg2[%dma_start3A_2080, %mul3A_2074] : memref<64x1000000xf32, #tpu.memory_space<hbm>> -> memref<8x128xf32, #tpu.memory_space<hbm>>
        %dma_start3A_2082 = arith.constant 0 : i32
        %dma_start3A_2083 = arith.constant 0 : i32
        %dma_start3A_2084 = tpu.memref_slice %arg6[%dma_start3A_2075, %dma_start3A_2082, %dma_start3A_2083] : memref<4x64x128xf32, #tpu.memory_space<vmem>> -> memref<1x8x128xf32, #tpu.memory_space<vmem>>
        %dma_start3A_2085 = tpu.memref_squeeze %dma_start3A_2084 : memref<1x8x128xf32, #tpu.memory_space<vmem>> -> memref<8x128xf32, #tpu.memory_space<vmem>>
        %dma_start3A_2086 = arith.constant 0 : i32
        %dma_start3A_2087 = tpu.memref_slice %arg2[%dma_start3A_2086, %mul3A_2074] : memref<64x1000000xf32, #tpu.memory_space<hbm>> -> memref<8x128xf32, #tpu.memory_space<hbm>>
        tpu.enqueue_dma source(%dma_start3A_2087 : memref<8x128xf32, #tpu.memory_space<hbm>>) target(%dma_start3A_2085 : memref<8x128xf32, #tpu.memory_space<vmem>>) target_semaphore(%arg10 : memref<!tpu.dma_semaphore, #tpu.memory_space<semaphore_mem>>)
        %dma_start3A_2088 = arith.constant 3 : i32
        %dma_start3A_2089 = arith.constant 8 : i32
        %dma_start3A_2090 = arith.constant 0 : i32
        %dma_start3A_2091 = tpu.memref_slice %arg6[%dma_start3A_2088, %dma_start3A_2089, %dma_start3A_2090] : memref<4x64x128xf32, #tpu.memory_space<vmem>> -> memref<1x8x128xf32, #tpu.memory_space<vmem>>
        %dma_start3A_2092 = tpu.memref_squeeze %dma_start3A_2091 : memref<1x8x128xf32, #tpu.memory_space<vmem>> -> memref<8x128xf32, #tpu.memory_space<vmem>>
        %dma_start3A_2093 = arith.constant 8 : i32
        %dma_start3A_2094 = tpu.memref_slice %arg2[%dma_start3A_2093, %mul3A_2074] : memref<64x1000000xf32, #tpu.memory_space<hbm>> -> memref<8x128xf32, #tpu.memory_space<hbm>>
        %dma_start3A_2095 = arith.constant 8 : i32
        %dma_start3A_2096 = arith.constant 0 : i32
        %dma_start3A_2097 = tpu.memref_slice %arg6[%dma_start3A_2088, %dma_start3A_2095, %dma_start3A_2096] : memref<4x64x128xf32, #tpu.memory_space<vmem>> -> memref<1x8x128xf32, #tpu.memory_space<vmem>>
        %dma_start3A_2098 = tpu.memref_squeeze %dma_start3A_2097 : memref<1x8x128xf32, #tpu.memory_space<vmem>> -> memref<8x128xf32, #tpu.memory_space<vmem>>
        %dma_start3A_2099 = arith.constant 8 : i32
        %dma_start3A_2100 = tpu.memref_slice %arg2[%dma_start3A_2099, %mul3A_2074] : memref<64x1000000xf32, #tpu.memory_space<hbm>> -> memref<8x128xf32, #tpu.memory_space<hbm>>
        tpu.enqueue_dma source(%dma_start3A_2100 : memref<8x128xf32, #tpu.memory_space<hbm>>) target(%dma_start3A_2098 : memref<8x128xf32, #tpu.memory_space<vmem>>) target_semaphore(%arg10 : memref<!tpu.dma_semaphore, #tpu.memory_space<semaphore_mem>>)
        %dma_start3A_2101 = arith.constant 3 : i32
        %dma_start3A_2102 = arith.constant 16 : i32
        %dma_start3A_2103 = arith.constant 0 : i32
        %dma_start3A_2104 = tpu.memref_slice %arg6[%dma_start3A_2101, %dma_start3A_2102, %dma_start3A_2103] : memref<4x64x128xf32, #tpu.memory_space<vmem>> -> memref<1x8x128xf32, #tpu.memory_space<vmem>>
        %dma_start3A_2105 = tpu.memref_squeeze %dma_start3A_2104 : memref<1x8x128xf32, #tpu.memory_space<vmem>> -> memref<8x128xf32, #tpu.memory_space<vmem>>
        %dma_start3A_2106 = arith.constant 16 : i32
        %dma_start3A_2107 = tpu.memref_slice %arg2[%dma_start3A_2106, %mul3A_2074] : memref<64x1000000xf32, #tpu.memory_space<hbm>> -> memref<8x128xf32, #tpu.memory_space<hbm>>
        %dma_start3A_2108 = arith.constant 16 : i32
        %dma_start3A_2109 = arith.constant 0 : i32
        %dma_start3A_2110 = tpu.memref_slice %arg6[%dma_start3A_2101, %dma_start3A_2108, %dma_start3A_2109] : memref<4x64x128xf32, #tpu.memory_space<vmem>> -> memref<1x8x128xf32, #tpu.memory_space<vmem>>
        %dma_start3A_2111 = tpu.memref_squeeze %dma_start3A_2110 : memref<1x8x128xf32, #tpu.memory_space<vmem>> -> memref<8x128xf32, #tpu.memory_space<vmem>>
        %dma_start3A_2112 = arith.constant 16 : i32
        %dma_start3A_2113 = tpu.memref_slice %arg2[%dma_start3A_2112, %mul3A_2074] : memref<64x1000000xf32, #tpu.memory_space<hbm>> -> memref<8x128xf32, #tpu.memory_space<hbm>>
        tpu.enqueue_dma source(%dma_start3A_2113 : memref<8x128xf32, #tpu.memory_space<hbm>>) target(%dma_start3A_2111 : memref<8x128xf32, #tpu.memory_space<vmem>>) target_semaphore(%arg10 : memref<!tpu.dma_semaphore, #tpu.memory_space<semaphore_mem>>)
        %dma_start3A_2114 = arith.constant 3 : i32
        %dma_start3A_2115 = arith.constant 24 : i32
        %dma_start3A_2116 = arith.constant 0 : i32
        %dma_start3A_2117 = tpu.memref_slice %arg6[%dma_start3A_2114, %dma_start3A_2115, %dma_start3A_2116] : memref<4x64x128xf32, #tpu.memory_space<vmem>> -> memref<1x8x128xf32, #tpu.memory_space<vmem>>
        %dma_start3A_2118 = tpu.memref_squeeze %dma_start3A_2117 : memref<1x8x128xf32, #tpu.memory_space<vmem>> -> memref<8x128xf32, #tpu.memory_space<vmem>>
        %dma_start3A_2119 = arith.constant 24 : i32
        %dma_start3A_2120 = tpu.memref_slice %arg2[%dma_start3A_2119, %mul3A_2074] : memref<64x1000000xf32, #tpu.memory_space<hbm>> -> memref<8x128xf32, #tpu.memory_space<hbm>>
        %dma_start3A_2121 = arith.constant 24 : i32
        %dma_start3A_2122 = arith.constant 0 : i32
        %dma_start3A_2123 = tpu.memref_slice %arg6[%dma_start3A_2114, %dma_start3A_2121, %dma_start3A_2122] : memref<4x64x128xf32, #tpu.memory_space<vmem>> -> memref<1x8x128xf32, #tpu.memory_space<vmem>>
        %dma_start3A_2124 = tpu.memref_squeeze %dma_start3A_2123 : memref<1x8x128xf32, #tpu.memory_space<vmem>> -> memref<8x128xf32, #tpu.memory_space<vmem>>
        %dma_start3A_2125 = arith.constant 24 : i32
        %dma_start3A_2126 = tpu.memref_slice %arg2[%dma_start3A_2125, %mul3A_2074] : memref<64x1000000xf32, #tpu.memory_space<hbm>> -> memref<8x128xf32, #tpu.memory_space<hbm>>
        tpu.enqueue_dma source(%dma_start3A_2126 : memref<8x128xf32, #tpu.memory_space<hbm>>) target(%dma_start3A_2124 : memref<8x128xf32, #tpu.memory_space<vmem>>) target_semaphore(%arg10 : memref<!tpu.dma_semaphore, #tpu.memory_space<semaphore_mem>>)
        %dma_start3A_2127 = arith.constant 3 : i32
        %dma_start3A_2128 = arith.constant 32 : i32
        %dma_start3A_2129 = arith.constant 0 : i32
        %dma_start3A_2130 = tpu.memref_slice %arg6[%dma_start3A_2127, %dma_start3A_2128, %dma_start3A_2129] : memref<4x64x128xf32, #tpu.memory_space<vmem>> -> memref<1x8x128xf32, #tpu.memory_space<vmem>>
        %dma_start3A_2131 = tpu.memref_squeeze %dma_start3A_2130 : memref<1x8x128xf32, #tpu.memory_space<vmem>> -> memref<8x128xf32, #tpu.memory_space<vmem>>
        %dma_start3A_2132 = arith.constant 32 : i32
        %dma_start3A_2133 = tpu.memref_slice %arg2[%dma_start3A_2132, %mul3A_2074] : memref<64x1000000xf32, #tpu.memory_space<hbm>> -> memref<8x128xf32, #tpu.memory_space<hbm>>
        %dma_start3A_2134 = arith.constant 32 : i32
        %dma_start3A_2135 = arith.constant 0 : i32
        %dma_start3A_2136 = tpu.memref_slice %arg6[%dma_start3A_2127, %dma_start3A_2134, %dma_start3A_2135] : memref<4x64x128xf32, #tpu.memory_space<vmem>> -> memref<1x8x128xf32, #tpu.memory_space<vmem>>
        %dma_start3A_2137 = tpu.memref_squeeze %dma_start3A_2136 : memref<1x8x128xf32, #tpu.memory_space<vmem>> -> memref<8x128xf32, #tpu.memory_space<vmem>>
        %dma_start3A_2138 = arith.constant 32 : i32
        %dma_start3A_2139 = tpu.memref_slice %arg2[%dma_start3A_2138, %mul3A_2074] : memref<64x1000000xf32, #tpu.memory_space<hbm>> -> memref<8x128xf32, #tpu.memory_space<hbm>>
        tpu.enqueue_dma source(%dma_start3A_2139 : memref<8x128xf32, #tpu.memory_space<hbm>>) target(%dma_start3A_2137 : memref<8x128xf32, #tpu.memory_space<vmem>>) target_semaphore(%arg10 : memref<!tpu.dma_semaphore, #tpu.memory_space<semaphore_mem>>)
        %dma_start3A_2140 = arith.constant 3 : i32
        %dma_start3A_2141 = arith.constant 40 : i32
        %dma_start3A_2142 = arith.constant 0 : i32
        %dma_start3A_2143 = tpu.memref_slice %arg6[%dma_start3A_2140, %dma_start3A_2141, %dma_start3A_2142] : memref<4x64x128xf32, #tpu.memory_space<vmem>> -> memref<1x8x128xf32, #tpu.memory_space<vmem>>
        %dma_start3A_2144 = tpu.memref_squeeze %dma_start3A_2143 : memref<1x8x128xf32, #tpu.memory_space<vmem>> -> memref<8x128xf32, #tpu.memory_space<vmem>>
        %dma_start3A_2145 = arith.constant 40 : i32
        %dma_start3A_2146 = tpu.memref_slice %arg2[%dma_start3A_2145, %mul3A_2074] : memref<64x1000000xf32, #tpu.memory_space<hbm>> -> memref<8x128xf32, #tpu.memory_space<hbm>>
        %dma_start3A_2147 = arith.constant 40 : i32
        %dma_start3A_2148 = arith.constant 0 : i32
        %dma_start3A_2149 = tpu.memref_slice %arg6[%dma_start3A_2140, %dma_start3A_2147, %dma_start3A_2148] : memref<4x64x128xf32, #tpu.memory_space<vmem>> -> memref<1x8x128xf32, #tpu.memory_space<vmem>>
        %dma_start3A_2150 = tpu.memref_squeeze %dma_start3A_2149 : memref<1x8x128xf32, #tpu.memory_space<vmem>> -> memref<8x128xf32, #tpu.memory_space<vmem>>
        %dma_start3A_2151 = arith.constant 40 : i32
        %dma_start3A_2152 = tpu.memref_slice %arg2[%dma_start3A_2151, %mul3A_2074] : memref<64x1000000xf32, #tpu.memory_space<hbm>> -> memref<8x128xf32, #tpu.memory_space<hbm>>
        tpu.enqueue_dma source(%dma_start3A_2152 : memref<8x128xf32, #tpu.memory_space<hbm>>) target(%dma_start3A_2150 : memref<8x128xf32, #tpu.memory_space<vmem>>) target_semaphore(%arg10 : memref<!tpu.dma_semaphore, #tpu.memory_space<semaphore_mem>>)
        %dma_start3A_2153 = arith.constant 3 : i32
        %dma_start3A_2154 = arith.constant 48 : i32
        %dma_start3A_2155 = arith.constant 0 : i32
        %dma_start3A_2156 = tpu.memref_slice %arg6[%dma_start3A_2153, %dma_start3A_2154, %dma_start3A_2155] : memref<4x64x128xf32, #tpu.memory_space<vmem>> -> memref<1x8x128xf32, #tpu.memory_space<vmem>>
        %dma_start3A_2157 = tpu.memref_squeeze %dma_start3A_2156 : memref<1x8x128xf32, #tpu.memory_space<vmem>> -> memref<8x128xf32, #tpu.memory_space<vmem>>
        %dma_start3A_2158 = arith.constant 48 : i32
        %dma_start3A_2159 = tpu.memref_slice %arg2[%dma_start3A_2158, %mul3A_2074] : memref<64x1000000xf32, #tpu.memory_space<hbm>> -> memref<8x128xf32, #tpu.memory_space<hbm>>
        %dma_start3A_2160 = arith.constant 48 : i32
        %dma_start3A_2161 = arith.constant 0 : i32
        %dma_start3A_2162 = tpu.memref_slice %arg6[%dma_start3A_2153, %dma_start3A_2160, %dma_start3A_2161] : memref<4x64x128xf32, #tpu.memory_space<vmem>> -> memref<1x8x128xf32, #tpu.memory_space<vmem>>
        %dma_start3A_2163 = tpu.memref_squeeze %dma_start3A_2162 : memref<1x8x128xf32, #tpu.memory_space<vmem>> -> memref<8x128xf32, #tpu.memory_space<vmem>>
        %dma_start3A_2164 = arith.constant 48 : i32
        %dma_start3A_2165 = tpu.memref_slice %arg2[%dma_start3A_2164, %mul3A_2074] : memref<64x1000000xf32, #tpu.memory_space<hbm>> -> memref<8x128xf32, #tpu.memory_space<hbm>>
        tpu.enqueue_dma source(%dma_start3A_2165 : memref<8x128xf32, #tpu.memory_space<hbm>>) target(%dma_start3A_2163 : memref<8x128xf32, #tpu.memory_space<vmem>>) target_semaphore(%arg10 : memref<!tpu.dma_semaphore, #tpu.memory_space<semaphore_mem>>)
        %dma_start3A_2166 = arith.constant 3 : i32
        %dma_start3A_2167 = arith.constant 56 : i32
        %dma_start3A_2168 = arith.constant 0 : i32
        %dma_start3A_2169 = tpu.memref_slice %arg6[%dma_start3A_2166, %dma_start3A_2167, %dma_start3A_2168] : memref<4x64x128xf32, #tpu.memory_space<vmem>> -> memref<1x8x128xf32, #tpu.memory_space<vmem>>
        %dma_start3A_2170 = tpu.memref_squeeze %dma_start3A_2169 : memref<1x8x128xf32, #tpu.memory_space<vmem>> -> memref<8x128xf32, #tpu.memory_space<vmem>>
        %dma_start3A_2171 = arith.constant 56 : i32
        %dma_start3A_2172 = tpu.memref_slice %arg2[%dma_start3A_2171, %mul3A_2074] : memref<64x1000000xf32, #tpu.memory_space<hbm>> -> memref<8x128xf32, #tpu.memory_space<hbm>>
        %dma_start3A_2173 = arith.constant 56 : i32
        %dma_start3A_2174 = arith.constant 0 : i32
        %dma_start3A_2175 = tpu.memref_slice %arg6[%dma_start3A_2166, %dma_start3A_2173, %dma_start3A_2174] : memref<4x64x128xf32, #tpu.memory_space<vmem>> -> memref<1x8x128xf32, #tpu.memory_space<vmem>>
        %dma_start3A_2176 = tpu.memref_squeeze %dma_start3A_2175 : memref<1x8x128xf32, #tpu.memory_space<vmem>> -> memref<8x128xf32, #tpu.memory_space<vmem>>
        %dma_start3A_2177 = arith.constant 56 : i32
        %dma_start3A_2178 = tpu.memref_slice %arg2[%dma_start3A_2177, %mul3A_2074] : memref<64x1000000xf32, #tpu.memory_space<hbm>> -> memref<8x128xf32, #tpu.memory_space<hbm>>
        tpu.enqueue_dma source(%dma_start3A_2178 : memref<8x128xf32, #tpu.memory_space<hbm>>) target(%dma_start3A_2176 : memref<8x128xf32, #tpu.memory_space<vmem>>) target_semaphore(%arg10 : memref<!tpu.dma_semaphore, #tpu.memory_space<semaphore_mem>>)
      } else {
      }
      %mul3A_1562 = arith.constant 3 : i32
      %mul3A_1563 = arith.muli %mul3A_1562, %scan3A_1477 : i32
      %add3A_1564 = arith.constant 1 : i32
      %add3A_1565 = arith.addi %mul3A_1563, %add3A_1564 : i32
      %dma_wait3A_1566 = arith.constant 0 : i32
      %dma_wait3A_1567 = arith.constant 0 : i32
      %dma_wait3A_1568 = arith.constant 0 : i32
      %dma_wait3A_1569 = tpu.memref_slice %arg7[%dma_wait3A_1566, %dma_wait3A_1567, %dma_wait3A_1568] : memref<4x64x128xf32, #tpu.memory_space<vmem>> -> memref<1x64x128xf32, #tpu.memory_space<vmem>>
      %dma_wait3A_1570 = tpu.memref_squeeze %dma_wait3A_1569 : memref<1x64x128xf32, #tpu.memory_space<vmem>> -> memref<64x128xf32, #tpu.memory_space<vmem>>
      %dma_wait3A_1571 = arith.constant 0 : i32
      %dma_wait3A_1572 = arith.constant 0 : i32
      %dma_wait3A_1573 = tpu.memref_slice %arg2[%dma_wait3A_1571, %dma_wait3A_1572] : memref<64x1000000xf32, #tpu.memory_space<hbm>> -> memref<64x128xf32, #tpu.memory_space<hbm>>
      %dma_wait3A_1574 = arith.constant 0 : i32
      %dma_wait3A_1575 = arith.constant 0 : i32
      %dma_wait3A_1576 = tpu.memref_slice %arg7[%dma_wait3A_1566, %dma_wait3A_1574, %dma_wait3A_1575] : memref<4x64x128xf32, #tpu.memory_space<vmem>> -> memref<1x64x128xf32, #tpu.memory_space<vmem>>
      %dma_wait3A_1577 = tpu.memref_squeeze %dma_wait3A_1576 : memref<1x64x128xf32, #tpu.memory_space<vmem>> -> memref<64x128xf32, #tpu.memory_space<vmem>>
      %dma_wait3A_1578 = arith.constant 0 : i32
      %dma_wait3A_1579 = arith.constant 0 : i32
      %dma_wait3A_1580 = tpu.memref_slice %arg2[%dma_wait3A_1578, %dma_wait3A_1579] : memref<64x1000000xf32, #tpu.memory_space<hbm>> -> memref<64x128xf32, #tpu.memory_space<hbm>>
      tpu.wait_dma2 semaphore(%arg11 : memref<!tpu.dma_semaphore, #tpu.memory_space<semaphore_mem>>) src(%dma_wait3A_1580 : memref<64x128xf32, #tpu.memory_space<hbm>>) dst(%dma_wait3A_1577 : memref<64x128xf32, #tpu.memory_space<vmem>>)
      %dma_wait3A_1581 = arith.constant 1 : i32
      %dma_wait3A_1582 = arith.constant 0 : i32
      %dma_wait3A_1583 = arith.constant 0 : i32
      %dma_wait3A_1584 = tpu.memref_slice %arg7[%dma_wait3A_1581, %dma_wait3A_1582, %dma_wait3A_1583] : memref<4x64x128xf32, #tpu.memory_space<vmem>> -> memref<1x64x128xf32, #tpu.memory_space<vmem>>
      %dma_wait3A_1585 = tpu.memref_squeeze %dma_wait3A_1584 : memref<1x64x128xf32, #tpu.memory_space<vmem>> -> memref<64x128xf32, #tpu.memory_space<vmem>>
      %dma_wait3A_1586 = arith.constant 0 : i32
      %dma_wait3A_1587 = arith.constant 0 : i32
      %dma_wait3A_1588 = tpu.memref_slice %arg2[%dma_wait3A_1586, %dma_wait3A_1587] : memref<64x1000000xf32, #tpu.memory_space<hbm>> -> memref<64x128xf32, #tpu.memory_space<hbm>>
      %dma_wait3A_1589 = arith.constant 0 : i32
      %dma_wait3A_1590 = arith.constant 0 : i32
      %dma_wait3A_1591 = tpu.memref_slice %arg7[%dma_wait3A_1581, %dma_wait3A_1589, %dma_wait3A_1590] : memref<4x64x128xf32, #tpu.memory_space<vmem>> -> memref<1x64x128xf32, #tpu.memory_space<vmem>>
      %dma_wait3A_1592 = tpu.memref_squeeze %dma_wait3A_1591 : memref<1x64x128xf32, #tpu.memory_space<vmem>> -> memref<64x128xf32, #tpu.memory_space<vmem>>
      %dma_wait3A_1593 = arith.constant 0 : i32
      %dma_wait3A_1594 = arith.constant 0 : i32
      %dma_wait3A_1595 = tpu.memref_slice %arg2[%dma_wait3A_1593, %dma_wait3A_1594] : memref<64x1000000xf32, #tpu.memory_space<hbm>> -> memref<64x128xf32, #tpu.memory_space<hbm>>
      tpu.wait_dma2 semaphore(%arg11 : memref<!tpu.dma_semaphore, #tpu.memory_space<semaphore_mem>>) src(%dma_wait3A_1595 : memref<64x128xf32, #tpu.memory_space<hbm>>) dst(%dma_wait3A_1592 : memref<64x128xf32, #tpu.memory_space<vmem>>)
      %dma_wait3A_1596 = arith.constant 2 : i32
      %dma_wait3A_1597 = arith.constant 0 : i32
      %dma_wait3A_1598 = arith.constant 0 : i32
      %dma_wait3A_1599 = tpu.memref_slice %arg7[%dma_wait3A_1596, %dma_wait3A_1597, %dma_wait3A_1598] : memref<4x64x128xf32, #tpu.memory_space<vmem>> -> memref<1x64x128xf32, #tpu.memory_space<vmem>>
      %dma_wait3A_1600 = tpu.memref_squeeze %dma_wait3A_1599 : memref<1x64x128xf32, #tpu.memory_space<vmem>> -> memref<64x128xf32, #tpu.memory_space<vmem>>
      %dma_wait3A_1601 = arith.constant 0 : i32
      %dma_wait3A_1602 = arith.constant 0 : i32
      %dma_wait3A_1603 = tpu.memref_slice %arg2[%dma_wait3A_1601, %dma_wait3A_1602] : memref<64x1000000xf32, #tpu.memory_space<hbm>> -> memref<64x128xf32, #tpu.memory_space<hbm>>
      %dma_wait3A_1604 = arith.constant 0 : i32
      %dma_wait3A_1605 = arith.constant 0 : i32
      %dma_wait3A_1606 = tpu.memref_slice %arg7[%dma_wait3A_1596, %dma_wait3A_1604, %dma_wait3A_1605] : memref<4x64x128xf32, #tpu.memory_space<vmem>> -> memref<1x64x128xf32, #tpu.memory_space<vmem>>
      %dma_wait3A_1607 = tpu.memref_squeeze %dma_wait3A_1606 : memref<1x64x128xf32, #tpu.memory_space<vmem>> -> memref<64x128xf32, #tpu.memory_space<vmem>>
      %dma_wait3A_1608 = arith.constant 0 : i32
      %dma_wait3A_1609 = arith.constant 0 : i32
      %dma_wait3A_1610 = tpu.memref_slice %arg2[%dma_wait3A_1608, %dma_wait3A_1609] : memref<64x1000000xf32, #tpu.memory_space<hbm>> -> memref<64x128xf32, #tpu.memory_space<hbm>>
      tpu.wait_dma2 semaphore(%arg11 : memref<!tpu.dma_semaphore, #tpu.memory_space<semaphore_mem>>) src(%dma_wait3A_1610 : memref<64x128xf32, #tpu.memory_space<hbm>>) dst(%dma_wait3A_1607 : memref<64x128xf32, #tpu.memory_space<vmem>>)
      %dma_wait3A_1611 = arith.constant 3 : i32
      %dma_wait3A_1612 = arith.constant 0 : i32
      %dma_wait3A_1613 = arith.constant 0 : i32
      %dma_wait3A_1614 = tpu.memref_slice %arg7[%dma_wait3A_1611, %dma_wait3A_1612, %dma_wait3A_1613] : memref<4x64x128xf32, #tpu.memory_space<vmem>> -> memref<1x64x128xf32, #tpu.memory_space<vmem>>
      %dma_wait3A_1615 = tpu.memref_squeeze %dma_wait3A_1614 : memref<1x64x128xf32, #tpu.memory_space<vmem>> -> memref<64x128xf32, #tpu.memory_space<vmem>>
      %dma_wait3A_1616 = arith.constant 0 : i32
      %dma_wait3A_1617 = arith.constant 0 : i32
      %dma_wait3A_1618 = tpu.memref_slice %arg2[%dma_wait3A_1616, %dma_wait3A_1617] : memref<64x1000000xf32, #tpu.memory_space<hbm>> -> memref<64x128xf32, #tpu.memory_space<hbm>>
      %dma_wait3A_1619 = arith.constant 0 : i32
      %dma_wait3A_1620 = arith.constant 0 : i32
      %dma_wait3A_1621 = tpu.memref_slice %arg7[%dma_wait3A_1611, %dma_wait3A_1619, %dma_wait3A_1620] : memref<4x64x128xf32, #tpu.memory_space<vmem>> -> memref<1x64x128xf32, #tpu.memory_space<vmem>>
      %dma_wait3A_1622 = tpu.memref_squeeze %dma_wait3A_1621 : memref<1x64x128xf32, #tpu.memory_space<vmem>> -> memref<64x128xf32, #tpu.memory_space<vmem>>
      %dma_wait3A_1623 = arith.constant 0 : i32
      %dma_wait3A_1624 = arith.constant 0 : i32
      %dma_wait3A_1625 = tpu.memref_slice %arg2[%dma_wait3A_1623, %dma_wait3A_1624] : memref<64x1000000xf32, #tpu.memory_space<hbm>> -> memref<64x128xf32, #tpu.memory_space<hbm>>
      tpu.wait_dma2 semaphore(%arg11 : memref<!tpu.dma_semaphore, #tpu.memory_space<semaphore_mem>>) src(%dma_wait3A_1625 : memref<64x128xf32, #tpu.memory_space<hbm>>) dst(%dma_wait3A_1622 : memref<64x128xf32, #tpu.memory_space<vmem>>)
      %mul3A_1626 = arith.constant 4 : i32
      %mul3A_1627 = arith.muli %add3A_1565, %mul3A_1626 : i32
      %get3A_1628 = arith.index_cast %mul3A_1627 : i32 to index
      %get3A_1629 = tpu.vector_load %arg5[%get3A_1628] {strides = array<i32>} : memref<528xi32, #tpu.memory_space<vmem>>, vector<16xi32>,
      %and3A_1630 = arith.constant 127 : i32
      %and3A_1631 = vector.broadcast %and3A_1630 : i32 to vector<16xi32>
      %and3A_1632 = arith.andi %get3A_1629, %and3A_1631 : vector<16xi32>
      %scan3A_1633 = arith.constant 0 : i32
      %scan3A_1634 = arith.constant 0 : i32
      %scan3A_1635 = arith.constant 32 : i32
      %scan3A_1636 = arith.addi %scan3A_1634, %scan3A_1635 : i32
      %scan3A_1637 = arith.constant 1 : i32
      %scan3A_1638 = scf.for %scan3A_1733 = %scan3A_1634 to %scan3A_1636 step %scan3A_1637 iter_args(%scan3A_1734 = %scan3A_1633) -> (i32)  : i32 {
        %mul3A_1735 = arith.constant 2 : i32
        %mul3A_1736 = arith.muli %mul3A_1735, %scan3A_1733 : i32
        %broadcast_in_dim3A = vector.broadcast %mul3A_1736 : i32 to vector<16xi32>
        %gather3A = tpu.vector_load_idx %arg7[%and3A_6, %broadcast_in_dim3A, %and3A_1632] masked %lt3A_4 : memref<4x64x128xf32, #tpu.memory_space<vmem>>[vector<16xi32>, vector<16xi32>, vector<16xi32>], vector<16xf32>, vector<16xi1>
        %mul3A_1737 = arith.constant 2 : i32
        %mul3A_1738 = arith.muli %mul3A_1737, %scan3A_1733 : i32
        %add3A_1739 = arith.constant 1 : i32
        %add3A_1740 = arith.addi %mul3A_1738, %add3A_1739 : i32
        %broadcast_in_dim3A_1741 = vector.broadcast %add3A_1740 : i32 to vector<16xi32>
        %gather3A_1742 = tpu.vector_load_idx %arg7[%and3A_6, %broadcast_in_dim3A_1741, %and3A_1632] masked %lt3A_4 : memref<4x64x128xf32, #tpu.memory_space<vmem>>[vector<16xi32>, vector<16xi32>, vector<16xi32>], vector<16xf32>, vector<16xi1>
        %pack3A = tpu.pack_subelements %gather3A, %gather3A_1742 {pack_format = #tpu.pack_format<interleaved>, positions = array<i32: 0, 1>} : vector<16xf32>, vector<16xf32> -> vector<32xbf16>
        %bitcast3A = vector.bitcast %pack3A : vector<32xbf16> to vector<16xi32>
        %broadcast_in_dim3A_1743 = vector.broadcast %scan3A_1733 : i32 to vector<16xi32>
        %mul3A_1744 = arith.constant 4 : i32
        %mul3A_1745 = arith.muli %add3A_1565, %mul3A_1744 : i32
        %add3A_1746 = vector.broadcast %mul3A_1745 : i32 to vector<16xi32>
        %add3A_1747 = arith.addi %add3A_1746, %iota3A : vector<16xi32>
        tpu.vector_store_idx %arg9[%broadcast_in_dim3A_1743, %add3A_1747], %bitcast3A masked %lt3A_4 : memref<32x512xi32, #tpu.memory_space<vmem>>[vector<16xi32>, vector<16xi32>], vector<16xi32>, vector<16xi1>
        %scan3A_1748 = arith.constant 0 : i32
        scf.yield %scan3A_1748 : i32
      }
      %scan3A_1639 = arith.constant 32 : i32
      %add3A_1640 = arith.constant 3 : i32
      %add3A_1641 = arith.addi %add3A_1565, %add3A_1640 : i32
      %lt3A_1642 = arith.constant 128 : i32
      %lt3A_1643 = arith.cmpi slt, %add3A_1641, %lt3A_1642 : i32
      %convert_element_type3A_1644 = arith.extui %lt3A_1643 : i1 to i32
      %cond3A_1645 = arith.constant 0 : i32
      %cond3A_1646 = arith.cmpi ne, %convert_element_type3A_1644, %cond3A_1645 : i32
      scf.if %cond3A_1646 {
        %add3A_1733 = arith.constant 3 : i32
        %add3A_1734 = arith.addi %add3A_1565, %add3A_1733 : i32
        %mul3A_1735 = arith.constant 4 : i32
        %mul3A_1736 = arith.muli %add3A_1734, %mul3A_1735 : i32
        %get3A_1737 = arith.index_cast %mul3A_1736 : i32 to index
        %get3A_1738 = tpu.vector_load %arg5[%get3A_1737] {strides = array<i32>} : memref<528xi32, #tpu.memory_space<vmem>>, vector<16xi32>,
        %slice3A_1739 = vector.extract_strided_slice %get3A_1738 {offsets = [0], sizes = [1], strides = [1]} : vector<16xi32> to vector<1xi32>
        %squeeze3A_1740 = vector.extract %slice3A_1739[0] : i32 from vector<1xi32>
        %shift_right_logical3A_1741 = arith.constant 7 : i32
        %shift_right_logical3A_1742 = arith.shrui %squeeze3A_1740, %shift_right_logical3A_1741 : i32
        %mul3A_1743 = arith.constant 128 : i32
        %mul3A_1744 = arith.muli %shift_right_logical3A_1742, %mul3A_1743 : i32
        %dma_start3A_1745 = arith.constant 0 : i32
        %dma_start3A_1746 = arith.constant 0 : i32
        %dma_start3A_1747 = arith.constant 0 : i32
        %dma_start3A_1748 = tpu.memref_slice %arg7[%dma_start3A_1745, %dma_start3A_1746, %dma_start3A_1747] : memref<4x64x128xf32, #tpu.memory_space<vmem>> -> memref<1x8x128xf32, #tpu.memory_space<vmem>>
        %dma_start3A_1749 = tpu.memref_squeeze %dma_start3A_1748 : memref<1x8x128xf32, #tpu.memory_space<vmem>> -> memref<8x128xf32, #tpu.memory_space<vmem>>
        %dma_start3A_1750 = arith.constant 0 : i32
        %dma_start3A_1751 = tpu.memref_slice %arg2[%dma_start3A_1750, %mul3A_1744] : memref<64x1000000xf32, #tpu.memory_space<hbm>> -> memref<8x128xf32, #tpu.memory_space<hbm>>
        %dma_start3A_1752 = arith.constant 0 : i32
        %dma_start3A_1753 = arith.constant 0 : i32
        %dma_start3A_1754 = tpu.memref_slice %arg7[%dma_start3A_1745, %dma_start3A_1752, %dma_start3A_1753] : memref<4x64x128xf32, #tpu.memory_space<vmem>> -> memref<1x8x128xf32, #tpu.memory_space<vmem>>
        %dma_start3A_1755 = tpu.memref_squeeze %dma_start3A_1754 : memref<1x8x128xf32, #tpu.memory_space<vmem>> -> memref<8x128xf32, #tpu.memory_space<vmem>>
        %dma_start3A_1756 = arith.constant 0 : i32
        %dma_start3A_1757 = tpu.memref_slice %arg2[%dma_start3A_1756, %mul3A_1744] : memref<64x1000000xf32, #tpu.memory_space<hbm>> -> memref<8x128xf32, #tpu.memory_space<hbm>>
        tpu.enqueue_dma source(%dma_start3A_1757 : memref<8x128xf32, #tpu.memory_space<hbm>>) target(%dma_start3A_1755 : memref<8x128xf32, #tpu.memory_space<vmem>>) target_semaphore(%arg11 : memref<!tpu.dma_semaphore, #tpu.memory_space<semaphore_mem>>)
        %dma_start3A_1758 = arith.constant 0 : i32
        %dma_start3A_1759 = arith.constant 8 : i32
        %dma_start3A_1760 = arith.constant 0 : i32
        %dma_start3A_1761 = tpu.memref_slice %arg7[%dma_start3A_1758, %dma_start3A_1759, %dma_start3A_1760] : memref<4x64x128xf32, #tpu.memory_space<vmem>> -> memref<1x8x128xf32, #tpu.memory_space<vmem>>
        %dma_start3A_1762 = tpu.memref_squeeze %dma_start3A_1761 : memref<1x8x128xf32, #tpu.memory_space<vmem>> -> memref<8x128xf32, #tpu.memory_space<vmem>>
        %dma_start3A_1763 = arith.constant 8 : i32
        %dma_start3A_1764 = tpu.memref_slice %arg2[%dma_start3A_1763, %mul3A_1744] : memref<64x1000000xf32, #tpu.memory_space<hbm>> -> memref<8x128xf32, #tpu.memory_space<hbm>>
        %dma_start3A_1765 = arith.constant 8 : i32
        %dma_start3A_1766 = arith.constant 0 : i32
        %dma_start3A_1767 = tpu.memref_slice %arg7[%dma_start3A_1758, %dma_start3A_1765, %dma_start3A_1766] : memref<4x64x128xf32, #tpu.memory_space<vmem>> -> memref<1x8x128xf32, #tpu.memory_space<vmem>>
        %dma_start3A_1768 = tpu.memref_squeeze %dma_start3A_1767 : memref<1x8x128xf32, #tpu.memory_space<vmem>> -> memref<8x128xf32, #tpu.memory_space<vmem>>
        %dma_start3A_1769 = arith.constant 8 : i32
        %dma_start3A_1770 = tpu.memref_slice %arg2[%dma_start3A_1769, %mul3A_1744] : memref<64x1000000xf32, #tpu.memory_space<hbm>> -> memref<8x128xf32, #tpu.memory_space<hbm>>
        tpu.enqueue_dma source(%dma_start3A_1770 : memref<8x128xf32, #tpu.memory_space<hbm>>) target(%dma_start3A_1768 : memref<8x128xf32, #tpu.memory_space<vmem>>) target_semaphore(%arg11 : memref<!tpu.dma_semaphore, #tpu.memory_space<semaphore_mem>>)
        %dma_start3A_1771 = arith.constant 0 : i32
        %dma_start3A_1772 = arith.constant 16 : i32
        %dma_start3A_1773 = arith.constant 0 : i32
        %dma_start3A_1774 = tpu.memref_slice %arg7[%dma_start3A_1771, %dma_start3A_1772, %dma_start3A_1773] : memref<4x64x128xf32, #tpu.memory_space<vmem>> -> memref<1x8x128xf32, #tpu.memory_space<vmem>>
        %dma_start3A_1775 = tpu.memref_squeeze %dma_start3A_1774 : memref<1x8x128xf32, #tpu.memory_space<vmem>> -> memref<8x128xf32, #tpu.memory_space<vmem>>
        %dma_start3A_1776 = arith.constant 16 : i32
        %dma_start3A_1777 = tpu.memref_slice %arg2[%dma_start3A_1776, %mul3A_1744] : memref<64x1000000xf32, #tpu.memory_space<hbm>> -> memref<8x128xf32, #tpu.memory_space<hbm>>
        %dma_start3A_1778 = arith.constant 16 : i32
        %dma_start3A_1779 = arith.constant 0 : i32
        %dma_start3A_1780 = tpu.memref_slice %arg7[%dma_start3A_1771, %dma_start3A_1778, %dma_start3A_1779] : memref<4x64x128xf32, #tpu.memory_space<vmem>> -> memref<1x8x128xf32, #tpu.memory_space<vmem>>
        %dma_start3A_1781 = tpu.memref_squeeze %dma_start3A_1780 : memref<1x8x128xf32, #tpu.memory_space<vmem>> -> memref<8x128xf32, #tpu.memory_space<vmem>>
        %dma_start3A_1782 = arith.constant 16 : i32
        %dma_start3A_1783 = tpu.memref_slice %arg2[%dma_start3A_1782, %mul3A_1744] : memref<64x1000000xf32, #tpu.memory_space<hbm>> -> memref<8x128xf32, #tpu.memory_space<hbm>>
        tpu.enqueue_dma source(%dma_start3A_1783 : memref<8x128xf32, #tpu.memory_space<hbm>>) target(%dma_start3A_1781 : memref<8x128xf32, #tpu.memory_space<vmem>>) target_semaphore(%arg11 : memref<!tpu.dma_semaphore, #tpu.memory_space<semaphore_mem>>)
        %dma_start3A_1784 = arith.constant 0 : i32
        %dma_start3A_1785 = arith.constant 24 : i32
        %dma_start3A_1786 = arith.constant 0 : i32
        %dma_start3A_1787 = tpu.memref_slice %arg7[%dma_start3A_1784, %dma_start3A_1785, %dma_start3A_1786] : memref<4x64x128xf32, #tpu.memory_space<vmem>> -> memref<1x8x128xf32, #tpu.memory_space<vmem>>
        %dma_start3A_1788 = tpu.memref_squeeze %dma_start3A_1787 : memref<1x8x128xf32, #tpu.memory_space<vmem>> -> memref<8x128xf32, #tpu.memory_space<vmem>>
        %dma_start3A_1789 = arith.constant 24 : i32
        %dma_start3A_1790 = tpu.memref_slice %arg2[%dma_start3A_1789, %mul3A_1744] : memref<64x1000000xf32, #tpu.memory_space<hbm>> -> memref<8x128xf32, #tpu.memory_space<hbm>>
        %dma_start3A_1791 = arith.constant 24 : i32
        %dma_start3A_1792 = arith.constant 0 : i32
        %dma_start3A_1793 = tpu.memref_slice %arg7[%dma_start3A_1784, %dma_start3A_1791, %dma_start3A_1792] : memref<4x64x128xf32, #tpu.memory_space<vmem>> -> memref<1x8x128xf32, #tpu.memory_space<vmem>>
        %dma_start3A_1794 = tpu.memref_squeeze %dma_start3A_1793 : memref<1x8x128xf32, #tpu.memory_space<vmem>> -> memref<8x128xf32, #tpu.memory_space<vmem>>
        %dma_start3A_1795 = arith.constant 24 : i32
        %dma_start3A_1796 = tpu.memref_slice %arg2[%dma_start3A_1795, %mul3A_1744] : memref<64x1000000xf32, #tpu.memory_space<hbm>> -> memref<8x128xf32, #tpu.memory_space<hbm>>
        tpu.enqueue_dma source(%dma_start3A_1796 : memref<8x128xf32, #tpu.memory_space<hbm>>) target(%dma_start3A_1794 : memref<8x128xf32, #tpu.memory_space<vmem>>) target_semaphore(%arg11 : memref<!tpu.dma_semaphore, #tpu.memory_space<semaphore_mem>>)
        %dma_start3A_1797 = arith.constant 0 : i32
        %dma_start3A_1798 = arith.constant 32 : i32
        %dma_start3A_1799 = arith.constant 0 : i32
        %dma_start3A_1800 = tpu.memref_slice %arg7[%dma_start3A_1797, %dma_start3A_1798, %dma_start3A_1799] : memref<4x64x128xf32, #tpu.memory_space<vmem>> -> memref<1x8x128xf32, #tpu.memory_space<vmem>>
        %dma_start3A_1801 = tpu.memref_squeeze %dma_start3A_1800 : memref<1x8x128xf32, #tpu.memory_space<vmem>> -> memref<8x128xf32, #tpu.memory_space<vmem>>
        %dma_start3A_1802 = arith.constant 32 : i32
        %dma_start3A_1803 = tpu.memref_slice %arg2[%dma_start3A_1802, %mul3A_1744] : memref<64x1000000xf32, #tpu.memory_space<hbm>> -> memref<8x128xf32, #tpu.memory_space<hbm>>
        %dma_start3A_1804 = arith.constant 32 : i32
        %dma_start3A_1805 = arith.constant 0 : i32
        %dma_start3A_1806 = tpu.memref_slice %arg7[%dma_start3A_1797, %dma_start3A_1804, %dma_start3A_1805] : memref<4x64x128xf32, #tpu.memory_space<vmem>> -> memref<1x8x128xf32, #tpu.memory_space<vmem>>
        %dma_start3A_1807 = tpu.memref_squeeze %dma_start3A_1806 : memref<1x8x128xf32, #tpu.memory_space<vmem>> -> memref<8x128xf32, #tpu.memory_space<vmem>>
        %dma_start3A_1808 = arith.constant 32 : i32
        %dma_start3A_1809 = tpu.memref_slice %arg2[%dma_start3A_1808, %mul3A_1744] : memref<64x1000000xf32, #tpu.memory_space<hbm>> -> memref<8x128xf32, #tpu.memory_space<hbm>>
        tpu.enqueue_dma source(%dma_start3A_1809 : memref<8x128xf32, #tpu.memory_space<hbm>>) target(%dma_start3A_1807 : memref<8x128xf32, #tpu.memory_space<vmem>>) target_semaphore(%arg11 : memref<!tpu.dma_semaphore, #tpu.memory_space<semaphore_mem>>)
        %dma_start3A_1810 = arith.constant 0 : i32
        %dma_start3A_1811 = arith.constant 40 : i32
        %dma_start3A_1812 = arith.constant 0 : i32
        %dma_start3A_1813 = tpu.memref_slice %arg7[%dma_start3A_1810, %dma_start3A_1811, %dma_start3A_1812] : memref<4x64x128xf32, #tpu.memory_space<vmem>> -> memref<1x8x128xf32, #tpu.memory_space<vmem>>
        %dma_start3A_1814 = tpu.memref_squeeze %dma_start3A_1813 : memref<1x8x128xf32, #tpu.memory_space<vmem>> -> memref<8x128xf32, #tpu.memory_space<vmem>>
        %dma_start3A_1815 = arith.constant 40 : i32
        %dma_start3A_1816 = tpu.memref_slice %arg2[%dma_start3A_1815, %mul3A_1744] : memref<64x1000000xf32, #tpu.memory_space<hbm>> -> memref<8x128xf32, #tpu.memory_space<hbm>>
        %dma_start3A_1817 = arith.constant 40 : i32
        %dma_start3A_1818 = arith.constant 0 : i32
        %dma_start3A_1819 = tpu.memref_slice %arg7[%dma_start3A_1810, %dma_start3A_1817, %dma_start3A_1818] : memref<4x64x128xf32, #tpu.memory_space<vmem>> -> memref<1x8x128xf32, #tpu.memory_space<vmem>>
        %dma_start3A_1820 = tpu.memref_squeeze %dma_start3A_1819 : memref<1x8x128xf32, #tpu.memory_space<vmem>> -> memref<8x128xf32, #tpu.memory_space<vmem>>
        %dma_start3A_1821 = arith.constant 40 : i32
        %dma_start3A_1822 = tpu.memref_slice %arg2[%dma_start3A_1821, %mul3A_1744] : memref<64x1000000xf32, #tpu.memory_space<hbm>> -> memref<8x128xf32, #tpu.memory_space<hbm>>
        tpu.enqueue_dma source(%dma_start3A_1822 : memref<8x128xf32, #tpu.memory_space<hbm>>) target(%dma_start3A_1820 : memref<8x128xf32, #tpu.memory_space<vmem>>) target_semaphore(%arg11 : memref<!tpu.dma_semaphore, #tpu.memory_space<semaphore_mem>>)
        %dma_start3A_1823 = arith.constant 0 : i32
        %dma_start3A_1824 = arith.constant 48 : i32
        %dma_start3A_1825 = arith.constant 0 : i32
        %dma_start3A_1826 = tpu.memref_slice %arg7[%dma_start3A_1823, %dma_start3A_1824, %dma_start3A_1825] : memref<4x64x128xf32, #tpu.memory_space<vmem>> -> memref<1x8x128xf32, #tpu.memory_space<vmem>>
        %dma_start3A_1827 = tpu.memref_squeeze %dma_start3A_1826 : memref<1x8x128xf32, #tpu.memory_space<vmem>> -> memref<8x128xf32, #tpu.memory_space<vmem>>
        %dma_start3A_1828 = arith.constant 48 : i32
        %dma_start3A_1829 = tpu.memref_slice %arg2[%dma_start3A_1828, %mul3A_1744] : memref<64x1000000xf32, #tpu.memory_space<hbm>> -> memref<8x128xf32, #tpu.memory_space<hbm>>
        %dma_start3A_1830 = arith.constant 48 : i32
        %dma_start3A_1831 = arith.constant 0 : i32
        %dma_start3A_1832 = tpu.memref_slice %arg7[%dma_start3A_1823, %dma_start3A_1830, %dma_start3A_1831] : memref<4x64x128xf32, #tpu.memory_space<vmem>> -> memref<1x8x128xf32, #tpu.memory_space<vmem>>
        %dma_start3A_1833 = tpu.memref_squeeze %dma_start3A_1832 : memref<1x8x128xf32, #tpu.memory_space<vmem>> -> memref<8x128xf32, #tpu.memory_space<vmem>>
        %dma_start3A_1834 = arith.constant 48 : i32
        %dma_start3A_1835 = tpu.memref_slice %arg2[%dma_start3A_1834, %mul3A_1744] : memref<64x1000000xf32, #tpu.memory_space<hbm>> -> memref<8x128xf32, #tpu.memory_space<hbm>>
        tpu.enqueue_dma source(%dma_start3A_1835 : memref<8x128xf32, #tpu.memory_space<hbm>>) target(%dma_start3A_1833 : memref<8x128xf32, #tpu.memory_space<vmem>>) target_semaphore(%arg11 : memref<!tpu.dma_semaphore, #tpu.memory_space<semaphore_mem>>)
        %dma_start3A_1836 = arith.constant 0 : i32
        %dma_start3A_1837 = arith.constant 56 : i32
        %dma_start3A_1838 = arith.constant 0 : i32
        %dma_start3A_1839 = tpu.memref_slice %arg7[%dma_start3A_1836, %dma_start3A_1837, %dma_start3A_1838] : memref<4x64x128xf32, #tpu.memory_space<vmem>> -> memref<1x8x128xf32, #tpu.memory_space<vmem>>
        %dma_start3A_1840 = tpu.memref_squeeze %dma_start3A_1839 : memref<1x8x128xf32, #tpu.memory_space<vmem>> -> memref<8x128xf32, #tpu.memory_space<vmem>>
        %dma_start3A_1841 = arith.constant 56 : i32
        %dma_start3A_1842 = tpu.memref_slice %arg2[%dma_start3A_1841, %mul3A_1744] : memref<64x1000000xf32, #tpu.memory_space<hbm>> -> memref<8x128xf32, #tpu.memory_space<hbm>>
        %dma_start3A_1843 = arith.constant 56 : i32
        %dma_start3A_1844 = arith.constant 0 : i32
        %dma_start3A_1845 = tpu.memref_slice %arg7[%dma_start3A_1836, %dma_start3A_1843, %dma_start3A_1844] : memref<4x64x128xf32, #tpu.memory_space<vmem>> -> memref<1x8x128xf32, #tpu.memory_space<vmem>>
        %dma_start3A_1846 = tpu.memref_squeeze %dma_start3A_1845 : memref<1x8x128xf32, #tpu.memory_space<vmem>> -> memref<8x128xf32, #tpu.memory_space<vmem>>
        %dma_start3A_1847 = arith.constant 56 : i32
        %dma_start3A_1848 = tpu.memref_slice %arg2[%dma_start3A_1847, %mul3A_1744] : memref<64x1000000xf32, #tpu.memory_space<hbm>> -> memref<8x128xf32, #tpu.memory_space<hbm>>
        tpu.enqueue_dma source(%dma_start3A_1848 : memref<8x128xf32, #tpu.memory_space<hbm>>) target(%dma_start3A_1846 : memref<8x128xf32, #tpu.memory_space<vmem>>) target_semaphore(%arg11 : memref<!tpu.dma_semaphore, #tpu.memory_space<semaphore_mem>>)
        %slice3A_1849 = vector.extract_strided_slice %get3A_1738 {offsets = [1], sizes = [1], strides = [1]} : vector<16xi32> to vector<1xi32>
        %squeeze3A_1850 = vector.extract %slice3A_1849[0] : i32 from vector<1xi32>
        %shift_right_logical3A_1851 = arith.constant 7 : i32
        %shift_right_logical3A_1852 = arith.shrui %squeeze3A_1850, %shift_right_logical3A_1851 : i32
        %mul3A_1853 = arith.constant 128 : i32
        %mul3A_1854 = arith.muli %shift_right_logical3A_1852, %mul3A_1853 : i32
        %dma_start3A_1855 = arith.constant 1 : i32
        %dma_start3A_1856 = arith.constant 0 : i32
        %dma_start3A_1857 = arith.constant 0 : i32
        %dma_start3A_1858 = tpu.memref_slice %arg7[%dma_start3A_1855, %dma_start3A_1856, %dma_start3A_1857] : memref<4x64x128xf32, #tpu.memory_space<vmem>> -> memref<1x8x128xf32, #tpu.memory_space<vmem>>
        %dma_start3A_1859 = tpu.memref_squeeze %dma_start3A_1858 : memref<1x8x128xf32, #tpu.memory_space<vmem>> -> memref<8x128xf32, #tpu.memory_space<vmem>>
        %dma_start3A_1860 = arith.constant 0 : i32
        %dma_start3A_1861 = tpu.memref_slice %arg2[%dma_start3A_1860, %mul3A_1854] : memref<64x1000000xf32, #tpu.memory_space<hbm>> -> memref<8x128xf32, #tpu.memory_space<hbm>>
        %dma_start3A_1862 = arith.constant 0 : i32
        %dma_start3A_1863 = arith.constant 0 : i32
        %dma_start3A_1864 = tpu.memref_slice %arg7[%dma_start3A_1855, %dma_start3A_1862, %dma_start3A_1863] : memref<4x64x128xf32, #tpu.memory_space<vmem>> -> memref<1x8x128xf32, #tpu.memory_space<vmem>>
        %dma_start3A_1865 = tpu.memref_squeeze %dma_start3A_1864 : memref<1x8x128xf32, #tpu.memory_space<vmem>> -> memref<8x128xf32, #tpu.memory_space<vmem>>
        %dma_start3A_1866 = arith.constant 0 : i32
        %dma_start3A_1867 = tpu.memref_slice %arg2[%dma_start3A_1866, %mul3A_1854] : memref<64x1000000xf32, #tpu.memory_space<hbm>> -> memref<8x128xf32, #tpu.memory_space<hbm>>
        tpu.enqueue_dma source(%dma_start3A_1867 : memref<8x128xf32, #tpu.memory_space<hbm>>) target(%dma_start3A_1865 : memref<8x128xf32, #tpu.memory_space<vmem>>) target_semaphore(%arg11 : memref<!tpu.dma_semaphore, #tpu.memory_space<semaphore_mem>>)
        %dma_start3A_1868 = arith.constant 1 : i32
        %dma_start3A_1869 = arith.constant 8 : i32
        %dma_start3A_1870 = arith.constant 0 : i32
        %dma_start3A_1871 = tpu.memref_slice %arg7[%dma_start3A_1868, %dma_start3A_1869, %dma_start3A_1870] : memref<4x64x128xf32, #tpu.memory_space<vmem>> -> memref<1x8x128xf32, #tpu.memory_space<vmem>>
        %dma_start3A_1872 = tpu.memref_squeeze %dma_start3A_1871 : memref<1x8x128xf32, #tpu.memory_space<vmem>> -> memref<8x128xf32, #tpu.memory_space<vmem>>
        %dma_start3A_1873 = arith.constant 8 : i32
        %dma_start3A_1874 = tpu.memref_slice %arg2[%dma_start3A_1873, %mul3A_1854] : memref<64x1000000xf32, #tpu.memory_space<hbm>> -> memref<8x128xf32, #tpu.memory_space<hbm>>
        %dma_start3A_1875 = arith.constant 8 : i32
        %dma_start3A_1876 = arith.constant 0 : i32
        %dma_start3A_1877 = tpu.memref_slice %arg7[%dma_start3A_1868, %dma_start3A_1875, %dma_start3A_1876] : memref<4x64x128xf32, #tpu.memory_space<vmem>> -> memref<1x8x128xf32, #tpu.memory_space<vmem>>
        %dma_start3A_1878 = tpu.memref_squeeze %dma_start3A_1877 : memref<1x8x128xf32, #tpu.memory_space<vmem>> -> memref<8x128xf32, #tpu.memory_space<vmem>>
        %dma_start3A_1879 = arith.constant 8 : i32
        %dma_start3A_1880 = tpu.memref_slice %arg2[%dma_start3A_1879, %mul3A_1854] : memref<64x1000000xf32, #tpu.memory_space<hbm>> -> memref<8x128xf32, #tpu.memory_space<hbm>>
        tpu.enqueue_dma source(%dma_start3A_1880 : memref<8x128xf32, #tpu.memory_space<hbm>>) target(%dma_start3A_1878 : memref<8x128xf32, #tpu.memory_space<vmem>>) target_semaphore(%arg11 : memref<!tpu.dma_semaphore, #tpu.memory_space<semaphore_mem>>)
        %dma_start3A_1881 = arith.constant 1 : i32
        %dma_start3A_1882 = arith.constant 16 : i32
        %dma_start3A_1883 = arith.constant 0 : i32
        %dma_start3A_1884 = tpu.memref_slice %arg7[%dma_start3A_1881, %dma_start3A_1882, %dma_start3A_1883] : memref<4x64x128xf32, #tpu.memory_space<vmem>> -> memref<1x8x128xf32, #tpu.memory_space<vmem>>
        %dma_start3A_1885 = tpu.memref_squeeze %dma_start3A_1884 : memref<1x8x128xf32, #tpu.memory_space<vmem>> -> memref<8x128xf32, #tpu.memory_space<vmem>>
        %dma_start3A_1886 = arith.constant 16 : i32
        %dma_start3A_1887 = tpu.memref_slice %arg2[%dma_start3A_1886, %mul3A_1854] : memref<64x1000000xf32, #tpu.memory_space<hbm>> -> memref<8x128xf32, #tpu.memory_space<hbm>>
        %dma_start3A_1888 = arith.constant 16 : i32
        %dma_start3A_1889 = arith.constant 0 : i32
        %dma_start3A_1890 = tpu.memref_slice %arg7[%dma_start3A_1881, %dma_start3A_1888, %dma_start3A_1889] : memref<4x64x128xf32, #tpu.memory_space<vmem>> -> memref<1x8x128xf32, #tpu.memory_space<vmem>>
        %dma_start3A_1891 = tpu.memref_squeeze %dma_start3A_1890 : memref<1x8x128xf32, #tpu.memory_space<vmem>> -> memref<8x128xf32, #tpu.memory_space<vmem>>
        %dma_start3A_1892 = arith.constant 16 : i32
        %dma_start3A_1893 = tpu.memref_slice %arg2[%dma_start3A_1892, %mul3A_1854] : memref<64x1000000xf32, #tpu.memory_space<hbm>> -> memref<8x128xf32, #tpu.memory_space<hbm>>
        tpu.enqueue_dma source(%dma_start3A_1893 : memref<8x128xf32, #tpu.memory_space<hbm>>) target(%dma_start3A_1891 : memref<8x128xf32, #tpu.memory_space<vmem>>) target_semaphore(%arg11 : memref<!tpu.dma_semaphore, #tpu.memory_space<semaphore_mem>>)
        %dma_start3A_1894 = arith.constant 1 : i32
        %dma_start3A_1895 = arith.constant 24 : i32
        %dma_start3A_1896 = arith.constant 0 : i32
        %dma_start3A_1897 = tpu.memref_slice %arg7[%dma_start3A_1894, %dma_start3A_1895, %dma_start3A_1896] : memref<4x64x128xf32, #tpu.memory_space<vmem>> -> memref<1x8x128xf32, #tpu.memory_space<vmem>>
        %dma_start3A_1898 = tpu.memref_squeeze %dma_start3A_1897 : memref<1x8x128xf32, #tpu.memory_space<vmem>> -> memref<8x128xf32, #tpu.memory_space<vmem>>
        %dma_start3A_1899 = arith.constant 24 : i32
        %dma_start3A_1900 = tpu.memref_slice %arg2[%dma_start3A_1899, %mul3A_1854] : memref<64x1000000xf32, #tpu.memory_space<hbm>> -> memref<8x128xf32, #tpu.memory_space<hbm>>
        %dma_start3A_1901 = arith.constant 24 : i32
        %dma_start3A_1902 = arith.constant 0 : i32
        %dma_start3A_1903 = tpu.memref_slice %arg7[%dma_start3A_1894, %dma_start3A_1901, %dma_start3A_1902] : memref<4x64x128xf32, #tpu.memory_space<vmem>> -> memref<1x8x128xf32, #tpu.memory_space<vmem>>
        %dma_start3A_1904 = tpu.memref_squeeze %dma_start3A_1903 : memref<1x8x128xf32, #tpu.memory_space<vmem>> -> memref<8x128xf32, #tpu.memory_space<vmem>>
        %dma_start3A_1905 = arith.constant 24 : i32
        %dma_start3A_1906 = tpu.memref_slice %arg2[%dma_start3A_1905, %mul3A_1854] : memref<64x1000000xf32, #tpu.memory_space<hbm>> -> memref<8x128xf32, #tpu.memory_space<hbm>>
        tpu.enqueue_dma source(%dma_start3A_1906 : memref<8x128xf32, #tpu.memory_space<hbm>>) target(%dma_start3A_1904 : memref<8x128xf32, #tpu.memory_space<vmem>>) target_semaphore(%arg11 : memref<!tpu.dma_semaphore, #tpu.memory_space<semaphore_mem>>)
        %dma_start3A_1907 = arith.constant 1 : i32
        %dma_start3A_1908 = arith.constant 32 : i32
        %dma_start3A_1909 = arith.constant 0 : i32
        %dma_start3A_1910 = tpu.memref_slice %arg7[%dma_start3A_1907, %dma_start3A_1908, %dma_start3A_1909] : memref<4x64x128xf32, #tpu.memory_space<vmem>> -> memref<1x8x128xf32, #tpu.memory_space<vmem>>
        %dma_start3A_1911 = tpu.memref_squeeze %dma_start3A_1910 : memref<1x8x128xf32, #tpu.memory_space<vmem>> -> memref<8x128xf32, #tpu.memory_space<vmem>>
        %dma_start3A_1912 = arith.constant 32 : i32
        %dma_start3A_1913 = tpu.memref_slice %arg2[%dma_start3A_1912, %mul3A_1854] : memref<64x1000000xf32, #tpu.memory_space<hbm>> -> memref<8x128xf32, #tpu.memory_space<hbm>>
        %dma_start3A_1914 = arith.constant 32 : i32
        %dma_start3A_1915 = arith.constant 0 : i32
        %dma_start3A_1916 = tpu.memref_slice %arg7[%dma_start3A_1907, %dma_start3A_1914, %dma_start3A_1915] : memref<4x64x128xf32, #tpu.memory_space<vmem>> -> memref<1x8x128xf32, #tpu.memory_space<vmem>>
        %dma_start3A_1917 = tpu.memref_squeeze %dma_start3A_1916 : memref<1x8x128xf32, #tpu.memory_space<vmem>> -> memref<8x128xf32, #tpu.memory_space<vmem>>
        %dma_start3A_1918 = arith.constant 32 : i32
        %dma_start3A_1919 = tpu.memref_slice %arg2[%dma_start3A_1918, %mul3A_1854] : memref<64x1000000xf32, #tpu.memory_space<hbm>> -> memref<8x128xf32, #tpu.memory_space<hbm>>
        tpu.enqueue_dma source(%dma_start3A_1919 : memref<8x128xf32, #tpu.memory_space<hbm>>) target(%dma_start3A_1917 : memref<8x128xf32, #tpu.memory_space<vmem>>) target_semaphore(%arg11 : memref<!tpu.dma_semaphore, #tpu.memory_space<semaphore_mem>>)
        %dma_start3A_1920 = arith.constant 1 : i32
        %dma_start3A_1921 = arith.constant 40 : i32
        %dma_start3A_1922 = arith.constant 0 : i32
        %dma_start3A_1923 = tpu.memref_slice %arg7[%dma_start3A_1920, %dma_start3A_1921, %dma_start3A_1922] : memref<4x64x128xf32, #tpu.memory_space<vmem>> -> memref<1x8x128xf32, #tpu.memory_space<vmem>>
        %dma_start3A_1924 = tpu.memref_squeeze %dma_start3A_1923 : memref<1x8x128xf32, #tpu.memory_space<vmem>> -> memref<8x128xf32, #tpu.memory_space<vmem>>
        %dma_start3A_1925 = arith.constant 40 : i32
        %dma_start3A_1926 = tpu.memref_slice %arg2[%dma_start3A_1925, %mul3A_1854] : memref<64x1000000xf32, #tpu.memory_space<hbm>> -> memref<8x128xf32, #tpu.memory_space<hbm>>
        %dma_start3A_1927 = arith.constant 40 : i32
        %dma_start3A_1928 = arith.constant 0 : i32
        %dma_start3A_1929 = tpu.memref_slice %arg7[%dma_start3A_1920, %dma_start3A_1927, %dma_start3A_1928] : memref<4x64x128xf32, #tpu.memory_space<vmem>> -> memref<1x8x128xf32, #tpu.memory_space<vmem>>
        %dma_start3A_1930 = tpu.memref_squeeze %dma_start3A_1929 : memref<1x8x128xf32, #tpu.memory_space<vmem>> -> memref<8x128xf32, #tpu.memory_space<vmem>>
        %dma_start3A_1931 = arith.constant 40 : i32
        %dma_start3A_1932 = tpu.memref_slice %arg2[%dma_start3A_1931, %mul3A_1854] : memref<64x1000000xf32, #tpu.memory_space<hbm>> -> memref<8x128xf32, #tpu.memory_space<hbm>>
        tpu.enqueue_dma source(%dma_start3A_1932 : memref<8x128xf32, #tpu.memory_space<hbm>>) target(%dma_start3A_1930 : memref<8x128xf32, #tpu.memory_space<vmem>>) target_semaphore(%arg11 : memref<!tpu.dma_semaphore, #tpu.memory_space<semaphore_mem>>)
        %dma_start3A_1933 = arith.constant 1 : i32
        %dma_start3A_1934 = arith.constant 48 : i32
        %dma_start3A_1935 = arith.constant 0 : i32
        %dma_start3A_1936 = tpu.memref_slice %arg7[%dma_start3A_1933, %dma_start3A_1934, %dma_start3A_1935] : memref<4x64x128xf32, #tpu.memory_space<vmem>> -> memref<1x8x128xf32, #tpu.memory_space<vmem>>
        %dma_start3A_1937 = tpu.memref_squeeze %dma_start3A_1936 : memref<1x8x128xf32, #tpu.memory_space<vmem>> -> memref<8x128xf32, #tpu.memory_space<vmem>>
        %dma_start3A_1938 = arith.constant 48 : i32
        %dma_start3A_1939 = tpu.memref_slice %arg2[%dma_start3A_1938, %mul3A_1854] : memref<64x1000000xf32, #tpu.memory_space<hbm>> -> memref<8x128xf32, #tpu.memory_space<hbm>>
        %dma_start3A_1940 = arith.constant 48 : i32
        %dma_start3A_1941 = arith.constant 0 : i32
        %dma_start3A_1942 = tpu.memref_slice %arg7[%dma_start3A_1933, %dma_start3A_1940, %dma_start3A_1941] : memref<4x64x128xf32, #tpu.memory_space<vmem>> -> memref<1x8x128xf32, #tpu.memory_space<vmem>>
        %dma_start3A_1943 = tpu.memref_squeeze %dma_start3A_1942 : memref<1x8x128xf32, #tpu.memory_space<vmem>> -> memref<8x128xf32, #tpu.memory_space<vmem>>
        %dma_start3A_1944 = arith.constant 48 : i32
        %dma_start3A_1945 = tpu.memref_slice %arg2[%dma_start3A_1944, %mul3A_1854] : memref<64x1000000xf32, #tpu.memory_space<hbm>> -> memref<8x128xf32, #tpu.memory_space<hbm>>
        tpu.enqueue_dma source(%dma_start3A_1945 : memref<8x128xf32, #tpu.memory_space<hbm>>) target(%dma_start3A_1943 : memref<8x128xf32, #tpu.memory_space<vmem>>) target_semaphore(%arg11 : memref<!tpu.dma_semaphore, #tpu.memory_space<semaphore_mem>>)
        %dma_start3A_1946 = arith.constant 1 : i32
        %dma_start3A_1947 = arith.constant 56 : i32
        %dma_start3A_1948 = arith.constant 0 : i32
        %dma_start3A_1949 = tpu.memref_slice %arg7[%dma_start3A_1946, %dma_start3A_1947, %dma_start3A_1948] : memref<4x64x128xf32, #tpu.memory_space<vmem>> -> memref<1x8x128xf32, #tpu.memory_space<vmem>>
        %dma_start3A_1950 = tpu.memref_squeeze %dma_start3A_1949 : memref<1x8x128xf32, #tpu.memory_space<vmem>> -> memref<8x128xf32, #tpu.memory_space<vmem>>
        %dma_start3A_1951 = arith.constant 56 : i32
        %dma_start3A_1952 = tpu.memref_slice %arg2[%dma_start3A_1951, %mul3A_1854] : memref<64x1000000xf32, #tpu.memory_space<hbm>> -> memref<8x128xf32, #tpu.memory_space<hbm>>
        %dma_start3A_1953 = arith.constant 56 : i32
        %dma_start3A_1954 = arith.constant 0 : i32
        %dma_start3A_1955 = tpu.memref_slice %arg7[%dma_start3A_1946, %dma_start3A_1953, %dma_start3A_1954] : memref<4x64x128xf32, #tpu.memory_space<vmem>> -> memref<1x8x128xf32, #tpu.memory_space<vmem>>
        %dma_start3A_1956 = tpu.memref_squeeze %dma_start3A_1955 : memref<1x8x128xf32, #tpu.memory_space<vmem>> -> memref<8x128xf32, #tpu.memory_space<vmem>>
        %dma_start3A_1957 = arith.constant 56 : i32
        %dma_start3A_1958 = tpu.memref_slice %arg2[%dma_start3A_1957, %mul3A_1854] : memref<64x1000000xf32, #tpu.memory_space<hbm>> -> memref<8x128xf32, #tpu.memory_space<hbm>>
        tpu.enqueue_dma source(%dma_start3A_1958 : memref<8x128xf32, #tpu.memory_space<hbm>>) target(%dma_start3A_1956 : memref<8x128xf32, #tpu.memory_space<vmem>>) target_semaphore(%arg11 : memref<!tpu.dma_semaphore, #tpu.memory_space<semaphore_mem>>)
        %slice3A_1959 = vector.extract_strided_slice %get3A_1738 {offsets = [2], sizes = [1], strides = [1]} : vector<16xi32> to vector<1xi32>
        %squeeze3A_1960 = vector.extract %slice3A_1959[0] : i32 from vector<1xi32>
        %shift_right_logical3A_1961 = arith.constant 7 : i32
        %shift_right_logical3A_1962 = arith.shrui %squeeze3A_1960, %shift_right_logical3A_1961 : i32
        %mul3A_1963 = arith.constant 128 : i32
        %mul3A_1964 = arith.muli %shift_right_logical3A_1962, %mul3A_1963 : i32
        %dma_start3A_1965 = arith.constant 2 : i32
        %dma_start3A_1966 = arith.constant 0 : i32
        %dma_start3A_1967 = arith.constant 0 : i32
        %dma_start3A_1968 = tpu.memref_slice %arg7[%dma_start3A_1965, %dma_start3A_1966, %dma_start3A_1967] : memref<4x64x128xf32, #tpu.memory_space<vmem>> -> memref<1x8x128xf32, #tpu.memory_space<vmem>>
        %dma_start3A_1969 = tpu.memref_squeeze %dma_start3A_1968 : memref<1x8x128xf32, #tpu.memory_space<vmem>> -> memref<8x128xf32, #tpu.memory_space<vmem>>
        %dma_start3A_1970 = arith.constant 0 : i32
        %dma_start3A_1971 = tpu.memref_slice %arg2[%dma_start3A_1970, %mul3A_1964] : memref<64x1000000xf32, #tpu.memory_space<hbm>> -> memref<8x128xf32, #tpu.memory_space<hbm>>
        %dma_start3A_1972 = arith.constant 0 : i32
        %dma_start3A_1973 = arith.constant 0 : i32
        %dma_start3A_1974 = tpu.memref_slice %arg7[%dma_start3A_1965, %dma_start3A_1972, %dma_start3A_1973] : memref<4x64x128xf32, #tpu.memory_space<vmem>> -> memref<1x8x128xf32, #tpu.memory_space<vmem>>
        %dma_start3A_1975 = tpu.memref_squeeze %dma_start3A_1974 : memref<1x8x128xf32, #tpu.memory_space<vmem>> -> memref<8x128xf32, #tpu.memory_space<vmem>>
        %dma_start3A_1976 = arith.constant 0 : i32
        %dma_start3A_1977 = tpu.memref_slice %arg2[%dma_start3A_1976, %mul3A_1964] : memref<64x1000000xf32, #tpu.memory_space<hbm>> -> memref<8x128xf32, #tpu.memory_space<hbm>>
        tpu.enqueue_dma source(%dma_start3A_1977 : memref<8x128xf32, #tpu.memory_space<hbm>>) target(%dma_start3A_1975 : memref<8x128xf32, #tpu.memory_space<vmem>>) target_semaphore(%arg11 : memref<!tpu.dma_semaphore, #tpu.memory_space<semaphore_mem>>)
        %dma_start3A_1978 = arith.constant 2 : i32
        %dma_start3A_1979 = arith.constant 8 : i32
        %dma_start3A_1980 = arith.constant 0 : i32
        %dma_start3A_1981 = tpu.memref_slice %arg7[%dma_start3A_1978, %dma_start3A_1979, %dma_start3A_1980] : memref<4x64x128xf32, #tpu.memory_space<vmem>> -> memref<1x8x128xf32, #tpu.memory_space<vmem>>
        %dma_start3A_1982 = tpu.memref_squeeze %dma_start3A_1981 : memref<1x8x128xf32, #tpu.memory_space<vmem>> -> memref<8x128xf32, #tpu.memory_space<vmem>>
        %dma_start3A_1983 = arith.constant 8 : i32
        %dma_start3A_1984 = tpu.memref_slice %arg2[%dma_start3A_1983, %mul3A_1964] : memref<64x1000000xf32, #tpu.memory_space<hbm>> -> memref<8x128xf32, #tpu.memory_space<hbm>>
        %dma_start3A_1985 = arith.constant 8 : i32
        %dma_start3A_1986 = arith.constant 0 : i32
        %dma_start3A_1987 = tpu.memref_slice %arg7[%dma_start3A_1978, %dma_start3A_1985, %dma_start3A_1986] : memref<4x64x128xf32, #tpu.memory_space<vmem>> -> memref<1x8x128xf32, #tpu.memory_space<vmem>>
        %dma_start3A_1988 = tpu.memref_squeeze %dma_start3A_1987 : memref<1x8x128xf32, #tpu.memory_space<vmem>> -> memref<8x128xf32, #tpu.memory_space<vmem>>
        %dma_start3A_1989 = arith.constant 8 : i32
        %dma_start3A_1990 = tpu.memref_slice %arg2[%dma_start3A_1989, %mul3A_1964] : memref<64x1000000xf32, #tpu.memory_space<hbm>> -> memref<8x128xf32, #tpu.memory_space<hbm>>
        tpu.enqueue_dma source(%dma_start3A_1990 : memref<8x128xf32, #tpu.memory_space<hbm>>) target(%dma_start3A_1988 : memref<8x128xf32, #tpu.memory_space<vmem>>) target_semaphore(%arg11 : memref<!tpu.dma_semaphore, #tpu.memory_space<semaphore_mem>>)
        %dma_start3A_1991 = arith.constant 2 : i32
        %dma_start3A_1992 = arith.constant 16 : i32
        %dma_start3A_1993 = arith.constant 0 : i32
        %dma_start3A_1994 = tpu.memref_slice %arg7[%dma_start3A_1991, %dma_start3A_1992, %dma_start3A_1993] : memref<4x64x128xf32, #tpu.memory_space<vmem>> -> memref<1x8x128xf32, #tpu.memory_space<vmem>>
        %dma_start3A_1995 = tpu.memref_squeeze %dma_start3A_1994 : memref<1x8x128xf32, #tpu.memory_space<vmem>> -> memref<8x128xf32, #tpu.memory_space<vmem>>
        %dma_start3A_1996 = arith.constant 16 : i32
        %dma_start3A_1997 = tpu.memref_slice %arg2[%dma_start3A_1996, %mul3A_1964] : memref<64x1000000xf32, #tpu.memory_space<hbm>> -> memref<8x128xf32, #tpu.memory_space<hbm>>
        %dma_start3A_1998 = arith.constant 16 : i32
        %dma_start3A_1999 = arith.constant 0 : i32
        %dma_start3A_2000 = tpu.memref_slice %arg7[%dma_start3A_1991, %dma_start3A_1998, %dma_start3A_1999] : memref<4x64x128xf32, #tpu.memory_space<vmem>> -> memref<1x8x128xf32, #tpu.memory_space<vmem>>
        %dma_start3A_2001 = tpu.memref_squeeze %dma_start3A_2000 : memref<1x8x128xf32, #tpu.memory_space<vmem>> -> memref<8x128xf32, #tpu.memory_space<vmem>>
        %dma_start3A_2002 = arith.constant 16 : i32
        %dma_start3A_2003 = tpu.memref_slice %arg2[%dma_start3A_2002, %mul3A_1964] : memref<64x1000000xf32, #tpu.memory_space<hbm>> -> memref<8x128xf32, #tpu.memory_space<hbm>>
        tpu.enqueue_dma source(%dma_start3A_2003 : memref<8x128xf32, #tpu.memory_space<hbm>>) target(%dma_start3A_2001 : memref<8x128xf32, #tpu.memory_space<vmem>>) target_semaphore(%arg11 : memref<!tpu.dma_semaphore, #tpu.memory_space<semaphore_mem>>)
        %dma_start3A_2004 = arith.constant 2 : i32
        %dma_start3A_2005 = arith.constant 24 : i32
        %dma_start3A_2006 = arith.constant 0 : i32
        %dma_start3A_2007 = tpu.memref_slice %arg7[%dma_start3A_2004, %dma_start3A_2005, %dma_start3A_2006] : memref<4x64x128xf32, #tpu.memory_space<vmem>> -> memref<1x8x128xf32, #tpu.memory_space<vmem>>
        %dma_start3A_2008 = tpu.memref_squeeze %dma_start3A_2007 : memref<1x8x128xf32, #tpu.memory_space<vmem>> -> memref<8x128xf32, #tpu.memory_space<vmem>>
        %dma_start3A_2009 = arith.constant 24 : i32
        %dma_start3A_2010 = tpu.memref_slice %arg2[%dma_start3A_2009, %mul3A_1964] : memref<64x1000000xf32, #tpu.memory_space<hbm>> -> memref<8x128xf32, #tpu.memory_space<hbm>>
        %dma_start3A_2011 = arith.constant 24 : i32
        %dma_start3A_2012 = arith.constant 0 : i32
        %dma_start3A_2013 = tpu.memref_slice %arg7[%dma_start3A_2004, %dma_start3A_2011, %dma_start3A_2012] : memref<4x64x128xf32, #tpu.memory_space<vmem>> -> memref<1x8x128xf32, #tpu.memory_space<vmem>>
        %dma_start3A_2014 = tpu.memref_squeeze %dma_start3A_2013 : memref<1x8x128xf32, #tpu.memory_space<vmem>> -> memref<8x128xf32, #tpu.memory_space<vmem>>
        %dma_start3A_2015 = arith.constant 24 : i32
        %dma_start3A_2016 = tpu.memref_slice %arg2[%dma_start3A_2015, %mul3A_1964] : memref<64x1000000xf32, #tpu.memory_space<hbm>> -> memref<8x128xf32, #tpu.memory_space<hbm>>
        tpu.enqueue_dma source(%dma_start3A_2016 : memref<8x128xf32, #tpu.memory_space<hbm>>) target(%dma_start3A_2014 : memref<8x128xf32, #tpu.memory_space<vmem>>) target_semaphore(%arg11 : memref<!tpu.dma_semaphore, #tpu.memory_space<semaphore_mem>>)
        %dma_start3A_2017 = arith.constant 2 : i32
        %dma_start3A_2018 = arith.constant 32 : i32
        %dma_start3A_2019 = arith.constant 0 : i32
        %dma_start3A_2020 = tpu.memref_slice %arg7[%dma_start3A_2017, %dma_start3A_2018, %dma_start3A_2019] : memref<4x64x128xf32, #tpu.memory_space<vmem>> -> memref<1x8x128xf32, #tpu.memory_space<vmem>>
        %dma_start3A_2021 = tpu.memref_squeeze %dma_start3A_2020 : memref<1x8x128xf32, #tpu.memory_space<vmem>> -> memref<8x128xf32, #tpu.memory_space<vmem>>
        %dma_start3A_2022 = arith.constant 32 : i32
        %dma_start3A_2023 = tpu.memref_slice %arg2[%dma_start3A_2022, %mul3A_1964] : memref<64x1000000xf32, #tpu.memory_space<hbm>> -> memref<8x128xf32, #tpu.memory_space<hbm>>
        %dma_start3A_2024 = arith.constant 32 : i32
        %dma_start3A_2025 = arith.constant 0 : i32
        %dma_start3A_2026 = tpu.memref_slice %arg7[%dma_start3A_2017, %dma_start3A_2024, %dma_start3A_2025] : memref<4x64x128xf32, #tpu.memory_space<vmem>> -> memref<1x8x128xf32, #tpu.memory_space<vmem>>
        %dma_start3A_2027 = tpu.memref_squeeze %dma_start3A_2026 : memref<1x8x128xf32, #tpu.memory_space<vmem>> -> memref<8x128xf32, #tpu.memory_space<vmem>>
        %dma_start3A_2028 = arith.constant 32 : i32
        %dma_start3A_2029 = tpu.memref_slice %arg2[%dma_start3A_2028, %mul3A_1964] : memref<64x1000000xf32, #tpu.memory_space<hbm>> -> memref<8x128xf32, #tpu.memory_space<hbm>>
        tpu.enqueue_dma source(%dma_start3A_2029 : memref<8x128xf32, #tpu.memory_space<hbm>>) target(%dma_start3A_2027 : memref<8x128xf32, #tpu.memory_space<vmem>>) target_semaphore(%arg11 : memref<!tpu.dma_semaphore, #tpu.memory_space<semaphore_mem>>)
        %dma_start3A_2030 = arith.constant 2 : i32
        %dma_start3A_2031 = arith.constant 40 : i32
        %dma_start3A_2032 = arith.constant 0 : i32
        %dma_start3A_2033 = tpu.memref_slice %arg7[%dma_start3A_2030, %dma_start3A_2031, %dma_start3A_2032] : memref<4x64x128xf32, #tpu.memory_space<vmem>> -> memref<1x8x128xf32, #tpu.memory_space<vmem>>
        %dma_start3A_2034 = tpu.memref_squeeze %dma_start3A_2033 : memref<1x8x128xf32, #tpu.memory_space<vmem>> -> memref<8x128xf32, #tpu.memory_space<vmem>>
        %dma_start3A_2035 = arith.constant 40 : i32
        %dma_start3A_2036 = tpu.memref_slice %arg2[%dma_start3A_2035, %mul3A_1964] : memref<64x1000000xf32, #tpu.memory_space<hbm>> -> memref<8x128xf32, #tpu.memory_space<hbm>>
        %dma_start3A_2037 = arith.constant 40 : i32
        %dma_start3A_2038 = arith.constant 0 : i32
        %dma_start3A_2039 = tpu.memref_slice %arg7[%dma_start3A_2030, %dma_start3A_2037, %dma_start3A_2038] : memref<4x64x128xf32, #tpu.memory_space<vmem>> -> memref<1x8x128xf32, #tpu.memory_space<vmem>>
        %dma_start3A_2040 = tpu.memref_squeeze %dma_start3A_2039 : memref<1x8x128xf32, #tpu.memory_space<vmem>> -> memref<8x128xf32, #tpu.memory_space<vmem>>
        %dma_start3A_2041 = arith.constant 40 : i32
        %dma_start3A_2042 = tpu.memref_slice %arg2[%dma_start3A_2041, %mul3A_1964] : memref<64x1000000xf32, #tpu.memory_space<hbm>> -> memref<8x128xf32, #tpu.memory_space<hbm>>
        tpu.enqueue_dma source(%dma_start3A_2042 : memref<8x128xf32, #tpu.memory_space<hbm>>) target(%dma_start3A_2040 : memref<8x128xf32, #tpu.memory_space<vmem>>) target_semaphore(%arg11 : memref<!tpu.dma_semaphore, #tpu.memory_space<semaphore_mem>>)
        %dma_start3A_2043 = arith.constant 2 : i32
        %dma_start3A_2044 = arith.constant 48 : i32
        %dma_start3A_2045 = arith.constant 0 : i32
        %dma_start3A_2046 = tpu.memref_slice %arg7[%dma_start3A_2043, %dma_start3A_2044, %dma_start3A_2045] : memref<4x64x128xf32, #tpu.memory_space<vmem>> -> memref<1x8x128xf32, #tpu.memory_space<vmem>>
        %dma_start3A_2047 = tpu.memref_squeeze %dma_start3A_2046 : memref<1x8x128xf32, #tpu.memory_space<vmem>> -> memref<8x128xf32, #tpu.memory_space<vmem>>
        %dma_start3A_2048 = arith.constant 48 : i32
        %dma_start3A_2049 = tpu.memref_slice %arg2[%dma_start3A_2048, %mul3A_1964] : memref<64x1000000xf32, #tpu.memory_space<hbm>> -> memref<8x128xf32, #tpu.memory_space<hbm>>
        %dma_start3A_2050 = arith.constant 48 : i32
        %dma_start3A_2051 = arith.constant 0 : i32
        %dma_start3A_2052 = tpu.memref_slice %arg7[%dma_start3A_2043, %dma_start3A_2050, %dma_start3A_2051] : memref<4x64x128xf32, #tpu.memory_space<vmem>> -> memref<1x8x128xf32, #tpu.memory_space<vmem>>
        %dma_start3A_2053 = tpu.memref_squeeze %dma_start3A_2052 : memref<1x8x128xf32, #tpu.memory_space<vmem>> -> memref<8x128xf32, #tpu.memory_space<vmem>>
        %dma_start3A_2054 = arith.constant 48 : i32
        %dma_start3A_2055 = tpu.memref_slice %arg2[%dma_start3A_2054, %mul3A_1964] : memref<64x1000000xf32, #tpu.memory_space<hbm>> -> memref<8x128xf32, #tpu.memory_space<hbm>>
        tpu.enqueue_dma source(%dma_start3A_2055 : memref<8x128xf32, #tpu.memory_space<hbm>>) target(%dma_start3A_2053 : memref<8x128xf32, #tpu.memory_space<vmem>>) target_semaphore(%arg11 : memref<!tpu.dma_semaphore, #tpu.memory_space<semaphore_mem>>)
        %dma_start3A_2056 = arith.constant 2 : i32
        %dma_start3A_2057 = arith.constant 56 : i32
        %dma_start3A_2058 = arith.constant 0 : i32
        %dma_start3A_2059 = tpu.memref_slice %arg7[%dma_start3A_2056, %dma_start3A_2057, %dma_start3A_2058] : memref<4x64x128xf32, #tpu.memory_space<vmem>> -> memref<1x8x128xf32, #tpu.memory_space<vmem>>
        %dma_start3A_2060 = tpu.memref_squeeze %dma_start3A_2059 : memref<1x8x128xf32, #tpu.memory_space<vmem>> -> memref<8x128xf32, #tpu.memory_space<vmem>>
        %dma_start3A_2061 = arith.constant 56 : i32
        %dma_start3A_2062 = tpu.memref_slice %arg2[%dma_start3A_2061, %mul3A_1964] : memref<64x1000000xf32, #tpu.memory_space<hbm>> -> memref<8x128xf32, #tpu.memory_space<hbm>>
        %dma_start3A_2063 = arith.constant 56 : i32
        %dma_start3A_2064 = arith.constant 0 : i32
        %dma_start3A_2065 = tpu.memref_slice %arg7[%dma_start3A_2056, %dma_start3A_2063, %dma_start3A_2064] : memref<4x64x128xf32, #tpu.memory_space<vmem>> -> memref<1x8x128xf32, #tpu.memory_space<vmem>>
        %dma_start3A_2066 = tpu.memref_squeeze %dma_start3A_2065 : memref<1x8x128xf32, #tpu.memory_space<vmem>> -> memref<8x128xf32, #tpu.memory_space<vmem>>
        %dma_start3A_2067 = arith.constant 56 : i32
        %dma_start3A_2068 = tpu.memref_slice %arg2[%dma_start3A_2067, %mul3A_1964] : memref<64x1000000xf32, #tpu.memory_space<hbm>> -> memref<8x128xf32, #tpu.memory_space<hbm>>
        tpu.enqueue_dma source(%dma_start3A_2068 : memref<8x128xf32, #tpu.memory_space<hbm>>) target(%dma_start3A_2066 : memref<8x128xf32, #tpu.memory_space<vmem>>) target_semaphore(%arg11 : memref<!tpu.dma_semaphore, #tpu.memory_space<semaphore_mem>>)
        %slice3A_2069 = vector.extract_strided_slice %get3A_1738 {offsets = [3], sizes = [1], strides = [1]} : vector<16xi32> to vector<1xi32>
        %squeeze3A_2070 = vector.extract %slice3A_2069[0] : i32 from vector<1xi32>
        %shift_right_logical3A_2071 = arith.constant 7 : i32
        %shift_right_logical3A_2072 = arith.shrui %squeeze3A_2070, %shift_right_logical3A_2071 : i32
        %mul3A_2073 = arith.constant 128 : i32
        %mul3A_2074 = arith.muli %shift_right_logical3A_2072, %mul3A_2073 : i32
        %dma_start3A_2075 = arith.constant 3 : i32
        %dma_start3A_2076 = arith.constant 0 : i32
        %dma_start3A_2077 = arith.constant 0 : i32
        %dma_start3A_2078 = tpu.memref_slice %arg7[%dma_start3A_2075, %dma_start3A_2076, %dma_start3A_2077] : memref<4x64x128xf32, #tpu.memory_space<vmem>> -> memref<1x8x128xf32, #tpu.memory_space<vmem>>
        %dma_start3A_2079 = tpu.memref_squeeze %dma_start3A_2078 : memref<1x8x128xf32, #tpu.memory_space<vmem>> -> memref<8x128xf32, #tpu.memory_space<vmem>>
        %dma_start3A_2080 = arith.constant 0 : i32
        %dma_start3A_2081 = tpu.memref_slice %arg2[%dma_start3A_2080, %mul3A_2074] : memref<64x1000000xf32, #tpu.memory_space<hbm>> -> memref<8x128xf32, #tpu.memory_space<hbm>>
        %dma_start3A_2082 = arith.constant 0 : i32
        %dma_start3A_2083 = arith.constant 0 : i32
        %dma_start3A_2084 = tpu.memref_slice %arg7[%dma_start3A_2075, %dma_start3A_2082, %dma_start3A_2083] : memref<4x64x128xf32, #tpu.memory_space<vmem>> -> memref<1x8x128xf32, #tpu.memory_space<vmem>>
        %dma_start3A_2085 = tpu.memref_squeeze %dma_start3A_2084 : memref<1x8x128xf32, #tpu.memory_space<vmem>> -> memref<8x128xf32, #tpu.memory_space<vmem>>
        %dma_start3A_2086 = arith.constant 0 : i32
        %dma_start3A_2087 = tpu.memref_slice %arg2[%dma_start3A_2086, %mul3A_2074] : memref<64x1000000xf32, #tpu.memory_space<hbm>> -> memref<8x128xf32, #tpu.memory_space<hbm>>
        tpu.enqueue_dma source(%dma_start3A_2087 : memref<8x128xf32, #tpu.memory_space<hbm>>) target(%dma_start3A_2085 : memref<8x128xf32, #tpu.memory_space<vmem>>) target_semaphore(%arg11 : memref<!tpu.dma_semaphore, #tpu.memory_space<semaphore_mem>>)
        %dma_start3A_2088 = arith.constant 3 : i32
        %dma_start3A_2089 = arith.constant 8 : i32
        %dma_start3A_2090 = arith.constant 0 : i32
        %dma_start3A_2091 = tpu.memref_slice %arg7[%dma_start3A_2088, %dma_start3A_2089, %dma_start3A_2090] : memref<4x64x128xf32, #tpu.memory_space<vmem>> -> memref<1x8x128xf32, #tpu.memory_space<vmem>>
        %dma_start3A_2092 = tpu.memref_squeeze %dma_start3A_2091 : memref<1x8x128xf32, #tpu.memory_space<vmem>> -> memref<8x128xf32, #tpu.memory_space<vmem>>
        %dma_start3A_2093 = arith.constant 8 : i32
        %dma_start3A_2094 = tpu.memref_slice %arg2[%dma_start3A_2093, %mul3A_2074] : memref<64x1000000xf32, #tpu.memory_space<hbm>> -> memref<8x128xf32, #tpu.memory_space<hbm>>
        %dma_start3A_2095 = arith.constant 8 : i32
        %dma_start3A_2096 = arith.constant 0 : i32
        %dma_start3A_2097 = tpu.memref_slice %arg7[%dma_start3A_2088, %dma_start3A_2095, %dma_start3A_2096] : memref<4x64x128xf32, #tpu.memory_space<vmem>> -> memref<1x8x128xf32, #tpu.memory_space<vmem>>
        %dma_start3A_2098 = tpu.memref_squeeze %dma_start3A_2097 : memref<1x8x128xf32, #tpu.memory_space<vmem>> -> memref<8x128xf32, #tpu.memory_space<vmem>>
        %dma_start3A_2099 = arith.constant 8 : i32
        %dma_start3A_2100 = tpu.memref_slice %arg2[%dma_start3A_2099, %mul3A_2074] : memref<64x1000000xf32, #tpu.memory_space<hbm>> -> memref<8x128xf32, #tpu.memory_space<hbm>>
        tpu.enqueue_dma source(%dma_start3A_2100 : memref<8x128xf32, #tpu.memory_space<hbm>>) target(%dma_start3A_2098 : memref<8x128xf32, #tpu.memory_space<vmem>>) target_semaphore(%arg11 : memref<!tpu.dma_semaphore, #tpu.memory_space<semaphore_mem>>)
        %dma_start3A_2101 = arith.constant 3 : i32
        %dma_start3A_2102 = arith.constant 16 : i32
        %dma_start3A_2103 = arith.constant 0 : i32
        %dma_start3A_2104 = tpu.memref_slice %arg7[%dma_start3A_2101, %dma_start3A_2102, %dma_start3A_2103] : memref<4x64x128xf32, #tpu.memory_space<vmem>> -> memref<1x8x128xf32, #tpu.memory_space<vmem>>
        %dma_start3A_2105 = tpu.memref_squeeze %dma_start3A_2104 : memref<1x8x128xf32, #tpu.memory_space<vmem>> -> memref<8x128xf32, #tpu.memory_space<vmem>>
        %dma_start3A_2106 = arith.constant 16 : i32
        %dma_start3A_2107 = tpu.memref_slice %arg2[%dma_start3A_2106, %mul3A_2074] : memref<64x1000000xf32, #tpu.memory_space<hbm>> -> memref<8x128xf32, #tpu.memory_space<hbm>>
        %dma_start3A_2108 = arith.constant 16 : i32
        %dma_start3A_2109 = arith.constant 0 : i32
        %dma_start3A_2110 = tpu.memref_slice %arg7[%dma_start3A_2101, %dma_start3A_2108, %dma_start3A_2109] : memref<4x64x128xf32, #tpu.memory_space<vmem>> -> memref<1x8x128xf32, #tpu.memory_space<vmem>>
        %dma_start3A_2111 = tpu.memref_squeeze %dma_start3A_2110 : memref<1x8x128xf32, #tpu.memory_space<vmem>> -> memref<8x128xf32, #tpu.memory_space<vmem>>
        %dma_start3A_2112 = arith.constant 16 : i32
        %dma_start3A_2113 = tpu.memref_slice %arg2[%dma_start3A_2112, %mul3A_2074] : memref<64x1000000xf32, #tpu.memory_space<hbm>> -> memref<8x128xf32, #tpu.memory_space<hbm>>
        tpu.enqueue_dma source(%dma_start3A_2113 : memref<8x128xf32, #tpu.memory_space<hbm>>) target(%dma_start3A_2111 : memref<8x128xf32, #tpu.memory_space<vmem>>) target_semaphore(%arg11 : memref<!tpu.dma_semaphore, #tpu.memory_space<semaphore_mem>>)
        %dma_start3A_2114 = arith.constant 3 : i32
        %dma_start3A_2115 = arith.constant 24 : i32
        %dma_start3A_2116 = arith.constant 0 : i32
        %dma_start3A_2117 = tpu.memref_slice %arg7[%dma_start3A_2114, %dma_start3A_2115, %dma_start3A_2116] : memref<4x64x128xf32, #tpu.memory_space<vmem>> -> memref<1x8x128xf32, #tpu.memory_space<vmem>>
        %dma_start3A_2118 = tpu.memref_squeeze %dma_start3A_2117 : memref<1x8x128xf32, #tpu.memory_space<vmem>> -> memref<8x128xf32, #tpu.memory_space<vmem>>
        %dma_start3A_2119 = arith.constant 24 : i32
        %dma_start3A_2120 = tpu.memref_slice %arg2[%dma_start3A_2119, %mul3A_2074] : memref<64x1000000xf32, #tpu.memory_space<hbm>> -> memref<8x128xf32, #tpu.memory_space<hbm>>
        %dma_start3A_2121 = arith.constant 24 : i32
        %dma_start3A_2122 = arith.constant 0 : i32
        %dma_start3A_2123 = tpu.memref_slice %arg7[%dma_start3A_2114, %dma_start3A_2121, %dma_start3A_2122] : memref<4x64x128xf32, #tpu.memory_space<vmem>> -> memref<1x8x128xf32, #tpu.memory_space<vmem>>
        %dma_start3A_2124 = tpu.memref_squeeze %dma_start3A_2123 : memref<1x8x128xf32, #tpu.memory_space<vmem>> -> memref<8x128xf32, #tpu.memory_space<vmem>>
        %dma_start3A_2125 = arith.constant 24 : i32
        %dma_start3A_2126 = tpu.memref_slice %arg2[%dma_start3A_2125, %mul3A_2074] : memref<64x1000000xf32, #tpu.memory_space<hbm>> -> memref<8x128xf32, #tpu.memory_space<hbm>>
        tpu.enqueue_dma source(%dma_start3A_2126 : memref<8x128xf32, #tpu.memory_space<hbm>>) target(%dma_start3A_2124 : memref<8x128xf32, #tpu.memory_space<vmem>>) target_semaphore(%arg11 : memref<!tpu.dma_semaphore, #tpu.memory_space<semaphore_mem>>)
        %dma_start3A_2127 = arith.constant 3 : i32
        %dma_start3A_2128 = arith.constant 32 : i32
        %dma_start3A_2129 = arith.constant 0 : i32
        %dma_start3A_2130 = tpu.memref_slice %arg7[%dma_start3A_2127, %dma_start3A_2128, %dma_start3A_2129] : memref<4x64x128xf32, #tpu.memory_space<vmem>> -> memref<1x8x128xf32, #tpu.memory_space<vmem>>
        %dma_start3A_2131 = tpu.memref_squeeze %dma_start3A_2130 : memref<1x8x128xf32, #tpu.memory_space<vmem>> -> memref<8x128xf32, #tpu.memory_space<vmem>>
        %dma_start3A_2132 = arith.constant 32 : i32
        %dma_start3A_2133 = tpu.memref_slice %arg2[%dma_start3A_2132, %mul3A_2074] : memref<64x1000000xf32, #tpu.memory_space<hbm>> -> memref<8x128xf32, #tpu.memory_space<hbm>>
        %dma_start3A_2134 = arith.constant 32 : i32
        %dma_start3A_2135 = arith.constant 0 : i32
        %dma_start3A_2136 = tpu.memref_slice %arg7[%dma_start3A_2127, %dma_start3A_2134, %dma_start3A_2135] : memref<4x64x128xf32, #tpu.memory_space<vmem>> -> memref<1x8x128xf32, #tpu.memory_space<vmem>>
        %dma_start3A_2137 = tpu.memref_squeeze %dma_start3A_2136 : memref<1x8x128xf32, #tpu.memory_space<vmem>> -> memref<8x128xf32, #tpu.memory_space<vmem>>
        %dma_start3A_2138 = arith.constant 32 : i32
        %dma_start3A_2139 = tpu.memref_slice %arg2[%dma_start3A_2138, %mul3A_2074] : memref<64x1000000xf32, #tpu.memory_space<hbm>> -> memref<8x128xf32, #tpu.memory_space<hbm>>
        tpu.enqueue_dma source(%dma_start3A_2139 : memref<8x128xf32, #tpu.memory_space<hbm>>) target(%dma_start3A_2137 : memref<8x128xf32, #tpu.memory_space<vmem>>) target_semaphore(%arg11 : memref<!tpu.dma_semaphore, #tpu.memory_space<semaphore_mem>>)
        %dma_start3A_2140 = arith.constant 3 : i32
        %dma_start3A_2141 = arith.constant 40 : i32
        %dma_start3A_2142 = arith.constant 0 : i32
        %dma_start3A_2143 = tpu.memref_slice %arg7[%dma_start3A_2140, %dma_start3A_2141, %dma_start3A_2142] : memref<4x64x128xf32, #tpu.memory_space<vmem>> -> memref<1x8x128xf32, #tpu.memory_space<vmem>>
        %dma_start3A_2144 = tpu.memref_squeeze %dma_start3A_2143 : memref<1x8x128xf32, #tpu.memory_space<vmem>> -> memref<8x128xf32, #tpu.memory_space<vmem>>
        %dma_start3A_2145 = arith.constant 40 : i32
        %dma_start3A_2146 = tpu.memref_slice %arg2[%dma_start3A_2145, %mul3A_2074] : memref<64x1000000xf32, #tpu.memory_space<hbm>> -> memref<8x128xf32, #tpu.memory_space<hbm>>
        %dma_start3A_2147 = arith.constant 40 : i32
        %dma_start3A_2148 = arith.constant 0 : i32
        %dma_start3A_2149 = tpu.memref_slice %arg7[%dma_start3A_2140, %dma_start3A_2147, %dma_start3A_2148] : memref<4x64x128xf32, #tpu.memory_space<vmem>> -> memref<1x8x128xf32, #tpu.memory_space<vmem>>
        %dma_start3A_2150 = tpu.memref_squeeze %dma_start3A_2149 : memref<1x8x128xf32, #tpu.memory_space<vmem>> -> memref<8x128xf32, #tpu.memory_space<vmem>>
        %dma_start3A_2151 = arith.constant 40 : i32
        %dma_start3A_2152 = tpu.memref_slice %arg2[%dma_start3A_2151, %mul3A_2074] : memref<64x1000000xf32, #tpu.memory_space<hbm>> -> memref<8x128xf32, #tpu.memory_space<hbm>>
        tpu.enqueue_dma source(%dma_start3A_2152 : memref<8x128xf32, #tpu.memory_space<hbm>>) target(%dma_start3A_2150 : memref<8x128xf32, #tpu.memory_space<vmem>>) target_semaphore(%arg11 : memref<!tpu.dma_semaphore, #tpu.memory_space<semaphore_mem>>)
        %dma_start3A_2153 = arith.constant 3 : i32
        %dma_start3A_2154 = arith.constant 48 : i32
        %dma_start3A_2155 = arith.constant 0 : i32
        %dma_start3A_2156 = tpu.memref_slice %arg7[%dma_start3A_2153, %dma_start3A_2154, %dma_start3A_2155] : memref<4x64x128xf32, #tpu.memory_space<vmem>> -> memref<1x8x128xf32, #tpu.memory_space<vmem>>
        %dma_start3A_2157 = tpu.memref_squeeze %dma_start3A_2156 : memref<1x8x128xf32, #tpu.memory_space<vmem>> -> memref<8x128xf32, #tpu.memory_space<vmem>>
        %dma_start3A_2158 = arith.constant 48 : i32
        %dma_start3A_2159 = tpu.memref_slice %arg2[%dma_start3A_2158, %mul3A_2074] : memref<64x1000000xf32, #tpu.memory_space<hbm>> -> memref<8x128xf32, #tpu.memory_space<hbm>>
        %dma_start3A_2160 = arith.constant 48 : i32
        %dma_start3A_2161 = arith.constant 0 : i32
        %dma_start3A_2162 = tpu.memref_slice %arg7[%dma_start3A_2153, %dma_start3A_2160, %dma_start3A_2161] : memref<4x64x128xf32, #tpu.memory_space<vmem>> -> memref<1x8x128xf32, #tpu.memory_space<vmem>>
        %dma_start3A_2163 = tpu.memref_squeeze %dma_start3A_2162 : memref<1x8x128xf32, #tpu.memory_space<vmem>> -> memref<8x128xf32, #tpu.memory_space<vmem>>
        %dma_start3A_2164 = arith.constant 48 : i32
        %dma_start3A_2165 = tpu.memref_slice %arg2[%dma_start3A_2164, %mul3A_2074] : memref<64x1000000xf32, #tpu.memory_space<hbm>> -> memref<8x128xf32, #tpu.memory_space<hbm>>
        tpu.enqueue_dma source(%dma_start3A_2165 : memref<8x128xf32, #tpu.memory_space<hbm>>) target(%dma_start3A_2163 : memref<8x128xf32, #tpu.memory_space<vmem>>) target_semaphore(%arg11 : memref<!tpu.dma_semaphore, #tpu.memory_space<semaphore_mem>>)
        %dma_start3A_2166 = arith.constant 3 : i32
        %dma_start3A_2167 = arith.constant 56 : i32
        %dma_start3A_2168 = arith.constant 0 : i32
        %dma_start3A_2169 = tpu.memref_slice %arg7[%dma_start3A_2166, %dma_start3A_2167, %dma_start3A_2168] : memref<4x64x128xf32, #tpu.memory_space<vmem>> -> memref<1x8x128xf32, #tpu.memory_space<vmem>>
        %dma_start3A_2170 = tpu.memref_squeeze %dma_start3A_2169 : memref<1x8x128xf32, #tpu.memory_space<vmem>> -> memref<8x128xf32, #tpu.memory_space<vmem>>
        %dma_start3A_2171 = arith.constant 56 : i32
        %dma_start3A_2172 = tpu.memref_slice %arg2[%dma_start3A_2171, %mul3A_2074] : memref<64x1000000xf32, #tpu.memory_space<hbm>> -> memref<8x128xf32, #tpu.memory_space<hbm>>
        %dma_start3A_2173 = arith.constant 56 : i32
        %dma_start3A_2174 = arith.constant 0 : i32
        %dma_start3A_2175 = tpu.memref_slice %arg7[%dma_start3A_2166, %dma_start3A_2173, %dma_start3A_2174] : memref<4x64x128xf32, #tpu.memory_space<vmem>> -> memref<1x8x128xf32, #tpu.memory_space<vmem>>
        %dma_start3A_2176 = tpu.memref_squeeze %dma_start3A_2175 : memref<1x8x128xf32, #tpu.memory_space<vmem>> -> memref<8x128xf32, #tpu.memory_space<vmem>>
        %dma_start3A_2177 = arith.constant 56 : i32
        %dma_start3A_2178 = tpu.memref_slice %arg2[%dma_start3A_2177, %mul3A_2074] : memref<64x1000000xf32, #tpu.memory_space<hbm>> -> memref<8x128xf32, #tpu.memory_space<hbm>>
        tpu.enqueue_dma source(%dma_start3A_2178 : memref<8x128xf32, #tpu.memory_space<hbm>>) target(%dma_start3A_2176 : memref<8x128xf32, #tpu.memory_space<vmem>>) target_semaphore(%arg11 : memref<!tpu.dma_semaphore, #tpu.memory_space<semaphore_mem>>)
      } else {
      }
      %mul3A_1647 = arith.constant 3 : i32
      %mul3A_1648 = arith.muli %mul3A_1647, %scan3A_1477 : i32
      %add3A_1649 = arith.constant 2 : i32
      %add3A_1650 = arith.addi %mul3A_1648, %add3A_1649 : i32
      %dma_wait3A_1651 = arith.constant 0 : i32
      %dma_wait3A_1652 = arith.constant 0 : i32
      %dma_wait3A_1653 = arith.constant 0 : i32
      %dma_wait3A_1654 = tpu.memref_slice %arg8[%dma_wait3A_1651, %dma_wait3A_1652, %dma_wait3A_1653] : memref<4x64x128xf32, #tpu.memory_space<vmem>> -> memref<1x64x128xf32, #tpu.memory_space<vmem>>
      %dma_wait3A_1655 = tpu.memref_squeeze %dma_wait3A_1654 : memref<1x64x128xf32, #tpu.memory_space<vmem>> -> memref<64x128xf32, #tpu.memory_space<vmem>>
      %dma_wait3A_1656 = arith.constant 0 : i32
      %dma_wait3A_1657 = arith.constant 0 : i32
      %dma_wait3A_1658 = tpu.memref_slice %arg2[%dma_wait3A_1656, %dma_wait3A_1657] : memref<64x1000000xf32, #tpu.memory_space<hbm>> -> memref<64x128xf32, #tpu.memory_space<hbm>>
      %dma_wait3A_1659 = arith.constant 0 : i32
      %dma_wait3A_1660 = arith.constant 0 : i32
      %dma_wait3A_1661 = tpu.memref_slice %arg8[%dma_wait3A_1651, %dma_wait3A_1659, %dma_wait3A_1660] : memref<4x64x128xf32, #tpu.memory_space<vmem>> -> memref<1x64x128xf32, #tpu.memory_space<vmem>>
      %dma_wait3A_1662 = tpu.memref_squeeze %dma_wait3A_1661 : memref<1x64x128xf32, #tpu.memory_space<vmem>> -> memref<64x128xf32, #tpu.memory_space<vmem>>
      %dma_wait3A_1663 = arith.constant 0 : i32
      %dma_wait3A_1664 = arith.constant 0 : i32
      %dma_wait3A_1665 = tpu.memref_slice %arg2[%dma_wait3A_1663, %dma_wait3A_1664] : memref<64x1000000xf32, #tpu.memory_space<hbm>> -> memref<64x128xf32, #tpu.memory_space<hbm>>
      tpu.wait_dma2 semaphore(%arg12 : memref<!tpu.dma_semaphore, #tpu.memory_space<semaphore_mem>>) src(%dma_wait3A_1665 : memref<64x128xf32, #tpu.memory_space<hbm>>) dst(%dma_wait3A_1662 : memref<64x128xf32, #tpu.memory_space<vmem>>)
      %dma_wait3A_1666 = arith.constant 1 : i32
      %dma_wait3A_1667 = arith.constant 0 : i32
      %dma_wait3A_1668 = arith.constant 0 : i32
      %dma_wait3A_1669 = tpu.memref_slice %arg8[%dma_wait3A_1666, %dma_wait3A_1667, %dma_wait3A_1668] : memref<4x64x128xf32, #tpu.memory_space<vmem>> -> memref<1x64x128xf32, #tpu.memory_space<vmem>>
      %dma_wait3A_1670 = tpu.memref_squeeze %dma_wait3A_1669 : memref<1x64x128xf32, #tpu.memory_space<vmem>> -> memref<64x128xf32, #tpu.memory_space<vmem>>
      %dma_wait3A_1671 = arith.constant 0 : i32
      %dma_wait3A_1672 = arith.constant 0 : i32
      %dma_wait3A_1673 = tpu.memref_slice %arg2[%dma_wait3A_1671, %dma_wait3A_1672] : memref<64x1000000xf32, #tpu.memory_space<hbm>> -> memref<64x128xf32, #tpu.memory_space<hbm>>
      %dma_wait3A_1674 = arith.constant 0 : i32
      %dma_wait3A_1675 = arith.constant 0 : i32
      %dma_wait3A_1676 = tpu.memref_slice %arg8[%dma_wait3A_1666, %dma_wait3A_1674, %dma_wait3A_1675] : memref<4x64x128xf32, #tpu.memory_space<vmem>> -> memref<1x64x128xf32, #tpu.memory_space<vmem>>
      %dma_wait3A_1677 = tpu.memref_squeeze %dma_wait3A_1676 : memref<1x64x128xf32, #tpu.memory_space<vmem>> -> memref<64x128xf32, #tpu.memory_space<vmem>>
      %dma_wait3A_1678 = arith.constant 0 : i32
      %dma_wait3A_1679 = arith.constant 0 : i32
      %dma_wait3A_1680 = tpu.memref_slice %arg2[%dma_wait3A_1678, %dma_wait3A_1679] : memref<64x1000000xf32, #tpu.memory_space<hbm>> -> memref<64x128xf32, #tpu.memory_space<hbm>>
      tpu.wait_dma2 semaphore(%arg12 : memref<!tpu.dma_semaphore, #tpu.memory_space<semaphore_mem>>) src(%dma_wait3A_1680 : memref<64x128xf32, #tpu.memory_space<hbm>>) dst(%dma_wait3A_1677 : memref<64x128xf32, #tpu.memory_space<vmem>>)
      %dma_wait3A_1681 = arith.constant 2 : i32
      %dma_wait3A_1682 = arith.constant 0 : i32
      %dma_wait3A_1683 = arith.constant 0 : i32
      %dma_wait3A_1684 = tpu.memref_slice %arg8[%dma_wait3A_1681, %dma_wait3A_1682, %dma_wait3A_1683] : memref<4x64x128xf32, #tpu.memory_space<vmem>> -> memref<1x64x128xf32, #tpu.memory_space<vmem>>
      %dma_wait3A_1685 = tpu.memref_squeeze %dma_wait3A_1684 : memref<1x64x128xf32, #tpu.memory_space<vmem>> -> memref<64x128xf32, #tpu.memory_space<vmem>>
      %dma_wait3A_1686 = arith.constant 0 : i32
      %dma_wait3A_1687 = arith.constant 0 : i32
      %dma_wait3A_1688 = tpu.memref_slice %arg2[%dma_wait3A_1686, %dma_wait3A_1687] : memref<64x1000000xf32, #tpu.memory_space<hbm>> -> memref<64x128xf32, #tpu.memory_space<hbm>>
      %dma_wait3A_1689 = arith.constant 0 : i32
      %dma_wait3A_1690 = arith.constant 0 : i32
      %dma_wait3A_1691 = tpu.memref_slice %arg8[%dma_wait3A_1681, %dma_wait3A_1689, %dma_wait3A_1690] : memref<4x64x128xf32, #tpu.memory_space<vmem>> -> memref<1x64x128xf32, #tpu.memory_space<vmem>>
      %dma_wait3A_1692 = tpu.memref_squeeze %dma_wait3A_1691 : memref<1x64x128xf32, #tpu.memory_space<vmem>> -> memref<64x128xf32, #tpu.memory_space<vmem>>
      %dma_wait3A_1693 = arith.constant 0 : i32
      %dma_wait3A_1694 = arith.constant 0 : i32
      %dma_wait3A_1695 = tpu.memref_slice %arg2[%dma_wait3A_1693, %dma_wait3A_1694] : memref<64x1000000xf32, #tpu.memory_space<hbm>> -> memref<64x128xf32, #tpu.memory_space<hbm>>
      tpu.wait_dma2 semaphore(%arg12 : memref<!tpu.dma_semaphore, #tpu.memory_space<semaphore_mem>>) src(%dma_wait3A_1695 : memref<64x128xf32, #tpu.memory_space<hbm>>) dst(%dma_wait3A_1692 : memref<64x128xf32, #tpu.memory_space<vmem>>)
      %dma_wait3A_1696 = arith.constant 3 : i32
      %dma_wait3A_1697 = arith.constant 0 : i32
      %dma_wait3A_1698 = arith.constant 0 : i32
      %dma_wait3A_1699 = tpu.memref_slice %arg8[%dma_wait3A_1696, %dma_wait3A_1697, %dma_wait3A_1698] : memref<4x64x128xf32, #tpu.memory_space<vmem>> -> memref<1x64x128xf32, #tpu.memory_space<vmem>>
      %dma_wait3A_1700 = tpu.memref_squeeze %dma_wait3A_1699 : memref<1x64x128xf32, #tpu.memory_space<vmem>> -> memref<64x128xf32, #tpu.memory_space<vmem>>
      %dma_wait3A_1701 = arith.constant 0 : i32
      %dma_wait3A_1702 = arith.constant 0 : i32
      %dma_wait3A_1703 = tpu.memref_slice %arg2[%dma_wait3A_1701, %dma_wait3A_1702] : memref<64x1000000xf32, #tpu.memory_space<hbm>> -> memref<64x128xf32, #tpu.memory_space<hbm>>
      %dma_wait3A_1704 = arith.constant 0 : i32
      %dma_wait3A_1705 = arith.constant 0 : i32
      %dma_wait3A_1706 = tpu.memref_slice %arg8[%dma_wait3A_1696, %dma_wait3A_1704, %dma_wait3A_1705] : memref<4x64x128xf32, #tpu.memory_space<vmem>> -> memref<1x64x128xf32, #tpu.memory_space<vmem>>
      %dma_wait3A_1707 = tpu.memref_squeeze %dma_wait3A_1706 : memref<1x64x128xf32, #tpu.memory_space<vmem>> -> memref<64x128xf32, #tpu.memory_space<vmem>>
      %dma_wait3A_1708 = arith.constant 0 : i32
      %dma_wait3A_1709 = arith.constant 0 : i32
      %dma_wait3A_1710 = tpu.memref_slice %arg2[%dma_wait3A_1708, %dma_wait3A_1709] : memref<64x1000000xf32, #tpu.memory_space<hbm>> -> memref<64x128xf32, #tpu.memory_space<hbm>>
      tpu.wait_dma2 semaphore(%arg12 : memref<!tpu.dma_semaphore, #tpu.memory_space<semaphore_mem>>) src(%dma_wait3A_1710 : memref<64x128xf32, #tpu.memory_space<hbm>>) dst(%dma_wait3A_1707 : memref<64x128xf32, #tpu.memory_space<vmem>>)
      %mul3A_1711 = arith.constant 4 : i32
      %mul3A_1712 = arith.muli %add3A_1650, %mul3A_1711 : i32
      %get3A_1713 = arith.index_cast %mul3A_1712 : i32 to index
      %get3A_1714 = tpu.vector_load %arg5[%get3A_1713] {strides = array<i32>} : memref<528xi32, #tpu.memory_space<vmem>>, vector<16xi32>,
      %and3A_1715 = arith.constant 127 : i32
      %and3A_1716 = vector.broadcast %and3A_1715 : i32 to vector<16xi32>
      %and3A_1717 = arith.andi %get3A_1714, %and3A_1716 : vector<16xi32>
      %scan3A_1718 = arith.constant 0 : i32
      %scan3A_1719 = arith.constant 0 : i32
      %scan3A_1720 = arith.constant 32 : i32
      %scan3A_1721 = arith.addi %scan3A_1719, %scan3A_1720 : i32
      %scan3A_1722 = arith.constant 1 : i32
      %scan3A_1723 = scf.for %scan3A_1733 = %scan3A_1719 to %scan3A_1721 step %scan3A_1722 iter_args(%scan3A_1734 = %scan3A_1718) -> (i32)  : i32 {
        %mul3A_1735 = arith.constant 2 : i32
        %mul3A_1736 = arith.muli %mul3A_1735, %scan3A_1733 : i32
        %broadcast_in_dim3A = vector.broadcast %mul3A_1736 : i32 to vector<16xi32>
        %gather3A = tpu.vector_load_idx %arg8[%and3A_6, %broadcast_in_dim3A, %and3A_1717] masked %lt3A_4 : memref<4x64x128xf32, #tpu.memory_space<vmem>>[vector<16xi32>, vector<16xi32>, vector<16xi32>], vector<16xf32>, vector<16xi1>
        %mul3A_1737 = arith.constant 2 : i32
        %mul3A_1738 = arith.muli %mul3A_1737, %scan3A_1733 : i32
        %add3A_1739 = arith.constant 1 : i32
        %add3A_1740 = arith.addi %mul3A_1738, %add3A_1739 : i32
        %broadcast_in_dim3A_1741 = vector.broadcast %add3A_1740 : i32 to vector<16xi32>
        %gather3A_1742 = tpu.vector_load_idx %arg8[%and3A_6, %broadcast_in_dim3A_1741, %and3A_1717] masked %lt3A_4 : memref<4x64x128xf32, #tpu.memory_space<vmem>>[vector<16xi32>, vector<16xi32>, vector<16xi32>], vector<16xf32>, vector<16xi1>
        %pack3A = tpu.pack_subelements %gather3A, %gather3A_1742 {pack_format = #tpu.pack_format<interleaved>, positions = array<i32: 0, 1>} : vector<16xf32>, vector<16xf32> -> vector<32xbf16>
        %bitcast3A = vector.bitcast %pack3A : vector<32xbf16> to vector<16xi32>
        %broadcast_in_dim3A_1743 = vector.broadcast %scan3A_1733 : i32 to vector<16xi32>
        %mul3A_1744 = arith.constant 4 : i32
        %mul3A_1745 = arith.muli %add3A_1650, %mul3A_1744 : i32
        %add3A_1746 = vector.broadcast %mul3A_1745 : i32 to vector<16xi32>
        %add3A_1747 = arith.addi %add3A_1746, %iota3A : vector<16xi32>
        tpu.vector_store_idx %arg9[%broadcast_in_dim3A_1743, %add3A_1747], %bitcast3A masked %lt3A_4 : memref<32x512xi32, #tpu.memory_space<vmem>>[vector<16xi32>, vector<16xi32>], vector<16xi32>, vector<16xi1>
        %scan3A_1748 = arith.constant 0 : i32
        scf.yield %scan3A_1748 : i32
      }
      %scan3A_1724 = arith.constant 32 : i32
      %add3A_1725 = arith.constant 3 : i32
      %add3A_1726 = arith.addi %add3A_1650, %add3A_1725 : i32
      %lt3A_1727 = arith.constant 128 : i32
      %lt3A_1728 = arith.cmpi slt, %add3A_1726, %lt3A_1727 : i32
      %convert_element_type3A_1729 = arith.extui %lt3A_1728 : i1 to i32
      %cond3A_1730 = arith.constant 0 : i32
      %cond3A_1731 = arith.cmpi ne, %convert_element_type3A_1729, %cond3A_1730 : i32
      scf.if %cond3A_1731 {
        %add3A_1733 = arith.constant 3 : i32
        %add3A_1734 = arith.addi %add3A_1650, %add3A_1733 : i32
        %mul3A_1735 = arith.constant 4 : i32
        %mul3A_1736 = arith.muli %add3A_1734, %mul3A_1735 : i32
        %get3A_1737 = arith.index_cast %mul3A_1736 : i32 to index
        %get3A_1738 = tpu.vector_load %arg5[%get3A_1737] {strides = array<i32>} : memref<528xi32, #tpu.memory_space<vmem>>, vector<16xi32>,
        %slice3A_1739 = vector.extract_strided_slice %get3A_1738 {offsets = [0], sizes = [1], strides = [1]} : vector<16xi32> to vector<1xi32>
        %squeeze3A_1740 = vector.extract %slice3A_1739[0] : i32 from vector<1xi32>
        %shift_right_logical3A_1741 = arith.constant 7 : i32
        %shift_right_logical3A_1742 = arith.shrui %squeeze3A_1740, %shift_right_logical3A_1741 : i32
        %mul3A_1743 = arith.constant 128 : i32
        %mul3A_1744 = arith.muli %shift_right_logical3A_1742, %mul3A_1743 : i32
        %dma_start3A_1745 = arith.constant 0 : i32
        %dma_start3A_1746 = arith.constant 0 : i32
        %dma_start3A_1747 = arith.constant 0 : i32
        %dma_start3A_1748 = tpu.memref_slice %arg8[%dma_start3A_1745, %dma_start3A_1746, %dma_start3A_1747] : memref<4x64x128xf32, #tpu.memory_space<vmem>> -> memref<1x8x128xf32, #tpu.memory_space<vmem>>
        %dma_start3A_1749 = tpu.memref_squeeze %dma_start3A_1748 : memref<1x8x128xf32, #tpu.memory_space<vmem>> -> memref<8x128xf32, #tpu.memory_space<vmem>>
        %dma_start3A_1750 = arith.constant 0 : i32
        %dma_start3A_1751 = tpu.memref_slice %arg2[%dma_start3A_1750, %mul3A_1744] : memref<64x1000000xf32, #tpu.memory_space<hbm>> -> memref<8x128xf32, #tpu.memory_space<hbm>>
        %dma_start3A_1752 = arith.constant 0 : i32
        %dma_start3A_1753 = arith.constant 0 : i32
        %dma_start3A_1754 = tpu.memref_slice %arg8[%dma_start3A_1745, %dma_start3A_1752, %dma_start3A_1753] : memref<4x64x128xf32, #tpu.memory_space<vmem>> -> memref<1x8x128xf32, #tpu.memory_space<vmem>>
        %dma_start3A_1755 = tpu.memref_squeeze %dma_start3A_1754 : memref<1x8x128xf32, #tpu.memory_space<vmem>> -> memref<8x128xf32, #tpu.memory_space<vmem>>
        %dma_start3A_1756 = arith.constant 0 : i32
        %dma_start3A_1757 = tpu.memref_slice %arg2[%dma_start3A_1756, %mul3A_1744] : memref<64x1000000xf32, #tpu.memory_space<hbm>> -> memref<8x128xf32, #tpu.memory_space<hbm>>
        tpu.enqueue_dma source(%dma_start3A_1757 : memref<8x128xf32, #tpu.memory_space<hbm>>) target(%dma_start3A_1755 : memref<8x128xf32, #tpu.memory_space<vmem>>) target_semaphore(%arg12 : memref<!tpu.dma_semaphore, #tpu.memory_space<semaphore_mem>>)
        %dma_start3A_1758 = arith.constant 0 : i32
        %dma_start3A_1759 = arith.constant 8 : i32
        %dma_start3A_1760 = arith.constant 0 : i32
        %dma_start3A_1761 = tpu.memref_slice %arg8[%dma_start3A_1758, %dma_start3A_1759, %dma_start3A_1760] : memref<4x64x128xf32, #tpu.memory_space<vmem>> -> memref<1x8x128xf32, #tpu.memory_space<vmem>>
        %dma_start3A_1762 = tpu.memref_squeeze %dma_start3A_1761 : memref<1x8x128xf32, #tpu.memory_space<vmem>> -> memref<8x128xf32, #tpu.memory_space<vmem>>
        %dma_start3A_1763 = arith.constant 8 : i32
        %dma_start3A_1764 = tpu.memref_slice %arg2[%dma_start3A_1763, %mul3A_1744] : memref<64x1000000xf32, #tpu.memory_space<hbm>> -> memref<8x128xf32, #tpu.memory_space<hbm>>
        %dma_start3A_1765 = arith.constant 8 : i32
        %dma_start3A_1766 = arith.constant 0 : i32
        %dma_start3A_1767 = tpu.memref_slice %arg8[%dma_start3A_1758, %dma_start3A_1765, %dma_start3A_1766] : memref<4x64x128xf32, #tpu.memory_space<vmem>> -> memref<1x8x128xf32, #tpu.memory_space<vmem>>
        %dma_start3A_1768 = tpu.memref_squeeze %dma_start3A_1767 : memref<1x8x128xf32, #tpu.memory_space<vmem>> -> memref<8x128xf32, #tpu.memory_space<vmem>>
        %dma_start3A_1769 = arith.constant 8 : i32
        %dma_start3A_1770 = tpu.memref_slice %arg2[%dma_start3A_1769, %mul3A_1744] : memref<64x1000000xf32, #tpu.memory_space<hbm>> -> memref<8x128xf32, #tpu.memory_space<hbm>>
        tpu.enqueue_dma source(%dma_start3A_1770 : memref<8x128xf32, #tpu.memory_space<hbm>>) target(%dma_start3A_1768 : memref<8x128xf32, #tpu.memory_space<vmem>>) target_semaphore(%arg12 : memref<!tpu.dma_semaphore, #tpu.memory_space<semaphore_mem>>)
        %dma_start3A_1771 = arith.constant 0 : i32
        %dma_start3A_1772 = arith.constant 16 : i32
        %dma_start3A_1773 = arith.constant 0 : i32
        %dma_start3A_1774 = tpu.memref_slice %arg8[%dma_start3A_1771, %dma_start3A_1772, %dma_start3A_1773] : memref<4x64x128xf32, #tpu.memory_space<vmem>> -> memref<1x8x128xf32, #tpu.memory_space<vmem>>
        %dma_start3A_1775 = tpu.memref_squeeze %dma_start3A_1774 : memref<1x8x128xf32, #tpu.memory_space<vmem>> -> memref<8x128xf32, #tpu.memory_space<vmem>>
        %dma_start3A_1776 = arith.constant 16 : i32
        %dma_start3A_1777 = tpu.memref_slice %arg2[%dma_start3A_1776, %mul3A_1744] : memref<64x1000000xf32, #tpu.memory_space<hbm>> -> memref<8x128xf32, #tpu.memory_space<hbm>>
        %dma_start3A_1778 = arith.constant 16 : i32
        %dma_start3A_1779 = arith.constant 0 : i32
        %dma_start3A_1780 = tpu.memref_slice %arg8[%dma_start3A_1771, %dma_start3A_1778, %dma_start3A_1779] : memref<4x64x128xf32, #tpu.memory_space<vmem>> -> memref<1x8x128xf32, #tpu.memory_space<vmem>>
        %dma_start3A_1781 = tpu.memref_squeeze %dma_start3A_1780 : memref<1x8x128xf32, #tpu.memory_space<vmem>> -> memref<8x128xf32, #tpu.memory_space<vmem>>
        %dma_start3A_1782 = arith.constant 16 : i32
        %dma_start3A_1783 = tpu.memref_slice %arg2[%dma_start3A_1782, %mul3A_1744] : memref<64x1000000xf32, #tpu.memory_space<hbm>> -> memref<8x128xf32, #tpu.memory_space<hbm>>
        tpu.enqueue_dma source(%dma_start3A_1783 : memref<8x128xf32, #tpu.memory_space<hbm>>) target(%dma_start3A_1781 : memref<8x128xf32, #tpu.memory_space<vmem>>) target_semaphore(%arg12 : memref<!tpu.dma_semaphore, #tpu.memory_space<semaphore_mem>>)
        %dma_start3A_1784 = arith.constant 0 : i32
        %dma_start3A_1785 = arith.constant 24 : i32
        %dma_start3A_1786 = arith.constant 0 : i32
        %dma_start3A_1787 = tpu.memref_slice %arg8[%dma_start3A_1784, %dma_start3A_1785, %dma_start3A_1786] : memref<4x64x128xf32, #tpu.memory_space<vmem>> -> memref<1x8x128xf32, #tpu.memory_space<vmem>>
        %dma_start3A_1788 = tpu.memref_squeeze %dma_start3A_1787 : memref<1x8x128xf32, #tpu.memory_space<vmem>> -> memref<8x128xf32, #tpu.memory_space<vmem>>
        %dma_start3A_1789 = arith.constant 24 : i32
        %dma_start3A_1790 = tpu.memref_slice %arg2[%dma_start3A_1789, %mul3A_1744] : memref<64x1000000xf32, #tpu.memory_space<hbm>> -> memref<8x128xf32, #tpu.memory_space<hbm>>
        %dma_start3A_1791 = arith.constant 24 : i32
        %dma_start3A_1792 = arith.constant 0 : i32
        %dma_start3A_1793 = tpu.memref_slice %arg8[%dma_start3A_1784, %dma_start3A_1791, %dma_start3A_1792] : memref<4x64x128xf32, #tpu.memory_space<vmem>> -> memref<1x8x128xf32, #tpu.memory_space<vmem>>
        %dma_start3A_1794 = tpu.memref_squeeze %dma_start3A_1793 : memref<1x8x128xf32, #tpu.memory_space<vmem>> -> memref<8x128xf32, #tpu.memory_space<vmem>>
        %dma_start3A_1795 = arith.constant 24 : i32
        %dma_start3A_1796 = tpu.memref_slice %arg2[%dma_start3A_1795, %mul3A_1744] : memref<64x1000000xf32, #tpu.memory_space<hbm>> -> memref<8x128xf32, #tpu.memory_space<hbm>>
        tpu.enqueue_dma source(%dma_start3A_1796 : memref<8x128xf32, #tpu.memory_space<hbm>>) target(%dma_start3A_1794 : memref<8x128xf32, #tpu.memory_space<vmem>>) target_semaphore(%arg12 : memref<!tpu.dma_semaphore, #tpu.memory_space<semaphore_mem>>)
        %dma_start3A_1797 = arith.constant 0 : i32
        %dma_start3A_1798 = arith.constant 32 : i32
        %dma_start3A_1799 = arith.constant 0 : i32
        %dma_start3A_1800 = tpu.memref_slice %arg8[%dma_start3A_1797, %dma_start3A_1798, %dma_start3A_1799] : memref<4x64x128xf32, #tpu.memory_space<vmem>> -> memref<1x8x128xf32, #tpu.memory_space<vmem>>
        %dma_start3A_1801 = tpu.memref_squeeze %dma_start3A_1800 : memref<1x8x128xf32, #tpu.memory_space<vmem>> -> memref<8x128xf32, #tpu.memory_space<vmem>>
        %dma_start3A_1802 = arith.constant 32 : i32
        %dma_start3A_1803 = tpu.memref_slice %arg2[%dma_start3A_1802, %mul3A_1744] : memref<64x1000000xf32, #tpu.memory_space<hbm>> -> memref<8x128xf32, #tpu.memory_space<hbm>>
        %dma_start3A_1804 = arith.constant 32 : i32
        %dma_start3A_1805 = arith.constant 0 : i32
        %dma_start3A_1806 = tpu.memref_slice %arg8[%dma_start3A_1797, %dma_start3A_1804, %dma_start3A_1805] : memref<4x64x128xf32, #tpu.memory_space<vmem>> -> memref<1x8x128xf32, #tpu.memory_space<vmem>>
        %dma_start3A_1807 = tpu.memref_squeeze %dma_start3A_1806 : memref<1x8x128xf32, #tpu.memory_space<vmem>> -> memref<8x128xf32, #tpu.memory_space<vmem>>
        %dma_start3A_1808 = arith.constant 32 : i32
        %dma_start3A_1809 = tpu.memref_slice %arg2[%dma_start3A_1808, %mul3A_1744] : memref<64x1000000xf32, #tpu.memory_space<hbm>> -> memref<8x128xf32, #tpu.memory_space<hbm>>
        tpu.enqueue_dma source(%dma_start3A_1809 : memref<8x128xf32, #tpu.memory_space<hbm>>) target(%dma_start3A_1807 : memref<8x128xf32, #tpu.memory_space<vmem>>) target_semaphore(%arg12 : memref<!tpu.dma_semaphore, #tpu.memory_space<semaphore_mem>>)
        %dma_start3A_1810 = arith.constant 0 : i32
        %dma_start3A_1811 = arith.constant 40 : i32
        %dma_start3A_1812 = arith.constant 0 : i32
        %dma_start3A_1813 = tpu.memref_slice %arg8[%dma_start3A_1810, %dma_start3A_1811, %dma_start3A_1812] : memref<4x64x128xf32, #tpu.memory_space<vmem>> -> memref<1x8x128xf32, #tpu.memory_space<vmem>>
        %dma_start3A_1814 = tpu.memref_squeeze %dma_start3A_1813 : memref<1x8x128xf32, #tpu.memory_space<vmem>> -> memref<8x128xf32, #tpu.memory_space<vmem>>
        %dma_start3A_1815 = arith.constant 40 : i32
        %dma_start3A_1816 = tpu.memref_slice %arg2[%dma_start3A_1815, %mul3A_1744] : memref<64x1000000xf32, #tpu.memory_space<hbm>> -> memref<8x128xf32, #tpu.memory_space<hbm>>
        %dma_start3A_1817 = arith.constant 40 : i32
        %dma_start3A_1818 = arith.constant 0 : i32
        %dma_start3A_1819 = tpu.memref_slice %arg8[%dma_start3A_1810, %dma_start3A_1817, %dma_start3A_1818] : memref<4x64x128xf32, #tpu.memory_space<vmem>> -> memref<1x8x128xf32, #tpu.memory_space<vmem>>
        %dma_start3A_1820 = tpu.memref_squeeze %dma_start3A_1819 : memref<1x8x128xf32, #tpu.memory_space<vmem>> -> memref<8x128xf32, #tpu.memory_space<vmem>>
        %dma_start3A_1821 = arith.constant 40 : i32
        %dma_start3A_1822 = tpu.memref_slice %arg2[%dma_start3A_1821, %mul3A_1744] : memref<64x1000000xf32, #tpu.memory_space<hbm>> -> memref<8x128xf32, #tpu.memory_space<hbm>>
        tpu.enqueue_dma source(%dma_start3A_1822 : memref<8x128xf32, #tpu.memory_space<hbm>>) target(%dma_start3A_1820 : memref<8x128xf32, #tpu.memory_space<vmem>>) target_semaphore(%arg12 : memref<!tpu.dma_semaphore, #tpu.memory_space<semaphore_mem>>)
        %dma_start3A_1823 = arith.constant 0 : i32
        %dma_start3A_1824 = arith.constant 48 : i32
        %dma_start3A_1825 = arith.constant 0 : i32
        %dma_start3A_1826 = tpu.memref_slice %arg8[%dma_start3A_1823, %dma_start3A_1824, %dma_start3A_1825] : memref<4x64x128xf32, #tpu.memory_space<vmem>> -> memref<1x8x128xf32, #tpu.memory_space<vmem>>
        %dma_start3A_1827 = tpu.memref_squeeze %dma_start3A_1826 : memref<1x8x128xf32, #tpu.memory_space<vmem>> -> memref<8x128xf32, #tpu.memory_space<vmem>>
        %dma_start3A_1828 = arith.constant 48 : i32
        %dma_start3A_1829 = tpu.memref_slice %arg2[%dma_start3A_1828, %mul3A_1744] : memref<64x1000000xf32, #tpu.memory_space<hbm>> -> memref<8x128xf32, #tpu.memory_space<hbm>>
        %dma_start3A_1830 = arith.constant 48 : i32
        %dma_start3A_1831 = arith.constant 0 : i32
        %dma_start3A_1832 = tpu.memref_slice %arg8[%dma_start3A_1823, %dma_start3A_1830, %dma_start3A_1831] : memref<4x64x128xf32, #tpu.memory_space<vmem>> -> memref<1x8x128xf32, #tpu.memory_space<vmem>>
        %dma_start3A_1833 = tpu.memref_squeeze %dma_start3A_1832 : memref<1x8x128xf32, #tpu.memory_space<vmem>> -> memref<8x128xf32, #tpu.memory_space<vmem>>
        %dma_start3A_1834 = arith.constant 48 : i32
        %dma_start3A_1835 = tpu.memref_slice %arg2[%dma_start3A_1834, %mul3A_1744] : memref<64x1000000xf32, #tpu.memory_space<hbm>> -> memref<8x128xf32, #tpu.memory_space<hbm>>
        tpu.enqueue_dma source(%dma_start3A_1835 : memref<8x128xf32, #tpu.memory_space<hbm>>) target(%dma_start3A_1833 : memref<8x128xf32, #tpu.memory_space<vmem>>) target_semaphore(%arg12 : memref<!tpu.dma_semaphore, #tpu.memory_space<semaphore_mem>>)
        %dma_start3A_1836 = arith.constant 0 : i32
        %dma_start3A_1837 = arith.constant 56 : i32
        %dma_start3A_1838 = arith.constant 0 : i32
        %dma_start3A_1839 = tpu.memref_slice %arg8[%dma_start3A_1836, %dma_start3A_1837, %dma_start3A_1838] : memref<4x64x128xf32, #tpu.memory_space<vmem>> -> memref<1x8x128xf32, #tpu.memory_space<vmem>>
        %dma_start3A_1840 = tpu.memref_squeeze %dma_start3A_1839 : memref<1x8x128xf32, #tpu.memory_space<vmem>> -> memref<8x128xf32, #tpu.memory_space<vmem>>
        %dma_start3A_1841 = arith.constant 56 : i32
        %dma_start3A_1842 = tpu.memref_slice %arg2[%dma_start3A_1841, %mul3A_1744] : memref<64x1000000xf32, #tpu.memory_space<hbm>> -> memref<8x128xf32, #tpu.memory_space<hbm>>
        %dma_start3A_1843 = arith.constant 56 : i32
        %dma_start3A_1844 = arith.constant 0 : i32
        %dma_start3A_1845 = tpu.memref_slice %arg8[%dma_start3A_1836, %dma_start3A_1843, %dma_start3A_1844] : memref<4x64x128xf32, #tpu.memory_space<vmem>> -> memref<1x8x128xf32, #tpu.memory_space<vmem>>
        %dma_start3A_1846 = tpu.memref_squeeze %dma_start3A_1845 : memref<1x8x128xf32, #tpu.memory_space<vmem>> -> memref<8x128xf32, #tpu.memory_space<vmem>>
        %dma_start3A_1847 = arith.constant 56 : i32
        %dma_start3A_1848 = tpu.memref_slice %arg2[%dma_start3A_1847, %mul3A_1744] : memref<64x1000000xf32, #tpu.memory_space<hbm>> -> memref<8x128xf32, #tpu.memory_space<hbm>>
        tpu.enqueue_dma source(%dma_start3A_1848 : memref<8x128xf32, #tpu.memory_space<hbm>>) target(%dma_start3A_1846 : memref<8x128xf32, #tpu.memory_space<vmem>>) target_semaphore(%arg12 : memref<!tpu.dma_semaphore, #tpu.memory_space<semaphore_mem>>)
        %slice3A_1849 = vector.extract_strided_slice %get3A_1738 {offsets = [1], sizes = [1], strides = [1]} : vector<16xi32> to vector<1xi32>
        %squeeze3A_1850 = vector.extract %slice3A_1849[0] : i32 from vector<1xi32>
        %shift_right_logical3A_1851 = arith.constant 7 : i32
        %shift_right_logical3A_1852 = arith.shrui %squeeze3A_1850, %shift_right_logical3A_1851 : i32
        %mul3A_1853 = arith.constant 128 : i32
        %mul3A_1854 = arith.muli %shift_right_logical3A_1852, %mul3A_1853 : i32
        %dma_start3A_1855 = arith.constant 1 : i32
        %dma_start3A_1856 = arith.constant 0 : i32
        %dma_start3A_1857 = arith.constant 0 : i32
        %dma_start3A_1858 = tpu.memref_slice %arg8[%dma_start3A_1855, %dma_start3A_1856, %dma_start3A_1857] : memref<4x64x128xf32, #tpu.memory_space<vmem>> -> memref<1x8x128xf32, #tpu.memory_space<vmem>>
        %dma_start3A_1859 = tpu.memref_squeeze %dma_start3A_1858 : memref<1x8x128xf32, #tpu.memory_space<vmem>> -> memref<8x128xf32, #tpu.memory_space<vmem>>
        %dma_start3A_1860 = arith.constant 0 : i32
        %dma_start3A_1861 = tpu.memref_slice %arg2[%dma_start3A_1860, %mul3A_1854] : memref<64x1000000xf32, #tpu.memory_space<hbm>> -> memref<8x128xf32, #tpu.memory_space<hbm>>
        %dma_start3A_1862 = arith.constant 0 : i32
        %dma_start3A_1863 = arith.constant 0 : i32
        %dma_start3A_1864 = tpu.memref_slice %arg8[%dma_start3A_1855, %dma_start3A_1862, %dma_start3A_1863] : memref<4x64x128xf32, #tpu.memory_space<vmem>> -> memref<1x8x128xf32, #tpu.memory_space<vmem>>
        %dma_start3A_1865 = tpu.memref_squeeze %dma_start3A_1864 : memref<1x8x128xf32, #tpu.memory_space<vmem>> -> memref<8x128xf32, #tpu.memory_space<vmem>>
        %dma_start3A_1866 = arith.constant 0 : i32
        %dma_start3A_1867 = tpu.memref_slice %arg2[%dma_start3A_1866, %mul3A_1854] : memref<64x1000000xf32, #tpu.memory_space<hbm>> -> memref<8x128xf32, #tpu.memory_space<hbm>>
        tpu.enqueue_dma source(%dma_start3A_1867 : memref<8x128xf32, #tpu.memory_space<hbm>>) target(%dma_start3A_1865 : memref<8x128xf32, #tpu.memory_space<vmem>>) target_semaphore(%arg12 : memref<!tpu.dma_semaphore, #tpu.memory_space<semaphore_mem>>)
        %dma_start3A_1868 = arith.constant 1 : i32
        %dma_start3A_1869 = arith.constant 8 : i32
        %dma_start3A_1870 = arith.constant 0 : i32
        %dma_start3A_1871 = tpu.memref_slice %arg8[%dma_start3A_1868, %dma_start3A_1869, %dma_start3A_1870] : memref<4x64x128xf32, #tpu.memory_space<vmem>> -> memref<1x8x128xf32, #tpu.memory_space<vmem>>
        %dma_start3A_1872 = tpu.memref_squeeze %dma_start3A_1871 : memref<1x8x128xf32, #tpu.memory_space<vmem>> -> memref<8x128xf32, #tpu.memory_space<vmem>>
        %dma_start3A_1873 = arith.constant 8 : i32
        %dma_start3A_1874 = tpu.memref_slice %arg2[%dma_start3A_1873, %mul3A_1854] : memref<64x1000000xf32, #tpu.memory_space<hbm>> -> memref<8x128xf32, #tpu.memory_space<hbm>>
        %dma_start3A_1875 = arith.constant 8 : i32
        %dma_start3A_1876 = arith.constant 0 : i32
        %dma_start3A_1877 = tpu.memref_slice %arg8[%dma_start3A_1868, %dma_start3A_1875, %dma_start3A_1876] : memref<4x64x128xf32, #tpu.memory_space<vmem>> -> memref<1x8x128xf32, #tpu.memory_space<vmem>>
        %dma_start3A_1878 = tpu.memref_squeeze %dma_start3A_1877 : memref<1x8x128xf32, #tpu.memory_space<vmem>> -> memref<8x128xf32, #tpu.memory_space<vmem>>
        %dma_start3A_1879 = arith.constant 8 : i32
        %dma_start3A_1880 = tpu.memref_slice %arg2[%dma_start3A_1879, %mul3A_1854] : memref<64x1000000xf32, #tpu.memory_space<hbm>> -> memref<8x128xf32, #tpu.memory_space<hbm>>
        tpu.enqueue_dma source(%dma_start3A_1880 : memref<8x128xf32, #tpu.memory_space<hbm>>) target(%dma_start3A_1878 : memref<8x128xf32, #tpu.memory_space<vmem>>) target_semaphore(%arg12 : memref<!tpu.dma_semaphore, #tpu.memory_space<semaphore_mem>>)
        %dma_start3A_1881 = arith.constant 1 : i32
        %dma_start3A_1882 = arith.constant 16 : i32
        %dma_start3A_1883 = arith.constant 0 : i32
        %dma_start3A_1884 = tpu.memref_slice %arg8[%dma_start3A_1881, %dma_start3A_1882, %dma_start3A_1883] : memref<4x64x128xf32, #tpu.memory_space<vmem>> -> memref<1x8x128xf32, #tpu.memory_space<vmem>>
        %dma_start3A_1885 = tpu.memref_squeeze %dma_start3A_1884 : memref<1x8x128xf32, #tpu.memory_space<vmem>> -> memref<8x128xf32, #tpu.memory_space<vmem>>
        %dma_start3A_1886 = arith.constant 16 : i32
        %dma_start3A_1887 = tpu.memref_slice %arg2[%dma_start3A_1886, %mul3A_1854] : memref<64x1000000xf32, #tpu.memory_space<hbm>> -> memref<8x128xf32, #tpu.memory_space<hbm>>
        %dma_start3A_1888 = arith.constant 16 : i32
        %dma_start3A_1889 = arith.constant 0 : i32
        %dma_start3A_1890 = tpu.memref_slice %arg8[%dma_start3A_1881, %dma_start3A_1888, %dma_start3A_1889] : memref<4x64x128xf32, #tpu.memory_space<vmem>> -> memref<1x8x128xf32, #tpu.memory_space<vmem>>
        %dma_start3A_1891 = tpu.memref_squeeze %dma_start3A_1890 : memref<1x8x128xf32, #tpu.memory_space<vmem>> -> memref<8x128xf32, #tpu.memory_space<vmem>>
        %dma_start3A_1892 = arith.constant 16 : i32
        %dma_start3A_1893 = tpu.memref_slice %arg2[%dma_start3A_1892, %mul3A_1854] : memref<64x1000000xf32, #tpu.memory_space<hbm>> -> memref<8x128xf32, #tpu.memory_space<hbm>>
        tpu.enqueue_dma source(%dma_start3A_1893 : memref<8x128xf32, #tpu.memory_space<hbm>>) target(%dma_start3A_1891 : memref<8x128xf32, #tpu.memory_space<vmem>>) target_semaphore(%arg12 : memref<!tpu.dma_semaphore, #tpu.memory_space<semaphore_mem>>)
        %dma_start3A_1894 = arith.constant 1 : i32
        %dma_start3A_1895 = arith.constant 24 : i32
        %dma_start3A_1896 = arith.constant 0 : i32
        %dma_start3A_1897 = tpu.memref_slice %arg8[%dma_start3A_1894, %dma_start3A_1895, %dma_start3A_1896] : memref<4x64x128xf32, #tpu.memory_space<vmem>> -> memref<1x8x128xf32, #tpu.memory_space<vmem>>
        %dma_start3A_1898 = tpu.memref_squeeze %dma_start3A_1897 : memref<1x8x128xf32, #tpu.memory_space<vmem>> -> memref<8x128xf32, #tpu.memory_space<vmem>>
        %dma_start3A_1899 = arith.constant 24 : i32
        %dma_start3A_1900 = tpu.memref_slice %arg2[%dma_start3A_1899, %mul3A_1854] : memref<64x1000000xf32, #tpu.memory_space<hbm>> -> memref<8x128xf32, #tpu.memory_space<hbm>>
        %dma_start3A_1901 = arith.constant 24 : i32
        %dma_start3A_1902 = arith.constant 0 : i32
        %dma_start3A_1903 = tpu.memref_slice %arg8[%dma_start3A_1894, %dma_start3A_1901, %dma_start3A_1902] : memref<4x64x128xf32, #tpu.memory_space<vmem>> -> memref<1x8x128xf32, #tpu.memory_space<vmem>>
        %dma_start3A_1904 = tpu.memref_squeeze %dma_start3A_1903 : memref<1x8x128xf32, #tpu.memory_space<vmem>> -> memref<8x128xf32, #tpu.memory_space<vmem>>
        %dma_start3A_1905 = arith.constant 24 : i32
        %dma_start3A_1906 = tpu.memref_slice %arg2[%dma_start3A_1905, %mul3A_1854] : memref<64x1000000xf32, #tpu.memory_space<hbm>> -> memref<8x128xf32, #tpu.memory_space<hbm>>
        tpu.enqueue_dma source(%dma_start3A_1906 : memref<8x128xf32, #tpu.memory_space<hbm>>) target(%dma_start3A_1904 : memref<8x128xf32, #tpu.memory_space<vmem>>) target_semaphore(%arg12 : memref<!tpu.dma_semaphore, #tpu.memory_space<semaphore_mem>>)
        %dma_start3A_1907 = arith.constant 1 : i32
        %dma_start3A_1908 = arith.constant 32 : i32
        %dma_start3A_1909 = arith.constant 0 : i32
        %dma_start3A_1910 = tpu.memref_slice %arg8[%dma_start3A_1907, %dma_start3A_1908, %dma_start3A_1909] : memref<4x64x128xf32, #tpu.memory_space<vmem>> -> memref<1x8x128xf32, #tpu.memory_space<vmem>>
        %dma_start3A_1911 = tpu.memref_squeeze %dma_start3A_1910 : memref<1x8x128xf32, #tpu.memory_space<vmem>> -> memref<8x128xf32, #tpu.memory_space<vmem>>
        %dma_start3A_1912 = arith.constant 32 : i32
        %dma_start3A_1913 = tpu.memref_slice %arg2[%dma_start3A_1912, %mul3A_1854] : memref<64x1000000xf32, #tpu.memory_space<hbm>> -> memref<8x128xf32, #tpu.memory_space<hbm>>
        %dma_start3A_1914 = arith.constant 32 : i32
        %dma_start3A_1915 = arith.constant 0 : i32
        %dma_start3A_1916 = tpu.memref_slice %arg8[%dma_start3A_1907, %dma_start3A_1914, %dma_start3A_1915] : memref<4x64x128xf32, #tpu.memory_space<vmem>> -> memref<1x8x128xf32, #tpu.memory_space<vmem>>
        %dma_start3A_1917 = tpu.memref_squeeze %dma_start3A_1916 : memref<1x8x128xf32, #tpu.memory_space<vmem>> -> memref<8x128xf32, #tpu.memory_space<vmem>>
        %dma_start3A_1918 = arith.constant 32 : i32
        %dma_start3A_1919 = tpu.memref_slice %arg2[%dma_start3A_1918, %mul3A_1854] : memref<64x1000000xf32, #tpu.memory_space<hbm>> -> memref<8x128xf32, #tpu.memory_space<hbm>>
        tpu.enqueue_dma source(%dma_start3A_1919 : memref<8x128xf32, #tpu.memory_space<hbm>>) target(%dma_start3A_1917 : memref<8x128xf32, #tpu.memory_space<vmem>>) target_semaphore(%arg12 : memref<!tpu.dma_semaphore, #tpu.memory_space<semaphore_mem>>)
        %dma_start3A_1920 = arith.constant 1 : i32
        %dma_start3A_1921 = arith.constant 40 : i32
        %dma_start3A_1922 = arith.constant 0 : i32
        %dma_start3A_1923 = tpu.memref_slice %arg8[%dma_start3A_1920, %dma_start3A_1921, %dma_start3A_1922] : memref<4x64x128xf32, #tpu.memory_space<vmem>> -> memref<1x8x128xf32, #tpu.memory_space<vmem>>
        %dma_start3A_1924 = tpu.memref_squeeze %dma_start3A_1923 : memref<1x8x128xf32, #tpu.memory_space<vmem>> -> memref<8x128xf32, #tpu.memory_space<vmem>>
        %dma_start3A_1925 = arith.constant 40 : i32
        %dma_start3A_1926 = tpu.memref_slice %arg2[%dma_start3A_1925, %mul3A_1854] : memref<64x1000000xf32, #tpu.memory_space<hbm>> -> memref<8x128xf32, #tpu.memory_space<hbm>>
        %dma_start3A_1927 = arith.constant 40 : i32
        %dma_start3A_1928 = arith.constant 0 : i32
        %dma_start3A_1929 = tpu.memref_slice %arg8[%dma_start3A_1920, %dma_start3A_1927, %dma_start3A_1928] : memref<4x64x128xf32, #tpu.memory_space<vmem>> -> memref<1x8x128xf32, #tpu.memory_space<vmem>>
        %dma_start3A_1930 = tpu.memref_squeeze %dma_start3A_1929 : memref<1x8x128xf32, #tpu.memory_space<vmem>> -> memref<8x128xf32, #tpu.memory_space<vmem>>
        %dma_start3A_1931 = arith.constant 40 : i32
        %dma_start3A_1932 = tpu.memref_slice %arg2[%dma_start3A_1931, %mul3A_1854] : memref<64x1000000xf32, #tpu.memory_space<hbm>> -> memref<8x128xf32, #tpu.memory_space<hbm>>
        tpu.enqueue_dma source(%dma_start3A_1932 : memref<8x128xf32, #tpu.memory_space<hbm>>) target(%dma_start3A_1930 : memref<8x128xf32, #tpu.memory_space<vmem>>) target_semaphore(%arg12 : memref<!tpu.dma_semaphore, #tpu.memory_space<semaphore_mem>>)
        %dma_start3A_1933 = arith.constant 1 : i32
        %dma_start3A_1934 = arith.constant 48 : i32
        %dma_start3A_1935 = arith.constant 0 : i32
        %dma_start3A_1936 = tpu.memref_slice %arg8[%dma_start3A_1933, %dma_start3A_1934, %dma_start3A_1935] : memref<4x64x128xf32, #tpu.memory_space<vmem>> -> memref<1x8x128xf32, #tpu.memory_space<vmem>>
        %dma_start3A_1937 = tpu.memref_squeeze %dma_start3A_1936 : memref<1x8x128xf32, #tpu.memory_space<vmem>> -> memref<8x128xf32, #tpu.memory_space<vmem>>
        %dma_start3A_1938 = arith.constant 48 : i32
        %dma_start3A_1939 = tpu.memref_slice %arg2[%dma_start3A_1938, %mul3A_1854] : memref<64x1000000xf32, #tpu.memory_space<hbm>> -> memref<8x128xf32, #tpu.memory_space<hbm>>
        %dma_start3A_1940 = arith.constant 48 : i32
        %dma_start3A_1941 = arith.constant 0 : i32
        %dma_start3A_1942 = tpu.memref_slice %arg8[%dma_start3A_1933, %dma_start3A_1940, %dma_start3A_1941] : memref<4x64x128xf32, #tpu.memory_space<vmem>> -> memref<1x8x128xf32, #tpu.memory_space<vmem>>
        %dma_start3A_1943 = tpu.memref_squeeze %dma_start3A_1942 : memref<1x8x128xf32, #tpu.memory_space<vmem>> -> memref<8x128xf32, #tpu.memory_space<vmem>>
        %dma_start3A_1944 = arith.constant 48 : i32
        %dma_start3A_1945 = tpu.memref_slice %arg2[%dma_start3A_1944, %mul3A_1854] : memref<64x1000000xf32, #tpu.memory_space<hbm>> -> memref<8x128xf32, #tpu.memory_space<hbm>>
        tpu.enqueue_dma source(%dma_start3A_1945 : memref<8x128xf32, #tpu.memory_space<hbm>>) target(%dma_start3A_1943 : memref<8x128xf32, #tpu.memory_space<vmem>>) target_semaphore(%arg12 : memref<!tpu.dma_semaphore, #tpu.memory_space<semaphore_mem>>)
        %dma_start3A_1946 = arith.constant 1 : i32
        %dma_start3A_1947 = arith.constant 56 : i32
        %dma_start3A_1948 = arith.constant 0 : i32
        %dma_start3A_1949 = tpu.memref_slice %arg8[%dma_start3A_1946, %dma_start3A_1947, %dma_start3A_1948] : memref<4x64x128xf32, #tpu.memory_space<vmem>> -> memref<1x8x128xf32, #tpu.memory_space<vmem>>
        %dma_start3A_1950 = tpu.memref_squeeze %dma_start3A_1949 : memref<1x8x128xf32, #tpu.memory_space<vmem>> -> memref<8x128xf32, #tpu.memory_space<vmem>>
        %dma_start3A_1951 = arith.constant 56 : i32
        %dma_start3A_1952 = tpu.memref_slice %arg2[%dma_start3A_1951, %mul3A_1854] : memref<64x1000000xf32, #tpu.memory_space<hbm>> -> memref<8x128xf32, #tpu.memory_space<hbm>>
        %dma_start3A_1953 = arith.constant 56 : i32
        %dma_start3A_1954 = arith.constant 0 : i32
        %dma_start3A_1955 = tpu.memref_slice %arg8[%dma_start3A_1946, %dma_start3A_1953, %dma_start3A_1954] : memref<4x64x128xf32, #tpu.memory_space<vmem>> -> memref<1x8x128xf32, #tpu.memory_space<vmem>>
        %dma_start3A_1956 = tpu.memref_squeeze %dma_start3A_1955 : memref<1x8x128xf32, #tpu.memory_space<vmem>> -> memref<8x128xf32, #tpu.memory_space<vmem>>
        %dma_start3A_1957 = arith.constant 56 : i32
        %dma_start3A_1958 = tpu.memref_slice %arg2[%dma_start3A_1957, %mul3A_1854] : memref<64x1000000xf32, #tpu.memory_space<hbm>> -> memref<8x128xf32, #tpu.memory_space<hbm>>
        tpu.enqueue_dma source(%dma_start3A_1958 : memref<8x128xf32, #tpu.memory_space<hbm>>) target(%dma_start3A_1956 : memref<8x128xf32, #tpu.memory_space<vmem>>) target_semaphore(%arg12 : memref<!tpu.dma_semaphore, #tpu.memory_space<semaphore_mem>>)
        %slice3A_1959 = vector.extract_strided_slice %get3A_1738 {offsets = [2], sizes = [1], strides = [1]} : vector<16xi32> to vector<1xi32>
        %squeeze3A_1960 = vector.extract %slice3A_1959[0] : i32 from vector<1xi32>
        %shift_right_logical3A_1961 = arith.constant 7 : i32
        %shift_right_logical3A_1962 = arith.shrui %squeeze3A_1960, %shift_right_logical3A_1961 : i32
        %mul3A_1963 = arith.constant 128 : i32
        %mul3A_1964 = arith.muli %shift_right_logical3A_1962, %mul3A_1963 : i32
        %dma_start3A_1965 = arith.constant 2 : i32
        %dma_start3A_1966 = arith.constant 0 : i32
        %dma_start3A_1967 = arith.constant 0 : i32
        %dma_start3A_1968 = tpu.memref_slice %arg8[%dma_start3A_1965, %dma_start3A_1966, %dma_start3A_1967] : memref<4x64x128xf32, #tpu.memory_space<vmem>> -> memref<1x8x128xf32, #tpu.memory_space<vmem>>
        %dma_start3A_1969 = tpu.memref_squeeze %dma_start3A_1968 : memref<1x8x128xf32, #tpu.memory_space<vmem>> -> memref<8x128xf32, #tpu.memory_space<vmem>>
        %dma_start3A_1970 = arith.constant 0 : i32
        %dma_start3A_1971 = tpu.memref_slice %arg2[%dma_start3A_1970, %mul3A_1964] : memref<64x1000000xf32, #tpu.memory_space<hbm>> -> memref<8x128xf32, #tpu.memory_space<hbm>>
        %dma_start3A_1972 = arith.constant 0 : i32
        %dma_start3A_1973 = arith.constant 0 : i32
        %dma_start3A_1974 = tpu.memref_slice %arg8[%dma_start3A_1965, %dma_start3A_1972, %dma_start3A_1973] : memref<4x64x128xf32, #tpu.memory_space<vmem>> -> memref<1x8x128xf32, #tpu.memory_space<vmem>>
        %dma_start3A_1975 = tpu.memref_squeeze %dma_start3A_1974 : memref<1x8x128xf32, #tpu.memory_space<vmem>> -> memref<8x128xf32, #tpu.memory_space<vmem>>
        %dma_start3A_1976 = arith.constant 0 : i32
        %dma_start3A_1977 = tpu.memref_slice %arg2[%dma_start3A_1976, %mul3A_1964] : memref<64x1000000xf32, #tpu.memory_space<hbm>> -> memref<8x128xf32, #tpu.memory_space<hbm>>
        tpu.enqueue_dma source(%dma_start3A_1977 : memref<8x128xf32, #tpu.memory_space<hbm>>) target(%dma_start3A_1975 : memref<8x128xf32, #tpu.memory_space<vmem>>) target_semaphore(%arg12 : memref<!tpu.dma_semaphore, #tpu.memory_space<semaphore_mem>>)
        %dma_start3A_1978 = arith.constant 2 : i32
        %dma_start3A_1979 = arith.constant 8 : i32
        %dma_start3A_1980 = arith.constant 0 : i32
        %dma_start3A_1981 = tpu.memref_slice %arg8[%dma_start3A_1978, %dma_start3A_1979, %dma_start3A_1980] : memref<4x64x128xf32, #tpu.memory_space<vmem>> -> memref<1x8x128xf32, #tpu.memory_space<vmem>>
        %dma_start3A_1982 = tpu.memref_squeeze %dma_start3A_1981 : memref<1x8x128xf32, #tpu.memory_space<vmem>> -> memref<8x128xf32, #tpu.memory_space<vmem>>
        %dma_start3A_1983 = arith.constant 8 : i32
        %dma_start3A_1984 = tpu.memref_slice %arg2[%dma_start3A_1983, %mul3A_1964] : memref<64x1000000xf32, #tpu.memory_space<hbm>> -> memref<8x128xf32, #tpu.memory_space<hbm>>
        %dma_start3A_1985 = arith.constant 8 : i32
        %dma_start3A_1986 = arith.constant 0 : i32
        %dma_start3A_1987 = tpu.memref_slice %arg8[%dma_start3A_1978, %dma_start3A_1985, %dma_start3A_1986] : memref<4x64x128xf32, #tpu.memory_space<vmem>> -> memref<1x8x128xf32, #tpu.memory_space<vmem>>
        %dma_start3A_1988 = tpu.memref_squeeze %dma_start3A_1987 : memref<1x8x128xf32, #tpu.memory_space<vmem>> -> memref<8x128xf32, #tpu.memory_space<vmem>>
        %dma_start3A_1989 = arith.constant 8 : i32
        %dma_start3A_1990 = tpu.memref_slice %arg2[%dma_start3A_1989, %mul3A_1964] : memref<64x1000000xf32, #tpu.memory_space<hbm>> -> memref<8x128xf32, #tpu.memory_space<hbm>>
        tpu.enqueue_dma source(%dma_start3A_1990 : memref<8x128xf32, #tpu.memory_space<hbm>>) target(%dma_start3A_1988 : memref<8x128xf32, #tpu.memory_space<vmem>>) target_semaphore(%arg12 : memref<!tpu.dma_semaphore, #tpu.memory_space<semaphore_mem>>)
        %dma_start3A_1991 = arith.constant 2 : i32
        %dma_start3A_1992 = arith.constant 16 : i32
        %dma_start3A_1993 = arith.constant 0 : i32
        %dma_start3A_1994 = tpu.memref_slice %arg8[%dma_start3A_1991, %dma_start3A_1992, %dma_start3A_1993] : memref<4x64x128xf32, #tpu.memory_space<vmem>> -> memref<1x8x128xf32, #tpu.memory_space<vmem>>
        %dma_start3A_1995 = tpu.memref_squeeze %dma_start3A_1994 : memref<1x8x128xf32, #tpu.memory_space<vmem>> -> memref<8x128xf32, #tpu.memory_space<vmem>>
        %dma_start3A_1996 = arith.constant 16 : i32
        %dma_start3A_1997 = tpu.memref_slice %arg2[%dma_start3A_1996, %mul3A_1964] : memref<64x1000000xf32, #tpu.memory_space<hbm>> -> memref<8x128xf32, #tpu.memory_space<hbm>>
        %dma_start3A_1998 = arith.constant 16 : i32
        %dma_start3A_1999 = arith.constant 0 : i32
        %dma_start3A_2000 = tpu.memref_slice %arg8[%dma_start3A_1991, %dma_start3A_1998, %dma_start3A_1999] : memref<4x64x128xf32, #tpu.memory_space<vmem>> -> memref<1x8x128xf32, #tpu.memory_space<vmem>>
        %dma_start3A_2001 = tpu.memref_squeeze %dma_start3A_2000 : memref<1x8x128xf32, #tpu.memory_space<vmem>> -> memref<8x128xf32, #tpu.memory_space<vmem>>
        %dma_start3A_2002 = arith.constant 16 : i32
        %dma_start3A_2003 = tpu.memref_slice %arg2[%dma_start3A_2002, %mul3A_1964] : memref<64x1000000xf32, #tpu.memory_space<hbm>> -> memref<8x128xf32, #tpu.memory_space<hbm>>
        tpu.enqueue_dma source(%dma_start3A_2003 : memref<8x128xf32, #tpu.memory_space<hbm>>) target(%dma_start3A_2001 : memref<8x128xf32, #tpu.memory_space<vmem>>) target_semaphore(%arg12 : memref<!tpu.dma_semaphore, #tpu.memory_space<semaphore_mem>>)
        %dma_start3A_2004 = arith.constant 2 : i32
        %dma_start3A_2005 = arith.constant 24 : i32
        %dma_start3A_2006 = arith.constant 0 : i32
        %dma_start3A_2007 = tpu.memref_slice %arg8[%dma_start3A_2004, %dma_start3A_2005, %dma_start3A_2006] : memref<4x64x128xf32, #tpu.memory_space<vmem>> -> memref<1x8x128xf32, #tpu.memory_space<vmem>>
        %dma_start3A_2008 = tpu.memref_squeeze %dma_start3A_2007 : memref<1x8x128xf32, #tpu.memory_space<vmem>> -> memref<8x128xf32, #tpu.memory_space<vmem>>
        %dma_start3A_2009 = arith.constant 24 : i32
        %dma_start3A_2010 = tpu.memref_slice %arg2[%dma_start3A_2009, %mul3A_1964] : memref<64x1000000xf32, #tpu.memory_space<hbm>> -> memref<8x128xf32, #tpu.memory_space<hbm>>
        %dma_start3A_2011 = arith.constant 24 : i32
        %dma_start3A_2012 = arith.constant 0 : i32
        %dma_start3A_2013 = tpu.memref_slice %arg8[%dma_start3A_2004, %dma_start3A_2011, %dma_start3A_2012] : memref<4x64x128xf32, #tpu.memory_space<vmem>> -> memref<1x8x128xf32, #tpu.memory_space<vmem>>
        %dma_start3A_2014 = tpu.memref_squeeze %dma_start3A_2013 : memref<1x8x128xf32, #tpu.memory_space<vmem>> -> memref<8x128xf32, #tpu.memory_space<vmem>>
        %dma_start3A_2015 = arith.constant 24 : i32
        %dma_start3A_2016 = tpu.memref_slice %arg2[%dma_start3A_2015, %mul3A_1964] : memref<64x1000000xf32, #tpu.memory_space<hbm>> -> memref<8x128xf32, #tpu.memory_space<hbm>>
        tpu.enqueue_dma source(%dma_start3A_2016 : memref<8x128xf32, #tpu.memory_space<hbm>>) target(%dma_start3A_2014 : memref<8x128xf32, #tpu.memory_space<vmem>>) target_semaphore(%arg12 : memref<!tpu.dma_semaphore, #tpu.memory_space<semaphore_mem>>)
        %dma_start3A_2017 = arith.constant 2 : i32
        %dma_start3A_2018 = arith.constant 32 : i32
        %dma_start3A_2019 = arith.constant 0 : i32
        %dma_start3A_2020 = tpu.memref_slice %arg8[%dma_start3A_2017, %dma_start3A_2018, %dma_start3A_2019] : memref<4x64x128xf32, #tpu.memory_space<vmem>> -> memref<1x8x128xf32, #tpu.memory_space<vmem>>
        %dma_start3A_2021 = tpu.memref_squeeze %dma_start3A_2020 : memref<1x8x128xf32, #tpu.memory_space<vmem>> -> memref<8x128xf32, #tpu.memory_space<vmem>>
        %dma_start3A_2022 = arith.constant 32 : i32
        %dma_start3A_2023 = tpu.memref_slice %arg2[%dma_start3A_2022, %mul3A_1964] : memref<64x1000000xf32, #tpu.memory_space<hbm>> -> memref<8x128xf32, #tpu.memory_space<hbm>>
        %dma_start3A_2024 = arith.constant 32 : i32
        %dma_start3A_2025 = arith.constant 0 : i32
        %dma_start3A_2026 = tpu.memref_slice %arg8[%dma_start3A_2017, %dma_start3A_2024, %dma_start3A_2025] : memref<4x64x128xf32, #tpu.memory_space<vmem>> -> memref<1x8x128xf32, #tpu.memory_space<vmem>>
        %dma_start3A_2027 = tpu.memref_squeeze %dma_start3A_2026 : memref<1x8x128xf32, #tpu.memory_space<vmem>> -> memref<8x128xf32, #tpu.memory_space<vmem>>
        %dma_start3A_2028 = arith.constant 32 : i32
        %dma_start3A_2029 = tpu.memref_slice %arg2[%dma_start3A_2028, %mul3A_1964] : memref<64x1000000xf32, #tpu.memory_space<hbm>> -> memref<8x128xf32, #tpu.memory_space<hbm>>
        tpu.enqueue_dma source(%dma_start3A_2029 : memref<8x128xf32, #tpu.memory_space<hbm>>) target(%dma_start3A_2027 : memref<8x128xf32, #tpu.memory_space<vmem>>) target_semaphore(%arg12 : memref<!tpu.dma_semaphore, #tpu.memory_space<semaphore_mem>>)
        %dma_start3A_2030 = arith.constant 2 : i32
        %dma_start3A_2031 = arith.constant 40 : i32
        %dma_start3A_2032 = arith.constant 0 : i32
        %dma_start3A_2033 = tpu.memref_slice %arg8[%dma_start3A_2030, %dma_start3A_2031, %dma_start3A_2032] : memref<4x64x128xf32, #tpu.memory_space<vmem>> -> memref<1x8x128xf32, #tpu.memory_space<vmem>>
        %dma_start3A_2034 = tpu.memref_squeeze %dma_start3A_2033 : memref<1x8x128xf32, #tpu.memory_space<vmem>> -> memref<8x128xf32, #tpu.memory_space<vmem>>
        %dma_start3A_2035 = arith.constant 40 : i32
        %dma_start3A_2036 = tpu.memref_slice %arg2[%dma_start3A_2035, %mul3A_1964] : memref<64x1000000xf32, #tpu.memory_space<hbm>> -> memref<8x128xf32, #tpu.memory_space<hbm>>
        %dma_start3A_2037 = arith.constant 40 : i32
        %dma_start3A_2038 = arith.constant 0 : i32
        %dma_start3A_2039 = tpu.memref_slice %arg8[%dma_start3A_2030, %dma_start3A_2037, %dma_start3A_2038] : memref<4x64x128xf32, #tpu.memory_space<vmem>> -> memref<1x8x128xf32, #tpu.memory_space<vmem>>
        %dma_start3A_2040 = tpu.memref_squeeze %dma_start3A_2039 : memref<1x8x128xf32, #tpu.memory_space<vmem>> -> memref<8x128xf32, #tpu.memory_space<vmem>>
        %dma_start3A_2041 = arith.constant 40 : i32
        %dma_start3A_2042 = tpu.memref_slice %arg2[%dma_start3A_2041, %mul3A_1964] : memref<64x1000000xf32, #tpu.memory_space<hbm>> -> memref<8x128xf32, #tpu.memory_space<hbm>>
        tpu.enqueue_dma source(%dma_start3A_2042 : memref<8x128xf32, #tpu.memory_space<hbm>>) target(%dma_start3A_2040 : memref<8x128xf32, #tpu.memory_space<vmem>>) target_semaphore(%arg12 : memref<!tpu.dma_semaphore, #tpu.memory_space<semaphore_mem>>)
        %dma_start3A_2043 = arith.constant 2 : i32
        %dma_start3A_2044 = arith.constant 48 : i32
        %dma_start3A_2045 = arith.constant 0 : i32
        %dma_start3A_2046 = tpu.memref_slice %arg8[%dma_start3A_2043, %dma_start3A_2044, %dma_start3A_2045] : memref<4x64x128xf32, #tpu.memory_space<vmem>> -> memref<1x8x128xf32, #tpu.memory_space<vmem>>
        %dma_start3A_2047 = tpu.memref_squeeze %dma_start3A_2046 : memref<1x8x128xf32, #tpu.memory_space<vmem>> -> memref<8x128xf32, #tpu.memory_space<vmem>>
        %dma_start3A_2048 = arith.constant 48 : i32
        %dma_start3A_2049 = tpu.memref_slice %arg2[%dma_start3A_2048, %mul3A_1964] : memref<64x1000000xf32, #tpu.memory_space<hbm>> -> memref<8x128xf32, #tpu.memory_space<hbm>>
        %dma_start3A_2050 = arith.constant 48 : i32
        %dma_start3A_2051 = arith.constant 0 : i32
        %dma_start3A_2052 = tpu.memref_slice %arg8[%dma_start3A_2043, %dma_start3A_2050, %dma_start3A_2051] : memref<4x64x128xf32, #tpu.memory_space<vmem>> -> memref<1x8x128xf32, #tpu.memory_space<vmem>>
        %dma_start3A_2053 = tpu.memref_squeeze %dma_start3A_2052 : memref<1x8x128xf32, #tpu.memory_space<vmem>> -> memref<8x128xf32, #tpu.memory_space<vmem>>
        %dma_start3A_2054 = arith.constant 48 : i32
        %dma_start3A_2055 = tpu.memref_slice %arg2[%dma_start3A_2054, %mul3A_1964] : memref<64x1000000xf32, #tpu.memory_space<hbm>> -> memref<8x128xf32, #tpu.memory_space<hbm>>
        tpu.enqueue_dma source(%dma_start3A_2055 : memref<8x128xf32, #tpu.memory_space<hbm>>) target(%dma_start3A_2053 : memref<8x128xf32, #tpu.memory_space<vmem>>) target_semaphore(%arg12 : memref<!tpu.dma_semaphore, #tpu.memory_space<semaphore_mem>>)
        %dma_start3A_2056 = arith.constant 2 : i32
        %dma_start3A_2057 = arith.constant 56 : i32
        %dma_start3A_2058 = arith.constant 0 : i32
        %dma_start3A_2059 = tpu.memref_slice %arg8[%dma_start3A_2056, %dma_start3A_2057, %dma_start3A_2058] : memref<4x64x128xf32, #tpu.memory_space<vmem>> -> memref<1x8x128xf32, #tpu.memory_space<vmem>>
        %dma_start3A_2060 = tpu.memref_squeeze %dma_start3A_2059 : memref<1x8x128xf32, #tpu.memory_space<vmem>> -> memref<8x128xf32, #tpu.memory_space<vmem>>
        %dma_start3A_2061 = arith.constant 56 : i32
        %dma_start3A_2062 = tpu.memref_slice %arg2[%dma_start3A_2061, %mul3A_1964] : memref<64x1000000xf32, #tpu.memory_space<hbm>> -> memref<8x128xf32, #tpu.memory_space<hbm>>
        %dma_start3A_2063 = arith.constant 56 : i32
        %dma_start3A_2064 = arith.constant 0 : i32
        %dma_start3A_2065 = tpu.memref_slice %arg8[%dma_start3A_2056, %dma_start3A_2063, %dma_start3A_2064] : memref<4x64x128xf32, #tpu.memory_space<vmem>> -> memref<1x8x128xf32, #tpu.memory_space<vmem>>
        %dma_start3A_2066 = tpu.memref_squeeze %dma_start3A_2065 : memref<1x8x128xf32, #tpu.memory_space<vmem>> -> memref<8x128xf32, #tpu.memory_space<vmem>>
        %dma_start3A_2067 = arith.constant 56 : i32
        %dma_start3A_2068 = tpu.memref_slice %arg2[%dma_start3A_2067, %mul3A_1964] : memref<64x1000000xf32, #tpu.memory_space<hbm>> -> memref<8x128xf32, #tpu.memory_space<hbm>>
        tpu.enqueue_dma source(%dma_start3A_2068 : memref<8x128xf32, #tpu.memory_space<hbm>>) target(%dma_start3A_2066 : memref<8x128xf32, #tpu.memory_space<vmem>>) target_semaphore(%arg12 : memref<!tpu.dma_semaphore, #tpu.memory_space<semaphore_mem>>)
        %slice3A_2069 = vector.extract_strided_slice %get3A_1738 {offsets = [3], sizes = [1], strides = [1]} : vector<16xi32> to vector<1xi32>
        %squeeze3A_2070 = vector.extract %slice3A_2069[0] : i32 from vector<1xi32>
        %shift_right_logical3A_2071 = arith.constant 7 : i32
        %shift_right_logical3A_2072 = arith.shrui %squeeze3A_2070, %shift_right_logical3A_2071 : i32
        %mul3A_2073 = arith.constant 128 : i32
        %mul3A_2074 = arith.muli %shift_right_logical3A_2072, %mul3A_2073 : i32
        %dma_start3A_2075 = arith.constant 3 : i32
        %dma_start3A_2076 = arith.constant 0 : i32
        %dma_start3A_2077 = arith.constant 0 : i32
        %dma_start3A_2078 = tpu.memref_slice %arg8[%dma_start3A_2075, %dma_start3A_2076, %dma_start3A_2077] : memref<4x64x128xf32, #tpu.memory_space<vmem>> -> memref<1x8x128xf32, #tpu.memory_space<vmem>>
        %dma_start3A_2079 = tpu.memref_squeeze %dma_start3A_2078 : memref<1x8x128xf32, #tpu.memory_space<vmem>> -> memref<8x128xf32, #tpu.memory_space<vmem>>
        %dma_start3A_2080 = arith.constant 0 : i32
        %dma_start3A_2081 = tpu.memref_slice %arg2[%dma_start3A_2080, %mul3A_2074] : memref<64x1000000xf32, #tpu.memory_space<hbm>> -> memref<8x128xf32, #tpu.memory_space<hbm>>
        %dma_start3A_2082 = arith.constant 0 : i32
        %dma_start3A_2083 = arith.constant 0 : i32
        %dma_start3A_2084 = tpu.memref_slice %arg8[%dma_start3A_2075, %dma_start3A_2082, %dma_start3A_2083] : memref<4x64x128xf32, #tpu.memory_space<vmem>> -> memref<1x8x128xf32, #tpu.memory_space<vmem>>
        %dma_start3A_2085 = tpu.memref_squeeze %dma_start3A_2084 : memref<1x8x128xf32, #tpu.memory_space<vmem>> -> memref<8x128xf32, #tpu.memory_space<vmem>>
        %dma_start3A_2086 = arith.constant 0 : i32
        %dma_start3A_2087 = tpu.memref_slice %arg2[%dma_start3A_2086, %mul3A_2074] : memref<64x1000000xf32, #tpu.memory_space<hbm>> -> memref<8x128xf32, #tpu.memory_space<hbm>>
        tpu.enqueue_dma source(%dma_start3A_2087 : memref<8x128xf32, #tpu.memory_space<hbm>>) target(%dma_start3A_2085 : memref<8x128xf32, #tpu.memory_space<vmem>>) target_semaphore(%arg12 : memref<!tpu.dma_semaphore, #tpu.memory_space<semaphore_mem>>)
        %dma_start3A_2088 = arith.constant 3 : i32
        %dma_start3A_2089 = arith.constant 8 : i32
        %dma_start3A_2090 = arith.constant 0 : i32
        %dma_start3A_2091 = tpu.memref_slice %arg8[%dma_start3A_2088, %dma_start3A_2089, %dma_start3A_2090] : memref<4x64x128xf32, #tpu.memory_space<vmem>> -> memref<1x8x128xf32, #tpu.memory_space<vmem>>
        %dma_start3A_2092 = tpu.memref_squeeze %dma_start3A_2091 : memref<1x8x128xf32, #tpu.memory_space<vmem>> -> memref<8x128xf32, #tpu.memory_space<vmem>>
        %dma_start3A_2093 = arith.constant 8 : i32
        %dma_start3A_2094 = tpu.memref_slice %arg2[%dma_start3A_2093, %mul3A_2074] : memref<64x1000000xf32, #tpu.memory_space<hbm>> -> memref<8x128xf32, #tpu.memory_space<hbm>>
        %dma_start3A_2095 = arith.constant 8 : i32
        %dma_start3A_2096 = arith.constant 0 : i32
        %dma_start3A_2097 = tpu.memref_slice %arg8[%dma_start3A_2088, %dma_start3A_2095, %dma_start3A_2096] : memref<4x64x128xf32, #tpu.memory_space<vmem>> -> memref<1x8x128xf32, #tpu.memory_space<vmem>>
        %dma_start3A_2098 = tpu.memref_squeeze %dma_start3A_2097 : memref<1x8x128xf32, #tpu.memory_space<vmem>> -> memref<8x128xf32, #tpu.memory_space<vmem>>
        %dma_start3A_2099 = arith.constant 8 : i32
        %dma_start3A_2100 = tpu.memref_slice %arg2[%dma_start3A_2099, %mul3A_2074] : memref<64x1000000xf32, #tpu.memory_space<hbm>> -> memref<8x128xf32, #tpu.memory_space<hbm>>
        tpu.enqueue_dma source(%dma_start3A_2100 : memref<8x128xf32, #tpu.memory_space<hbm>>) target(%dma_start3A_2098 : memref<8x128xf32, #tpu.memory_space<vmem>>) target_semaphore(%arg12 : memref<!tpu.dma_semaphore, #tpu.memory_space<semaphore_mem>>)
        %dma_start3A_2101 = arith.constant 3 : i32
        %dma_start3A_2102 = arith.constant 16 : i32
        %dma_start3A_2103 = arith.constant 0 : i32
        %dma_start3A_2104 = tpu.memref_slice %arg8[%dma_start3A_2101, %dma_start3A_2102, %dma_start3A_2103] : memref<4x64x128xf32, #tpu.memory_space<vmem>> -> memref<1x8x128xf32, #tpu.memory_space<vmem>>
        %dma_start3A_2105 = tpu.memref_squeeze %dma_start3A_2104 : memref<1x8x128xf32, #tpu.memory_space<vmem>> -> memref<8x128xf32, #tpu.memory_space<vmem>>
        %dma_start3A_2106 = arith.constant 16 : i32
        %dma_start3A_2107 = tpu.memref_slice %arg2[%dma_start3A_2106, %mul3A_2074] : memref<64x1000000xf32, #tpu.memory_space<hbm>> -> memref<8x128xf32, #tpu.memory_space<hbm>>
        %dma_start3A_2108 = arith.constant 16 : i32
        %dma_start3A_2109 = arith.constant 0 : i32
        %dma_start3A_2110 = tpu.memref_slice %arg8[%dma_start3A_2101, %dma_start3A_2108, %dma_start3A_2109] : memref<4x64x128xf32, #tpu.memory_space<vmem>> -> memref<1x8x128xf32, #tpu.memory_space<vmem>>
        %dma_start3A_2111 = tpu.memref_squeeze %dma_start3A_2110 : memref<1x8x128xf32, #tpu.memory_space<vmem>> -> memref<8x128xf32, #tpu.memory_space<vmem>>
        %dma_start3A_2112 = arith.constant 16 : i32
        %dma_start3A_2113 = tpu.memref_slice %arg2[%dma_start3A_2112, %mul3A_2074] : memref<64x1000000xf32, #tpu.memory_space<hbm>> -> memref<8x128xf32, #tpu.memory_space<hbm>>
        tpu.enqueue_dma source(%dma_start3A_2113 : memref<8x128xf32, #tpu.memory_space<hbm>>) target(%dma_start3A_2111 : memref<8x128xf32, #tpu.memory_space<vmem>>) target_semaphore(%arg12 : memref<!tpu.dma_semaphore, #tpu.memory_space<semaphore_mem>>)
        %dma_start3A_2114 = arith.constant 3 : i32
        %dma_start3A_2115 = arith.constant 24 : i32
        %dma_start3A_2116 = arith.constant 0 : i32
        %dma_start3A_2117 = tpu.memref_slice %arg8[%dma_start3A_2114, %dma_start3A_2115, %dma_start3A_2116] : memref<4x64x128xf32, #tpu.memory_space<vmem>> -> memref<1x8x128xf32, #tpu.memory_space<vmem>>
        %dma_start3A_2118 = tpu.memref_squeeze %dma_start3A_2117 : memref<1x8x128xf32, #tpu.memory_space<vmem>> -> memref<8x128xf32, #tpu.memory_space<vmem>>
        %dma_start3A_2119 = arith.constant 24 : i32
        %dma_start3A_2120 = tpu.memref_slice %arg2[%dma_start3A_2119, %mul3A_2074] : memref<64x1000000xf32, #tpu.memory_space<hbm>> -> memref<8x128xf32, #tpu.memory_space<hbm>>
        %dma_start3A_2121 = arith.constant 24 : i32
        %dma_start3A_2122 = arith.constant 0 : i32
        %dma_start3A_2123 = tpu.memref_slice %arg8[%dma_start3A_2114, %dma_start3A_2121, %dma_start3A_2122] : memref<4x64x128xf32, #tpu.memory_space<vmem>> -> memref<1x8x128xf32, #tpu.memory_space<vmem>>
        %dma_start3A_2124 = tpu.memref_squeeze %dma_start3A_2123 : memref<1x8x128xf32, #tpu.memory_space<vmem>> -> memref<8x128xf32, #tpu.memory_space<vmem>>
        %dma_start3A_2125 = arith.constant 24 : i32
        %dma_start3A_2126 = tpu.memref_slice %arg2[%dma_start3A_2125, %mul3A_2074] : memref<64x1000000xf32, #tpu.memory_space<hbm>> -> memref<8x128xf32, #tpu.memory_space<hbm>>
        tpu.enqueue_dma source(%dma_start3A_2126 : memref<8x128xf32, #tpu.memory_space<hbm>>) target(%dma_start3A_2124 : memref<8x128xf32, #tpu.memory_space<vmem>>) target_semaphore(%arg12 : memref<!tpu.dma_semaphore, #tpu.memory_space<semaphore_mem>>)
        %dma_start3A_2127 = arith.constant 3 : i32
        %dma_start3A_2128 = arith.constant 32 : i32
        %dma_start3A_2129 = arith.constant 0 : i32
        %dma_start3A_2130 = tpu.memref_slice %arg8[%dma_start3A_2127, %dma_start3A_2128, %dma_start3A_2129] : memref<4x64x128xf32, #tpu.memory_space<vmem>> -> memref<1x8x128xf32, #tpu.memory_space<vmem>>
        %dma_start3A_2131 = tpu.memref_squeeze %dma_start3A_2130 : memref<1x8x128xf32, #tpu.memory_space<vmem>> -> memref<8x128xf32, #tpu.memory_space<vmem>>
        %dma_start3A_2132 = arith.constant 32 : i32
        %dma_start3A_2133 = tpu.memref_slice %arg2[%dma_start3A_2132, %mul3A_2074] : memref<64x1000000xf32, #tpu.memory_space<hbm>> -> memref<8x128xf32, #tpu.memory_space<hbm>>
        %dma_start3A_2134 = arith.constant 32 : i32
        %dma_start3A_2135 = arith.constant 0 : i32
        %dma_start3A_2136 = tpu.memref_slice %arg8[%dma_start3A_2127, %dma_start3A_2134, %dma_start3A_2135] : memref<4x64x128xf32, #tpu.memory_space<vmem>> -> memref<1x8x128xf32, #tpu.memory_space<vmem>>
        %dma_start3A_2137 = tpu.memref_squeeze %dma_start3A_2136 : memref<1x8x128xf32, #tpu.memory_space<vmem>> -> memref<8x128xf32, #tpu.memory_space<vmem>>
        %dma_start3A_2138 = arith.constant 32 : i32
        %dma_start3A_2139 = tpu.memref_slice %arg2[%dma_start3A_2138, %mul3A_2074] : memref<64x1000000xf32, #tpu.memory_space<hbm>> -> memref<8x128xf32, #tpu.memory_space<hbm>>
        tpu.enqueue_dma source(%dma_start3A_2139 : memref<8x128xf32, #tpu.memory_space<hbm>>) target(%dma_start3A_2137 : memref<8x128xf32, #tpu.memory_space<vmem>>) target_semaphore(%arg12 : memref<!tpu.dma_semaphore, #tpu.memory_space<semaphore_mem>>)
        %dma_start3A_2140 = arith.constant 3 : i32
        %dma_start3A_2141 = arith.constant 40 : i32
        %dma_start3A_2142 = arith.constant 0 : i32
        %dma_start3A_2143 = tpu.memref_slice %arg8[%dma_start3A_2140, %dma_start3A_2141, %dma_start3A_2142] : memref<4x64x128xf32, #tpu.memory_space<vmem>> -> memref<1x8x128xf32, #tpu.memory_space<vmem>>
        %dma_start3A_2144 = tpu.memref_squeeze %dma_start3A_2143 : memref<1x8x128xf32, #tpu.memory_space<vmem>> -> memref<8x128xf32, #tpu.memory_space<vmem>>
        %dma_start3A_2145 = arith.constant 40 : i32
        %dma_start3A_2146 = tpu.memref_slice %arg2[%dma_start3A_2145, %mul3A_2074] : memref<64x1000000xf32, #tpu.memory_space<hbm>> -> memref<8x128xf32, #tpu.memory_space<hbm>>
        %dma_start3A_2147 = arith.constant 40 : i32
        %dma_start3A_2148 = arith.constant 0 : i32
        %dma_start3A_2149 = tpu.memref_slice %arg8[%dma_start3A_2140, %dma_start3A_2147, %dma_start3A_2148] : memref<4x64x128xf32, #tpu.memory_space<vmem>> -> memref<1x8x128xf32, #tpu.memory_space<vmem>>
        %dma_start3A_2150 = tpu.memref_squeeze %dma_start3A_2149 : memref<1x8x128xf32, #tpu.memory_space<vmem>> -> memref<8x128xf32, #tpu.memory_space<vmem>>
        %dma_start3A_2151 = arith.constant 40 : i32
        %dma_start3A_2152 = tpu.memref_slice %arg2[%dma_start3A_2151, %mul3A_2074] : memref<64x1000000xf32, #tpu.memory_space<hbm>> -> memref<8x128xf32, #tpu.memory_space<hbm>>
        tpu.enqueue_dma source(%dma_start3A_2152 : memref<8x128xf32, #tpu.memory_space<hbm>>) target(%dma_start3A_2150 : memref<8x128xf32, #tpu.memory_space<vmem>>) target_semaphore(%arg12 : memref<!tpu.dma_semaphore, #tpu.memory_space<semaphore_mem>>)
        %dma_start3A_2153 = arith.constant 3 : i32
        %dma_start3A_2154 = arith.constant 48 : i32
        %dma_start3A_2155 = arith.constant 0 : i32
        %dma_start3A_2156 = tpu.memref_slice %arg8[%dma_start3A_2153, %dma_start3A_2154, %dma_start3A_2155] : memref<4x64x128xf32, #tpu.memory_space<vmem>> -> memref<1x8x128xf32, #tpu.memory_space<vmem>>
        %dma_start3A_2157 = tpu.memref_squeeze %dma_start3A_2156 : memref<1x8x128xf32, #tpu.memory_space<vmem>> -> memref<8x128xf32, #tpu.memory_space<vmem>>
        %dma_start3A_2158 = arith.constant 48 : i32
        %dma_start3A_2159 = tpu.memref_slice %arg2[%dma_start3A_2158, %mul3A_2074] : memref<64x1000000xf32, #tpu.memory_space<hbm>> -> memref<8x128xf32, #tpu.memory_space<hbm>>
        %dma_start3A_2160 = arith.constant 48 : i32
        %dma_start3A_2161 = arith.constant 0 : i32
        %dma_start3A_2162 = tpu.memref_slice %arg8[%dma_start3A_2153, %dma_start3A_2160, %dma_start3A_2161] : memref<4x64x128xf32, #tpu.memory_space<vmem>> -> memref<1x8x128xf32, #tpu.memory_space<vmem>>
        %dma_start3A_2163 = tpu.memref_squeeze %dma_start3A_2162 : memref<1x8x128xf32, #tpu.memory_space<vmem>> -> memref<8x128xf32, #tpu.memory_space<vmem>>
        %dma_start3A_2164 = arith.constant 48 : i32
        %dma_start3A_2165 = tpu.memref_slice %arg2[%dma_start3A_2164, %mul3A_2074] : memref<64x1000000xf32, #tpu.memory_space<hbm>> -> memref<8x128xf32, #tpu.memory_space<hbm>>
        tpu.enqueue_dma source(%dma_start3A_2165 : memref<8x128xf32, #tpu.memory_space<hbm>>) target(%dma_start3A_2163 : memref<8x128xf32, #tpu.memory_space<vmem>>) target_semaphore(%arg12 : memref<!tpu.dma_semaphore, #tpu.memory_space<semaphore_mem>>)
        %dma_start3A_2166 = arith.constant 3 : i32
        %dma_start3A_2167 = arith.constant 56 : i32
        %dma_start3A_2168 = arith.constant 0 : i32
        %dma_start3A_2169 = tpu.memref_slice %arg8[%dma_start3A_2166, %dma_start3A_2167, %dma_start3A_2168] : memref<4x64x128xf32, #tpu.memory_space<vmem>> -> memref<1x8x128xf32, #tpu.memory_space<vmem>>
        %dma_start3A_2170 = tpu.memref_squeeze %dma_start3A_2169 : memref<1x8x128xf32, #tpu.memory_space<vmem>> -> memref<8x128xf32, #tpu.memory_space<vmem>>
        %dma_start3A_2171 = arith.constant 56 : i32
        %dma_start3A_2172 = tpu.memref_slice %arg2[%dma_start3A_2171, %mul3A_2074] : memref<64x1000000xf32, #tpu.memory_space<hbm>> -> memref<8x128xf32, #tpu.memory_space<hbm>>
        %dma_start3A_2173 = arith.constant 56 : i32
        %dma_start3A_2174 = arith.constant 0 : i32
        %dma_start3A_2175 = tpu.memref_slice %arg8[%dma_start3A_2166, %dma_start3A_2173, %dma_start3A_2174] : memref<4x64x128xf32, #tpu.memory_space<vmem>> -> memref<1x8x128xf32, #tpu.memory_space<vmem>>
        %dma_start3A_2176 = tpu.memref_squeeze %dma_start3A_2175 : memref<1x8x128xf32, #tpu.memory_space<vmem>> -> memref<8x128xf32, #tpu.memory_space<vmem>>
        %dma_start3A_2177 = arith.constant 56 : i32
        %dma_start3A_2178 = tpu.memref_slice %arg2[%dma_start3A_2177, %mul3A_2074] : memref<64x1000000xf32, #tpu.memory_space<hbm>> -> memref<8x128xf32, #tpu.memory_space<hbm>>
        tpu.enqueue_dma source(%dma_start3A_2178 : memref<8x128xf32, #tpu.memory_space<hbm>>) target(%dma_start3A_2176 : memref<8x128xf32, #tpu.memory_space<vmem>>) target_semaphore(%arg12 : memref<!tpu.dma_semaphore, #tpu.memory_space<semaphore_mem>>)
      } else {
      }
      %scan3A_1732 = arith.constant 0 : i32
      scf.yield %scan3A_1732 : i32
    }
    %scan3A_1333 = arith.constant 42 : i32
    %dma_wait3A = arith.constant 0 : i32
    %dma_wait3A_1334 = arith.constant 0 : i32
    %dma_wait3A_1335 = arith.constant 0 : i32
    %dma_wait3A_1336 = tpu.memref_slice %arg6[%dma_wait3A, %dma_wait3A_1334, %dma_wait3A_1335] : memref<4x64x128xf32, #tpu.memory_space<vmem>> -> memref<1x64x128xf32, #tpu.memory_space<vmem>>
    %dma_wait3A_1337 = tpu.memref_squeeze %dma_wait3A_1336 : memref<1x64x128xf32, #tpu.memory_space<vmem>> -> memref<64x128xf32, #tpu.memory_space<vmem>>
    %dma_wait3A_1338 = arith.constant 0 : i32
    %dma_wait3A_1339 = arith.constant 0 : i32
    %dma_wait3A_1340 = tpu.memref_slice %arg2[%dma_wait3A_1338, %dma_wait3A_1339] : memref<64x1000000xf32, #tpu.memory_space<hbm>> -> memref<64x128xf32, #tpu.memory_space<hbm>>
    %dma_wait3A_1341 = arith.constant 0 : i32
    %dma_wait3A_1342 = arith.constant 0 : i32
    %dma_wait3A_1343 = tpu.memref_slice %arg6[%dma_wait3A, %dma_wait3A_1341, %dma_wait3A_1342] : memref<4x64x128xf32, #tpu.memory_space<vmem>> -> memref<1x64x128xf32, #tpu.memory_space<vmem>>
    %dma_wait3A_1344 = tpu.memref_squeeze %dma_wait3A_1343 : memref<1x64x128xf32, #tpu.memory_space<vmem>> -> memref<64x128xf32, #tpu.memory_space<vmem>>
    %dma_wait3A_1345 = arith.constant 0 : i32
    %dma_wait3A_1346 = arith.constant 0 : i32
    %dma_wait3A_1347 = tpu.memref_slice %arg2[%dma_wait3A_1345, %dma_wait3A_1346] : memref<64x1000000xf32, #tpu.memory_space<hbm>> -> memref<64x128xf32, #tpu.memory_space<hbm>>
    tpu.wait_dma2 semaphore(%arg10 : memref<!tpu.dma_semaphore, #tpu.memory_space<semaphore_mem>>) src(%dma_wait3A_1347 : memref<64x128xf32, #tpu.memory_space<hbm>>) dst(%dma_wait3A_1344 : memref<64x128xf32, #tpu.memory_space<vmem>>)
    %dma_wait3A_1348 = arith.constant 1 : i32
    %dma_wait3A_1349 = arith.constant 0 : i32
    %dma_wait3A_1350 = arith.constant 0 : i32
    %dma_wait3A_1351 = tpu.memref_slice %arg6[%dma_wait3A_1348, %dma_wait3A_1349, %dma_wait3A_1350] : memref<4x64x128xf32, #tpu.memory_space<vmem>> -> memref<1x64x128xf32, #tpu.memory_space<vmem>>
    %dma_wait3A_1352 = tpu.memref_squeeze %dma_wait3A_1351 : memref<1x64x128xf32, #tpu.memory_space<vmem>> -> memref<64x128xf32, #tpu.memory_space<vmem>>
    %dma_wait3A_1353 = arith.constant 0 : i32
    %dma_wait3A_1354 = arith.constant 0 : i32
    %dma_wait3A_1355 = tpu.memref_slice %arg2[%dma_wait3A_1353, %dma_wait3A_1354] : memref<64x1000000xf32, #tpu.memory_space<hbm>> -> memref<64x128xf32, #tpu.memory_space<hbm>>
    %dma_wait3A_1356 = arith.constant 0 : i32
    %dma_wait3A_1357 = arith.constant 0 : i32
    %dma_wait3A_1358 = tpu.memref_slice %arg6[%dma_wait3A_1348, %dma_wait3A_1356, %dma_wait3A_1357] : memref<4x64x128xf32, #tpu.memory_space<vmem>> -> memref<1x64x128xf32, #tpu.memory_space<vmem>>
    %dma_wait3A_1359 = tpu.memref_squeeze %dma_wait3A_1358 : memref<1x64x128xf32, #tpu.memory_space<vmem>> -> memref<64x128xf32, #tpu.memory_space<vmem>>
    %dma_wait3A_1360 = arith.constant 0 : i32
    %dma_wait3A_1361 = arith.constant 0 : i32
    %dma_wait3A_1362 = tpu.memref_slice %arg2[%dma_wait3A_1360, %dma_wait3A_1361] : memref<64x1000000xf32, #tpu.memory_space<hbm>> -> memref<64x128xf32, #tpu.memory_space<hbm>>
    tpu.wait_dma2 semaphore(%arg10 : memref<!tpu.dma_semaphore, #tpu.memory_space<semaphore_mem>>) src(%dma_wait3A_1362 : memref<64x128xf32, #tpu.memory_space<hbm>>) dst(%dma_wait3A_1359 : memref<64x128xf32, #tpu.memory_space<vmem>>)
    %dma_wait3A_1363 = arith.constant 2 : i32
    %dma_wait3A_1364 = arith.constant 0 : i32
    %dma_wait3A_1365 = arith.constant 0 : i32
    %dma_wait3A_1366 = tpu.memref_slice %arg6[%dma_wait3A_1363, %dma_wait3A_1364, %dma_wait3A_1365] : memref<4x64x128xf32, #tpu.memory_space<vmem>> -> memref<1x64x128xf32, #tpu.memory_space<vmem>>
    %dma_wait3A_1367 = tpu.memref_squeeze %dma_wait3A_1366 : memref<1x64x128xf32, #tpu.memory_space<vmem>> -> memref<64x128xf32, #tpu.memory_space<vmem>>
    %dma_wait3A_1368 = arith.constant 0 : i32
    %dma_wait3A_1369 = arith.constant 0 : i32
    %dma_wait3A_1370 = tpu.memref_slice %arg2[%dma_wait3A_1368, %dma_wait3A_1369] : memref<64x1000000xf32, #tpu.memory_space<hbm>> -> memref<64x128xf32, #tpu.memory_space<hbm>>
    %dma_wait3A_1371 = arith.constant 0 : i32
    %dma_wait3A_1372 = arith.constant 0 : i32
    %dma_wait3A_1373 = tpu.memref_slice %arg6[%dma_wait3A_1363, %dma_wait3A_1371, %dma_wait3A_1372] : memref<4x64x128xf32, #tpu.memory_space<vmem>> -> memref<1x64x128xf32, #tpu.memory_space<vmem>>
    %dma_wait3A_1374 = tpu.memref_squeeze %dma_wait3A_1373 : memref<1x64x128xf32, #tpu.memory_space<vmem>> -> memref<64x128xf32, #tpu.memory_space<vmem>>
    %dma_wait3A_1375 = arith.constant 0 : i32
    %dma_wait3A_1376 = arith.constant 0 : i32
    %dma_wait3A_1377 = tpu.memref_slice %arg2[%dma_wait3A_1375, %dma_wait3A_1376] : memref<64x1000000xf32, #tpu.memory_space<hbm>> -> memref<64x128xf32, #tpu.memory_space<hbm>>
    tpu.wait_dma2 semaphore(%arg10 : memref<!tpu.dma_semaphore, #tpu.memory_space<semaphore_mem>>) src(%dma_wait3A_1377 : memref<64x128xf32, #tpu.memory_space<hbm>>) dst(%dma_wait3A_1374 : memref<64x128xf32, #tpu.memory_space<vmem>>)
    %dma_wait3A_1378 = arith.constant 3 : i32
    %dma_wait3A_1379 = arith.constant 0 : i32
    %dma_wait3A_1380 = arith.constant 0 : i32
    %dma_wait3A_1381 = tpu.memref_slice %arg6[%dma_wait3A_1378, %dma_wait3A_1379, %dma_wait3A_1380] : memref<4x64x128xf32, #tpu.memory_space<vmem>> -> memref<1x64x128xf32, #tpu.memory_space<vmem>>
    %dma_wait3A_1382 = tpu.memref_squeeze %dma_wait3A_1381 : memref<1x64x128xf32, #tpu.memory_space<vmem>> -> memref<64x128xf32, #tpu.memory_space<vmem>>
    %dma_wait3A_1383 = arith.constant 0 : i32
    %dma_wait3A_1384 = arith.constant 0 : i32
    %dma_wait3A_1385 = tpu.memref_slice %arg2[%dma_wait3A_1383, %dma_wait3A_1384] : memref<64x1000000xf32, #tpu.memory_space<hbm>> -> memref<64x128xf32, #tpu.memory_space<hbm>>
    %dma_wait3A_1386 = arith.constant 0 : i32
    %dma_wait3A_1387 = arith.constant 0 : i32
    %dma_wait3A_1388 = tpu.memref_slice %arg6[%dma_wait3A_1378, %dma_wait3A_1386, %dma_wait3A_1387] : memref<4x64x128xf32, #tpu.memory_space<vmem>> -> memref<1x64x128xf32, #tpu.memory_space<vmem>>
    %dma_wait3A_1389 = tpu.memref_squeeze %dma_wait3A_1388 : memref<1x64x128xf32, #tpu.memory_space<vmem>> -> memref<64x128xf32, #tpu.memory_space<vmem>>
    %dma_wait3A_1390 = arith.constant 0 : i32
    %dma_wait3A_1391 = arith.constant 0 : i32
    %dma_wait3A_1392 = tpu.memref_slice %arg2[%dma_wait3A_1390, %dma_wait3A_1391] : memref<64x1000000xf32, #tpu.memory_space<hbm>> -> memref<64x128xf32, #tpu.memory_space<hbm>>
    tpu.wait_dma2 semaphore(%arg10 : memref<!tpu.dma_semaphore, #tpu.memory_space<semaphore_mem>>) src(%dma_wait3A_1392 : memref<64x128xf32, #tpu.memory_space<hbm>>) dst(%dma_wait3A_1389 : memref<64x128xf32, #tpu.memory_space<vmem>>)
    %get3A_1393 = arith.constant 504 : index
    %get3A_1394 = tpu.vector_load %arg5[%get3A_1393] {strides = array<i32>} : memref<528xi32, #tpu.memory_space<vmem>>, vector<16xi32>,
    %and3A_1395 = arith.constant 127 : i32
    %and3A_1396 = vector.broadcast %and3A_1395 : i32 to vector<16xi32>
    %and3A_1397 = arith.andi %get3A_1394, %and3A_1396 : vector<16xi32>
    %scan3A_1398 = arith.constant 0 : i32
    %scan3A_1399 = arith.constant 0 : i32
    %scan3A_1400 = arith.constant 32 : i32
    %scan3A_1401 = arith.addi %scan3A_1399, %scan3A_1400 : i32
    %scan3A_1402 = arith.constant 1 : i32
    %scan3A_1403 = scf.for %scan3A_1477 = %scan3A_1399 to %scan3A_1401 step %scan3A_1402 iter_args(%scan3A_1478 = %scan3A_1398) -> (i32)  : i32 {
      %mul3A_1479 = arith.constant 2 : i32
      %mul3A_1480 = arith.muli %mul3A_1479, %scan3A_1477 : i32
      %broadcast_in_dim3A = vector.broadcast %mul3A_1480 : i32 to vector<16xi32>
      %gather3A = tpu.vector_load_idx %arg6[%and3A_6, %broadcast_in_dim3A, %and3A_1397] masked %lt3A_4 : memref<4x64x128xf32, #tpu.memory_space<vmem>>[vector<16xi32>, vector<16xi32>, vector<16xi32>], vector<16xf32>, vector<16xi1>
      %mul3A_1481 = arith.constant 2 : i32
      %mul3A_1482 = arith.muli %mul3A_1481, %scan3A_1477 : i32
      %add3A_1483 = arith.constant 1 : i32
      %add3A_1484 = arith.addi %mul3A_1482, %add3A_1483 : i32
      %broadcast_in_dim3A_1485 = vector.broadcast %add3A_1484 : i32 to vector<16xi32>
      %gather3A_1486 = tpu.vector_load_idx %arg6[%and3A_6, %broadcast_in_dim3A_1485, %and3A_1397] masked %lt3A_4 : memref<4x64x128xf32, #tpu.memory_space<vmem>>[vector<16xi32>, vector<16xi32>, vector<16xi32>], vector<16xf32>, vector<16xi1>
      %pack3A = tpu.pack_subelements %gather3A, %gather3A_1486 {pack_format = #tpu.pack_format<interleaved>, positions = array<i32: 0, 1>} : vector<16xf32>, vector<16xf32> -> vector<32xbf16>
      %bitcast3A = vector.bitcast %pack3A : vector<32xbf16> to vector<16xi32>
      %broadcast_in_dim3A_1487 = vector.broadcast %scan3A_1477 : i32 to vector<16xi32>
      %add3A_1488 = arith.constant 504 : i32
      %add3A_1489 = vector.broadcast %add3A_1488 : i32 to vector<16xi32>
      %add3A_1490 = arith.addi %add3A_1489, %iota3A : vector<16xi32>
      tpu.vector_store_idx %arg9[%broadcast_in_dim3A_1487, %add3A_1490], %bitcast3A masked %lt3A_4 : memref<32x512xi32, #tpu.memory_space<vmem>>[vector<16xi32>, vector<16xi32>], vector<16xi32>, vector<16xi1>
      %scan3A_1491 = arith.constant 0 : i32
      scf.yield %scan3A_1491 : i32
    }
    %scan3A_1404 = arith.constant 32 : i32
    %dma_wait3A_1405 = arith.constant 0 : i32
    %dma_wait3A_1406 = arith.constant 0 : i32
    %dma_wait3A_1407 = arith.constant 0 : i32
    %dma_wait3A_1408 = tpu.memref_slice %arg7[%dma_wait3A_1405, %dma_wait3A_1406, %dma_wait3A_1407] : memref<4x64x128xf32, #tpu.memory_space<vmem>> -> memref<1x64x128xf32, #tpu.memory_space<vmem>>
    %dma_wait3A_1409 = tpu.memref_squeeze %dma_wait3A_1408 : memref<1x64x128xf32, #tpu.memory_space<vmem>> -> memref<64x128xf32, #tpu.memory_space<vmem>>
    %dma_wait3A_1410 = arith.constant 0 : i32
    %dma_wait3A_1411 = arith.constant 0 : i32
    %dma_wait3A_1412 = tpu.memref_slice %arg2[%dma_wait3A_1410, %dma_wait3A_1411] : memref<64x1000000xf32, #tpu.memory_space<hbm>> -> memref<64x128xf32, #tpu.memory_space<hbm>>
    %dma_wait3A_1413 = arith.constant 0 : i32
    %dma_wait3A_1414 = arith.constant 0 : i32
    %dma_wait3A_1415 = tpu.memref_slice %arg7[%dma_wait3A_1405, %dma_wait3A_1413, %dma_wait3A_1414] : memref<4x64x128xf32, #tpu.memory_space<vmem>> -> memref<1x64x128xf32, #tpu.memory_space<vmem>>
    %dma_wait3A_1416 = tpu.memref_squeeze %dma_wait3A_1415 : memref<1x64x128xf32, #tpu.memory_space<vmem>> -> memref<64x128xf32, #tpu.memory_space<vmem>>
    %dma_wait3A_1417 = arith.constant 0 : i32
    %dma_wait3A_1418 = arith.constant 0 : i32
    %dma_wait3A_1419 = tpu.memref_slice %arg2[%dma_wait3A_1417, %dma_wait3A_1418] : memref<64x1000000xf32, #tpu.memory_space<hbm>> -> memref<64x128xf32, #tpu.memory_space<hbm>>
    tpu.wait_dma2 semaphore(%arg11 : memref<!tpu.dma_semaphore, #tpu.memory_space<semaphore_mem>>) src(%dma_wait3A_1419 : memref<64x128xf32, #tpu.memory_space<hbm>>) dst(%dma_wait3A_1416 : memref<64x128xf32, #tpu.memory_space<vmem>>)
    %dma_wait3A_1420 = arith.constant 1 : i32
    %dma_wait3A_1421 = arith.constant 0 : i32
    %dma_wait3A_1422 = arith.constant 0 : i32
    %dma_wait3A_1423 = tpu.memref_slice %arg7[%dma_wait3A_1420, %dma_wait3A_1421, %dma_wait3A_1422] : memref<4x64x128xf32, #tpu.memory_space<vmem>> -> memref<1x64x128xf32, #tpu.memory_space<vmem>>
    %dma_wait3A_1424 = tpu.memref_squeeze %dma_wait3A_1423 : memref<1x64x128xf32, #tpu.memory_space<vmem>> -> memref<64x128xf32, #tpu.memory_space<vmem>>
    %dma_wait3A_1425 = arith.constant 0 : i32
    %dma_wait3A_1426 = arith.constant 0 : i32
    %dma_wait3A_1427 = tpu.memref_slice %arg2[%dma_wait3A_1425, %dma_wait3A_1426] : memref<64x1000000xf32, #tpu.memory_space<hbm>> -> memref<64x128xf32, #tpu.memory_space<hbm>>
    %dma_wait3A_1428 = arith.constant 0 : i32
    %dma_wait3A_1429 = arith.constant 0 : i32
    %dma_wait3A_1430 = tpu.memref_slice %arg7[%dma_wait3A_1420, %dma_wait3A_1428, %dma_wait3A_1429] : memref<4x64x128xf32, #tpu.memory_space<vmem>> -> memref<1x64x128xf32, #tpu.memory_space<vmem>>
    %dma_wait3A_1431 = tpu.memref_squeeze %dma_wait3A_1430 : memref<1x64x128xf32, #tpu.memory_space<vmem>> -> memref<64x128xf32, #tpu.memory_space<vmem>>
    %dma_wait3A_1432 = arith.constant 0 : i32
    %dma_wait3A_1433 = arith.constant 0 : i32
    %dma_wait3A_1434 = tpu.memref_slice %arg2[%dma_wait3A_1432, %dma_wait3A_1433] : memref<64x1000000xf32, #tpu.memory_space<hbm>> -> memref<64x128xf32, #tpu.memory_space<hbm>>
    tpu.wait_dma2 semaphore(%arg11 : memref<!tpu.dma_semaphore, #tpu.memory_space<semaphore_mem>>) src(%dma_wait3A_1434 : memref<64x128xf32, #tpu.memory_space<hbm>>) dst(%dma_wait3A_1431 : memref<64x128xf32, #tpu.memory_space<vmem>>)
    %dma_wait3A_1435 = arith.constant 2 : i32
    %dma_wait3A_1436 = arith.constant 0 : i32
    %dma_wait3A_1437 = arith.constant 0 : i32
    %dma_wait3A_1438 = tpu.memref_slice %arg7[%dma_wait3A_1435, %dma_wait3A_1436, %dma_wait3A_1437] : memref<4x64x128xf32, #tpu.memory_space<vmem>> -> memref<1x64x128xf32, #tpu.memory_space<vmem>>
    %dma_wait3A_1439 = tpu.memref_squeeze %dma_wait3A_1438 : memref<1x64x128xf32, #tpu.memory_space<vmem>> -> memref<64x128xf32, #tpu.memory_space<vmem>>
    %dma_wait3A_1440 = arith.constant 0 : i32
    %dma_wait3A_1441 = arith.constant 0 : i32
    %dma_wait3A_1442 = tpu.memref_slice %arg2[%dma_wait3A_1440, %dma_wait3A_1441] : memref<64x1000000xf32, #tpu.memory_space<hbm>> -> memref<64x128xf32, #tpu.memory_space<hbm>>
    %dma_wait3A_1443 = arith.constant 0 : i32
    %dma_wait3A_1444 = arith.constant 0 : i32
    %dma_wait3A_1445 = tpu.memref_slice %arg7[%dma_wait3A_1435, %dma_wait3A_1443, %dma_wait3A_1444] : memref<4x64x128xf32, #tpu.memory_space<vmem>> -> memref<1x64x128xf32, #tpu.memory_space<vmem>>
    %dma_wait3A_1446 = tpu.memref_squeeze %dma_wait3A_1445 : memref<1x64x128xf32, #tpu.memory_space<vmem>> -> memref<64x128xf32, #tpu.memory_space<vmem>>
    %dma_wait3A_1447 = arith.constant 0 : i32
    %dma_wait3A_1448 = arith.constant 0 : i32
    %dma_wait3A_1449 = tpu.memref_slice %arg2[%dma_wait3A_1447, %dma_wait3A_1448] : memref<64x1000000xf32, #tpu.memory_space<hbm>> -> memref<64x128xf32, #tpu.memory_space<hbm>>
    tpu.wait_dma2 semaphore(%arg11 : memref<!tpu.dma_semaphore, #tpu.memory_space<semaphore_mem>>) src(%dma_wait3A_1449 : memref<64x128xf32, #tpu.memory_space<hbm>>) dst(%dma_wait3A_1446 : memref<64x128xf32, #tpu.memory_space<vmem>>)
    %dma_wait3A_1450 = arith.constant 3 : i32
    %dma_wait3A_1451 = arith.constant 0 : i32
    %dma_wait3A_1452 = arith.constant 0 : i32
    %dma_wait3A_1453 = tpu.memref_slice %arg7[%dma_wait3A_1450, %dma_wait3A_1451, %dma_wait3A_1452] : memref<4x64x128xf32, #tpu.memory_space<vmem>> -> memref<1x64x128xf32, #tpu.memory_space<vmem>>
    %dma_wait3A_1454 = tpu.memref_squeeze %dma_wait3A_1453 : memref<1x64x128xf32, #tpu.memory_space<vmem>> -> memref<64x128xf32, #tpu.memory_space<vmem>>
    %dma_wait3A_1455 = arith.constant 0 : i32
    %dma_wait3A_1456 = arith.constant 0 : i32
    %dma_wait3A_1457 = tpu.memref_slice %arg2[%dma_wait3A_1455, %dma_wait3A_1456] : memref<64x1000000xf32, #tpu.memory_space<hbm>> -> memref<64x128xf32, #tpu.memory_space<hbm>>
    %dma_wait3A_1458 = arith.constant 0 : i32
    %dma_wait3A_1459 = arith.constant 0 : i32
    %dma_wait3A_1460 = tpu.memref_slice %arg7[%dma_wait3A_1450, %dma_wait3A_1458, %dma_wait3A_1459] : memref<4x64x128xf32, #tpu.memory_space<vmem>> -> memref<1x64x128xf32, #tpu.memory_space<vmem>>
    %dma_wait3A_1461 = tpu.memref_squeeze %dma_wait3A_1460 : memref<1x64x128xf32, #tpu.memory_space<vmem>> -> memref<64x128xf32, #tpu.memory_space<vmem>>
    %dma_wait3A_1462 = arith.constant 0 : i32
    %dma_wait3A_1463 = arith.constant 0 : i32
    %dma_wait3A_1464 = tpu.memref_slice %arg2[%dma_wait3A_1462, %dma_wait3A_1463] : memref<64x1000000xf32, #tpu.memory_space<hbm>> -> memref<64x128xf32, #tpu.memory_space<hbm>>
    tpu.wait_dma2 semaphore(%arg11 : memref<!tpu.dma_semaphore, #tpu.memory_space<semaphore_mem>>) src(%dma_wait3A_1464 : memref<64x128xf32, #tpu.memory_space<hbm>>) dst(%dma_wait3A_1461 : memref<64x128xf32, #tpu.memory_space<vmem>>)
    %get3A_1465 = arith.constant 508 : index
    %get3A_1466 = tpu.vector_load %arg5[%get3A_1465] {strides = array<i32>} : memref<528xi32, #tpu.memory_space<vmem>>, vector<16xi32>,
    %and3A_1467 = arith.constant 127 : i32
    %and3A_1468 = vector.broadcast %and3A_1467 : i32 to vector<16xi32>
    %and3A_1469 = arith.andi %get3A_1466, %and3A_1468 : vector<16xi32>
    %scan3A_1470 = arith.constant 0 : i32
    %scan3A_1471 = arith.constant 0 : i32
    %scan3A_1472 = arith.constant 32 : i32
    %scan3A_1473 = arith.addi %scan3A_1471, %scan3A_1472 : i32
    %scan3A_1474 = arith.constant 1 : i32
    %scan3A_1475 = scf.for %scan3A_1477 = %scan3A_1471 to %scan3A_1473 step %scan3A_1474 iter_args(%scan3A_1478 = %scan3A_1470) -> (i32)  : i32 {
      %mul3A_1479 = arith.constant 2 : i32
      %mul3A_1480 = arith.muli %mul3A_1479, %scan3A_1477 : i32
      %broadcast_in_dim3A = vector.broadcast %mul3A_1480 : i32 to vector<16xi32>
      %gather3A = tpu.vector_load_idx %arg7[%and3A_6, %broadcast_in_dim3A, %and3A_1469] masked %lt3A_4 : memref<4x64x128xf32, #tpu.memory_space<vmem>>[vector<16xi32>, vector<16xi32>, vector<16xi32>], vector<16xf32>, vector<16xi1>
      %mul3A_1481 = arith.constant 2 : i32
      %mul3A_1482 = arith.muli %mul3A_1481, %scan3A_1477 : i32
      %add3A_1483 = arith.constant 1 : i32
      %add3A_1484 = arith.addi %mul3A_1482, %add3A_1483 : i32
      %broadcast_in_dim3A_1485 = vector.broadcast %add3A_1484 : i32 to vector<16xi32>
      %gather3A_1486 = tpu.vector_load_idx %arg7[%and3A_6, %broadcast_in_dim3A_1485, %and3A_1469] masked %lt3A_4 : memref<4x64x128xf32, #tpu.memory_space<vmem>>[vector<16xi32>, vector<16xi32>, vector<16xi32>], vector<16xf32>, vector<16xi1>
      %pack3A = tpu.pack_subelements %gather3A, %gather3A_1486 {pack_format = #tpu.pack_format<interleaved>, positions = array<i32: 0, 1>} : vector<16xf32>, vector<16xf32> -> vector<32xbf16>
      %bitcast3A = vector.bitcast %pack3A : vector<32xbf16> to vector<16xi32>
      %broadcast_in_dim3A_1487 = vector.broadcast %scan3A_1477 : i32 to vector<16xi32>
      %add3A_1488 = arith.constant 508 : i32
      %add3A_1489 = vector.broadcast %add3A_1488 : i32 to vector<16xi32>
      %add3A_1490 = arith.addi %add3A_1489, %iota3A : vector<16xi32>
      tpu.vector_store_idx %arg9[%broadcast_in_dim3A_1487, %add3A_1490], %bitcast3A masked %lt3A_4 : memref<32x512xi32, #tpu.memory_space<vmem>>[vector<16xi32>, vector<16xi32>], vector<16xi32>, vector<16xi1>
      %scan3A_1491 = arith.constant 0 : i32
      scf.yield %scan3A_1491 : i32
    }
    %scan3A_1476 = arith.constant 32 : i32
    "tpu.region"() ({
      %run_scoped3A = tpu.sem_alloc : memref<!tpu.dma_semaphore, #tpu.memory_space<semaphore_mem>>
      %dma_start3A_1477 = arith.constant 0 : i32
      %dma_start3A_1478 = tpu.memref_slice %arg4[%dma_start3A_1477, %mul3A_2] : memref<32x16384xi32, #tpu.memory_space<hbm>> -> memref<32x512xi32, #tpu.memory_space<hbm>>
      %dma_start3A_1479 = arith.constant 0 : i32
      %dma_start3A_1480 = tpu.memref_slice %arg4[%dma_start3A_1479, %mul3A_2] : memref<32x16384xi32, #tpu.memory_space<hbm>> -> memref<32x512xi32, #tpu.memory_space<hbm>>
      tpu.enqueue_dma source(%arg9 : memref<32x512xi32, #tpu.memory_space<vmem>>) target(%dma_start3A_1480 : memref<32x512xi32, #tpu.memory_space<hbm>>) target_semaphore(%run_scoped3A : memref<!tpu.dma_semaphore, #tpu.memory_space<semaphore_mem>>)
      %dma_wait3A_1481 = arith.constant 0 : i32
      %dma_wait3A_1482 = tpu.memref_slice %arg4[%dma_wait3A_1481, %mul3A_2] : memref<32x16384xi32, #tpu.memory_space<hbm>> -> memref<32x512xi32, #tpu.memory_space<hbm>>
      %dma_wait3A_1483 = arith.constant 0 : i32
      %dma_wait3A_1484 = tpu.memref_slice %arg4[%dma_wait3A_1483, %mul3A_2] : memref<32x16384xi32, #tpu.memory_space<hbm>> -> memref<32x512xi32, #tpu.memory_space<hbm>>
      tpu.wait_dma2 semaphore(%run_scoped3A : memref<!tpu.dma_semaphore, #tpu.memory_space<semaphore_mem>>) src(%arg9 : memref<32x512xi32, #tpu.memory_space<vmem>>) dst(%dma_wait3A_1484 : memref<32x512xi32, #tpu.memory_space<hbm>>)
      tpu.yield
    }) : () -> ()
    return
  }
}

</mosaic_0001>

<sc_bundles>
// kernel: kernel.3.cloned.1.call-start
scs
__scs_entry_jumppad:
0x0: {  	(pc) =	sbr.rel $0x88, $3  }
0x1: {  	(tag) =	ssettag $0x0;
	lr =	simm.s32 $0x1  }
0x2: {  	[smem:$0x3F9F] =	sst lr;
	_ =	strace $0xD0000000  }
0x3: {  	_ = 	snop  }
0x4: {  	_ = 	snop  }
0x5: {  	_ = 	snop  }
0x6: {  	_ = 	snop  }
0x7: {  	_ = 	snop  }
__scs_overlays_trampoline_lowered:
0x8: {  	[smem:$0x3FAE] =	sst s0  }
0x9: {  	[smem:$0x3FAF] =	sst s1  }
0xa: {  	[smem:$0x3FB0] =	sst s2  }
0xb: {  	[smem:$0x3FB1] =	sst s3  }
0xc: {  	[smem:$0x3FB2] =	sst s4  }
0xd: {  	[smem:$0x3FB3] =	sst s5  }
0xe: {  	[smem:$0x3FB4] =	sst s6  }
0xf: {  	[smem:$0x3FB5] =	sst s7  }
0x10: {  	[smem:$0x3FB6] =	sst s8  }
0x11: {  	[smem:$0x3FB7] =	sst s9;
	s0 =	simm.s32 @!p0 $0x0  }
0x12: {  	s1 =	sld [smem:$0x3F9D];
	s0 =	simm.s32 @p0 $0x1  }
0x13: {  	[smem:$0x3FB8] =	sst s0;
	s0 =	simm.s32 @!p1 $0x0  }
0x14: {  	s2 =	sld [smem:$0x3F9C];
	s0 =	simm.s32 @p1 $0x1  }
0x15: {  	[smem:$0x3FB9] =	sst s0;
	s0 =	simm.s32 @!p2 $0x0  }
0x16: {  	s3 =	sld [smem:$0x3FDB];
	s0 =	simm.s32 @p2 $0x1  }
0x17: {  	s4 =	simm.s32 $0x1BF5;
	[smem:$0x3FBB] =	sst s0  }
0x18: {  	s0 =	sld [smem:$0x3F9E];
	_ =	swait.ge [sflag:s4], $0x0  }
0x19: {  	s7 =	sld [smem:$0x3F9F]  }
0x1a: {  	s8 =	sadd.s32 $0xFFFFE003, lr  }
0x1b: {  	s9 =	sadd.s32 $0xFFFFFEF7, lr;
	s5 =	simm.s32 $0xFFFFFFFF;
	p2 =	slt.u32 s8, $0xFFFFF086  }
0x1c: {  	p1 =	slt.u32 s9, $0xF7A;
	s5 =	simm.s32 @!p2 $0x0  }
0x1d: {  	s5 =	simm.s32 @p1 $0x1;
	p0 =	seq.s32 s7, s2  }
0x1e: {  	s7 =	smul.u32 @!p0 $0xF7A, s2;
	p2 =	seq.s32 @!p0 s5, $0x0  }
0x1f: {  	s9 =	smul.u32 $0xF7A, s1;
	s8 =	simm.s32 @!p0 $0x1BF5;
	p2 =	por !p2, p0  }
0x20: {  	[sflag:s8] =	ssyncset.s32 @!p0 $0xFFFFF086;
	s6 =	sadd.s32 @!p0 s3, s7;
	s7 =	simm.s32 @!p0 $0x108  }
0x21: {  	s3 =	sadd.s32 s3, s9;
	s6 =	sadd.s32 @!p0 $0x88, s6;
	s7 =	simm.s32 @p2 $0x1082  }
0x22: {  	[simem:s7], [sflag:s8] =	dma.local @!p0 [hbm:s6], $0xF7A  }
0x23: {  	s9 =	sor.u32 $0xD0000000, s2;
	s6 =	simm.s32 $0x108;
	_ =	swait.ge @!p0 [sflag:s8], $0x0  }
0x24: {  	s3 =	sadd.s32 $0x88, s3;
	s6 =	simm.s32 @!p1 $0x1082;
	[sflag:s4] =	ssyncset.s32 $0xFFFFF086  }
0x25: {  	[simem:s6], [sflag:s4] =	dma.local [hbm:s3], $0xF7A  }
0x26: {  	[smem:$0x3F9F] =	sst s1;
	(tag) =	ssettag s2;
	_ =	strace s9  }
0x27: {  	s1 =	sld [smem:$0x3FAF]  }
0x28: {  	s2 =	sld [smem:$0x3FB0]  }
0x29: {  	s4 =	sld [smem:$0x3FB2]  }
0x2a: {  	p0 =	seq.s32 s5, $0x0;
	s5 =	sld [smem:$0x3FB3]  }
0x2b: {  	s6 =	sld [smem:$0x3FB4]  }
0x2c: {  	s7 =	sld [smem:$0x3FB5]  }
0x2d: {  	s3 =	simm.s32 $0x108;
	s8 =	sld [smem:$0x3FB6]  }
0x2e: {  	s3 =	simm.s32 @!p0 $0x1082;
	s9 =	sld [smem:$0x3FB7]  }
0x2f: {  	lr =	sadd.s32 s0, s3;
	s0 =	sld [smem:$0x3FAE]  }
0x30: {  	s3 =	sld [smem:$0x3FB1]  }
0x31: {  	[smem:$0x3FBA] =	sst s10  }
0x32: {  	s10 =	sld [smem:$0x3FB8];
	_ =	sdelay $0x3  }
0x33: {  	p0 =	seq.s32 s10, $0x1;
	s10 =	sld [smem:$0x3FBA];
	_ =	sdelay $0x3  }
0x34: {  	[smem:$0x3FBA] =	sst s10  }
0x35: {  	s10 =	sld [smem:$0x3FB9];
	_ =	sdelay $0x3  }
0x36: {  	p1 =	seq.s32 s10, $0x1;
	s10 =	sld [smem:$0x3FBA];
	_ =	sdelay $0x3  }
0x37: {  	[smem:$0x3FBA] =	sst s10  }
0x38: {  	s10 =	sld [smem:$0x3FBB]  }
0x39: {  	_ = 	snop;
	(pc) =	sbr.ind lr, $3  }
0x3a: {  	_ = 	snop  }
0x3b: {  	_ = 	snop  }
0x3c: {  	p2 =	seq.s32 s10, $0x1;
	s10 =	sld [smem:$0x3FBA]  }
0x3d: {  	_ =	shalt  }
0x3e: {  	_ =	shalt  }
0x3f: {  	_ =	shalt  }
0x40: {  	_ =	shalt  }
0x41: {  	_ =	shalt  }
0x42: {  	_ =	shalt  }
0x43: {  	_ =	shalt  }
0x44: {  	_ =	shalt  }
0x45: {  	_ =	shalt  }
0x46: {  	_ =	shalt  }
0x47: {  	_ =	shalt  }
0x48: {  	_ =	shalt  }
0x49: {  	_ =	shalt  }
0x4a: {  	_ =	shalt  }
0x4b: {  	_ =	shalt  }
0x4c: {  	_ =	shalt  }
0x4d: {  	_ =	shalt  }
0x4e: {  	_ =	shalt  }
0x4f: {  	_ =	shalt  }
0x50: {  	_ =	shalt  }
0x51: {  	_ =	shalt  }
0x52: {  	_ =	shalt  }
0x53: {  	_ =	shalt  }
0x54: {  	_ =	shalt  }
0x55: {  	_ =	shalt  }
0x56: {  	_ =	shalt  }
0x57: {  	_ =	shalt  }
0x58: {  	_ =	shalt  }
0x59: {  	_ =	shalt  }
0x5a: {  	_ =	shalt  }
0x5b: {  	_ =	shalt  }
0x5c: {  	_ =	shalt  }
0x5d: {  	_ =	shalt  }
0x5e: {  	_ =	shalt  }
0x5f: {  	_ =	shalt  }
0x60: {  	_ =	shalt  }
0x61: {  	_ =	shalt  }
0x62: {  	_ =	shalt  }
0x63: {  	_ =	shalt  }
0x64: {  	_ =	shalt  }
0x65: {  	_ =	shalt  }
0x66: {  	_ =	shalt  }
0x67: {  	_ =	shalt  }
0x68: {  	_ =	shalt  }
0x69: {  	_ =	shalt  }
0x6a: {  	_ =	shalt  }
0x6b: {  	_ =	shalt  }
0x6c: {  	_ =	shalt  }
0x6d: {  	_ =	shalt  }
0x6e: {  	_ =	shalt  }
0x6f: {  	_ =	shalt  }
0x70: {  	_ =	shalt  }
0x71: {  	_ =	shalt  }
0x72: {  	_ =	shalt  }
0x73: {  	_ =	shalt  }
0x74: {  	_ =	shalt  }
0x75: {  	_ =	shalt  }
0x76: {  	_ =	shalt  }
0x77: {  	_ =	shalt  }
0x78: {  	_ =	shalt  }
0x79: {  	_ =	shalt  }
0x7a: {  	_ =	shalt  }
0x7b: {  	_ =	shalt  }
0x7c: {  	_ =	shalt  }
0x7d: {  	_ =	shalt  }
0x7e: {  	_ =	shalt  }
0x7f: {  	_ =	shalt  }
0x80: {  	_ =	shalt  }
0x81: {  	_ =	shalt  }
0x82: {  	_ =	shalt  }
0x83: {  	_ =	shalt  }
0x84: {  	_ =	shalt  }
0x85: {  	_ =	shalt  }
0x86: {  	_ =	shalt  }
0x87: {  	_ =	shalt  }
.Lfunc_end0:
.L_simem_size_0:
called_computation_lowered:
.L_overlay_start_0:
0x88: {  	s2 =	sld [smem:$0x3FD9]  }
0x89: {  	s3 =	sld [smem:$0x3FFE];
	_ =	sdelay $0x1  }
0x8a: {  	s1 =	srdreg.scid  }
0x8b: {  	s0 =	sand.u32 $0x1, s1  }
0x8c: {  	s18 =	sshll.u32 s0, $0xA;
	s2 =	sadd.s32 s3, s2  }
0x8d: {  	s2 =	sadd.s32 s2, s18  }
0x8e: {  	[smem:$0x3FC6] =	sst s2  }
0x8f: {  	_ = 	snop  }
0x90: {  	s2 =	sld [smem:$0x3FC9]  }
0x91: {  	s19 =	sld [smem:$0x3FC8]  }
0x92: {  	s4 =	sld [smem:$0x3FD0];
	(tm) =	ssettm $0x1  }
0x93: {  	s5 =	sld [smem:$0x3FFB];
	_ =	sdelay $0x3  }
0x94: {  	_ =	strace s5  }
0x95: {  	s5 =	sld [smem:$0x3FFC];
	_ =	sdelay $0x3  }
0x96: {  	_ =	strace s5  }
0x97: {  	s5 =	sld [smem:$0x3FFD];
	_ =	sdelay $0x3  }
0x98: {  	_ =	strace s5  }
0x99: {  	_ =	strace $0x8FFFFFFF  }
0x9a: {  	s20 =	sld [smem:$0x3FDB];
	_ =	sdelay $0x1  }
0x9b: {  	s6 =	simm.s32 $_scs_section_size  }
0x9c: {  	s7 =	simm.s32 $_size__tile_overlayer_lowered;
	s8 =	simm.s32 $_tile_overlayer_lowered  }
0x9d: {  	s23 =	simm.s32 $0x1BFF;
	s22 =	sshll.u32 s8, $0x1;
	s5 =	sadd.s32 s6, s20  }
0x9e: {  	s9 =	simm.s32 $0x0;
	s21 =	sshll.u32 s7, $0x1;
	s7 =	sadd.s32 s22, s5  }
0x9f: {  	[timem:s9], [sflag:s23] =	dma.local [hbm:s7], s21  }
0xa0: {  	_ =	swait.ge [sflag:s23], s21  }
0xa1: {  	s6 =	ssub.s32 $0x0, s21;
	[sflag:s23] =	ssyncset.done $0x0  }
0xa2: {  	[sflag:s23] =	ssyncadd.s32 s6;
	_ =	sdelay $0x1  }
0xa3: {  	s24 =	simm.s32 $0x1B8B  }
0xa4: {  	_ =	swait.ge [sflag:s24], $0x1  }
0xa5: {  	[sflag:s24] =	ssyncset.done $0x0  }
0xa6: {  	s25 =	simm.s32 $0x1B8E;
	[sflag:s24] =	ssyncadd.s32 $0xFFFFFFFF  }
0xa7: {  	s26 =	simm.s32 $execute0_lowered;
	[smem:$0x3FD2] =	sst s25  }
0xa8: {  	s6 =	sshll.u32 s26, $0x1;
	_ =	strace $0x80000046;
	[dreg:$0x1] =	wrdreg $0xFFFFFFFF  }
0xa9: {  	s28 =	simm.s32 $_size_execute0_lowered;
	s5 =	sadd.s32 s5, s6;
	[dreg:$0x0] =	wrdreg $0x0  }
0xaa: {  	s6 =	sshll.u32 s28, $0x1;
	[dreg:$0x2] =	wrdreg s5  }
0xab: {  	[dreg:$0x3] =	wrdreg s6  }
0xac: {  	[dreg:$0x4] =	wrdreg $0xC0  }
0xad: {  	_ =	task [dreg:s9], $0x5FFFF  }
0xae: {  	[dreg:$0x1] =	wrdreg $0xFFFFFFFF  }
0xaf: {  	[dreg:$0x0] =	wrdreg $0x60  }
0xb0: {  	[dreg:$0x2] =	wrdreg s2  }
0xb1: {  	[dreg:$0x3] =	wrdreg s19  }
0xb2: {  	[dreg:$0x4] =	wrdreg s4  }
0xb3: {  	[dreg:$0x5] =	wrdreg $0x9  }
0xb4: {  	_ =	task.clear_ibuf [dreg:s9], $0x6FFFF;
	_ =	strace $0x90000046  }
0xb5: {  	s29 =	simm.s32 $0x9;
	_ =	strace $0x80000048  }
0xb6: {  	_ =	swait.ge [sflag:s29], $0x1  }
0xb7: {  	[sflag:s29] =	ssyncadd.s32 $0xFFFFFFFF  }
0xb8: {  	_ =	strace $0x90000048  }
0xb9: {  	_ =	sfence  }
0xba: {  	s30 =	sld [smem:$0x0];
	_ =	sdelay $0x2  }
0xbb: {  	s31 =	sshll.u32 s1, $0xD;
	s1 =	sshrl.u32 s1, $0x2  }
0xbc: {  	s3 =	sand.u32 $0x4000, s31;
	s1 =	sadd.s32 s1, s30  }
0xbd: {  	s0 =	sor.u32 s3, s0;
	s1 =	sshll.u32 s1, $0x11  }
0xbe: {  	s0 =	sor.u32 s1, s0  }
0xbf: {  	s0 =	sadd.s32 $0x8F2B, s0  }
0xc0: {  	[sflag:s0] =	ssyncadd.remote.s32 $0x1  }
0xc1: {  	_ =	sfence.sel $0xFFFF  }
0xc2: {  	[dreg:$0x0] =	wrdreg $0xFFFFFFFF;
	(pc) =	sbr.abs _section_cstart, $3  }
0xc3: {  	[dreg:$0x1] =	wrdreg $0xFFFFFFFF  }
0xc4: {  	_ =	task.clear_ibuf [dreg:s9], $0x2FFFF;
	_ =	strace $0x9FFFFFFF  }
0xc5: {  	(tm) =	ssettm $0x7FFFFFFF  }
tec
execute0_lowered:
.L_overlay_start_1:
0x0: {  	(tag) =	ssettag $0x1  }
0x1: {  	s1 =	rddreg [dreg:$0x0]  }
0x2: {  	s0 =	rddreg [dreg:$0x1]  }
0x3: {  	s2 =	rddreg [dreg:$0x2]  }
0x4: {  	s3 =	srdreg.scid;
	s5 =	stileid.u32;
	s11 =	simm.s32 $0x4  }
0x5: {  	s8 =	simm.s32 $0x280;
	s12 =	simm.s32 $0x8280;
	s16 =	simm.s32 $0xFE80  }
0x6: {  	s17 =	simm.s32 $0x10280;
	s21 =	simm.s32 $0x14E80;
	s28 =	simm.s32 $0x15680  }
0x7: {  	v1 =	vimm.s32 $0x7B7A7978;
	s29 =	simm.s32 $0x15A80;
	s30 =	simm.s32 $0x15E80;
	s18 =	simm.s32 $0x16280  }
0x8: {  	v2 =	vimm.s32 $0x32107654;
	s31 =	simm.s32 $0x16680;
	s22 =	simm.s32 $0x16A80;
	s23 =	simm.s32 $0x17280  }
0x9: {  	v0 =	vlaneseq.u32;
	v3 =	vimm.s32 $0x76543210;
	v5 =	vimm.s32 $0x7F7E7D7C;
	s20 =	simm.s32 $0x2;
	s9 =	simm.s32 $0x3;
	s13 =	simm.s32 $0x0  }
0xa: {  	vm0 =	vcmask $0x1F10;
	v6 =	vimm.s32 $0x1000;
	s4 =	sand.u32 $0x1, s3;
	s3 =	simm.s32 $0x0;
	s5 =	sshll.u32 s5, $0xA;
	v3 =	vunpack.c.l.s4.s8 v3  }
0xb: {  	v2 =	vunpack.c.l.s4.s8 v2;
	v1 =	vunpack.c.0.s8.s32 v1;
	v5 =	vunpack.c.0.s8.s32 v5;
	s6 =	sshll.u32 s4, $0x9;
	[smem:$0x7FF] =	sst s3;
	s4 =	ssub.s32 $0x2, s4  }
0xc: {  	vm13 =	vcmask $0x2F10;
	vm14 =	vcmask $0xF00;
	s5 =	sor.u32 s6, s5;
	_ =	strace $0x80000047;
	s24 =	sshrl.u32 s4, $0x1;
	v3 =	vunpack.c.0.s8.s32 v3  }
0xd: {  	v4 =	vshrl.u32 v0, $0x3;
	v2 =	vunpack.c.0.s8.s32 v2;
	v1 =	vsel vm0, v5, v1;
	s6 =	simm.s32 $0x1;
	s7 =	sshrl.u32 s5, $0x3;
	s4 =	ssub.s32 s4, s24  }
0xe: {  	v4 =	vmul.u32 $0x400, v4;
	s25 =	sadd.s32 s2, s5;
	s2 =	simm.s32 $0x17680;
	s5 =	simm.s32 $0x17E80;
	v1 =	vcombine.low v1, v3;
	v3 =	vimm.s32 $0xB0A0908  }
0xf: {  	vm15 =	vcmask $0x3F30;
	s0 =	sadd.s32 s0, s7;
	[dreg:$0x5] =	wrdreg s25;
	s26 =	smax.u32 s4, $0x1;
	v2 =	vand.u32 $0xF, v2;
	v7 =	vunpack.c.0.s8.s32 v3  }
0x10: {  	v4 =	vadd.s32 $0xC00, v4;
	s4 =	simm.s32 $0x17A80;
	s7 =	simm.s32 $0x18280;
	[dreg:$0x4] =	wrdreg s0;
	v5 =	vsel vm13, v2, v5;
	v3 =	vand.u32 $0x3, v0  }
0x11: {  	[dreg:$0x6] =	wrdreg s26;
	s26 =	simm.s32 $0x15280;
	s0 =	simm.s32 $0x16E80;
	v2 =	vsel vm14, $0xC00, v6;
	v3 =	vmul.u32 $0x2000, v3;
	v5 =	vsel vm15, v7, v5  }
.LBB2_1:
0x12: {  	[dreg:$0x7] =	wrdreg s13  }
0x13: {  	s10 =	rddreg [dreg:$0x4]  }
0x14: {  	[tilespmem:s3], [sflag:$0x4] =	stream.linear.gather [hbm4b:s10+s3], $0x200, $0x38;
	[tilespmem:$0x1C280] =	vst v63  }
0x15: {  	_ =	swait.ge [sflag:s11], $0x200  }
0x16: {  	[sflag:s11] =	ssyncset.done $0x0  }
0x17: {  	[sflag:s11] =	ssyncadd.s32 $0xFFFFFE00  }
0x18: {  	v6 =	vld [tilespmem:$0x0];
	_ =	sdelay $0x4  }
0x19: {  	(v2sf) =	vpush v6, $0x0;
	_ =	sdelay $0xe  }
0x1a: {  	s19 =	spop (v2sf)  }
0x1b: {  	(v2sf) =	vpush v6, $0x1;
	s10 =	sand.u32 $0xFFFFF80, s19  }
0x1c: {  	s10 =	sadd.s32 s1, s10  }
0x1d: {  	[tilespmem:s8], [sflag:$0x1] =	stream.linear.gather [hbm4b:s10+s3], $0x400, $0x38;
	[tilespmem:$0x1C280] =	vst v63  }
0x1e: {  	s25 =	simm.s32 $0x680;
	s24 =	sadd.s32 $0xF4280, s10  }
0x1f: {  	[tilespmem:s25], [sflag:$0x1] =	stream.linear.gather [hbm4b:s24+s3], $0x400, $0x38;
	[tilespmem:$0x1C280] =	vst v63  }
0x20: {  	s14 =	simm.s32 $0xA80;
	s13 =	sadd.s32 $0x1E8500, s10  }
0x21: {  	[tilespmem:s14], [sflag:$0x1] =	stream.linear.gather [hbm4b:s13+s3], $0x400, $0x38;
	[tilespmem:$0x1C280] =	vst v63  }
0x22: {  	s19 =	simm.s32 $0xE80;
	s15 =	sadd.s32 $0x2DC780, s10  }
0x23: {  	[tilespmem:s19], [sflag:$0x1] =	stream.linear.gather [hbm4b:s15+s3], $0x400, $0x38;
	[tilespmem:$0x1C280] =	vst v63  }
0x24: {  	s24 =	sadd.s32 $0x3D0A00, s10;
	s25 =	simm.s32 $0x1280  }
0x25: {  	[tilespmem:s25], [sflag:$0x1] =	stream.linear.gather [hbm4b:s24+s3], $0x400, $0x38;
	[tilespmem:$0x1C280] =	vst v63  }
0x26: {  	s14 =	sadd.s32 $0x4C4C80, s10;
	s15 =	simm.s32 $0x1680  }
0x27: {  	[tilespmem:s15], [sflag:$0x1] =	stream.linear.gather [hbm4b:s14+s3], $0x400, $0x38;
	[tilespmem:$0x1C280] =	vst v63  }
0x28: {  	s19 =	sadd.s32 $0x5B8F00, s10;
	s24 =	simm.s32 $0x1A80  }
0x29: {  	[tilespmem:s24], [sflag:$0x1] =	stream.linear.gather [hbm4b:s19+s3], $0x400, $0x38;
	[tilespmem:$0x1C280] =	vst v63  }
0x2a: {  	s10 =	sadd.s32 $0x6AD180, s10;
	s25 =	simm.s32 $0x1E80;
	s13 =	spop (v2sf)  }
0x2b: {  	[tilespmem:s25], [sflag:$0x1] =	stream.linear.gather [hbm4b:s10+s3], $0x400, $0x38;
	[tilespmem:$0x1C280] =	vst v63  }
0x2c: {  	(v2sf) =	vpush v6, $0x2;
	s10 =	sand.u32 $0xFFFFF80, s13  }
0x2d: {  	s14 =	simm.s32 $0x2280;
	s10 =	sadd.s32 s1, s10  }
0x2e: {  	[tilespmem:s14], [sflag:$0x1] =	stream.linear.gather [hbm4b:s10+s3], $0x400, $0x38;
	[tilespmem:$0x1C280] =	vst v63  }
0x2f: {  	s19 =	simm.s32 $0x2680;
	s15 =	sadd.s32 $0xF4280, s10  }
0x30: {  	[tilespmem:s19], [sflag:$0x1] =	stream.linear.gather [hbm4b:s15+s3], $0x400, $0x38;
	[tilespmem:$0x1C280] =	vst v63  }
0x31: {  	s25 =	simm.s32 $0x2A80;
	s24 =	sadd.s32 $0x1E8500, s10  }
0x32: {  	[tilespmem:s25], [sflag:$0x1] =	stream.linear.gather [hbm4b:s24+s3], $0x400, $0x38;
	[tilespmem:$0x1C280] =	vst v63  }
0x33: {  	s13 =	sadd.s32 $0x2DC780, s10;
	s14 =	simm.s32 $0x2E80  }
0x34: {  	[tilespmem:s14], [sflag:$0x1] =	stream.linear.gather [hbm4b:s13+s3], $0x400, $0x38;
	[tilespmem:$0x1C280] =	vst v63  }
0x35: {  	s15 =	sadd.s32 $0x3D0A00, s10;
	s19 =	simm.s32 $0x3280  }
0x36: {  	[tilespmem:s19], [sflag:$0x1] =	stream.linear.gather [hbm4b:s15+s3], $0x400, $0x38;
	[tilespmem:$0x1C280] =	vst v63  }
0x37: {  	s24 =	sadd.s32 $0x4C4C80, s10;
	s25 =	simm.s32 $0x3680  }
0x38: {  	[tilespmem:s25], [sflag:$0x1] =	stream.linear.gather [hbm4b:s24+s3], $0x400, $0x38;
	[tilespmem:$0x1C280] =	vst v63  }
0x39: {  	s14 =	sadd.s32 $0x5B8F00, s10;
	s15 =	simm.s32 $0x3A80  }
0x3a: {  	[tilespmem:s15], [sflag:$0x1] =	stream.linear.gather [hbm4b:s14+s3], $0x400, $0x38;
	[tilespmem:$0x1C280] =	vst v63  }
0x3b: {  	s10 =	sadd.s32 $0x6AD180, s10;
	s19 =	simm.s32 $0x3E80;
	s24 =	spop (v2sf)  }
0x3c: {  	[tilespmem:s19], [sflag:$0x1] =	stream.linear.gather [hbm4b:s10+s3], $0x400, $0x38;
	[tilespmem:$0x1C280] =	vst v63  }
0x3d: {  	(v2sf) =	vpush v6, $0x3;
	s10 =	sand.u32 $0xFFFFF80, s24  }
0x3e: {  	s25 =	simm.s32 $0x4280;
	s10 =	sadd.s32 s1, s10  }
0x3f: {  	[tilespmem:s25], [sflag:$0x1] =	stream.linear.gather [hbm4b:s10+s3], $0x400, $0x38;
	[tilespmem:$0x1C280] =	vst v63  }
0x40: {  	s14 =	simm.s32 $0x4680;
	s13 =	sadd.s32 $0xF4280, s10  }
0x41: {  	[tilespmem:s14], [sflag:$0x1] =	stream.linear.gather [hbm4b:s13+s3], $0x400, $0x38;
	[tilespmem:$0x1C280] =	vst v63  }
0x42: {  	s19 =	simm.s32 $0x4A80;
	s15 =	sadd.s32 $0x1E8500, s10  }
0x43: {  	[tilespmem:s19], [sflag:$0x1] =	stream.linear.gather [hbm4b:s15+s3], $0x400, $0x38;
	[tilespmem:$0x1C280] =	vst v63  }
0x44: {  	s24 =	sadd.s32 $0x2DC780, s10;
	s25 =	simm.s32 $0x4E80  }
0x45: {  	[tilespmem:s25], [sflag:$0x1] =	stream.linear.gather [hbm4b:s24+s3], $0x400, $0x38;
	[tilespmem:$0x1C280] =	vst v63  }
0x46: {  	s13 =	sadd.s32 $0x3D0A00, s10;
	s14 =	simm.s32 $0x5280  }
0x47: {  	[tilespmem:s14], [sflag:$0x1] =	stream.linear.gather [hbm4b:s13+s3], $0x400, $0x38;
	[tilespmem:$0x1C280] =	vst v63  }
0x48: {  	s15 =	sadd.s32 $0x4C4C80, s10;
	s19 =	simm.s32 $0x5680  }
0x49: {  	[tilespmem:s19], [sflag:$0x1] =	stream.linear.gather [hbm4b:s15+s3], $0x400, $0x38;
	[tilespmem:$0x1C280] =	vst v63  }
0x4a: {  	s24 =	sadd.s32 $0x5B8F00, s10;
	s25 =	simm.s32 $0x5A80  }
0x4b: {  	[tilespmem:s25], [sflag:$0x1] =	stream.linear.gather [hbm4b:s24+s3], $0x400, $0x38;
	[tilespmem:$0x1C280] =	vst v63  }
0x4c: {  	s10 =	sadd.s32 $0x6AD180, s10;
	s14 =	simm.s32 $0x5E80;
	s15 =	spop (v2sf)  }
0x4d: {  	[tilespmem:s14], [sflag:$0x1] =	stream.linear.gather [hbm4b:s10+s3], $0x400, $0x38;
	[tilespmem:$0x1C280] =	vst v63  }
0x4e: {  	s10 =	sand.u32 $0xFFFFF80, s15  }
0x4f: {  	s19 =	simm.s32 $0x6280;
	s10 =	sadd.s32 s1, s10  }
0x50: {  	[tilespmem:s19], [sflag:$0x1] =	stream.linear.gather [hbm4b:s10+s3], $0x400, $0x38;
	[tilespmem:$0x1C280] =	vst v63  }
0x51: {  	s25 =	simm.s32 $0x6680;
	s24 =	sadd.s32 $0xF4280, s10  }
0x52: {  	[tilespmem:s25], [sflag:$0x1] =	stream.linear.gather [hbm4b:s24+s3], $0x400, $0x38;
	[tilespmem:$0x1C280] =	vst v63  }
0x53: {  	s14 =	simm.s32 $0x6A80;
	s13 =	sadd.s32 $0x1E8500, s10  }
0x54: {  	[tilespmem:s14], [sflag:$0x1] =	stream.linear.gather [hbm4b:s13+s3], $0x400, $0x38;
	[tilespmem:$0x1C280] =	vst v63  }
0x55: {  	s15 =	sadd.s32 $0x2DC780, s10;
	s19 =	simm.s32 $0x6E80  }
0x56: {  	[tilespmem:s19], [sflag:$0x1] =	stream.linear.gather [hbm4b:s15+s3], $0x400, $0x38;
	[tilespmem:$0x1C280] =	vst v63  }
0x57: {  	s24 =	sadd.s32 $0x3D0A00, s10;
	s25 =	simm.s32 $0x7280  }
0x58: {  	[tilespmem:s25], [sflag:$0x1] =	stream.linear.gather [hbm4b:s24+s3], $0x400, $0x38;
	[tilespmem:$0x1C280] =	vst v63  }
0x59: {  	s14 =	sadd.s32 $0x4C4C80, s10;
	s15 =	simm.s32 $0x7680  }
0x5a: {  	[tilespmem:s15], [sflag:$0x1] =	stream.linear.gather [hbm4b:s14+s3], $0x400, $0x38;
	[tilespmem:$0x1C280] =	vst v63  }
0x5b: {  	s19 =	sadd.s32 $0x5B8F00, s10;
	s24 =	simm.s32 $0x7A80  }
0x5c: {  	[tilespmem:s24], [sflag:$0x1] =	stream.linear.gather [hbm4b:s19+s3], $0x400, $0x38;
	[tilespmem:$0x1C280] =	vst v63  }
0x5d: {  	s10 =	sadd.s32 $0x6AD180, s10;
	s25 =	simm.s32 $0x7E80  }
0x5e: {  	[tilespmem:s25], [sflag:$0x1] =	stream.linear.gather [hbm4b:s10+s3], $0x400, $0x38;
	[tilespmem:$0x1C280] =	vst v63  }
0x5f: {  	v6 =	vld [tilespmem:$0x4];
	_ =	sdelay $0x4  }
0x60: {  	(v2sf) =	vpush v6, $0x0;
	_ =	sdelay $0xe  }
0x61: {  	s11 =	spop (v2sf)  }
0x62: {  	(v2sf) =	vpush v6, $0x1;
	s10 =	sand.u32 $0xFFFFF80, s11  }
0x63: {  	s10 =	sadd.s32 s1, s10  }
0x64: {  	[tilespmem:s12], [sflag:$0x2] =	stream.linear.gather [hbm4b:s10+s3], $0x400, $0x38;
	[tilespmem:$0x1C280] =	vst v63  }
0x65: {  	s14 =	simm.s32 $0x8680;
	s13 =	sadd.s32 $0xF4280, s10  }
0x66: {  	[tilespmem:s14], [sflag:$0x2] =	stream.linear.gather [hbm4b:s13+s3], $0x400, $0x38;
	[tilespmem:$0x1C280] =	vst v63  }
0x67: {  	s19 =	simm.s32 $0x8A80;
	s15 =	sadd.s32 $0x1E8500, s10  }
0x68: {  	[tilespmem:s19], [sflag:$0x2] =	stream.linear.gather [hbm4b:s15+s3], $0x400, $0x38;
	[tilespmem:$0x1C280] =	vst v63  }
0x69: {  	s25 =	simm.s32 $0x8E80;
	s24 =	sadd.s32 $0x2DC780, s10  }
0x6a: {  	[tilespmem:s25], [sflag:$0x2] =	stream.linear.gather [hbm4b:s24+s3], $0x400, $0x38;
	[tilespmem:$0x1C280] =	vst v63  }
0x6b: {  	s13 =	sadd.s32 $0x3D0A00, s10;
	s14 =	simm.s32 $0x9280  }
0x6c: {  	[tilespmem:s14], [sflag:$0x2] =	stream.linear.gather [hbm4b:s13+s3], $0x400, $0x38;
	[tilespmem:$0x1C280] =	vst v63  }
0x6d: {  	s15 =	sadd.s32 $0x4C4C80, s10;
	s19 =	simm.s32 $0x9680  }
0x6e: {  	[tilespmem:s19], [sflag:$0x2] =	stream.linear.gather [hbm4b:s15+s3], $0x400, $0x38;
	[tilespmem:$0x1C280] =	vst v63  }
0x6f: {  	s24 =	sadd.s32 $0x5B8F00, s10;
	s25 =	simm.s32 $0x9A80  }
0x70: {  	[tilespmem:s25], [sflag:$0x2] =	stream.linear.gather [hbm4b:s24+s3], $0x400, $0x38;
	[tilespmem:$0x1C280] =	vst v63  }
0x71: {  	s10 =	sadd.s32 $0x6AD180, s10;
	s14 =	simm.s32 $0x9E80;
	s15 =	spop (v2sf)  }
0x72: {  	[tilespmem:s14], [sflag:$0x2] =	stream.linear.gather [hbm4b:s10+s3], $0x400, $0x38;
	[tilespmem:$0x1C280] =	vst v63  }
0x73: {  	(v2sf) =	vpush v6, $0x2;
	s10 =	sand.u32 $0xFFFFF80, s15  }
0x74: {  	s19 =	simm.s32 $0xA280;
	s10 =	sadd.s32 s1, s10  }
0x75: {  	[tilespmem:s19], [sflag:$0x2] =	stream.linear.gather [hbm4b:s10+s3], $0x400, $0x38;
	[tilespmem:$0x1C280] =	vst v63  }
0x76: {  	s25 =	simm.s32 $0xA680;
	s24 =	sadd.s32 $0xF4280, s10  }
0x77: {  	[tilespmem:s25], [sflag:$0x2] =	stream.linear.gather [hbm4b:s24+s3], $0x400, $0x38;
	[tilespmem:$0x1C280] =	vst v63  }
0x78: {  	s14 =	simm.s32 $0xAA80;
	s13 =	sadd.s32 $0x1E8500, s10  }
0x79: {  	[tilespmem:s14], [sflag:$0x2] =	stream.linear.gather [hbm4b:s13+s3], $0x400, $0x38;
	[tilespmem:$0x1C280] =	vst v63  }
0x7a: {  	s15 =	sadd.s32 $0x2DC780, s10;
	s19 =	simm.s32 $0xAE80  }
0x7b: {  	[tilespmem:s19], [sflag:$0x2] =	stream.linear.gather [hbm4b:s15+s3], $0x400, $0x38;
	[tilespmem:$0x1C280] =	vst v63  }
0x7c: {  	s24 =	sadd.s32 $0x3D0A00, s10;
	s25 =	simm.s32 $0xB280  }
0x7d: {  	[tilespmem:s25], [sflag:$0x2] =	stream.linear.gather [hbm4b:s24+s3], $0x400, $0x38;
	[tilespmem:$0x1C280] =	vst v63  }
0x7e: {  	s14 =	sadd.s32 $0x4C4C80, s10;
	s15 =	simm.s32 $0xB680  }
0x7f: {  	[tilespmem:s15], [sflag:$0x2] =	stream.linear.gather [hbm4b:s14+s3], $0x400, $0x38;
	[tilespmem:$0x1C280] =	vst v63  }
0x80: {  	s19 =	sadd.s32 $0x5B8F00, s10;
	s24 =	simm.s32 $0xBA80  }
0x81: {  	[tilespmem:s24], [sflag:$0x2] =	stream.linear.gather [hbm4b:s19+s3], $0x400, $0x38;
	[tilespmem:$0x1C280] =	vst v63  }
0x82: {  	s10 =	sadd.s32 $0x6AD180, s10;
	s25 =	simm.s32 $0xBE80;
	s13 =	spop (v2sf)  }
0x83: {  	[tilespmem:s25], [sflag:$0x2] =	stream.linear.gather [hbm4b:s10+s3], $0x400, $0x38;
	[tilespmem:$0x1C280] =	vst v63  }
0x84: {  	(v2sf) =	vpush v6, $0x3;
	s10 =	sand.u32 $0xFFFFF80, s13  }
0x85: {  	s14 =	simm.s32 $0xC280;
	s10 =	sadd.s32 s1, s10  }
0x86: {  	[tilespmem:s14], [sflag:$0x2] =	stream.linear.gather [hbm4b:s10+s3], $0x400, $0x38;
	[tilespmem:$0x1C280] =	vst v63  }
0x87: {  	s19 =	simm.s32 $0xC680;
	s15 =	sadd.s32 $0xF4280, s10  }
0x88: {  	[tilespmem:s19], [sflag:$0x2] =	stream.linear.gather [hbm4b:s15+s3], $0x400, $0x38;
	[tilespmem:$0x1C280] =	vst v63  }
0x89: {  	s25 =	simm.s32 $0xCA80;
	s24 =	sadd.s32 $0x1E8500, s10  }
0x8a: {  	[tilespmem:s25], [sflag:$0x2] =	stream.linear.gather [hbm4b:s24+s3], $0x400, $0x38;
	[tilespmem:$0x1C280] =	vst v63  }
0x8b: {  	s13 =	sadd.s32 $0x2DC780, s10;
	s14 =	simm.s32 $0xCE80  }
0x8c: {  	[tilespmem:s14], [sflag:$0x2] =	stream.linear.gather [hbm4b:s13+s3], $0x400, $0x38;
	[tilespmem:$0x1C280] =	vst v63  }
0x8d: {  	s15 =	sadd.s32 $0x3D0A00, s10;
	s19 =	simm.s32 $0xD280  }
0x8e: {  	[tilespmem:s19], [sflag:$0x2] =	stream.linear.gather [hbm4b:s15+s3], $0x400, $0x38;
	[tilespmem:$0x1C280] =	vst v63  }
0x8f: {  	s24 =	sadd.s32 $0x4C4C80, s10;
	s25 =	simm.s32 $0xD680  }
0x90: {  	[tilespmem:s25], [sflag:$0x2] =	stream.linear.gather [hbm4b:s24+s3], $0x400, $0x38;
	[tilespmem:$0x1C280] =	vst v63  }
0x91: {  	s14 =	sadd.s32 $0x5B8F00, s10;
	s15 =	simm.s32 $0xDA80  }
0x92: {  	[tilespmem:s15], [sflag:$0x2] =	stream.linear.gather [hbm4b:s14+s3], $0x400, $0x38;
	[tilespmem:$0x1C280] =	vst v63  }
0x93: {  	s10 =	sadd.s32 $0x6AD180, s10;
	s19 =	simm.s32 $0xDE80;
	s24 =	spop (v2sf)  }
0x94: {  	[tilespmem:s19], [sflag:$0x2] =	stream.linear.gather [hbm4b:s10+s3], $0x400, $0x38;
	[tilespmem:$0x1C280] =	vst v63  }
0x95: {  	s10 =	sand.u32 $0xFFFFF80, s24  }
0x96: {  	s25 =	simm.s32 $0xE280;
	s10 =	sadd.s32 s1, s10  }
0x97: {  	[tilespmem:s25], [sflag:$0x2] =	stream.linear.gather [hbm4b:s10+s3], $0x400, $0x38;
	[tilespmem:$0x1C280] =	vst v63  }
0x98: {  	s14 =	simm.s32 $0xE680;
	s13 =	sadd.s32 $0xF4280, s10  }
0x99: {  	[tilespmem:s14], [sflag:$0x2] =	stream.linear.gather [hbm4b:s13+s3], $0x400, $0x38;
	[tilespmem:$0x1C280] =	vst v63  }
0x9a: {  	s19 =	simm.s32 $0xEA80;
	s15 =	sadd.s32 $0x1E8500, s10  }
0x9b: {  	[tilespmem:s19], [sflag:$0x2] =	stream.linear.gather [hbm4b:s15+s3], $0x400, $0x38;
	[tilespmem:$0x1C280] =	vst v63  }
0x9c: {  	s24 =	sadd.s32 $0x2DC780, s10;
	s25 =	simm.s32 $0xEE80  }
0x9d: {  	[tilespmem:s25], [sflag:$0x2] =	stream.linear.gather [hbm4b:s24+s3], $0x400, $0x38;
	[tilespmem:$0x1C280] =	vst v63  }
0x9e: {  	s13 =	sadd.s32 $0x3D0A00, s10;
	s14 =	simm.s32 $0xF280  }
0x9f: {  	[tilespmem:s14], [sflag:$0x2] =	stream.linear.gather [hbm4b:s13+s3], $0x400, $0x38;
	[tilespmem:$0x1C280] =	vst v63  }
0xa0: {  	s15 =	sadd.s32 $0x4C4C80, s10;
	s19 =	simm.s32 $0xF680  }
0xa1: {  	[tilespmem:s19], [sflag:$0x2] =	stream.linear.gather [hbm4b:s15+s3], $0x400, $0x38;
	[tilespmem:$0x1C280] =	vst v63  }
0xa2: {  	s24 =	sadd.s32 $0x5B8F00, s10;
	s25 =	simm.s32 $0xFA80  }
0xa3: {  	[tilespmem:s25], [sflag:$0x2] =	stream.linear.gather [hbm4b:s24+s3], $0x400, $0x38;
	[tilespmem:$0x1C280] =	vst v63  }
0xa4: {  	s10 =	sadd.s32 $0x6AD180, s10  }
0xa5: {  	[tilespmem:s16], [sflag:$0x2] =	stream.linear.gather [hbm4b:s10+s3], $0x400, $0x38;
	[tilespmem:$0x1C280] =	vst v63  }
0xa6: {  	v6 =	vld [tilespmem:$0x8];
	_ =	sdelay $0x4  }
0xa7: {  	(v2sf) =	vpush v6, $0x0;
	_ =	sdelay $0xe  }
0xa8: {  	s14 =	spop (v2sf)  }
0xa9: {  	(v2sf) =	vpush v6, $0x1;
	s10 =	sand.u32 $0xFFFFF80, s14  }
0xaa: {  	s10 =	sadd.s32 s1, s10  }
0xab: {  	[tilespmem:s17], [sflag:$0x3] =	stream.linear.gather [hbm4b:s10+s3], $0x400, $0x38;
	[tilespmem:$0x1C280] =	vst v63  }
0xac: {  	s19 =	simm.s32 $0x10680;
	s15 =	sadd.s32 $0xF4280, s10  }
0xad: {  	[tilespmem:s19], [sflag:$0x3] =	stream.linear.gather [hbm4b:s15+s3], $0x400, $0x38;
	[tilespmem:$0x1C280] =	vst v63  }
0xae: {  	s25 =	simm.s32 $0x10A80;
	s24 =	sadd.s32 $0x1E8500, s10  }
0xaf: {  	[tilespmem:s25], [sflag:$0x3] =	stream.linear.gather [hbm4b:s24+s3], $0x400, $0x38;
	[tilespmem:$0x1C280] =	vst v63  }
0xb0: {  	s14 =	simm.s32 $0x10E80;
	s13 =	sadd.s32 $0x2DC780, s10  }
0xb1: {  	[tilespmem:s14], [sflag:$0x3] =	stream.linear.gather [hbm4b:s13+s3], $0x400, $0x38;
	[tilespmem:$0x1C280] =	vst v63  }
0xb2: {  	s15 =	sadd.s32 $0x3D0A00, s10;
	s19 =	simm.s32 $0x11280  }
0xb3: {  	[tilespmem:s19], [sflag:$0x3] =	stream.linear.gather [hbm4b:s15+s3], $0x400, $0x38;
	[tilespmem:$0x1C280] =	vst v63  }
0xb4: {  	s24 =	sadd.s32 $0x4C4C80, s10;
	s25 =	simm.s32 $0x11680  }
0xb5: {  	[tilespmem:s25], [sflag:$0x3] =	stream.linear.gather [hbm4b:s24+s3], $0x400, $0x38;
	[tilespmem:$0x1C280] =	vst v63  }
0xb6: {  	s14 =	sadd.s32 $0x5B8F00, s10;
	s15 =	simm.s32 $0x11A80  }
0xb7: {  	[tilespmem:s15], [sflag:$0x3] =	stream.linear.gather [hbm4b:s14+s3], $0x400, $0x38;
	[tilespmem:$0x1C280] =	vst v63  }
0xb8: {  	s10 =	sadd.s32 $0x6AD180, s10;
	s19 =	simm.s32 $0x11E80;
	s24 =	spop (v2sf)  }
0xb9: {  	[tilespmem:s19], [sflag:$0x3] =	stream.linear.gather [hbm4b:s10+s3], $0x400, $0x38;
	[tilespmem:$0x1C280] =	vst v63  }
0xba: {  	(v2sf) =	vpush v6, $0x2;
	s10 =	sand.u32 $0xFFFFF80, s24  }
0xbb: {  	s25 =	simm.s32 $0x12280;
	s10 =	sadd.s32 s1, s10  }
0xbc: {  	[tilespmem:s25], [sflag:$0x3] =	stream.linear.gather [hbm4b:s10+s3], $0x400, $0x38;
	[tilespmem:$0x1C280] =	vst v63  }
0xbd: {  	s14 =	simm.s32 $0x12680;
	s13 =	sadd.s32 $0xF4280, s10  }
0xbe: {  	[tilespmem:s14], [sflag:$0x3] =	stream.linear.gather [hbm4b:s13+s3], $0x400, $0x38;
	[tilespmem:$0x1C280] =	vst v63  }
0xbf: {  	s19 =	simm.s32 $0x12A80;
	s15 =	sadd.s32 $0x1E8500, s10  }
0xc0: {  	[tilespmem:s19], [sflag:$0x3] =	stream.linear.gather [hbm4b:s15+s3], $0x400, $0x38;
	[tilespmem:$0x1C280] =	vst v63  }
0xc1: {  	s24 =	sadd.s32 $0x2DC780, s10;
	s25 =	simm.s32 $0x12E80  }
0xc2: {  	[tilespmem:s25], [sflag:$0x3] =	stream.linear.gather [hbm4b:s24+s3], $0x400, $0x38;
	[tilespmem:$0x1C280] =	vst v63  }
0xc3: {  	s13 =	sadd.s32 $0x3D0A00, s10;
	s14 =	simm.s32 $0x13280  }
0xc4: {  	[tilespmem:s14], [sflag:$0x3] =	stream.linear.gather [hbm4b:s13+s3], $0x400, $0x38;
	[tilespmem:$0x1C280] =	vst v63  }
0xc5: {  	s15 =	sadd.s32 $0x4C4C80, s10;
	s19 =	simm.s32 $0x13680  }
0xc6: {  	[tilespmem:s19], [sflag:$0x3] =	stream.linear.gather [hbm4b:s15+s3], $0x400, $0x38;
	[tilespmem:$0x1C280] =	vst v63  }
0xc7: {  	s24 =	sadd.s32 $0x5B8F00, s10;
	s25 =	simm.s32 $0x13A80  }
0xc8: {  	[tilespmem:s25], [sflag:$0x3] =	stream.linear.gather [hbm4b:s24+s3], $0x400, $0x38;
	[tilespmem:$0x1C280] =	vst v63  }
0xc9: {  	s10 =	sadd.s32 $0x6AD180, s10;
	s14 =	simm.s32 $0x13E80;
	s15 =	spop (v2sf)  }
0xca: {  	[tilespmem:s14], [sflag:$0x3] =	stream.linear.gather [hbm4b:s10+s3], $0x400, $0x38;
	[tilespmem:$0x1C280] =	vst v63  }
0xcb: {  	(v2sf) =	vpush v6, $0x3;
	s10 =	sand.u32 $0xFFFFF80, s15  }
0xcc: {  	s19 =	simm.s32 $0x14280;
	s10 =	sadd.s32 s1, s10  }
0xcd: {  	[tilespmem:s19], [sflag:$0x3] =	stream.linear.gather [hbm4b:s10+s3], $0x400, $0x38;
	[tilespmem:$0x1C280] =	vst v63  }
0xce: {  	s25 =	simm.s32 $0x14680;
	s24 =	sadd.s32 $0xF4280, s10  }
0xcf: {  	[tilespmem:s25], [sflag:$0x3] =	stream.linear.gather [hbm4b:s24+s3], $0x400, $0x38;
	[tilespmem:$0x1C280] =	vst v63  }
0xd0: {  	s14 =	simm.s32 $0x14A80;
	s13 =	sadd.s32 $0x1E8500, s10  }
0xd1: {  	[tilespmem:s14], [sflag:$0x3] =	stream.linear.gather [hbm4b:s13+s3], $0x400, $0x38;
	[tilespmem:$0x1C280] =	vst v63  }
0xd2: {  	s15 =	sadd.s32 $0x2DC780, s10  }
0xd3: {  	[tilespmem:s21], [sflag:$0x3] =	stream.linear.gather [hbm4b:s15+s3], $0x400, $0x38;
	[tilespmem:$0x1C280] =	vst v63  }
0xd4: {  	s19 =	sadd.s32 $0x3D0A00, s10  }
0xd5: {  	[tilespmem:s26], [sflag:$0x3] =	stream.linear.gather [hbm4b:s19+s3], $0x400, $0x38;
	[tilespmem:$0x1C280] =	vst v63  }
0xd6: {  	s24 =	sadd.s32 $0x4C4C80, s10  }
0xd7: {  	[tilespmem:s28], [sflag:$0x3] =	stream.linear.gather [hbm4b:s24+s3], $0x400, $0x38;
	[tilespmem:$0x1C280] =	vst v63  }
0xd8: {  	s25 =	sadd.s32 $0x5B8F00, s10  }
0xd9: {  	[tilespmem:s29], [sflag:$0x3] =	stream.linear.gather [hbm4b:s25+s3], $0x400, $0x38;
	[tilespmem:$0x1C280] =	vst v63  }
0xda: {  	s10 =	sadd.s32 $0x6AD180, s10;
	s11 =	spop (v2sf)  }
0xdb: {  	[tilespmem:s30], [sflag:$0x3] =	stream.linear.gather [hbm4b:s10+s3], $0x400, $0x38;
	[tilespmem:$0x1C280] =	vst v63  }
0xdc: {  	s10 =	sand.u32 $0xFFFFF80, s11  }
0xdd: {  	s10 =	sadd.s32 s1, s10  }
0xde: {  	[tilespmem:s18], [sflag:$0x3] =	stream.linear.gather [hbm4b:s10+s3], $0x400, $0x38;
	[tilespmem:$0x1C280] =	vst v63  }
0xdf: {  	s13 =	sadd.s32 $0xF4280, s10  }
0xe0: {  	[tilespmem:s31], [sflag:$0x3] =	stream.linear.gather [hbm4b:s13+s3], $0x400, $0x38;
	[tilespmem:$0x1C280] =	vst v63  }
0xe1: {  	s14 =	sadd.s32 $0x1E8500, s10  }
0xe2: {  	[tilespmem:s22], [sflag:$0x3] =	stream.linear.gather [hbm4b:s14+s3], $0x400, $0x38;
	[tilespmem:$0x1C280] =	vst v63  }
0xe3: {  	s15 =	sadd.s32 $0x2DC780, s10  }
0xe4: {  	[tilespmem:s0], [sflag:$0x3] =	stream.linear.gather [hbm4b:s15+s3], $0x400, $0x38;
	[tilespmem:$0x1C280] =	vst v63  }
0xe5: {  	s19 =	sadd.s32 $0x3D0A00, s10  }
0xe6: {  	[tilespmem:s23], [sflag:$0x3] =	stream.linear.gather [hbm4b:s19+s3], $0x400, $0x38;
	[tilespmem:$0x1C280] =	vst v63  }
0xe7: {  	s24 =	sadd.s32 $0x4C4C80, s10  }
0xe8: {  	[tilespmem:s2], [sflag:$0x3] =	stream.linear.gather [hbm4b:s24+s3], $0x400, $0x38;
	[tilespmem:$0x1C280] =	vst v63  }
0xe9: {  	s25 =	sadd.s32 $0x5B8F00, s10  }
0xea: {  	[tilespmem:s4], [sflag:$0x3] =	stream.linear.gather [hbm4b:s25+s3], $0x400, $0x38;
	[tilespmem:$0x1C280] =	vst v63  }
0xeb: {  	s10 =	sadd.s32 $0x6AD180, s10;
	s24 =	simm.s32 $0x0  }
0xec: {  	[tilespmem:s5], [sflag:$0x3] =	stream.linear.gather [hbm4b:s10+s3], $0x400, $0x38;
	[tilespmem:$0x1C280] =	vst v63  }
.LBB2_2:
0xed: {  	_ =	swait.ge [sflag:s6], $0x2000  }
0xee: {  	[sflag:s6] =	ssyncset.done $0x0  }
0xef: {  	[sflag:s6] =	ssyncadd.s32 $0xFFFFE000  }
0xf0: {  	_ =	swait.ge [sflag:s6], $0x2000  }
0xf1: {  	[sflag:s6] =	ssyncset.done $0x0  }
0xf2: {  	[sflag:s6] =	ssyncadd.s32 $0xFFFFE000  }
0xf3: {  	_ =	swait.ge [sflag:s6], $0x2000  }
0xf4: {  	[sflag:s6] =	ssyncset.done $0x0  }
0xf5: {  	[sflag:s6] =	ssyncadd.s32 $0xFFFFE000  }
0xf6: {  	_ =	swait.ge [sflag:s6], $0x2000  }
0xf7: {  	s10 =	smul.u32 $0xC, s24;
	[sflag:s6] =	ssyncset.done $0x0  }
0xf8: {  	[sflag:s6] =	ssyncadd.s32 $0xFFFFE000  }
0xf9: {  	v6 =	vld [tilespmem:s10+$0x0];
	_ =	sdelay $0x4  }
0xfa: {  	v6 =	vand.u32 $0x7F, v6  }
0xfb: {  	s11 =	simm.s32 $0x80;
	v6 =	vor.u32 v3, v6  }
0xfc: {  	s14 =	simm.s32 $0x0;
	v9 =	vor.u32 s11, v6  }
0xfd: {  	s13 =	simm.s32 $0x0;
	v10 =	vor.u32 s14, v6  }
0xfe: {  	v11 =	vmov s13;
	v8 =	vadd.s32 s10, v0  }
0xff: {  	v12 =	vshll.u32 v11, $0x9;
	v7 =	vshll.u32 v8, $0x3  }
0x100: {  	v11 =	vshll.u32 v11, $0x7;
	v12 =	vand.u32 $0x3000, v12;
	v7 =	vand.u32 $0x3C00, v7  }
0x101: {  	v11 =	vand.u32 $0x380, v11;
	v12 =	vadd.s32 v7, v12;
	v9 =	vld.idx.msk [tilespmem:v9+s8+$0x0], $0xf  }
0x102: {  	s19 =	simm.s32 $0x2;
	s15 =	simm.s32 $0x180;
	v8 =	vand.u32 $0x7F, v8;
	v11 =	vor.u32 v11, v12;
	v10 =	vld.idx.msk [tilespmem:v10+s8+$0x0], $0xf  }
0x103: {  	s13 =	simm.s32 $0x2;
	v11 =	vor.u32 v8, v11;
	s11 =	simm.s32 $0x1;
	s14 =	simm.s32 $0x100  }
.LBB2_3:
0x104: {  	p0 =	sne.s32 s13, $0x1F;
	v12 =	vor.u32 s15, v6  }
0x105: {  	v13 =	vor.u32 s14, v6;
	_ =	sdelay $0x1  }
0x106: {  	v14 =	vmov s11;
	s11 =	smov.u32 s13;
	v9 =	vpack.i.f32.bf16 v9, v10  }
.Ltmp0:
0x107: {  	v10 =	vshll.u32 v14, $0x9;
	[tilespmem:v11+s7+$0x0] =	vst.idx.msk $0xf, v9;
	(pc) =	sbr.rel @p0 .LBB2_3-.Ltmp0, $4  }
0x108: {  	v11 =	vand.u32 $0x3000, v10;
	v9 =	vld.idx.msk [tilespmem:v12+s8+$0x0], $0xf;
	v12 =	vshll.u32 v14, $0x7  }
0x109: {  	s19 =	sadd.s32 $0x2, s19;
	v11 =	vadd.s32 v7, v11;
	v10 =	vld.idx.msk [tilespmem:v13+s8+$0x0], $0xf;
	v12 =	vand.u32 $0x380, v12  }
0x10a: {  	s14 =	sshll.u32 s19, $0x7;
	v11 =	vor.u32 v12, v11  }
0x10b: {  	s13 =	sadd.s32 $0x1, s13;
	s15 =	sadd.s32 $0x80, s14;
	v11 =	vor.u32 v8, v11  }
0x10c: {  	v12 =	vor.u32 s15, v6  }
0x10d: {  	v6 =	vor.u32 s14, v6  }
0x10e: {  	v13 =	vmov s11  }
0x10f: {  	v9 =	vpack.i.f32.bf16 v9, v10;
	v10 =	vshll.u32 v13, $0x9  }
0x110: {  	[tilespmem:v11+s7+$0x0] =	vst.idx.msk $0xf, v9;
	v9 =	vand.u32 $0x3000, v10;
	v10 =	vshll.u32 v13, $0x7  }
0x111: {  	v7 =	vadd.s32 v7, v9;
	v9 =	vand.u32 $0x380, v10;
	v11 =	vld.idx.msk [tilespmem:v12+s8+$0x0], $0xf  }
0x112: {  	v6 =	vld.idx.msk [tilespmem:v6+s8+$0x0], $0xf;
	v7 =	vor.u32 v9, v7  }
0x113: {  	v7 =	vor.u32 v8, v7;
	_ =	sdelay $0x2  }
0x114: {  	s13 =	smul.u32 $0x30, s24  }
0x115: {  	v6 =	vpack.i.f32.bf16 v11, v6  }
0x116: {  	s19 =	sshra.s32 s13, $0x2;
	[tilespmem:v7+s7+$0x0] =	vst.idx.msk $0xf, v6  }
0x117: {  	v6 =	vld [tilespmem:s19+$0xC];
	_ =	sdelay $0x4  }
0x118: {  	(v2sf) =	vpush v6, $0x0;
	_ =	sdelay $0xe  }
0x119: {  	s14 =	spop (v2sf)  }
0x11a: {  	(v2sf) =	vpush v6, $0x1;
	s11 =	sand.u32 $0xFFFFF80, s14  }
0x11b: {  	s13 =	sadd.s32 s1, s11;
	s11 =	simm.s32 $0x0  }
0x11c: {  	[tilespmem:s8], [sflag:$0x1] =	stream.linear.gather [hbm4b:s13+s11], $0x400, $0x38;
	[tilespmem:$0x1C280] =	vst v63  }
0x11d: {  	s25 =	simm.s32 $0x680;
	s15 =	sadd.s32 $0xF4280, s13  }
0x11e: {  	[tilespmem:s25], [sflag:$0x1] =	stream.linear.gather [hbm4b:s15+s11], $0x400, $0x38;
	[tilespmem:$0x1C280] =	vst v63  }
0x11f: {  	s15 =	sadd.s32 $0x1E8500, s13;
	s25 =	simm.s32 $0xA80  }
0x120: {  	[tilespmem:s25], [sflag:$0x1] =	stream.linear.gather [hbm4b:s15+s11], $0x400, $0x38;
	[tilespmem:$0x1C280] =	vst v63  }
0x121: {  	s15 =	sadd.s32 $0x2DC780, s13;
	s25 =	simm.s32 $0xE80  }
0x122: {  	[tilespmem:s25], [sflag:$0x1] =	stream.linear.gather [hbm4b:s15+s11], $0x400, $0x38;
	[tilespmem:$0x1C280] =	vst v63  }
0x123: {  	s15 =	sadd.s32 $0x3D0A00, s13;
	s25 =	simm.s32 $0x1280  }
0x124: {  	[tilespmem:s25], [sflag:$0x1] =	stream.linear.gather [hbm4b:s15+s11], $0x400, $0x38;
	[tilespmem:$0x1C280] =	vst v63  }
0x125: {  	s15 =	sadd.s32 $0x4C4C80, s13;
	s25 =	simm.s32 $0x1680  }
0x126: {  	[tilespmem:s25], [sflag:$0x1] =	stream.linear.gather [hbm4b:s15+s11], $0x400, $0x38;
	[tilespmem:$0x1C280] =	vst v63  }
0x127: {  	s15 =	sadd.s32 $0x5B8F00, s13;
	s25 =	simm.s32 $0x1A80  }
0x128: {  	[tilespmem:s25], [sflag:$0x1] =	stream.linear.gather [hbm4b:s15+s11], $0x400, $0x38;
	[tilespmem:$0x1C280] =	vst v63  }
0x129: {  	s13 =	sadd.s32 $0x6AD180, s13;
	s25 =	simm.s32 $0x1E80;
	s15 =	spop (v2sf)  }
0x12a: {  	[tilespmem:s25], [sflag:$0x1] =	stream.linear.gather [hbm4b:s13+s11], $0x400, $0x38;
	[tilespmem:$0x1C280] =	vst v63  }
0x12b: {  	(v2sf) =	vpush v6, $0x2;
	s13 =	sand.u32 $0xFFFFF80, s15  }
0x12c: {  	s25 =	simm.s32 $0x2280;
	s13 =	sadd.s32 s1, s13  }
0x12d: {  	[tilespmem:s25], [sflag:$0x1] =	stream.linear.gather [hbm4b:s13+s11], $0x400, $0x38;
	[tilespmem:$0x1C280] =	vst v63  }
0x12e: {  	s15 =	sadd.s32 $0xF4280, s13;
	s25 =	simm.s32 $0x2680  }
0x12f: {  	[tilespmem:s25], [sflag:$0x1] =	stream.linear.gather [hbm4b:s15+s11], $0x400, $0x38;
	[tilespmem:$0x1C280] =	vst v63  }
0x130: {  	s15 =	sadd.s32 $0x1E8500, s13;
	s25 =	simm.s32 $0x2A80  }
0x131: {  	[tilespmem:s25], [sflag:$0x1] =	stream.linear.gather [hbm4b:s15+s11], $0x400, $0x38;
	[tilespmem:$0x1C280] =	vst v63  }
0x132: {  	s15 =	sadd.s32 $0x2DC780, s13;
	s25 =	simm.s32 $0x2E80  }
0x133: {  	[tilespmem:s25], [sflag:$0x1] =	stream.linear.gather [hbm4b:s15+s11], $0x400, $0x38;
	[tilespmem:$0x1C280] =	vst v63  }
0x134: {  	s15 =	sadd.s32 $0x3D0A00, s13;
	s25 =	simm.s32 $0x3280  }
0x135: {  	[tilespmem:s25], [sflag:$0x1] =	stream.linear.gather [hbm4b:s15+s11], $0x400, $0x38;
	[tilespmem:$0x1C280] =	vst v63  }
0x136: {  	s15 =	sadd.s32 $0x4C4C80, s13;
	s25 =	simm.s32 $0x3680  }
0x137: {  	[tilespmem:s25], [sflag:$0x1] =	stream.linear.gather [hbm4b:s15+s11], $0x400, $0x38;
	[tilespmem:$0x1C280] =	vst v63  }
0x138: {  	s15 =	sadd.s32 $0x5B8F00, s13;
	s25 =	simm.s32 $0x3A80  }
0x139: {  	[tilespmem:s25], [sflag:$0x1] =	stream.linear.gather [hbm4b:s15+s11], $0x400, $0x38;
	[tilespmem:$0x1C280] =	vst v63  }
0x13a: {  	s13 =	sadd.s32 $0x6AD180, s13;
	s25 =	simm.s32 $0x3E80;
	s15 =	spop (v2sf)  }
0x13b: {  	[tilespmem:s25], [sflag:$0x1] =	stream.linear.gather [hbm4b:s13+s11], $0x400, $0x38;
	[tilespmem:$0x1C280] =	vst v63  }
0x13c: {  	(v2sf) =	vpush v6, $0x3;
	s13 =	sand.u32 $0xFFFFF80, s15  }
0x13d: {  	s25 =	simm.s32 $0x4280;
	s13 =	sadd.s32 s1, s13  }
0x13e: {  	[tilespmem:s25], [sflag:$0x1] =	stream.linear.gather [hbm4b:s13+s11], $0x400, $0x38;
	[tilespmem:$0x1C280] =	vst v63  }
0x13f: {  	s15 =	sadd.s32 $0xF4280, s13;
	s25 =	simm.s32 $0x4680  }
0x140: {  	[tilespmem:s25], [sflag:$0x1] =	stream.linear.gather [hbm4b:s15+s11], $0x400, $0x38;
	[tilespmem:$0x1C280] =	vst v63  }
0x141: {  	s15 =	sadd.s32 $0x1E8500, s13;
	s25 =	simm.s32 $0x4A80  }
0x142: {  	[tilespmem:s25], [sflag:$0x1] =	stream.linear.gather [hbm4b:s15+s11], $0x400, $0x38;
	[tilespmem:$0x1C280] =	vst v63  }
0x143: {  	s15 =	sadd.s32 $0x2DC780, s13;
	s25 =	simm.s32 $0x4E80  }
0x144: {  	[tilespmem:s25], [sflag:$0x1] =	stream.linear.gather [hbm4b:s15+s11], $0x400, $0x38;
	[tilespmem:$0x1C280] =	vst v63  }
0x145: {  	s15 =	sadd.s32 $0x3D0A00, s13;
	s25 =	simm.s32 $0x5280  }
0x146: {  	[tilespmem:s25], [sflag:$0x1] =	stream.linear.gather [hbm4b:s15+s11], $0x400, $0x38;
	[tilespmem:$0x1C280] =	vst v63  }
0x147: {  	s15 =	sadd.s32 $0x4C4C80, s13;
	s25 =	simm.s32 $0x5680  }
0x148: {  	[tilespmem:s25], [sflag:$0x1] =	stream.linear.gather [hbm4b:s15+s11], $0x400, $0x38;
	[tilespmem:$0x1C280] =	vst v63  }
0x149: {  	s15 =	sadd.s32 $0x5B8F00, s13;
	s25 =	simm.s32 $0x5A80  }
0x14a: {  	[tilespmem:s25], [sflag:$0x1] =	stream.linear.gather [hbm4b:s15+s11], $0x400, $0x38;
	[tilespmem:$0x1C280] =	vst v63  }
0x14b: {  	s13 =	sadd.s32 $0x6AD180, s13;
	s25 =	simm.s32 $0x5E80;
	s15 =	spop (v2sf)  }
0x14c: {  	[tilespmem:s25], [sflag:$0x1] =	stream.linear.gather [hbm4b:s13+s11], $0x400, $0x38;
	[tilespmem:$0x1C280] =	vst v63  }
0x14d: {  	s13 =	sand.u32 $0xFFFFF80, s15  }
0x14e: {  	s25 =	simm.s32 $0x6280;
	s13 =	sadd.s32 s1, s13  }
0x14f: {  	[tilespmem:s25], [sflag:$0x1] =	stream.linear.gather [hbm4b:s13+s11], $0x400, $0x38;
	[tilespmem:$0x1C280] =	vst v63  }
0x150: {  	s15 =	sadd.s32 $0xF4280, s13;
	s25 =	simm.s32 $0x6680  }
0x151: {  	[tilespmem:s25], [sflag:$0x1] =	stream.linear.gather [hbm4b:s15+s11], $0x400, $0x38;
	[tilespmem:$0x1C280] =	vst v63  }
0x152: {  	s15 =	sadd.s32 $0x1E8500, s13;
	s25 =	simm.s32 $0x6A80  }
0x153: {  	[tilespmem:s25], [sflag:$0x1] =	stream.linear.gather [hbm4b:s15+s11], $0x400, $0x38;
	[tilespmem:$0x1C280] =	vst v63  }
0x154: {  	s15 =	sadd.s32 $0x2DC780, s13;
	s25 =	simm.s32 $0x6E80  }
0x155: {  	[tilespmem:s25], [sflag:$0x1] =	stream.linear.gather [hbm4b:s15+s11], $0x400, $0x38;
	[tilespmem:$0x1C280] =	vst v63  }
0x156: {  	s15 =	sadd.s32 $0x3D0A00, s13;
	s25 =	simm.s32 $0x7280  }
0x157: {  	[tilespmem:s25], [sflag:$0x1] =	stream.linear.gather [hbm4b:s15+s11], $0x400, $0x38;
	[tilespmem:$0x1C280] =	vst v63  }
0x158: {  	s15 =	sadd.s32 $0x4C4C80, s13;
	s25 =	simm.s32 $0x7680  }
0x159: {  	[tilespmem:s25], [sflag:$0x1] =	stream.linear.gather [hbm4b:s15+s11], $0x400, $0x38;
	[tilespmem:$0x1C280] =	vst v63  }
0x15a: {  	s15 =	sadd.s32 $0x5B8F00, s13;
	s25 =	simm.s32 $0x7A80  }
0x15b: {  	[tilespmem:s25], [sflag:$0x1] =	stream.linear.gather [hbm4b:s15+s11], $0x400, $0x38;
	[tilespmem:$0x1C280] =	vst v63  }
0x15c: {  	s13 =	sadd.s32 $0x6AD180, s13;
	s25 =	simm.s32 $0x7E80  }
0x15d: {  	[tilespmem:s25], [sflag:$0x1] =	stream.linear.gather [hbm4b:s13+s11], $0x400, $0x38;
	[tilespmem:$0x1C280] =	vst v63  }
0x15e: {  	_ =	swait.ge [sflag:s20], $0x2000  }
0x15f: {  	[sflag:s20] =	ssyncset.done $0x0  }
0x160: {  	[sflag:s20] =	ssyncadd.s32 $0xFFFFE000  }
0x161: {  	_ =	swait.ge [sflag:s20], $0x2000  }
0x162: {  	[sflag:s20] =	ssyncset.done $0x0  }
0x163: {  	[sflag:s20] =	ssyncadd.s32 $0xFFFFE000  }
0x164: {  	_ =	swait.ge [sflag:s20], $0x2000  }
0x165: {  	[sflag:s20] =	ssyncset.done $0x0  }
0x166: {  	[sflag:s20] =	ssyncadd.s32 $0xFFFFE000  }
0x167: {  	_ =	swait.ge [sflag:s20], $0x2000  }
0x168: {  	[sflag:s20] =	ssyncset.done $0x0  }
0x169: {  	[sflag:s20] =	ssyncadd.s32 $0xFFFFE000  }
0x16a: {  	v6 =	vld [tilespmem:s10+$0x4];
	_ =	sdelay $0x4  }
0x16b: {  	v6 =	vand.u32 $0x7F, v6  }
0x16c: {  	s14 =	simm.s32 $0x80;
	v6 =	vor.u32 v3, v6  }
0x16d: {  	s25 =	simm.s32 $0x0;
	v9 =	vor.u32 s14, v6  }
0x16e: {  	s15 =	sadd.s32 $0x4, s10;
	v10 =	vor.u32 s25, v6  }
0x16f: {  	v11 =	vmov s11;
	v8 =	vadd.s32 s15, v0  }
0x170: {  	v63 =	vshll.u32 v11, $0x9;
	v7 =	vshll.u32 v8, $0x3  }
0x171: {  	v11 =	vshll.u32 v11, $0x7;
	v12 =	vand.u32 $0x3000, v63;
	v7 =	vand.u32 $0x7FFFFC00, v7  }
0x172: {  	v11 =	vand.u32 $0x380, v11;
	v12 =	vadd.s32 v7, v12;
	v9 =	vld.idx.msk [tilespmem:v9+s12+$0x0], $0xf  }
0x173: {  	s15 =	simm.s32 $0x100;
	v8 =	vand.u32 $0x7F, v8;
	s11 =	simm.s32 $0x1;
	v11 =	vor.u32 v11, v12;
	v10 =	vld.idx.msk [tilespmem:v10+s12+$0x0], $0xf  }
0x174: {  	s13 =	simm.s32 $0x2;
	v11 =	vor.u32 v8, v11;
	s25 =	simm.s32 $0x180;
	s14 =	simm.s32 $0x2  }
.LBB2_5:
0x175: {  	p0 =	sne.s32 s14, $0x1F;
	v12 =	vor.u32 s25, v6  }
0x176: {  	v13 =	vor.u32 s15, v6;
	_ =	sdelay $0x1  }
0x177: {  	v14 =	vmov s11;
	s11 =	smov.u32 s14;
	v9 =	vpack.i.f32.bf16 v9, v10  }
.Ltmp1:
0x178: {  	v10 =	vshll.u32 v14, $0x9;
	[tilespmem:v11+s7+$0x0] =	vst.idx.msk $0xf, v9;
	(pc) =	sbr.rel @p0 .LBB2_5-.Ltmp1, $4  }
0x179: {  	v11 =	vand.u32 $0x3000, v10;
	v9 =	vld.idx.msk [tilespmem:v12+s12+$0x0], $0xf;
	v12 =	vshll.u32 v14, $0x7  }
0x17a: {  	s13 =	sadd.s32 $0x2, s13;
	v11 =	vadd.s32 v7, v11;
	v10 =	vld.idx.msk [tilespmem:v13+s12+$0x0], $0xf;
	v12 =	vand.u32 $0x380, v12  }
0x17b: {  	s15 =	sshll.u32 s13, $0x7;
	v11 =	vor.u32 v12, v11  }
0x17c: {  	s14 =	sadd.s32 $0x1, s14;
	s25 =	sadd.s32 $0x80, s15;
	v11 =	vor.u32 v8, v11  }
0x17d: {  	v12 =	vor.u32 s25, v6  }
0x17e: {  	v6 =	vor.u32 s15, v6  }
0x17f: {  	v13 =	vmov s11  }
0x180: {  	v9 =	vpack.i.f32.bf16 v9, v10;
	v10 =	vshll.u32 v13, $0x9  }
0x181: {  	[tilespmem:v11+s7+$0x0] =	vst.idx.msk $0xf, v9;
	v9 =	vand.u32 $0x3000, v10;
	v10 =	vshll.u32 v13, $0x7  }
0x182: {  	v7 =	vadd.s32 v7, v9;
	v9 =	vand.u32 $0x380, v10;
	v11 =	vld.idx.msk [tilespmem:v12+s12+$0x0], $0xf  }
0x183: {  	v6 =	vld.idx.msk [tilespmem:v6+s12+$0x0], $0xf;
	v7 =	vor.u32 v9, v7  }
0x184: {  	v7 =	vor.u32 v8, v7;
	_ =	sdelay $0x3  }
0x185: {  	v6 =	vpack.i.f32.bf16 v11, v6  }
0x186: {  	[tilespmem:v7+s7+$0x0] =	vst.idx.msk $0xf, v6  }
0x187: {  	v6 =	vld [tilespmem:s19+$0x10];
	_ =	sdelay $0x4  }
0x188: {  	(v2sf) =	vpush v6, $0x0;
	_ =	sdelay $0xe  }
0x189: {  	s15 =	spop (v2sf)  }
0x18a: {  	(v2sf) =	vpush v6, $0x1;
	s11 =	sand.u32 $0xFFFFF80, s15  }
0x18b: {  	s13 =	sadd.s32 s1, s11;
	s11 =	simm.s32 $0x0  }
0x18c: {  	[tilespmem:s12], [sflag:$0x2] =	stream.linear.gather [hbm4b:s13+s11], $0x400, $0x38;
	[tilespmem:$0x1C280] =	vst v63  }
0x18d: {  	s25 =	simm.s32 $0x8680;
	s14 =	sadd.s32 $0xF4280, s13  }
0x18e: {  	[tilespmem:s25], [sflag:$0x2] =	stream.linear.gather [hbm4b:s14+s11], $0x400, $0x38;
	[tilespmem:$0x1C280] =	vst v63  }
0x18f: {  	s15 =	sadd.s32 $0x1E8500, s13;
	s25 =	simm.s32 $0x8A80  }
0x190: {  	[tilespmem:s25], [sflag:$0x2] =	stream.linear.gather [hbm4b:s15+s11], $0x400, $0x38;
	[tilespmem:$0x1C280] =	vst v63  }
0x191: {  	s15 =	sadd.s32 $0x2DC780, s13;
	s25 =	simm.s32 $0x8E80  }
0x192: {  	[tilespmem:s25], [sflag:$0x2] =	stream.linear.gather [hbm4b:s15+s11], $0x400, $0x38;
	[tilespmem:$0x1C280] =	vst v63  }
0x193: {  	s15 =	sadd.s32 $0x3D0A00, s13;
	s25 =	simm.s32 $0x9280  }
0x194: {  	[tilespmem:s25], [sflag:$0x2] =	stream.linear.gather [hbm4b:s15+s11], $0x400, $0x38;
	[tilespmem:$0x1C280] =	vst v63  }
0x195: {  	s15 =	sadd.s32 $0x4C4C80, s13;
	s25 =	simm.s32 $0x9680  }
0x196: {  	[tilespmem:s25], [sflag:$0x2] =	stream.linear.gather [hbm4b:s15+s11], $0x400, $0x38;
	[tilespmem:$0x1C280] =	vst v63  }
0x197: {  	s15 =	sadd.s32 $0x5B8F00, s13;
	s25 =	simm.s32 $0x9A80  }
0x198: {  	[tilespmem:s25], [sflag:$0x2] =	stream.linear.gather [hbm4b:s15+s11], $0x400, $0x38;
	[tilespmem:$0x1C280] =	vst v63  }
0x199: {  	s13 =	sadd.s32 $0x6AD180, s13;
	s25 =	simm.s32 $0x9E80;
	s15 =	spop (v2sf)  }
0x19a: {  	[tilespmem:s25], [sflag:$0x2] =	stream.linear.gather [hbm4b:s13+s11], $0x400, $0x38;
	[tilespmem:$0x1C280] =	vst v63  }
0x19b: {  	(v2sf) =	vpush v6, $0x2;
	s13 =	sand.u32 $0xFFFFF80, s15  }
0x19c: {  	s25 =	simm.s32 $0xA280;
	s13 =	sadd.s32 s1, s13  }
0x19d: {  	[tilespmem:s25], [sflag:$0x2] =	stream.linear.gather [hbm4b:s13+s11], $0x400, $0x38;
	[tilespmem:$0x1C280] =	vst v63  }
0x19e: {  	s15 =	sadd.s32 $0xF4280, s13;
	s25 =	simm.s32 $0xA680  }
0x19f: {  	[tilespmem:s25], [sflag:$0x2] =	stream.linear.gather [hbm4b:s15+s11], $0x400, $0x38;
	[tilespmem:$0x1C280] =	vst v63  }
0x1a0: {  	s15 =	sadd.s32 $0x1E8500, s13;
	s25 =	simm.s32 $0xAA80  }
0x1a1: {  	[tilespmem:s25], [sflag:$0x2] =	stream.linear.gather [hbm4b:s15+s11], $0x400, $0x38;
	[tilespmem:$0x1C280] =	vst v63  }
0x1a2: {  	s15 =	sadd.s32 $0x2DC780, s13;
	s25 =	simm.s32 $0xAE80  }
0x1a3: {  	[tilespmem:s25], [sflag:$0x2] =	stream.linear.gather [hbm4b:s15+s11], $0x400, $0x38;
	[tilespmem:$0x1C280] =	vst v63  }
0x1a4: {  	s15 =	sadd.s32 $0x3D0A00, s13;
	s25 =	simm.s32 $0xB280  }
0x1a5: {  	[tilespmem:s25], [sflag:$0x2] =	stream.linear.gather [hbm4b:s15+s11], $0x400, $0x38;
	[tilespmem:$0x1C280] =	vst v63  }
0x1a6: {  	s15 =	sadd.s32 $0x4C4C80, s13;
	s25 =	simm.s32 $0xB680  }
0x1a7: {  	[tilespmem:s25], [sflag:$0x2] =	stream.linear.gather [hbm4b:s15+s11], $0x400, $0x38;
	[tilespmem:$0x1C280] =	vst v63  }
0x1a8: {  	s15 =	sadd.s32 $0x5B8F00, s13;
	s25 =	simm.s32 $0xBA80  }
0x1a9: {  	[tilespmem:s25], [sflag:$0x2] =	stream.linear.gather [hbm4b:s15+s11], $0x400, $0x38;
	[tilespmem:$0x1C280] =	vst v63  }
0x1aa: {  	s13 =	sadd.s32 $0x6AD180, s13;
	s25 =	simm.s32 $0xBE80;
	s15 =	spop (v2sf)  }
0x1ab: {  	[tilespmem:s25], [sflag:$0x2] =	stream.linear.gather [hbm4b:s13+s11], $0x400, $0x38;
	[tilespmem:$0x1C280] =	vst v63  }
0x1ac: {  	(v2sf) =	vpush v6, $0x3;
	s13 =	sand.u32 $0xFFFFF80, s15  }
0x1ad: {  	s25 =	simm.s32 $0xC280;
	s13 =	sadd.s32 s1, s13  }
0x1ae: {  	[tilespmem:s25], [sflag:$0x2] =	stream.linear.gather [hbm4b:s13+s11], $0x400, $0x38;
	[tilespmem:$0x1C280] =	vst v63  }
0x1af: {  	s15 =	sadd.s32 $0xF4280, s13;
	s25 =	simm.s32 $0xC680  }
0x1b0: {  	[tilespmem:s25], [sflag:$0x2] =	stream.linear.gather [hbm4b:s15+s11], $0x400, $0x38;
	[tilespmem:$0x1C280] =	vst v63  }
0x1b1: {  	s15 =	sadd.s32 $0x1E8500, s13;
	s25 =	simm.s32 $0xCA80  }
0x1b2: {  	[tilespmem:s25], [sflag:$0x2] =	stream.linear.gather [hbm4b:s15+s11], $0x400, $0x38;
	[tilespmem:$0x1C280] =	vst v63  }
0x1b3: {  	s15 =	sadd.s32 $0x2DC780, s13;
	s25 =	simm.s32 $0xCE80  }
0x1b4: {  	[tilespmem:s25], [sflag:$0x2] =	stream.linear.gather [hbm4b:s15+s11], $0x400, $0x38;
	[tilespmem:$0x1C280] =	vst v63  }
0x1b5: {  	s15 =	sadd.s32 $0x3D0A00, s13;
	s25 =	simm.s32 $0xD280  }
0x1b6: {  	[tilespmem:s25], [sflag:$0x2] =	stream.linear.gather [hbm4b:s15+s11], $0x400, $0x38;
	[tilespmem:$0x1C280] =	vst v63  }
0x1b7: {  	s15 =	sadd.s32 $0x4C4C80, s13;
	s25 =	simm.s32 $0xD680  }
0x1b8: {  	[tilespmem:s25], [sflag:$0x2] =	stream.linear.gather [hbm4b:s15+s11], $0x400, $0x38;
	[tilespmem:$0x1C280] =	vst v63  }
0x1b9: {  	s15 =	sadd.s32 $0x5B8F00, s13;
	s25 =	simm.s32 $0xDA80  }
0x1ba: {  	[tilespmem:s25], [sflag:$0x2] =	stream.linear.gather [hbm4b:s15+s11], $0x400, $0x38;
	[tilespmem:$0x1C280] =	vst v63  }
0x1bb: {  	s13 =	sadd.s32 $0x6AD180, s13;
	s25 =	simm.s32 $0xDE80;
	s15 =	spop (v2sf)  }
0x1bc: {  	[tilespmem:s25], [sflag:$0x2] =	stream.linear.gather [hbm4b:s13+s11], $0x400, $0x38;
	[tilespmem:$0x1C280] =	vst v63  }
0x1bd: {  	s13 =	sand.u32 $0xFFFFF80, s15  }
0x1be: {  	s25 =	simm.s32 $0xE280;
	s13 =	sadd.s32 s1, s13  }
0x1bf: {  	[tilespmem:s25], [sflag:$0x2] =	stream.linear.gather [hbm4b:s13+s11], $0x400, $0x38;
	[tilespmem:$0x1C280] =	vst v63  }
0x1c0: {  	s15 =	sadd.s32 $0xF4280, s13;
	s25 =	simm.s32 $0xE680  }
0x1c1: {  	[tilespmem:s25], [sflag:$0x2] =	stream.linear.gather [hbm4b:s15+s11], $0x400, $0x38;
	[tilespmem:$0x1C280] =	vst v63  }
0x1c2: {  	s15 =	sadd.s32 $0x1E8500, s13;
	s25 =	simm.s32 $0xEA80  }
0x1c3: {  	[tilespmem:s25], [sflag:$0x2] =	stream.linear.gather [hbm4b:s15+s11], $0x400, $0x38;
	[tilespmem:$0x1C280] =	vst v63  }
0x1c4: {  	s15 =	sadd.s32 $0x2DC780, s13;
	s25 =	simm.s32 $0xEE80  }
0x1c5: {  	[tilespmem:s25], [sflag:$0x2] =	stream.linear.gather [hbm4b:s15+s11], $0x400, $0x38;
	[tilespmem:$0x1C280] =	vst v63  }
0x1c6: {  	s15 =	sadd.s32 $0x3D0A00, s13;
	s25 =	simm.s32 $0xF280  }
0x1c7: {  	[tilespmem:s25], [sflag:$0x2] =	stream.linear.gather [hbm4b:s15+s11], $0x400, $0x38;
	[tilespmem:$0x1C280] =	vst v63  }
0x1c8: {  	s15 =	sadd.s32 $0x4C4C80, s13;
	s25 =	simm.s32 $0xF680  }
0x1c9: {  	[tilespmem:s25], [sflag:$0x2] =	stream.linear.gather [hbm4b:s15+s11], $0x400, $0x38;
	[tilespmem:$0x1C280] =	vst v63  }
0x1ca: {  	s15 =	sadd.s32 $0x5B8F00, s13;
	s25 =	simm.s32 $0xFA80  }
0x1cb: {  	[tilespmem:s25], [sflag:$0x2] =	stream.linear.gather [hbm4b:s15+s11], $0x400, $0x38;
	[tilespmem:$0x1C280] =	vst v63  }
0x1cc: {  	s13 =	sadd.s32 $0x6AD180, s13  }
0x1cd: {  	[tilespmem:s16], [sflag:$0x2] =	stream.linear.gather [hbm4b:s13+s11], $0x400, $0x38;
	[tilespmem:$0x1C280] =	vst v63  }
0x1ce: {  	_ =	swait.ge [sflag:s9], $0x2000  }
0x1cf: {  	[sflag:s9] =	ssyncset.done $0x0  }
0x1d0: {  	[sflag:s9] =	ssyncadd.s32 $0xFFFFE000  }
0x1d1: {  	_ =	swait.ge [sflag:s9], $0x2000  }
0x1d2: {  	[sflag:s9] =	ssyncset.done $0x0  }
0x1d3: {  	[sflag:s9] =	ssyncadd.s32 $0xFFFFE000  }
0x1d4: {  	_ =	swait.ge [sflag:s9], $0x2000  }
0x1d5: {  	[sflag:s9] =	ssyncset.done $0x0  }
0x1d6: {  	[sflag:s9] =	ssyncadd.s32 $0xFFFFE000  }
0x1d7: {  	_ =	swait.ge [sflag:s9], $0x2000  }
0x1d8: {  	[sflag:s9] =	ssyncset.done $0x0  }
0x1d9: {  	[sflag:s9] =	ssyncadd.s32 $0xFFFFE000  }
0x1da: {  	v6 =	vld [tilespmem:s10+$0x8];
	_ =	sdelay $0x4  }
0x1db: {  	v6 =	vand.u32 $0x7F, v6  }
0x1dc: {  	s14 =	simm.s32 $0x80;
	v6 =	vor.u32 v3, v6  }
0x1dd: {  	s25 =	simm.s32 $0x0;
	v9 =	vor.u32 s14, v6  }
0x1de: {  	s15 =	sadd.s32 $0x8, s10;
	v10 =	vor.u32 s25, v6  }
0x1df: {  	v11 =	vmov s11;
	v8 =	vadd.s32 s15, v0  }
0x1e0: {  	v63 =	vshll.u32 v11, $0x9;
	v7 =	vshll.u32 v8, $0x3  }
0x1e1: {  	v11 =	vshll.u32 v11, $0x7;
	v12 =	vand.u32 $0x3000, v63;
	v7 =	vand.u32 $0x7FFFFC00, v7  }
0x1e2: {  	v11 =	vand.u32 $0x380, v11;
	v12 =	vadd.s32 v7, v12;
	v9 =	vld.idx.msk [tilespmem:v9+s17+$0x0], $0xf  }
0x1e3: {  	s15 =	simm.s32 $0x180;
	v8 =	vand.u32 $0x7F, v8;
	s11 =	simm.s32 $0x2;
	v11 =	vor.u32 v11, v12;
	v10 =	vld.idx.msk [tilespmem:v10+s17+$0x0], $0xf  }
0x1e4: {  	s13 =	simm.s32 $0x2;
	v11 =	vor.u32 v8, v11;
	s10 =	simm.s32 $0x1;
	s14 =	simm.s32 $0x100  }
.LBB2_7:
0x1e5: {  	p0 =	sne.s32 s13, $0x1F;
	v12 =	vor.u32 s15, v6  }
0x1e6: {  	v13 =	vor.u32 s14, v6;
	_ =	sdelay $0x1  }
0x1e7: {  	v14 =	vmov s10;
	s10 =	smov.u32 s13;
	v9 =	vpack.i.f32.bf16 v9, v10  }
.Ltmp2:
0x1e8: {  	v10 =	vshll.u32 v14, $0x9;
	[tilespmem:v11+s7+$0x0] =	vst.idx.msk $0xf, v9;
	(pc) =	sbr.rel @p0 .LBB2_7-.Ltmp2, $4  }
0x1e9: {  	v11 =	vand.u32 $0x3000, v10;
	v9 =	vld.idx.msk [tilespmem:v12+s17+$0x0], $0xf;
	v12 =	vshll.u32 v14, $0x7  }
0x1ea: {  	s11 =	sadd.s32 $0x2, s11;
	v11 =	vadd.s32 v7, v11;
	v10 =	vld.idx.msk [tilespmem:v13+s17+$0x0], $0xf;
	v12 =	vand.u32 $0x380, v12  }
0x1eb: {  	s14 =	sshll.u32 s11, $0x7;
	v11 =	vor.u32 v12, v11  }
0x1ec: {  	s13 =	sadd.s32 $0x1, s13;
	s15 =	sadd.s32 $0x80, s14;
	v11 =	vor.u32 v8, v11  }
0x1ed: {  	v12 =	vor.u32 s15, v6  }
0x1ee: {  	v6 =	vor.u32 s14, v6  }
0x1ef: {  	v13 =	vmov s10  }
0x1f0: {  	v60 =	vshll.u32 v13, $0x9;
	v9 =	vpack.i.f32.bf16 v9, v10  }
0x1f1: {  	v62 =	vshll.u32 v13, $0x7;
	v61 =	vand.u32 $0x3000, v60;
	[tilespmem:v11+s7+$0x0] =	vst.idx.msk $0xf, v9  }
0x1f2: {  	v63 =	vand.u32 $0x380, v62;
	v7 =	vadd.s32 v7, v61;
	v11 =	vld.idx.msk [tilespmem:v12+s17+$0x0], $0xf  }
0x1f3: {  	v7 =	vor.u32 v63, v7;
	v6 =	vld.idx.msk [tilespmem:v6+s17+$0x0], $0xf  }
0x1f4: {  	p0 =	seq.s32 s24, $0x29;
	v7 =	vor.u32 v8, v7  }
.Ltmp3:
0x1f5: {  	_ = 	snop;
	(pc) =	sbr.rel @p0 .LBB2_10-.Ltmp3, $3  }
0x1f6: {  	_ =	sdelay $0x1  }
0x1f7: {  	v6 =	vpack.i.f32.bf16 v11, v6  }
0x1f8: {  	[tilespmem:v7+s7+$0x0] =	vst.idx.msk $0xf, v6  }
0x1f9: {  	v6 =	vld [tilespmem:s19+$0x14];
	_ =	sdelay $0x4  }
0x1fa: {  	(v2sf) =	vpush v6, $0x0;
	_ =	sdelay $0xe  }
0x1fb: {  	s10 =	spop (v2sf)  }
0x1fc: {  	(v2sf) =	vpush v6, $0x1;
	s10 =	sand.u32 $0xFFFFF80, s10  }
0x1fd: {  	s10 =	sadd.s32 s1, s10  }
0x1fe: {  	[tilespmem:s17], [sflag:$0x3] =	stream.linear.gather [hbm4b:s10+s3], $0x400, $0x38;
	[tilespmem:$0x1C280] =	vst v63  }
0x1ff: {  	s13 =	simm.s32 $0x10680;
	s11 =	sadd.s32 $0xF4280, s10  }
0x200: {  	[tilespmem:s13], [sflag:$0x3] =	stream.linear.gather [hbm4b:s11+s3], $0x400, $0x38;
	[tilespmem:$0x1C280] =	vst v63  }
0x201: {  	s25 =	simm.s32 $0x10A80;
	s19 =	sadd.s32 $0x1E8500, s10  }
0x202: {  	[tilespmem:s25], [sflag:$0x3] =	stream.linear.gather [hbm4b:s19+s3], $0x400, $0x38;
	[tilespmem:$0x1C280] =	vst v63  }
0x203: {  	s15 =	simm.s32 $0x10E80;
	s14 =	sadd.s32 $0x2DC780, s10  }
0x204: {  	[tilespmem:s15], [sflag:$0x3] =	stream.linear.gather [hbm4b:s14+s3], $0x400, $0x38;
	[tilespmem:$0x1C280] =	vst v63  }
0x205: {  	s19 =	sadd.s32 $0x3D0A00, s10;
	s25 =	simm.s32 $0x11280  }
0x206: {  	[tilespmem:s25], [sflag:$0x3] =	stream.linear.gather [hbm4b:s19+s3], $0x400, $0x38;
	[tilespmem:$0x1C280] =	vst v63  }
0x207: {  	s14 =	sadd.s32 $0x4C4C80, s10;
	s15 =	simm.s32 $0x11680  }
0x208: {  	[tilespmem:s15], [sflag:$0x3] =	stream.linear.gather [hbm4b:s14+s3], $0x400, $0x38;
	[tilespmem:$0x1C280] =	vst v63  }
0x209: {  	s19 =	sadd.s32 $0x5B8F00, s10;
	s25 =	simm.s32 $0x11A80  }
0x20a: {  	[tilespmem:s25], [sflag:$0x3] =	stream.linear.gather [hbm4b:s19+s3], $0x400, $0x38;
	[tilespmem:$0x1C280] =	vst v63  }
0x20b: {  	s13 =	simm.s32 $0x11E80;
	s10 =	sadd.s32 $0x6AD180, s10;
	s14 =	spop (v2sf)  }
0x20c: {  	[tilespmem:s13], [sflag:$0x3] =	stream.linear.gather [hbm4b:s10+s3], $0x400, $0x38;
	[tilespmem:$0x1C280] =	vst v63  }
0x20d: {  	(v2sf) =	vpush v6, $0x2;
	s10 =	sand.u32 $0xFFFFF80, s14  }
0x20e: {  	s15 =	simm.s32 $0x12280;
	s10 =	sadd.s32 s1, s10  }
0x20f: {  	[tilespmem:s15], [sflag:$0x3] =	stream.linear.gather [hbm4b:s10+s3], $0x400, $0x38;
	[tilespmem:$0x1C280] =	vst v63  }
0x210: {  	s25 =	simm.s32 $0x12680;
	s19 =	sadd.s32 $0xF4280, s10  }
0x211: {  	[tilespmem:s25], [sflag:$0x3] =	stream.linear.gather [hbm4b:s19+s3], $0x400, $0x38;
	[tilespmem:$0x1C280] =	vst v63  }
0x212: {  	s14 =	sadd.s32 $0x1E8500, s10;
	s15 =	simm.s32 $0x12A80  }
0x213: {  	[tilespmem:s15], [sflag:$0x3] =	stream.linear.gather [hbm4b:s14+s3], $0x400, $0x38;
	[tilespmem:$0x1C280] =	vst v63  }
0x214: {  	s19 =	sadd.s32 $0x2DC780, s10;
	s25 =	simm.s32 $0x12E80  }
0x215: {  	[tilespmem:s25], [sflag:$0x3] =	stream.linear.gather [hbm4b:s19+s3], $0x400, $0x38;
	[tilespmem:$0x1C280] =	vst v63  }
0x216: {  	s14 =	sadd.s32 $0x3D0A00, s10;
	s15 =	simm.s32 $0x13280  }
0x217: {  	[tilespmem:s15], [sflag:$0x3] =	stream.linear.gather [hbm4b:s14+s3], $0x400, $0x38;
	[tilespmem:$0x1C280] =	vst v63  }
0x218: {  	s19 =	sadd.s32 $0x4C4C80, s10;
	s25 =	simm.s32 $0x13680  }
0x219: {  	[tilespmem:s25], [sflag:$0x3] =	stream.linear.gather [hbm4b:s19+s3], $0x400, $0x38;
	[tilespmem:$0x1C280] =	vst v63  }
0x21a: {  	s13 =	sadd.s32 $0x5B8F00, s10;
	s14 =	simm.s32 $0x13A80  }
0x21b: {  	[tilespmem:s14], [sflag:$0x3] =	stream.linear.gather [hbm4b:s13+s3], $0x400, $0x38;
	[tilespmem:$0x1C280] =	vst v63  }
0x21c: {  	s10 =	sadd.s32 $0x6AD180, s10;
	s15 =	simm.s32 $0x13E80;
	s19 =	spop (v2sf)  }
0x21d: {  	[tilespmem:s15], [sflag:$0x3] =	stream.linear.gather [hbm4b:s10+s3], $0x400, $0x38;
	[tilespmem:$0x1C280] =	vst v63  }
0x21e: {  	(v2sf) =	vpush v6, $0x3;
	s10 =	sand.u32 $0xFFFFF80, s19  }
0x21f: {  	s25 =	simm.s32 $0x14280;
	s10 =	sadd.s32 s1, s10  }
0x220: {  	[tilespmem:s25], [sflag:$0x3] =	stream.linear.gather [hbm4b:s10+s3], $0x400, $0x38;
	[tilespmem:$0x1C280] =	vst v63  }
0x221: {  	s14 =	simm.s32 $0x14680;
	s13 =	sadd.s32 $0xF4280, s10  }
0x222: {  	[tilespmem:s14], [sflag:$0x3] =	stream.linear.gather [hbm4b:s13+s3], $0x400, $0x38;
	[tilespmem:$0x1C280] =	vst v63  }
0x223: {  	s19 =	simm.s32 $0x14A80;
	s15 =	sadd.s32 $0x1E8500, s10  }
0x224: {  	[tilespmem:s19], [sflag:$0x3] =	stream.linear.gather [hbm4b:s15+s3], $0x400, $0x38;
	[tilespmem:$0x1C280] =	vst v63  }
0x225: {  	s25 =	sadd.s32 $0x2DC780, s10  }
0x226: {  	[tilespmem:s21], [sflag:$0x3] =	stream.linear.gather [hbm4b:s25+s3], $0x400, $0x38;
	[tilespmem:$0x1C280] =	vst v63  }
0x227: {  	s13 =	sadd.s32 $0x3D0A00, s10  }
0x228: {  	[tilespmem:s26], [sflag:$0x3] =	stream.linear.gather [hbm4b:s13+s3], $0x400, $0x38;
	[tilespmem:$0x1C280] =	vst v63  }
0x229: {  	s14 =	sadd.s32 $0x4C4C80, s10  }
0x22a: {  	[tilespmem:s28], [sflag:$0x3] =	stream.linear.gather [hbm4b:s14+s3], $0x400, $0x38;
	[tilespmem:$0x1C280] =	vst v63  }
0x22b: {  	s15 =	sadd.s32 $0x5B8F00, s10  }
0x22c: {  	[tilespmem:s29], [sflag:$0x3] =	stream.linear.gather [hbm4b:s15+s3], $0x400, $0x38;
	[tilespmem:$0x1C280] =	vst v63  }
0x22d: {  	s10 =	sadd.s32 $0x6AD180, s10;
	s19 =	spop (v2sf)  }
0x22e: {  	[tilespmem:s30], [sflag:$0x3] =	stream.linear.gather [hbm4b:s10+s3], $0x400, $0x38;
	[tilespmem:$0x1C280] =	vst v63  }
0x22f: {  	s10 =	sand.u32 $0xFFFFF80, s19  }
0x230: {  	s10 =	sadd.s32 s1, s10  }
0x231: {  	[tilespmem:s18], [sflag:$0x3] =	stream.linear.gather [hbm4b:s10+s3], $0x400, $0x38;
	[tilespmem:$0x1C280] =	vst v63  }
0x232: {  	s25 =	sadd.s32 $0xF4280, s10  }
0x233: {  	[tilespmem:s31], [sflag:$0x3] =	stream.linear.gather [hbm4b:s25+s3], $0x400, $0x38;
	[tilespmem:$0x1C280] =	vst v63  }
0x234: {  	s13 =	sadd.s32 $0x1E8500, s10  }
0x235: {  	[tilespmem:s22], [sflag:$0x3] =	stream.linear.gather [hbm4b:s13+s3], $0x400, $0x38;
	[tilespmem:$0x1C280] =	vst v63  }
0x236: {  	s14 =	sadd.s32 $0x2DC780, s10  }
0x237: {  	[tilespmem:s0], [sflag:$0x3] =	stream.linear.gather [hbm4b:s14+s3], $0x400, $0x38;
	[tilespmem:$0x1C280] =	vst v63  }
0x238: {  	s15 =	sadd.s32 $0x3D0A00, s10  }
0x239: {  	[tilespmem:s23], [sflag:$0x3] =	stream.linear.gather [hbm4b:s15+s3], $0x400, $0x38;
	[tilespmem:$0x1C280] =	vst v63  }
0x23a: {  	s19 =	sadd.s32 $0x4C4C80, s10  }
0x23b: {  	[tilespmem:s2], [sflag:$0x3] =	stream.linear.gather [hbm4b:s19+s3], $0x400, $0x38;
	[tilespmem:$0x1C280] =	vst v63  }
.Ltmp4:
0x23c: {  	_ = 	snop;
	(pc) =	sbr.rel .LBB2_2-.Ltmp4, $4  }
0x23d: {  	s25 =	sadd.s32 $0x5B8F00, s10  }
0x23e: {  	[tilespmem:s4], [sflag:$0x3] =	stream.linear.gather [hbm4b:s25+s3], $0x400, $0x38;
	[tilespmem:$0x1C280] =	vst v63  }
0x23f: {  	s24 =	sadd.s32 $0x1, s24;
	s10 =	sadd.s32 $0x6AD180, s10  }
0x240: {  	[tilespmem:s5], [sflag:$0x3] =	stream.linear.gather [hbm4b:s10+s3], $0x400, $0x38;
	[tilespmem:$0x1C280] =	vst v63  }
.LBB2_10:
0x241: {  	_ =	swait.ge [sflag:s6], $0x2000  }
0x242: {  	[sflag:s6] =	ssyncset.done $0x0  }
0x243: {  	[sflag:s6] =	ssyncadd.s32 $0xFFFFE000  }
0x244: {  	_ =	swait.ge [sflag:s6], $0x2000  }
0x245: {  	[sflag:s6] =	ssyncset.done $0x0  }
0x246: {  	[sflag:s6] =	ssyncadd.s32 $0xFFFFE000  }
0x247: {  	_ =	swait.ge [sflag:s6], $0x2000  }
0x248: {  	[sflag:s6] =	ssyncset.done $0x0  }
0x249: {  	[sflag:s6] =	ssyncadd.s32 $0xFFFFE000  }
0x24a: {  	_ =	swait.ge [sflag:s6], $0x2000  }
0x24b: {  	[sflag:s6] =	ssyncset.done $0x0  }
0x24c: {  	[sflag:s6] =	ssyncadd.s32 $0xFFFFE000  }
0x24d: {  	v6 =	vld [tilespmem:$0x1F8];
	_ =	sdelay $0x4  }
0x24e: {  	v6 =	vand.u32 $0x7F, v6  }
0x24f: {  	s10 =	simm.s32 $0x80;
	v6 =	vor.u32 v3, v6  }
0x250: {  	s13 =	simm.s32 $0x0;
	v7 =	vor.u32 s10, v6  }
0x251: {  	s11 =	simm.s32 $0x0;
	v8 =	vor.u32 s13, v6  }
0x252: {  	v9 =	vmov s11  }
0x253: {  	v10 =	vshll.u32 v9, $0x9;
	v9 =	vshll.u32 v9, $0x7  }
0x254: {  	v10 =	vand.u32 $0x3000, v10;
	v9 =	vand.u32 $0x380, v9  }
0x255: {  	v9 =	vor.u32 v9, v10;
	v7 =	vld.idx.msk [tilespmem:v7+s8+$0x0], $0xf  }
0x256: {  	s14 =	simm.s32 $0x100;
	s15 =	simm.s32 $0x180;
	v9 =	vadd.s32 v1, v9;
	v8 =	vld.idx.msk [tilespmem:v8+s8+$0x0], $0xf  }
0x257: {  	s11 =	simm.s32 $0x2;
	v9 =	vadd.s32 v4, v9;
	s10 =	simm.s32 $0x1;
	s13 =	simm.s32 $0x2  }
.LBB2_11:
0x258: {  	p0 =	sne.s32 s13, $0x1F;
	v10 =	vor.u32 s15, v6  }
0x259: {  	v11 =	vor.u32 s14, v6;
	_ =	sdelay $0x1  }
0x25a: {  	v12 =	vmov s10;
	s10 =	smov.u32 s13;
	v7 =	vpack.i.f32.bf16 v7, v8  }
.Ltmp5:
0x25b: {  	v8 =	vshll.u32 v12, $0x9;
	v12 =	vshll.u32 v12, $0x7;
	[tilespmem:v9+s7+$0x0] =	vst.idx.msk $0xf, v7;
	(pc) =	sbr.rel @p0 .LBB2_11-.Ltmp5, $4  }
0x25c: {  	v9 =	vand.u32 $0x3000, v8;
	v7 =	vld.idx.msk [tilespmem:v10+s8+$0x0], $0xf;
	v10 =	vand.u32 $0x380, v12  }
0x25d: {  	s11 =	sadd.s32 $0x2, s11;
	v8 =	vld.idx.msk [tilespmem:v11+s8+$0x0], $0xf;
	v9 =	vor.u32 v10, v9  }
0x25e: {  	s14 =	sshll.u32 s11, $0x7;
	v9 =	vadd.s32 v1, v9  }
0x25f: {  	s13 =	sadd.s32 $0x1, s13;
	s15 =	sadd.s32 $0x80, s14;
	v9 =	vadd.s32 v4, v9  }
0x260: {  	v10 =	vor.u32 s15, v6  }
0x261: {  	v6 =	vor.u32 s14, v6  }
0x262: {  	v11 =	vmov s10  }
0x263: {  	v7 =	vpack.i.f32.bf16 v7, v8;
	v8 =	vshll.u32 v11, $0x9;
	v11 =	vshll.u32 v11, $0x7  }
0x264: {  	[tilespmem:v9+s7+$0x0] =	vst.idx.msk $0xf, v7;
	v7 =	vand.u32 $0x3000, v8;
	v8 =	vand.u32 $0x380, v11  }
0x265: {  	v7 =	vor.u32 v8, v7;
	v9 =	vld.idx.msk [tilespmem:v10+s8+$0x0], $0xf  }
0x266: {  	v6 =	vld.idx.msk [tilespmem:v6+s8+$0x0], $0xf;
	v7 =	vadd.s32 v1, v7  }
0x267: {  	v7 =	vadd.s32 v4, v7;
	_ =	sdelay $0x3  }
0x268: {  	v6 =	vpack.i.f32.bf16 v9, v6  }
0x269: {  	[tilespmem:v7+s7+$0x0] =	vst.idx.msk $0xf, v6  }
0x26a: {  	_ =	swait.ge [sflag:s20], $0x2000  }
0x26b: {  	[sflag:s20] =	ssyncset.done $0x0  }
0x26c: {  	[sflag:s20] =	ssyncadd.s32 $0xFFFFE000  }
0x26d: {  	_ =	swait.ge [sflag:s20], $0x2000  }
0x26e: {  	[sflag:s20] =	ssyncset.done $0x0  }
0x26f: {  	[sflag:s20] =	ssyncadd.s32 $0xFFFFE000  }
0x270: {  	_ =	swait.ge [sflag:s20], $0x2000  }
0x271: {  	[sflag:s20] =	ssyncset.done $0x0  }
0x272: {  	[sflag:s20] =	ssyncadd.s32 $0xFFFFE000  }
0x273: {  	_ =	swait.ge [sflag:s20], $0x2000  }
0x274: {  	[sflag:s20] =	ssyncset.done $0x0  }
0x275: {  	[sflag:s20] =	ssyncadd.s32 $0xFFFFE000  }
0x276: {  	v6 =	vld [tilespmem:$0x1FC];
	_ =	sdelay $0x4  }
0x277: {  	v6 =	vand.u32 $0x7F, v6  }
0x278: {  	s25 =	simm.s32 $0x80;
	v6 =	vor.u32 v3, v6  }
0x279: {  	s13 =	simm.s32 $0x0;
	v7 =	vor.u32 s25, v6  }
0x27a: {  	s11 =	simm.s32 $0x0;
	v8 =	vor.u32 s13, v6  }
0x27b: {  	v9 =	vmov s11  }
0x27c: {  	v10 =	vshll.u32 v9, $0x9;
	v9 =	vshll.u32 v9, $0x7  }
0x27d: {  	v10 =	vand.u32 $0x3000, v10;
	v9 =	vand.u32 $0x380, v9  }
0x27e: {  	v9 =	vor.u32 v9, v10;
	v7 =	vld.idx.msk [tilespmem:v7+s12+$0x0], $0xf  }
0x27f: {  	s10 =	simm.s32 $0x1;
	s14 =	simm.s32 $0x100;
	v9 =	vadd.s32 v5, v9;
	v8 =	vld.idx.msk [tilespmem:v8+s12+$0x0], $0xf  }
0x280: {  	s15 =	simm.s32 $0x180;
	s11 =	simm.s32 $0x2;
	v9 =	vadd.s32 v2, v9;
	s13 =	simm.s32 $0x2  }
.LBB2_13:
0x281: {  	p0 =	sne.s32 s13, $0x1F;
	v10 =	vor.u32 s15, v6  }
0x282: {  	v11 =	vor.u32 s14, v6;
	_ =	sdelay $0x1  }
0x283: {  	v12 =	vmov s10;
	s10 =	smov.u32 s13;
	v7 =	vpack.i.f32.bf16 v7, v8  }
.Ltmp6:
0x284: {  	v8 =	vshll.u32 v12, $0x9;
	v12 =	vshll.u32 v12, $0x7;
	[tilespmem:v9+s7+$0x0] =	vst.idx.msk $0xf, v7;
	(pc) =	sbr.rel @p0 .LBB2_13-.Ltmp6, $4  }
0x285: {  	v9 =	vand.u32 $0x3000, v8;
	v7 =	vld.idx.msk [tilespmem:v10+s12+$0x0], $0xf;
	v10 =	vand.u32 $0x380, v12  }
0x286: {  	s11 =	sadd.s32 $0x2, s11;
	v8 =	vld.idx.msk [tilespmem:v11+s12+$0x0], $0xf;
	v9 =	vor.u32 v10, v9  }
0x287: {  	s14 =	sshll.u32 s11, $0x7;
	v9 =	vadd.s32 v5, v9  }
0x288: {  	s13 =	sadd.s32 $0x1, s13;
	s15 =	sadd.s32 $0x80, s14;
	v9 =	vadd.s32 v2, v9  }
0x289: {  	v10 =	vor.u32 s15, v6  }
0x28a: {  	v6 =	vor.u32 s14, v6  }
0x28b: {  	v11 =	vmov s10  }
0x28c: {  	v62 =	vshll.u32 v11, $0x9;
	v11 =	vshll.u32 v11, $0x7;
	v7 =	vpack.i.f32.bf16 v7, v8  }
0x28d: {  	v63 =	vand.u32 $0x380, v11;
	[tilespmem:v9+s7+$0x0] =	vst.idx.msk $0xf, v7;
	v7 =	vand.u32 $0x3000, v62  }
0x28e: {  	v7 =	vor.u32 v63, v7;
	v9 =	vld.idx.msk [tilespmem:v10+s12+$0x0], $0xf  }
0x28f: {  	v6 =	vld.idx.msk [tilespmem:v6+s12+$0x0], $0xf;
	v7 =	vadd.s32 v5, v7  }
0x290: {  	v7 =	vadd.s32 v2, v7;
	_ =	sdelay $0x3  }
0x291: {  	v6 =	vpack.i.f32.bf16 v9, v6  }
0x292: {  	s19 =	rddreg [dreg:$0x5];
	s11 =	simm.s32 $0x1000;
	s13 =	simm.s32 $0x20000;
	[tilespmem:v7+s7+$0x0] =	vst.idx.msk $0xf, v6  }
0x293: {  	[hbm4b:s19+s11] =	stream.strided.scatter [tilespmem:s7], [sflag:$0x4], $0x4000, s13, s11, $0x38;
	[tilespmem:$0x1C280] =	vst v63  }
0x294: {  	s11 =	simm.s32 $0x4  }
0x295: {  	_ =	swait.ge [sflag:s11], $0x4000  }
0x296: {  	s24 =	rddreg [dreg:$0x7]  }
0x297: {  	s25 =	rddreg [dreg:$0x6];
	s13 =	sadd.s32 $0x1, s24  }
0x298: {  	p0 =	sne.s32 s13, s25  }
.Ltmp7:
0x299: {  	_ = 	snop;
	(pc) =	sbr.rel @p0 .LBB2_1-.Ltmp7, $3  }
0x29a: {  	_ =	sdelay $0x1  }
0x29b: {  	[sflag:s11] =	ssyncset.done $0x0  }
0x29c: {  	[sflag:s11] =	ssyncadd.s32 $0xFFFFC000  }
0x29d: {  	_ =	sfence.sel $0x180000  }
0x29e: {  	[bflag:$0x0] =	sbarrier.arrive $0xFFFF  }
0x29f: {  	_ =	strace $0x90000047  }
0x2a0: {  	s0 =	stileid.u32;
	[bflag:$0x2] =	sbarrier.arrive $0xFFFF  }
0x2a1: {  	p0 =	sne.s32 s0, $0x0;
	s0 =	rddreg [dreg:$0x3]  }
0x2a2: {  	s0 =	sadd.s32 @!p0 $0x100000, s0  }
0x2a3: {  	[sflag:s0] =	ssyncadd.tile.s32 @!p0 $0x1;
	_ =	shalt  }
.Lfunc_end2:
_tile_overlayer_lowered:
.L_overlay_start_2:
0x2a4: {  	(tag) =	ssettag $0x2  }
0x2a5: {  	s0 =	rddreg [dreg:$0x0];
	s2 =	stileid.u32  }
0x2a6: {  	s1 =	rddreg [dreg:$0x1];
	p0 =	sne.s32 s2, $0x0  }
0x2a7: {  	s3 =	rddreg [dreg:$0x2];
	[bflag:$0x3] =	sbarrier.arrive $0xFFFF;
	s2 =	simm.s32 @!p0 $0x1C04  }
0x2a8: {  	[timem:s3], [sflag:s2] =	dma.local @!p0 [hbm:s0], s1  }
0x2a9: {  	s0 =	simm.s32 @!p0 $0x4  }
0x2aa: {  	_ =	swait.ge @!p0 [sflag:s0], s1  }
0x2ab: {  	s1 =	ssub.s32 @!p0 $0x0, s1;
	[sflag:s0] =	ssyncset.done @!p0 $0x0  }
0x2ac: {  	[sflag:s0] =	ssyncadd.s32 @!p0 s1  }
0x2ad: {  	[bflag:$0x3] =	sbarrier.arrive $0xFFFF  }
0x2ae: {  	_ =	shalt  }

</sc_bundles>
